<compile_context>
chip_gen: v7x
topology: tpu7x:2x2x1
jax: 0.10.2.dev20260603
libtpu: 0.0.44.dev20260713+nightly
codegen_flags: <defaults>
</compile_context>

<pallas_src>
import functools

import jax
import jax.numpy as jnp
from jax import lax
from jax.experimental import pallas as pl
from jax.experimental.pallas import tpu as pltpu
from jax.experimental.pallas import tpu_sc as plsc

B = 16384
D = 64
NC = 2
NS = 16
NW = NC * NS
N_CHUNK = 2
B_CHUNK = B // N_CHUNK
B_PER_W = B_CHUNK // NW

BLK = 2048
GRID = B_CHUNK // BLK


def _sc_gather_body(uid_hbm, mid_hbm, uid_tabT, mid_tab, uid_out, mid_out,
                    uidx_v, midx_v, rows_v,
                    bin0_v, bin1_v, bin2_v, bin3_v, bin4_v, bin5_v,
                    msem, bsem0, bsem1, bsem2, bsem3, bsem4, bsem5):
    wid = lax.axis_index("s") * NC + lax.axis_index("c")
    base = wid * B_PER_W
    bufs = (bin0_v, bin1_v, bin2_v, bin3_v, bin4_v, bin5_v)
    bsems = (bsem0, bsem1, bsem2, bsem3, bsem4, bsem5)

    pltpu.sync_copy(uid_hbm.at[wid], uidx_v)
    pltpu.sync_copy(mid_hbm.at[wid], midx_v)

    def _fire(u, binbuf, bsem):
        off = pl.multiple_of((u >> 7) << 7, 128)
        return pltpu.async_copy(
            uid_tabT.at[:, pl.ds(off, 128)], binbuf, bsem)

    def _extract(i, u, binbuf):
        rmv = jnp.full((16,), u & 127, jnp.int32)
        for t in range(4):
            pos = lax.iota(jnp.int32, 16) + t * 16
            rows_v[i, pl.ds(t * 16, 16)] = plsc.load_gather(binbuf, [pos, rmv])

    def batch(c, _):
        mvec = midx_v[pl.ds(c * 16, 16)]
        mcps = []
        for k in range(16):
            r = mvec[k]
            mcps.append(pltpu.async_copy(
                mid_tab.at[pl.ds(r, 1)],
                mid_out.at[pl.ds(base + c * 16 + k, 1)], msem))

        vec = uidx_v[pl.ds(c * 16, 16)]
        cps = [_fire(vec[k], bufs[k], bsems[k]) for k in range(6)]
        for k in range(10):
            cps[k % 6].wait()
            _extract(c * 16 + k, vec[k], bufs[k % 6])
            cps[k % 6] = _fire(vec[6 + k], bufs[k % 6], bsems[k % 6])
        for k in range(10, 16):
            cps[k % 6].wait()
            _extract(c * 16 + k, vec[k], bufs[k % 6])

        for cp in mcps:
            cp.wait()
        return 0

    lax.fori_loop(0, B_PER_W // 16, batch, 0)
    pltpu.sync_copy(rows_v, uid_out.at[pl.ds(base, B_PER_W)])


@functools.cache
def _sc_gather():
    return pl.kernel(
        _sc_gather_body,
        out_type=(jax.ShapeDtypeStruct((B_CHUNK, D), jnp.float32),
                  jax.ShapeDtypeStruct((B_CHUNK, D), jnp.float32)),
        mesh=plsc.VectorSubcoreMesh(core_axis_name="c", subcore_axis_name="s"),
        scratch_types=[
            pltpu.VMEM((B_PER_W,), jnp.int32),
            pltpu.VMEM((B_PER_W,), jnp.int32),
            pltpu.VMEM((B_PER_W, D), jnp.float32),
            pltpu.VMEM((D, 128), jnp.float32),
            pltpu.VMEM((D, 128), jnp.float32),
            pltpu.VMEM((D, 128), jnp.float32),
            pltpu.VMEM((D, 128), jnp.float32),
            pltpu.VMEM((D, 128), jnp.float32),
            pltpu.VMEM((D, 128), jnp.float32),
            pltpu.SemaphoreType.DMA,
            pltpu.SemaphoreType.DMA,
            pltpu.SemaphoreType.DMA,
            pltpu.SemaphoreType.DMA,
            pltpu.SemaphoreType.DMA,
            pltpu.SemaphoreType.DMA,
            pltpu.SemaphoreType.DMA,
        ],
        compiler_params=pltpu.CompilerParams(needs_layout_passes=False),
    )


def _tc_body(g_ref, a_ref, j_ref, eu_ref, em_ref,
             eg_tab, ea_tab, ej_tab, w_ref, b_ref, o_ref):
    em = em_ref[...]
    eu = eu_ref[...]
    w_top = w_ref[0:D, :]
    w_bot = w_ref[D:2 * D, :]
    m = jnp.dot(em, w_top, preferred_element_type=jnp.float32) + b_ref[...]
    acc_t = jnp.zeros((BLK, D), jnp.float32)
    acc_m = jnp.zeros((BLK, D), jnp.float32)
    for idx_ref, tab_ref, n in ((g_ref, eg_tab, 2),
                                (a_ref, ea_tab, 7),
                                (j_ref, ej_tab, 21)):
        tab = tab_ref[...]
        oh = (idx_ref[...] ==
              lax.broadcasted_iota(jnp.int32, (BLK, n), 1)).astype(jnp.float32)
        e_attr = jnp.dot(oh, tab, preferred_element_type=jnp.float32)
        tab_w = jnp.dot(tab, w_bot, preferred_element_type=jnp.float32)
        v = m + jnp.dot(oh, tab_w, preferred_element_type=jnp.float32)
        v = v - jnp.max(v, axis=1, keepdims=True)
        ev = jnp.exp(v)
        wgt = (ev / jnp.sum(ev, axis=1, keepdims=True)) * e_attr
        acc_t = acc_t + wgt
        acc_m = acc_m + wgt * wgt
    p = eu * acc_t + 0.5 * (acc_t * acc_t - acc_m)
    o_ref[...] = jnp.sum(p * em, axis=1, keepdims=True)


_tc_forward = pl.pallas_call(
    _tc_body,
    grid=(GRID,),
    in_specs=[
        pl.BlockSpec((BLK, 1), lambda i: (i, 0)),
        pl.BlockSpec((BLK, 1), lambda i: (i, 0)),
        pl.BlockSpec((BLK, 1), lambda i: (i, 0)),
        pl.BlockSpec((BLK, D), lambda i: (i, 0)),
        pl.BlockSpec((BLK, D), lambda i: (i, 0)),
        pl.BlockSpec((2, D), lambda i: (0, 0)),
        pl.BlockSpec((7, D), lambda i: (0, 0)),
        pl.BlockSpec((21, D), lambda i: (0, 0)),
        pl.BlockSpec((2 * D, D), lambda i: (0, 0)),
        pl.BlockSpec((1, D), lambda i: (0, 0)),
    ],
    out_specs=pl.BlockSpec((BLK, 1), lambda i: (i, 0)),
    out_shape=jax.ShapeDtypeStruct((B_CHUNK, 1), jnp.float32),
)


def kernel(uid, gender, age, job, mid, E_uid, E_gender, E_age, E_job, E_mid,
           att_W, att_b):
    scg = _sc_gather()
    E_uidT = E_uid.T
    att_b2 = att_b.reshape(1, D)
    outs = []
    for t in range(N_CHUNK):
        sl = slice(t * B_CHUNK, (t + 1) * B_CHUNK)
        e_uid, e_mid = scg(uid[sl].reshape(NW, B_PER_W),
                           mid[sl].reshape(NW, B_PER_W), E_uidT, E_mid)
        outs.append(_tc_forward(gender[sl].reshape(B_CHUNK, 1),
                                age[sl].reshape(B_CHUNK, 1),
                                job[sl].reshape(B_CHUNK, 1), e_uid, e_mid,
                                E_gender, E_age, E_job, att_W, att_b2))
    return jnp.concatenate(outs, axis=0)

# --- scband reference (transcript-rebuilt; emitter-appended) ---
"""Pipeline reference for scband-aanmf-30717606101270 (READ-ONLY COPY).

The authoritative reference and input builder live on the scoring server;
editing this copy changes nothing except your own understanding.
"""

import jax, jax.numpy as jnp
import numpy as np

B = 16384
D = 64
N_UID = 1000000
N_GENDER = 2
N_AGE = 7
N_JOB = 21
N_MID = 100000


def setup_inputs(seed: int = 0) -> dict:
    key = jax.random.key(seed)
    ks = jax.random.split(key, 12)
    uid = jax.random.randint(ks[0], (B,), 0, N_UID, dtype=jnp.int32)
    gender = jax.random.randint(ks[1], (B,), 0, N_GENDER, dtype=jnp.int32)
    age = jax.random.randint(ks[2], (B,), 0, N_AGE, dtype=jnp.int32)
    job = jax.random.randint(ks[3], (B,), 0, N_JOB, dtype=jnp.int32)
    mid = jax.random.randint(ks[4], (B,), 0, N_MID, dtype=jnp.int32)
    E_uid = jax.random.normal(ks[5], (N_UID, D), dtype=jnp.float32) * 0.05
    E_gender = jax.random.normal(ks[6], (N_GENDER, D), dtype=jnp.float32) * 0.05
    E_age = jax.random.normal(ks[7], (N_AGE, D), dtype=jnp.float32) * 0.05
    E_job = jax.random.normal(ks[8], (N_JOB, D), dtype=jnp.float32) * 0.05
    E_mid = jax.random.normal(ks[9], (N_MID, D), dtype=jnp.float32) * 0.05
    att_W = jax.random.normal(ks[10], (2 * D, D), dtype=jnp.float32) * 0.05
    att_b = jnp.zeros((D,), dtype=jnp.float32)
    return {
        'uid': uid, 'gender': gender, 'age': age, 'job': job, 'mid': mid,
        'E_uid': E_uid, 'E_gender': E_gender, 'E_age': E_age, 'E_job': E_job,
        'E_mid': E_mid, 'att_W': att_W, 'att_b': att_b,
    }


def reference(uid, gender, age, job, mid, E_uid, E_gender, E_age, E_job, E_mid, att_W, att_b):
    # embedding lookups (gather)
    e_uid = jnp.take(E_uid, uid, axis=0)
    e_gender = jnp.take(E_gender, gender, axis=0)
    e_age = jnp.take(E_age, age, axis=0)
    e_job = jnp.take(E_job, job, axis=0)
    e_mid = jnp.take(E_mid, mid, axis=0)

    def attention_cell(embed_attribute, embed_item):
        V = jnp.concatenate([embed_item, embed_attribute], axis=1)
        v = V @ att_W + att_b
        return jax.nn.softmax(v, axis=1)

    lambda_g = attention_cell(e_gender, e_mid)
    lambda_a = attention_cell(e_age, e_mid)
    lambda_j = attention_cell(e_job, e_mid)

    att_set = [lambda_g * e_gender, lambda_a * e_age, lambda_j * e_job]
    I_u = jnp.stack(att_set)              # [3, B, D]
    I_u = jnp.transpose(I_u, (1, 0, 2))   # [B, 3, D]
    tilde_a = I_u.sum(axis=1)
    minus_a = jnp.sum(I_u * I_u, axis=1)
    p_u = 0.5 * ((e_uid + tilde_a) * (e_uid + tilde_a) - e_uid * e_uid - minus_a)

    feature_user = p_u
    feature_item = e_mid
    # torch.bmm(feature_user.view(-1,1,D), feature_item.view(-1,D,1)).squeeze(1) -> [B, 1]
    out = jnp.sum(feature_user * feature_item, axis=1, keepdims=True)
    return out

if __name__ == "__main__":
    import jax
    _d = setup_inputs()
    print(jax.jit(kernel)(*tuple(_d.values())))

</pallas_src>

<mosaic_0001>
#map = affine_map<(d0, d1) -> (0, 0)>
module attributes {stable_mosaic.version = 14 : i64} {
  func.func @_sc_gather_body(%arg0: i32, %arg1: i32, %arg2: memref<32x256xi32, #tpu.memory_space<hbm>>, %arg3: memref<32x256xi32, #tpu.memory_space<hbm>>, %arg4: memref<64x1000000xf32, #tpu.memory_space<hbm>>, %arg5: memref<100000x64xf32, #tpu.memory_space<hbm>>, %arg6: memref<8192x64xf32, #tpu.memory_space<hbm>>, %arg7: memref<8192x64xf32, #tpu.memory_space<hbm>>, %arg8: memref<256xi32, #tpu.memory_space<vmem>>, %arg9: memref<256xi32, #tpu.memory_space<vmem>>, %arg10: memref<256x64xf32, #tpu.memory_space<vmem>>, %arg11: memref<64x128xf32, #tpu.memory_space<vmem>>, %arg12: memref<64x128xf32, #tpu.memory_space<vmem>>, %arg13: memref<64x128xf32, #tpu.memory_space<vmem>>, %arg14: memref<64x128xf32, #tpu.memory_space<vmem>>, %arg15: memref<64x128xf32, #tpu.memory_space<vmem>>, %arg16: memref<64x128xf32, #tpu.memory_space<vmem>>, %arg17: memref<!tpu.dma_semaphore, #tpu.memory_space<semaphore_mem>>, %arg18: memref<!tpu.dma_semaphore, #tpu.memory_space<semaphore_mem>>, %arg19: memref<!tpu.dma_semaphore, #tpu.memory_space<semaphore_mem>>, %arg20: memref<!tpu.dma_semaphore, #tpu.memory_space<semaphore_mem>>, %arg21: memref<!tpu.dma_semaphore, #tpu.memory_space<semaphore_mem>>, %arg22: memref<!tpu.dma_semaphore, #tpu.memory_space<semaphore_mem>>, %arg23: memref<!tpu.dma_semaphore, #tpu.memory_space<semaphore_mem>>) attributes {dimension_semantics = [#tpu.dimension_semantics<core_parallel>, #tpu.dimension_semantics<subcore_parallel>], iteration_bounds = array<i64: 2, 16>, scalar_prefetch = 0 : i64, scratch_operands = 16 : i64, tpu.core_type = #tpu.core_type<sc_vector_subcore>, window_params = [{transform_indices = #map}, {transform_indices = #map}, {transform_indices = #map}, {transform_indices = #map}, {transform_indices = #map}, {transform_indices = #map}]} {
    %mul3A = arith.constant 2 : i32
    %mul3A_0 = arith.muli %arg1, %mul3A : i32
    %add3A = arith.addi %mul3A_0, %arg0 : i32
    %mul3A_1 = arith.constant 256 : i32
    %mul3A_2 = arith.muli %add3A, %mul3A_1 : i32
    "tpu.region"() ({
      %run_scoped3A = tpu.sem_alloc : memref<!tpu.dma_semaphore, #tpu.memory_space<semaphore_mem>>
      %dma_start3A = arith.constant 0 : i32
      %dma_start3A_9 = tpu.memref_slice %arg2[%add3A, %dma_start3A] : memref<32x256xi32, #tpu.memory_space<hbm>> -> memref<1x256xi32, #tpu.memory_space<hbm>>
      %dma_start3A_10 = tpu.memref_squeeze %dma_start3A_9 : memref<1x256xi32, #tpu.memory_space<hbm>> -> memref<256xi32, #tpu.memory_space<hbm>>
      %dma_start3A_11 = arith.constant 0 : i32
      %dma_start3A_12 = tpu.memref_slice %arg2[%add3A, %dma_start3A_11] : memref<32x256xi32, #tpu.memory_space<hbm>> -> memref<1x256xi32, #tpu.memory_space<hbm>>
      %dma_start3A_13 = tpu.memref_squeeze %dma_start3A_12 : memref<1x256xi32, #tpu.memory_space<hbm>> -> memref<256xi32, #tpu.memory_space<hbm>>
      tpu.enqueue_dma source(%dma_start3A_13 : memref<256xi32, #tpu.memory_space<hbm>>) target(%arg8 : memref<256xi32, #tpu.memory_space<vmem>>) target_semaphore(%run_scoped3A : memref<!tpu.dma_semaphore, #tpu.memory_space<semaphore_mem>>)
      %dma_wait3A = arith.constant 0 : i32
      %dma_wait3A_14 = tpu.memref_slice %arg2[%add3A, %dma_wait3A] : memref<32x256xi32, #tpu.memory_space<hbm>> -> memref<1x256xi32, #tpu.memory_space<hbm>>
      %dma_wait3A_15 = tpu.memref_squeeze %dma_wait3A_14 : memref<1x256xi32, #tpu.memory_space<hbm>> -> memref<256xi32, #tpu.memory_space<hbm>>
      %dma_wait3A_16 = arith.constant 0 : i32
      %dma_wait3A_17 = tpu.memref_slice %arg2[%add3A, %dma_wait3A_16] : memref<32x256xi32, #tpu.memory_space<hbm>> -> memref<1x256xi32, #tpu.memory_space<hbm>>
      %dma_wait3A_18 = tpu.memref_squeeze %dma_wait3A_17 : memref<1x256xi32, #tpu.memory_space<hbm>> -> memref<256xi32, #tpu.memory_space<hbm>>
      tpu.wait_dma2 semaphore(%run_scoped3A : memref<!tpu.dma_semaphore, #tpu.memory_space<semaphore_mem>>) src(%dma_wait3A_18 : memref<256xi32, #tpu.memory_space<hbm>>) dst(%arg8 : memref<256xi32, #tpu.memory_space<vmem>>)
      tpu.yield
    }) : () -> ()
    "tpu.region"() ({
      %run_scoped3A = tpu.sem_alloc : memref<!tpu.dma_semaphore, #tpu.memory_space<semaphore_mem>>
      %dma_start3A = arith.constant 0 : i32
      %dma_start3A_9 = tpu.memref_slice %arg3[%add3A, %dma_start3A] : memref<32x256xi32, #tpu.memory_space<hbm>> -> memref<1x256xi32, #tpu.memory_space<hbm>>
      %dma_start3A_10 = tpu.memref_squeeze %dma_start3A_9 : memref<1x256xi32, #tpu.memory_space<hbm>> -> memref<256xi32, #tpu.memory_space<hbm>>
      %dma_start3A_11 = arith.constant 0 : i32
      %dma_start3A_12 = tpu.memref_slice %arg3[%add3A, %dma_start3A_11] : memref<32x256xi32, #tpu.memory_space<hbm>> -> memref<1x256xi32, #tpu.memory_space<hbm>>
      %dma_start3A_13 = tpu.memref_squeeze %dma_start3A_12 : memref<1x256xi32, #tpu.memory_space<hbm>> -> memref<256xi32, #tpu.memory_space<hbm>>
      tpu.enqueue_dma source(%dma_start3A_13 : memref<256xi32, #tpu.memory_space<hbm>>) target(%arg9 : memref<256xi32, #tpu.memory_space<vmem>>) target_semaphore(%run_scoped3A : memref<!tpu.dma_semaphore, #tpu.memory_space<semaphore_mem>>)
      %dma_wait3A = arith.constant 0 : i32
      %dma_wait3A_14 = tpu.memref_slice %arg3[%add3A, %dma_wait3A] : memref<32x256xi32, #tpu.memory_space<hbm>> -> memref<1x256xi32, #tpu.memory_space<hbm>>
      %dma_wait3A_15 = tpu.memref_squeeze %dma_wait3A_14 : memref<1x256xi32, #tpu.memory_space<hbm>> -> memref<256xi32, #tpu.memory_space<hbm>>
      %dma_wait3A_16 = arith.constant 0 : i32
      %dma_wait3A_17 = tpu.memref_slice %arg3[%add3A, %dma_wait3A_16] : memref<32x256xi32, #tpu.memory_space<hbm>> -> memref<1x256xi32, #tpu.memory_space<hbm>>
      %dma_wait3A_18 = tpu.memref_squeeze %dma_wait3A_17 : memref<1x256xi32, #tpu.memory_space<hbm>> -> memref<256xi32, #tpu.memory_space<hbm>>
      tpu.wait_dma2 semaphore(%run_scoped3A : memref<!tpu.dma_semaphore, #tpu.memory_space<semaphore_mem>>) src(%dma_wait3A_18 : memref<256xi32, #tpu.memory_space<hbm>>) dst(%arg9 : memref<256xi32, #tpu.memory_space<vmem>>)
      tpu.yield
    }) : () -> ()
    %scan3A = arith.constant 0 : i32
    %scan3A_3 = arith.constant 0 : i32
    %scan3A_4 = arith.constant 16 : i32
    %scan3A_5 = arith.addi %scan3A_3, %scan3A_4 : i32
    %scan3A_6 = arith.constant 1 : i32
    %scan3A_7 = scf.for %scan3A_9 = %scan3A_3 to %scan3A_5 step %scan3A_6 iter_args(%scan3A_10 = %scan3A) -> (i32)  : i32 {
      %mul3A_11 = arith.constant 16 : i32
      %mul3A_12 = arith.muli %scan3A_9, %mul3A_11 : i32
      %get3A = arith.index_cast %mul3A_12 : i32 to index
      %get3A_13 = tpu.vector_load %arg9[%get3A] {strides = array<i32>} : memref<256xi32, #tpu.memory_space<vmem>>, vector<16xi32>,
      %slice3A = vector.extract_strided_slice %get3A_13 {offsets = [0], sizes = [1], strides = [1]} : vector<16xi32> to vector<1xi32>
      %squeeze3A = vector.extract %slice3A[0] : i32 from vector<1xi32>
      %mul3A_14 = arith.constant 16 : i32
      %mul3A_15 = arith.muli %scan3A_9, %mul3A_14 : i32
      %add3A_16 = arith.addi %mul3A_2, %mul3A_15 : i32
      %add3A_17 = arith.constant 0 : i32
      %add3A_18 = arith.addi %add3A_16, %add3A_17 : i32
      %dma_start3A = arith.constant 0 : i32
      %dma_start3A_19 = tpu.memref_slice %arg7[%add3A_18, %dma_start3A] : memref<8192x64xf32, #tpu.memory_space<hbm>> -> memref<1x64xf32, #tpu.memory_space<hbm>>
      %dma_start3A_20 = arith.constant 0 : i32
      %dma_start3A_21 = tpu.memref_slice %arg5[%squeeze3A, %dma_start3A_20] : memref<100000x64xf32, #tpu.memory_space<hbm>> -> memref<1x64xf32, #tpu.memory_space<hbm>>
      tpu.enqueue_dma source(%dma_start3A_21 : memref<1x64xf32, #tpu.memory_space<hbm>>) target(%dma_start3A_19 : memref<1x64xf32, #tpu.memory_space<hbm>>) target_semaphore(%arg17 : memref<!tpu.dma_semaphore, #tpu.memory_space<semaphore_mem>>)
      %slice3A_22 = vector.extract_strided_slice %get3A_13 {offsets = [1], sizes = [1], strides = [1]} : vector<16xi32> to vector<1xi32>
      %squeeze3A_23 = vector.extract %slice3A_22[0] : i32 from vector<1xi32>
      %mul3A_24 = arith.constant 16 : i32
      %mul3A_25 = arith.muli %scan3A_9, %mul3A_24 : i32
      %add3A_26 = arith.addi %mul3A_2, %mul3A_25 : i32
      %add3A_27 = arith.constant 1 : i32
      %add3A_28 = arith.addi %add3A_26, %add3A_27 : i32
      %dma_start3A_29 = arith.constant 0 : i32
      %dma_start3A_30 = tpu.memref_slice %arg7[%add3A_28, %dma_start3A_29] : memref<8192x64xf32, #tpu.memory_space<hbm>> -> memref<1x64xf32, #tpu.memory_space<hbm>>
      %dma_start3A_31 = arith.constant 0 : i32
      %dma_start3A_32 = tpu.memref_slice %arg5[%squeeze3A_23, %dma_start3A_31] : memref<100000x64xf32, #tpu.memory_space<hbm>> -> memref<1x64xf32, #tpu.memory_space<hbm>>
      tpu.enqueue_dma source(%dma_start3A_32 : memref<1x64xf32, #tpu.memory_space<hbm>>) target(%dma_start3A_30 : memref<1x64xf32, #tpu.memory_space<hbm>>) target_semaphore(%arg17 : memref<!tpu.dma_semaphore, #tpu.memory_space<semaphore_mem>>)
      %slice3A_33 = vector.extract_strided_slice %get3A_13 {offsets = [2], sizes = [1], strides = [1]} : vector<16xi32> to vector<1xi32>
      %squeeze3A_34 = vector.extract %slice3A_33[0] : i32 from vector<1xi32>
      %mul3A_35 = arith.constant 16 : i32
      %mul3A_36 = arith.muli %scan3A_9, %mul3A_35 : i32
      %add3A_37 = arith.addi %mul3A_2, %mul3A_36 : i32
      %add3A_38 = arith.constant 2 : i32
      %add3A_39 = arith.addi %add3A_37, %add3A_38 : i32
      %dma_start3A_40 = arith.constant 0 : i32
      %dma_start3A_41 = tpu.memref_slice %arg7[%add3A_39, %dma_start3A_40] : memref<8192x64xf32, #tpu.memory_space<hbm>> -> memref<1x64xf32, #tpu.memory_space<hbm>>
      %dma_start3A_42 = arith.constant 0 : i32
      %dma_start3A_43 = tpu.memref_slice %arg5[%squeeze3A_34, %dma_start3A_42] : memref<100000x64xf32, #tpu.memory_space<hbm>> -> memref<1x64xf32, #tpu.memory_space<hbm>>
      tpu.enqueue_dma source(%dma_start3A_43 : memref<1x64xf32, #tpu.memory_space<hbm>>) target(%dma_start3A_41 : memref<1x64xf32, #tpu.memory_space<hbm>>) target_semaphore(%arg17 : memref<!tpu.dma_semaphore, #tpu.memory_space<semaphore_mem>>)
      %slice3A_44 = vector.extract_strided_slice %get3A_13 {offsets = [3], sizes = [1], strides = [1]} : vector<16xi32> to vector<1xi32>
      %squeeze3A_45 = vector.extract %slice3A_44[0] : i32 from vector<1xi32>
      %mul3A_46 = arith.constant 16 : i32
      %mul3A_47 = arith.muli %scan3A_9, %mul3A_46 : i32
      %add3A_48 = arith.addi %mul3A_2, %mul3A_47 : i32
      %add3A_49 = arith.constant 3 : i32
      %add3A_50 = arith.addi %add3A_48, %add3A_49 : i32
      %dma_start3A_51 = arith.constant 0 : i32
      %dma_start3A_52 = tpu.memref_slice %arg7[%add3A_50, %dma_start3A_51] : memref<8192x64xf32, #tpu.memory_space<hbm>> -> memref<1x64xf32, #tpu.memory_space<hbm>>
      %dma_start3A_53 = arith.constant 0 : i32
      %dma_start3A_54 = tpu.memref_slice %arg5[%squeeze3A_45, %dma_start3A_53] : memref<100000x64xf32, #tpu.memory_space<hbm>> -> memref<1x64xf32, #tpu.memory_space<hbm>>
      tpu.enqueue_dma source(%dma_start3A_54 : memref<1x64xf32, #tpu.memory_space<hbm>>) target(%dma_start3A_52 : memref<1x64xf32, #tpu.memory_space<hbm>>) target_semaphore(%arg17 : memref<!tpu.dma_semaphore, #tpu.memory_space<semaphore_mem>>)
      %slice3A_55 = vector.extract_strided_slice %get3A_13 {offsets = [4], sizes = [1], strides = [1]} : vector<16xi32> to vector<1xi32>
      %squeeze3A_56 = vector.extract %slice3A_55[0] : i32 from vector<1xi32>
      %mul3A_57 = arith.constant 16 : i32
      %mul3A_58 = arith.muli %scan3A_9, %mul3A_57 : i32
      %add3A_59 = arith.addi %mul3A_2, %mul3A_58 : i32
      %add3A_60 = arith.constant 4 : i32
      %add3A_61 = arith.addi %add3A_59, %add3A_60 : i32
      %dma_start3A_62 = arith.constant 0 : i32
      %dma_start3A_63 = tpu.memref_slice %arg7[%add3A_61, %dma_start3A_62] : memref<8192x64xf32, #tpu.memory_space<hbm>> -> memref<1x64xf32, #tpu.memory_space<hbm>>
      %dma_start3A_64 = arith.constant 0 : i32
      %dma_start3A_65 = tpu.memref_slice %arg5[%squeeze3A_56, %dma_start3A_64] : memref<100000x64xf32, #tpu.memory_space<hbm>> -> memref<1x64xf32, #tpu.memory_space<hbm>>
      tpu.enqueue_dma source(%dma_start3A_65 : memref<1x64xf32, #tpu.memory_space<hbm>>) target(%dma_start3A_63 : memref<1x64xf32, #tpu.memory_space<hbm>>) target_semaphore(%arg17 : memref<!tpu.dma_semaphore, #tpu.memory_space<semaphore_mem>>)
      %slice3A_66 = vector.extract_strided_slice %get3A_13 {offsets = [5], sizes = [1], strides = [1]} : vector<16xi32> to vector<1xi32>
      %squeeze3A_67 = vector.extract %slice3A_66[0] : i32 from vector<1xi32>
      %mul3A_68 = arith.constant 16 : i32
      %mul3A_69 = arith.muli %scan3A_9, %mul3A_68 : i32
      %add3A_70 = arith.addi %mul3A_2, %mul3A_69 : i32
      %add3A_71 = arith.constant 5 : i32
      %add3A_72 = arith.addi %add3A_70, %add3A_71 : i32
      %dma_start3A_73 = arith.constant 0 : i32
      %dma_start3A_74 = tpu.memref_slice %arg7[%add3A_72, %dma_start3A_73] : memref<8192x64xf32, #tpu.memory_space<hbm>> -> memref<1x64xf32, #tpu.memory_space<hbm>>
      %dma_start3A_75 = arith.constant 0 : i32
      %dma_start3A_76 = tpu.memref_slice %arg5[%squeeze3A_67, %dma_start3A_75] : memref<100000x64xf32, #tpu.memory_space<hbm>> -> memref<1x64xf32, #tpu.memory_space<hbm>>
      tpu.enqueue_dma source(%dma_start3A_76 : memref<1x64xf32, #tpu.memory_space<hbm>>) target(%dma_start3A_74 : memref<1x64xf32, #tpu.memory_space<hbm>>) target_semaphore(%arg17 : memref<!tpu.dma_semaphore, #tpu.memory_space<semaphore_mem>>)
      %slice3A_77 = vector.extract_strided_slice %get3A_13 {offsets = [6], sizes = [1], strides = [1]} : vector<16xi32> to vector<1xi32>
      %squeeze3A_78 = vector.extract %slice3A_77[0] : i32 from vector<1xi32>
      %mul3A_79 = arith.constant 16 : i32
      %mul3A_80 = arith.muli %scan3A_9, %mul3A_79 : i32
      %add3A_81 = arith.addi %mul3A_2, %mul3A_80 : i32
      %add3A_82 = arith.constant 6 : i32
      %add3A_83 = arith.addi %add3A_81, %add3A_82 : i32
      %dma_start3A_84 = arith.constant 0 : i32
      %dma_start3A_85 = tpu.memref_slice %arg7[%add3A_83, %dma_start3A_84] : memref<8192x64xf32, #tpu.memory_space<hbm>> -> memref<1x64xf32, #tpu.memory_space<hbm>>
      %dma_start3A_86 = arith.constant 0 : i32
      %dma_start3A_87 = tpu.memref_slice %arg5[%squeeze3A_78, %dma_start3A_86] : memref<100000x64xf32, #tpu.memory_space<hbm>> -> memref<1x64xf32, #tpu.memory_space<hbm>>
      tpu.enqueue_dma source(%dma_start3A_87 : memref<1x64xf32, #tpu.memory_space<hbm>>) target(%dma_start3A_85 : memref<1x64xf32, #tpu.memory_space<hbm>>) target_semaphore(%arg17 : memref<!tpu.dma_semaphore, #tpu.memory_space<semaphore_mem>>)
      %slice3A_88 = vector.extract_strided_slice %get3A_13 {offsets = [7], sizes = [1], strides = [1]} : vector<16xi32> to vector<1xi32>
      %squeeze3A_89 = vector.extract %slice3A_88[0] : i32 from vector<1xi32>
      %mul3A_90 = arith.constant 16 : i32
      %mul3A_91 = arith.muli %scan3A_9, %mul3A_90 : i32
      %add3A_92 = arith.addi %mul3A_2, %mul3A_91 : i32
      %add3A_93 = arith.constant 7 : i32
      %add3A_94 = arith.addi %add3A_92, %add3A_93 : i32
      %dma_start3A_95 = arith.constant 0 : i32
      %dma_start3A_96 = tpu.memref_slice %arg7[%add3A_94, %dma_start3A_95] : memref<8192x64xf32, #tpu.memory_space<hbm>> -> memref<1x64xf32, #tpu.memory_space<hbm>>
      %dma_start3A_97 = arith.constant 0 : i32
      %dma_start3A_98 = tpu.memref_slice %arg5[%squeeze3A_89, %dma_start3A_97] : memref<100000x64xf32, #tpu.memory_space<hbm>> -> memref<1x64xf32, #tpu.memory_space<hbm>>
      tpu.enqueue_dma source(%dma_start3A_98 : memref<1x64xf32, #tpu.memory_space<hbm>>) target(%dma_start3A_96 : memref<1x64xf32, #tpu.memory_space<hbm>>) target_semaphore(%arg17 : memref<!tpu.dma_semaphore, #tpu.memory_space<semaphore_mem>>)
      %slice3A_99 = vector.extract_strided_slice %get3A_13 {offsets = [8], sizes = [1], strides = [1]} : vector<16xi32> to vector<1xi32>
      %squeeze3A_100 = vector.extract %slice3A_99[0] : i32 from vector<1xi32>
      %mul3A_101 = arith.constant 16 : i32
      %mul3A_102 = arith.muli %scan3A_9, %mul3A_101 : i32
      %add3A_103 = arith.addi %mul3A_2, %mul3A_102 : i32
      %add3A_104 = arith.constant 8 : i32
      %add3A_105 = arith.addi %add3A_103, %add3A_104 : i32
      %dma_start3A_106 = arith.constant 0 : i32
      %dma_start3A_107 = tpu.memref_slice %arg7[%add3A_105, %dma_start3A_106] : memref<8192x64xf32, #tpu.memory_space<hbm>> -> memref<1x64xf32, #tpu.memory_space<hbm>>
      %dma_start3A_108 = arith.constant 0 : i32
      %dma_start3A_109 = tpu.memref_slice %arg5[%squeeze3A_100, %dma_start3A_108] : memref<100000x64xf32, #tpu.memory_space<hbm>> -> memref<1x64xf32, #tpu.memory_space<hbm>>
      tpu.enqueue_dma source(%dma_start3A_109 : memref<1x64xf32, #tpu.memory_space<hbm>>) target(%dma_start3A_107 : memref<1x64xf32, #tpu.memory_space<hbm>>) target_semaphore(%arg17 : memref<!tpu.dma_semaphore, #tpu.memory_space<semaphore_mem>>)
      %slice3A_110 = vector.extract_strided_slice %get3A_13 {offsets = [9], sizes = [1], strides = [1]} : vector<16xi32> to vector<1xi32>
      %squeeze3A_111 = vector.extract %slice3A_110[0] : i32 from vector<1xi32>
      %mul3A_112 = arith.constant 16 : i32
      %mul3A_113 = arith.muli %scan3A_9, %mul3A_112 : i32
      %add3A_114 = arith.addi %mul3A_2, %mul3A_113 : i32
      %add3A_115 = arith.constant 9 : i32
      %add3A_116 = arith.addi %add3A_114, %add3A_115 : i32
      %dma_start3A_117 = arith.constant 0 : i32
      %dma_start3A_118 = tpu.memref_slice %arg7[%add3A_116, %dma_start3A_117] : memref<8192x64xf32, #tpu.memory_space<hbm>> -> memref<1x64xf32, #tpu.memory_space<hbm>>
      %dma_start3A_119 = arith.constant 0 : i32
      %dma_start3A_120 = tpu.memref_slice %arg5[%squeeze3A_111, %dma_start3A_119] : memref<100000x64xf32, #tpu.memory_space<hbm>> -> memref<1x64xf32, #tpu.memory_space<hbm>>
      tpu.enqueue_dma source(%dma_start3A_120 : memref<1x64xf32, #tpu.memory_space<hbm>>) target(%dma_start3A_118 : memref<1x64xf32, #tpu.memory_space<hbm>>) target_semaphore(%arg17 : memref<!tpu.dma_semaphore, #tpu.memory_space<semaphore_mem>>)
      %slice3A_121 = vector.extract_strided_slice %get3A_13 {offsets = [10], sizes = [1], strides = [1]} : vector<16xi32> to vector<1xi32>
      %squeeze3A_122 = vector.extract %slice3A_121[0] : i32 from vector<1xi32>
      %mul3A_123 = arith.constant 16 : i32
      %mul3A_124 = arith.muli %scan3A_9, %mul3A_123 : i32
      %add3A_125 = arith.addi %mul3A_2, %mul3A_124 : i32
      %add3A_126 = arith.constant 10 : i32
      %add3A_127 = arith.addi %add3A_125, %add3A_126 : i32
      %dma_start3A_128 = arith.constant 0 : i32
      %dma_start3A_129 = tpu.memref_slice %arg7[%add3A_127, %dma_start3A_128] : memref<8192x64xf32, #tpu.memory_space<hbm>> -> memref<1x64xf32, #tpu.memory_space<hbm>>
      %dma_start3A_130 = arith.constant 0 : i32
      %dma_start3A_131 = tpu.memref_slice %arg5[%squeeze3A_122, %dma_start3A_130] : memref<100000x64xf32, #tpu.memory_space<hbm>> -> memref<1x64xf32, #tpu.memory_space<hbm>>
      tpu.enqueue_dma source(%dma_start3A_131 : memref<1x64xf32, #tpu.memory_space<hbm>>) target(%dma_start3A_129 : memref<1x64xf32, #tpu.memory_space<hbm>>) target_semaphore(%arg17 : memref<!tpu.dma_semaphore, #tpu.memory_space<semaphore_mem>>)
      %slice3A_132 = vector.extract_strided_slice %get3A_13 {offsets = [11], sizes = [1], strides = [1]} : vector<16xi32> to vector<1xi32>
      %squeeze3A_133 = vector.extract %slice3A_132[0] : i32 from vector<1xi32>
      %mul3A_134 = arith.constant 16 : i32
      %mul3A_135 = arith.muli %scan3A_9, %mul3A_134 : i32
      %add3A_136 = arith.addi %mul3A_2, %mul3A_135 : i32
      %add3A_137 = arith.constant 11 : i32
      %add3A_138 = arith.addi %add3A_136, %add3A_137 : i32
      %dma_start3A_139 = arith.constant 0 : i32
      %dma_start3A_140 = tpu.memref_slice %arg7[%add3A_138, %dma_start3A_139] : memref<8192x64xf32, #tpu.memory_space<hbm>> -> memref<1x64xf32, #tpu.memory_space<hbm>>
      %dma_start3A_141 = arith.constant 0 : i32
      %dma_start3A_142 = tpu.memref_slice %arg5[%squeeze3A_133, %dma_start3A_141] : memref<100000x64xf32, #tpu.memory_space<hbm>> -> memref<1x64xf32, #tpu.memory_space<hbm>>
      tpu.enqueue_dma source(%dma_start3A_142 : memref<1x64xf32, #tpu.memory_space<hbm>>) target(%dma_start3A_140 : memref<1x64xf32, #tpu.memory_space<hbm>>) target_semaphore(%arg17 : memref<!tpu.dma_semaphore, #tpu.memory_space<semaphore_mem>>)
      %slice3A_143 = vector.extract_strided_slice %get3A_13 {offsets = [12], sizes = [1], strides = [1]} : vector<16xi32> to vector<1xi32>
      %squeeze3A_144 = vector.extract %slice3A_143[0] : i32 from vector<1xi32>
      %mul3A_145 = arith.constant 16 : i32
      %mul3A_146 = arith.muli %scan3A_9, %mul3A_145 : i32
      %add3A_147 = arith.addi %mul3A_2, %mul3A_146 : i32
      %add3A_148 = arith.constant 12 : i32
      %add3A_149 = arith.addi %add3A_147, %add3A_148 : i32
      %dma_start3A_150 = arith.constant 0 : i32
      %dma_start3A_151 = tpu.memref_slice %arg7[%add3A_149, %dma_start3A_150] : memref<8192x64xf32, #tpu.memory_space<hbm>> -> memref<1x64xf32, #tpu.memory_space<hbm>>
      %dma_start3A_152 = arith.constant 0 : i32
      %dma_start3A_153 = tpu.memref_slice %arg5[%squeeze3A_144, %dma_start3A_152] : memref<100000x64xf32, #tpu.memory_space<hbm>> -> memref<1x64xf32, #tpu.memory_space<hbm>>
      tpu.enqueue_dma source(%dma_start3A_153 : memref<1x64xf32, #tpu.memory_space<hbm>>) target(%dma_start3A_151 : memref<1x64xf32, #tpu.memory_space<hbm>>) target_semaphore(%arg17 : memref<!tpu.dma_semaphore, #tpu.memory_space<semaphore_mem>>)
      %slice3A_154 = vector.extract_strided_slice %get3A_13 {offsets = [13], sizes = [1], strides = [1]} : vector<16xi32> to vector<1xi32>
      %squeeze3A_155 = vector.extract %slice3A_154[0] : i32 from vector<1xi32>
      %mul3A_156 = arith.constant 16 : i32
      %mul3A_157 = arith.muli %scan3A_9, %mul3A_156 : i32
      %add3A_158 = arith.addi %mul3A_2, %mul3A_157 : i32
      %add3A_159 = arith.constant 13 : i32
      %add3A_160 = arith.addi %add3A_158, %add3A_159 : i32
      %dma_start3A_161 = arith.constant 0 : i32
      %dma_start3A_162 = tpu.memref_slice %arg7[%add3A_160, %dma_start3A_161] : memref<8192x64xf32, #tpu.memory_space<hbm>> -> memref<1x64xf32, #tpu.memory_space<hbm>>
      %dma_start3A_163 = arith.constant 0 : i32
      %dma_start3A_164 = tpu.memref_slice %arg5[%squeeze3A_155, %dma_start3A_163] : memref<100000x64xf32, #tpu.memory_space<hbm>> -> memref<1x64xf32, #tpu.memory_space<hbm>>
      tpu.enqueue_dma source(%dma_start3A_164 : memref<1x64xf32, #tpu.memory_space<hbm>>) target(%dma_start3A_162 : memref<1x64xf32, #tpu.memory_space<hbm>>) target_semaphore(%arg17 : memref<!tpu.dma_semaphore, #tpu.memory_space<semaphore_mem>>)
      %slice3A_165 = vector.extract_strided_slice %get3A_13 {offsets = [14], sizes = [1], strides = [1]} : vector<16xi32> to vector<1xi32>
      %squeeze3A_166 = vector.extract %slice3A_165[0] : i32 from vector<1xi32>
      %mul3A_167 = arith.constant 16 : i32
      %mul3A_168 = arith.muli %scan3A_9, %mul3A_167 : i32
      %add3A_169 = arith.addi %mul3A_2, %mul3A_168 : i32
      %add3A_170 = arith.constant 14 : i32
      %add3A_171 = arith.addi %add3A_169, %add3A_170 : i32
      %dma_start3A_172 = arith.constant 0 : i32
      %dma_start3A_173 = tpu.memref_slice %arg7[%add3A_171, %dma_start3A_172] : memref<8192x64xf32, #tpu.memory_space<hbm>> -> memref<1x64xf32, #tpu.memory_space<hbm>>
      %dma_start3A_174 = arith.constant 0 : i32
      %dma_start3A_175 = tpu.memref_slice %arg5[%squeeze3A_166, %dma_start3A_174] : memref<100000x64xf32, #tpu.memory_space<hbm>> -> memref<1x64xf32, #tpu.memory_space<hbm>>
      tpu.enqueue_dma source(%dma_start3A_175 : memref<1x64xf32, #tpu.memory_space<hbm>>) target(%dma_start3A_173 : memref<1x64xf32, #tpu.memory_space<hbm>>) target_semaphore(%arg17 : memref<!tpu.dma_semaphore, #tpu.memory_space<semaphore_mem>>)
      %slice3A_176 = vector.extract_strided_slice %get3A_13 {offsets = [15], sizes = [1], strides = [1]} : vector<16xi32> to vector<1xi32>
      %squeeze3A_177 = vector.extract %slice3A_176[0] : i32 from vector<1xi32>
      %mul3A_178 = arith.constant 16 : i32
      %mul3A_179 = arith.muli %scan3A_9, %mul3A_178 : i32
      %add3A_180 = arith.addi %mul3A_2, %mul3A_179 : i32
      %add3A_181 = arith.constant 15 : i32
      %add3A_182 = arith.addi %add3A_180, %add3A_181 : i32
      %dma_start3A_183 = arith.constant 0 : i32
      %dma_start3A_184 = tpu.memref_slice %arg7[%add3A_182, %dma_start3A_183] : memref<8192x64xf32, #tpu.memory_space<hbm>> -> memref<1x64xf32, #tpu.memory_space<hbm>>
      %dma_start3A_185 = arith.constant 0 : i32
      %dma_start3A_186 = tpu.memref_slice %arg5[%squeeze3A_177, %dma_start3A_185] : memref<100000x64xf32, #tpu.memory_space<hbm>> -> memref<1x64xf32, #tpu.memory_space<hbm>>
      tpu.enqueue_dma source(%dma_start3A_186 : memref<1x64xf32, #tpu.memory_space<hbm>>) target(%dma_start3A_184 : memref<1x64xf32, #tpu.memory_space<hbm>>) target_semaphore(%arg17 : memref<!tpu.dma_semaphore, #tpu.memory_space<semaphore_mem>>)
      %mul3A_187 = arith.constant 16 : i32
      %mul3A_188 = arith.muli %scan3A_9, %mul3A_187 : i32
      %get3A_189 = arith.index_cast %mul3A_188 : i32 to index
      %get3A_190 = tpu.vector_load %arg8[%get3A_189] {strides = array<i32>} : memref<256xi32, #tpu.memory_space<vmem>>, vector<16xi32>,
      %slice3A_191 = vector.extract_strided_slice %get3A_190 {offsets = [0], sizes = [1], strides = [1]} : vector<16xi32> to vector<1xi32>
      %squeeze3A_192 = vector.extract %slice3A_191[0] : i32 from vector<1xi32>
      %shift_right_arithmetic3A = arith.constant 7 : i32
      %shift_right_arithmetic3A_193 = arith.shrsi %squeeze3A_192, %shift_right_arithmetic3A : i32
      %shift_left3A = arith.constant 7 : i32
      %shift_left3A_194 = arith.shli %shift_right_arithmetic3A_193, %shift_left3A : i32
      %multiple_of3A = tpu.assume_multiple %shift_left3A_194, 128 : i32
      %dma_start3A_195 = arith.constant 0 : i32
      %dma_start3A_196 = tpu.memref_slice %arg4[%dma_start3A_195, %multiple_of3A] : memref<64x1000000xf32, #tpu.memory_space<hbm>> -> memref<64x128xf32, #tpu.memory_space<hbm>>
      %dma_start3A_197 = arith.constant 0 : i32
      %dma_start3A_198 = tpu.memref_slice %arg4[%dma_start3A_197, %multiple_of3A] : memref<64x1000000xf32, #tpu.memory_space<hbm>> -> memref<64x128xf32, #tpu.memory_space<hbm>>
      tpu.enqueue_dma source(%dma_start3A_198 : memref<64x128xf32, #tpu.memory_space<hbm>>) target(%arg11 : memref<64x128xf32, #tpu.memory_space<vmem>>) target_semaphore(%arg18 : memref<!tpu.dma_semaphore, #tpu.memory_space<semaphore_mem>>)
      %slice3A_199 = vector.extract_strided_slice %get3A_190 {offsets = [1], sizes = [1], strides = [1]} : vector<16xi32> to vector<1xi32>
      %squeeze3A_200 = vector.extract %slice3A_199[0] : i32 from vector<1xi32>
      %shift_right_arithmetic3A_201 = arith.constant 7 : i32
      %shift_right_arithmetic3A_202 = arith.shrsi %squeeze3A_200, %shift_right_arithmetic3A_201 : i32
      %shift_left3A_203 = arith.constant 7 : i32
      %shift_left3A_204 = arith.shli %shift_right_arithmetic3A_202, %shift_left3A_203 : i32
      %multiple_of3A_205 = tpu.assume_multiple %shift_left3A_204, 128 : i32
      %dma_start3A_206 = arith.constant 0 : i32
      %dma_start3A_207 = tpu.memref_slice %arg4[%dma_start3A_206, %multiple_of3A_205] : memref<64x1000000xf32, #tpu.memory_space<hbm>> -> memref<64x128xf32, #tpu.memory_space<hbm>>
      %dma_start3A_208 = arith.constant 0 : i32
      %dma_start3A_209 = tpu.memref_slice %arg4[%dma_start3A_208, %multiple_of3A_205] : memref<64x1000000xf32, #tpu.memory_space<hbm>> -> memref<64x128xf32, #tpu.memory_space<hbm>>
      tpu.enqueue_dma source(%dma_start3A_209 : memref<64x128xf32, #tpu.memory_space<hbm>>) target(%arg12 : memref<64x128xf32, #tpu.memory_space<vmem>>) target_semaphore(%arg19 : memref<!tpu.dma_semaphore, #tpu.memory_space<semaphore_mem>>)
      %slice3A_210 = vector.extract_strided_slice %get3A_190 {offsets = [2], sizes = [1], strides = [1]} : vector<16xi32> to vector<1xi32>
      %squeeze3A_211 = vector.extract %slice3A_210[0] : i32 from vector<1xi32>
      %shift_right_arithmetic3A_212 = arith.constant 7 : i32
      %shift_right_arithmetic3A_213 = arith.shrsi %squeeze3A_211, %shift_right_arithmetic3A_212 : i32
      %shift_left3A_214 = arith.constant 7 : i32
      %shift_left3A_215 = arith.shli %shift_right_arithmetic3A_213, %shift_left3A_214 : i32
      %multiple_of3A_216 = tpu.assume_multiple %shift_left3A_215, 128 : i32
      %dma_start3A_217 = arith.constant 0 : i32
      %dma_start3A_218 = tpu.memref_slice %arg4[%dma_start3A_217, %multiple_of3A_216] : memref<64x1000000xf32, #tpu.memory_space<hbm>> -> memref<64x128xf32, #tpu.memory_space<hbm>>
      %dma_start3A_219 = arith.constant 0 : i32
      %dma_start3A_220 = tpu.memref_slice %arg4[%dma_start3A_219, %multiple_of3A_216] : memref<64x1000000xf32, #tpu.memory_space<hbm>> -> memref<64x128xf32, #tpu.memory_space<hbm>>
      tpu.enqueue_dma source(%dma_start3A_220 : memref<64x128xf32, #tpu.memory_space<hbm>>) target(%arg13 : memref<64x128xf32, #tpu.memory_space<vmem>>) target_semaphore(%arg20 : memref<!tpu.dma_semaphore, #tpu.memory_space<semaphore_mem>>)
      %slice3A_221 = vector.extract_strided_slice %get3A_190 {offsets = [3], sizes = [1], strides = [1]} : vector<16xi32> to vector<1xi32>
      %squeeze3A_222 = vector.extract %slice3A_221[0] : i32 from vector<1xi32>
      %shift_right_arithmetic3A_223 = arith.constant 7 : i32
      %shift_right_arithmetic3A_224 = arith.shrsi %squeeze3A_222, %shift_right_arithmetic3A_223 : i32
      %shift_left3A_225 = arith.constant 7 : i32
      %shift_left3A_226 = arith.shli %shift_right_arithmetic3A_224, %shift_left3A_225 : i32
      %multiple_of3A_227 = tpu.assume_multiple %shift_left3A_226, 128 : i32
      %dma_start3A_228 = arith.constant 0 : i32
      %dma_start3A_229 = tpu.memref_slice %arg4[%dma_start3A_228, %multiple_of3A_227] : memref<64x1000000xf32, #tpu.memory_space<hbm>> -> memref<64x128xf32, #tpu.memory_space<hbm>>
      %dma_start3A_230 = arith.constant 0 : i32
      %dma_start3A_231 = tpu.memref_slice %arg4[%dma_start3A_230, %multiple_of3A_227] : memref<64x1000000xf32, #tpu.memory_space<hbm>> -> memref<64x128xf32, #tpu.memory_space<hbm>>
      tpu.enqueue_dma source(%dma_start3A_231 : memref<64x128xf32, #tpu.memory_space<hbm>>) target(%arg14 : memref<64x128xf32, #tpu.memory_space<vmem>>) target_semaphore(%arg21 : memref<!tpu.dma_semaphore, #tpu.memory_space<semaphore_mem>>)
      %slice3A_232 = vector.extract_strided_slice %get3A_190 {offsets = [4], sizes = [1], strides = [1]} : vector<16xi32> to vector<1xi32>
      %squeeze3A_233 = vector.extract %slice3A_232[0] : i32 from vector<1xi32>
      %shift_right_arithmetic3A_234 = arith.constant 7 : i32
      %shift_right_arithmetic3A_235 = arith.shrsi %squeeze3A_233, %shift_right_arithmetic3A_234 : i32
      %shift_left3A_236 = arith.constant 7 : i32
      %shift_left3A_237 = arith.shli %shift_right_arithmetic3A_235, %shift_left3A_236 : i32
      %multiple_of3A_238 = tpu.assume_multiple %shift_left3A_237, 128 : i32
      %dma_start3A_239 = arith.constant 0 : i32
      %dma_start3A_240 = tpu.memref_slice %arg4[%dma_start3A_239, %multiple_of3A_238] : memref<64x1000000xf32, #tpu.memory_space<hbm>> -> memref<64x128xf32, #tpu.memory_space<hbm>>
      %dma_start3A_241 = arith.constant 0 : i32
      %dma_start3A_242 = tpu.memref_slice %arg4[%dma_start3A_241, %multiple_of3A_238] : memref<64x1000000xf32, #tpu.memory_space<hbm>> -> memref<64x128xf32, #tpu.memory_space<hbm>>
      tpu.enqueue_dma source(%dma_start3A_242 : memref<64x128xf32, #tpu.memory_space<hbm>>) target(%arg15 : memref<64x128xf32, #tpu.memory_space<vmem>>) target_semaphore(%arg22 : memref<!tpu.dma_semaphore, #tpu.memory_space<semaphore_mem>>)
      %slice3A_243 = vector.extract_strided_slice %get3A_190 {offsets = [5], sizes = [1], strides = [1]} : vector<16xi32> to vector<1xi32>
      %squeeze3A_244 = vector.extract %slice3A_243[0] : i32 from vector<1xi32>
      %shift_right_arithmetic3A_245 = arith.constant 7 : i32
      %shift_right_arithmetic3A_246 = arith.shrsi %squeeze3A_244, %shift_right_arithmetic3A_245 : i32
      %shift_left3A_247 = arith.constant 7 : i32
      %shift_left3A_248 = arith.shli %shift_right_arithmetic3A_246, %shift_left3A_247 : i32
      %multiple_of3A_249 = tpu.assume_multiple %shift_left3A_248, 128 : i32
      %dma_start3A_250 = arith.constant 0 : i32
      %dma_start3A_251 = tpu.memref_slice %arg4[%dma_start3A_250, %multiple_of3A_249] : memref<64x1000000xf32, #tpu.memory_space<hbm>> -> memref<64x128xf32, #tpu.memory_space<hbm>>
      %dma_start3A_252 = arith.constant 0 : i32
      %dma_start3A_253 = tpu.memref_slice %arg4[%dma_start3A_252, %multiple_of3A_249] : memref<64x1000000xf32, #tpu.memory_space<hbm>> -> memref<64x128xf32, #tpu.memory_space<hbm>>
      tpu.enqueue_dma source(%dma_start3A_253 : memref<64x128xf32, #tpu.memory_space<hbm>>) target(%arg16 : memref<64x128xf32, #tpu.memory_space<vmem>>) target_semaphore(%arg23 : memref<!tpu.dma_semaphore, #tpu.memory_space<semaphore_mem>>)
      %dma_wait3A = arith.constant 0 : i32
      %dma_wait3A_254 = tpu.memref_slice %arg4[%dma_wait3A, %multiple_of3A] : memref<64x1000000xf32, #tpu.memory_space<hbm>> -> memref<64x128xf32, #tpu.memory_space<hbm>>
      %dma_wait3A_255 = arith.constant 0 : i32
      %dma_wait3A_256 = tpu.memref_slice %arg4[%dma_wait3A_255, %multiple_of3A] : memref<64x1000000xf32, #tpu.memory_space<hbm>> -> memref<64x128xf32, #tpu.memory_space<hbm>>
      tpu.wait_dma2 semaphore(%arg18 : memref<!tpu.dma_semaphore, #tpu.memory_space<semaphore_mem>>) src(%dma_wait3A_256 : memref<64x128xf32, #tpu.memory_space<hbm>>) dst(%arg11 : memref<64x128xf32, #tpu.memory_space<vmem>>)
      %mul3A_257 = arith.constant 16 : i32
      %mul3A_258 = arith.muli %scan3A_9, %mul3A_257 : i32
      %add3A_259 = arith.constant 0 : i32
      %add3A_260 = arith.addi %mul3A_258, %add3A_259 : i32
      %slice3A_261 = vector.extract_strided_slice %get3A_190 {offsets = [0], sizes = [1], strides = [1]} : vector<16xi32> to vector<1xi32>
      %squeeze3A_262 = vector.extract %slice3A_261[0] : i32 from vector<1xi32>
      %and3A = arith.constant 127 : i32
      %and3A_263 = arith.andi %squeeze3A_262, %and3A : i32
      %broadcast_in_dim3A = vector.broadcast %and3A_263 : i32 to vector<16xi32>
      %iota3A = tpu.iota {dimensions = array<i32: 0>} : vector<16xi32>
      %add3A_264 = arith.constant 0 : i32
      %add3A_265 = vector.broadcast %add3A_264 : i32 to vector<16xi32>
      %add3A_266 = arith.addi %iota3A, %add3A_265 : vector<16xi32>
      %gather3A = tpu.vector_load_idx %arg11[%add3A_266, %broadcast_in_dim3A] : memref<64x128xf32, #tpu.memory_space<vmem>>[vector<16xi32>, vector<16xi32>], vector<16xf32>,
      %swap3A = arith.index_cast %add3A_260 : i32 to index
      %swap3A_267 = arith.constant 0 : index
      %swap3A_268 = tpu.vector_load %arg10[%swap3A, %swap3A_267] {strides = array<i32>} : memref<256x64xf32, #tpu.memory_space<vmem>>, vector<16xf32>,
      tpu.vector_store %arg10[%swap3A, %swap3A_267], %gather3A {strides = array<i32>} : memref<256x64xf32, #tpu.memory_space<vmem>>, vector<16xf32>,
      %iota3A_269 = tpu.iota {dimensions = array<i32: 0>} : vector<16xi32>
      %add3A_270 = arith.constant 16 : i32
      %add3A_271 = vector.broadcast %add3A_270 : i32 to vector<16xi32>
      %add3A_272 = arith.addi %iota3A_269, %add3A_271 : vector<16xi32>
      %gather3A_273 = tpu.vector_load_idx %arg11[%add3A_272, %broadcast_in_dim3A] : memref<64x128xf32, #tpu.memory_space<vmem>>[vector<16xi32>, vector<16xi32>], vector<16xf32>,
      %swap3A_274 = arith.index_cast %add3A_260 : i32 to index
      %swap3A_275 = arith.constant 16 : index
      %swap3A_276 = tpu.vector_load %arg10[%swap3A_274, %swap3A_275] {strides = array<i32>} : memref<256x64xf32, #tpu.memory_space<vmem>>, vector<16xf32>,
      tpu.vector_store %arg10[%swap3A_274, %swap3A_275], %gather3A_273 {strides = array<i32>} : memref<256x64xf32, #tpu.memory_space<vmem>>, vector<16xf32>,
      %iota3A_277 = tpu.iota {dimensions = array<i32: 0>} : vector<16xi32>
      %add3A_278 = arith.constant 32 : i32
      %add3A_279 = vector.broadcast %add3A_278 : i32 to vector<16xi32>
      %add3A_280 = arith.addi %iota3A_277, %add3A_279 : vector<16xi32>
      %gather3A_281 = tpu.vector_load_idx %arg11[%add3A_280, %broadcast_in_dim3A] : memref<64x128xf32, #tpu.memory_space<vmem>>[vector<16xi32>, vector<16xi32>], vector<16xf32>,
      %swap3A_282 = arith.index_cast %add3A_260 : i32 to index
      %swap3A_283 = arith.constant 32 : index
      %swap3A_284 = tpu.vector_load %arg10[%swap3A_282, %swap3A_283] {strides = array<i32>} : memref<256x64xf32, #tpu.memory_space<vmem>>, vector<16xf32>,
      tpu.vector_store %arg10[%swap3A_282, %swap3A_283], %gather3A_281 {strides = array<i32>} : memref<256x64xf32, #tpu.memory_space<vmem>>, vector<16xf32>,
      %iota3A_285 = tpu.iota {dimensions = array<i32: 0>} : vector<16xi32>
      %add3A_286 = arith.constant 48 : i32
      %add3A_287 = vector.broadcast %add3A_286 : i32 to vector<16xi32>
      %add3A_288 = arith.addi %iota3A_285, %add3A_287 : vector<16xi32>
      %gather3A_289 = tpu.vector_load_idx %arg11[%add3A_288, %broadcast_in_dim3A] : memref<64x128xf32, #tpu.memory_space<vmem>>[vector<16xi32>, vector<16xi32>], vector<16xf32>,
      %swap3A_290 = arith.index_cast %add3A_260 : i32 to index
      %swap3A_291 = arith.constant 48 : index
      %swap3A_292 = tpu.vector_load %arg10[%swap3A_290, %swap3A_291] {strides = array<i32>} : memref<256x64xf32, #tpu.memory_space<vmem>>, vector<16xf32>,
      tpu.vector_store %arg10[%swap3A_290, %swap3A_291], %gather3A_289 {strides = array<i32>} : memref<256x64xf32, #tpu.memory_space<vmem>>, vector<16xf32>,
      %slice3A_293 = vector.extract_strided_slice %get3A_190 {offsets = [6], sizes = [1], strides = [1]} : vector<16xi32> to vector<1xi32>
      %squeeze3A_294 = vector.extract %slice3A_293[0] : i32 from vector<1xi32>
      %shift_right_arithmetic3A_295 = arith.constant 7 : i32
      %shift_right_arithmetic3A_296 = arith.shrsi %squeeze3A_294, %shift_right_arithmetic3A_295 : i32
      %shift_left3A_297 = arith.constant 7 : i32
      %shift_left3A_298 = arith.shli %shift_right_arithmetic3A_296, %shift_left3A_297 : i32
      %multiple_of3A_299 = tpu.assume_multiple %shift_left3A_298, 128 : i32
      %dma_start3A_300 = arith.constant 0 : i32
      %dma_start3A_301 = tpu.memref_slice %arg4[%dma_start3A_300, %multiple_of3A_299] : memref<64x1000000xf32, #tpu.memory_space<hbm>> -> memref<64x128xf32, #tpu.memory_space<hbm>>
      %dma_start3A_302 = arith.constant 0 : i32
      %dma_start3A_303 = tpu.memref_slice %arg4[%dma_start3A_302, %multiple_of3A_299] : memref<64x1000000xf32, #tpu.memory_space<hbm>> -> memref<64x128xf32, #tpu.memory_space<hbm>>
      tpu.enqueue_dma source(%dma_start3A_303 : memref<64x128xf32, #tpu.memory_space<hbm>>) target(%arg11 : memref<64x128xf32, #tpu.memory_space<vmem>>) target_semaphore(%arg18 : memref<!tpu.dma_semaphore, #tpu.memory_space<semaphore_mem>>)
      %dma_wait3A_304 = arith.constant 0 : i32
      %dma_wait3A_305 = tpu.memref_slice %arg4[%dma_wait3A_304, %multiple_of3A_205] : memref<64x1000000xf32, #tpu.memory_space<hbm>> -> memref<64x128xf32, #tpu.memory_space<hbm>>
      %dma_wait3A_306 = arith.constant 0 : i32
      %dma_wait3A_307 = tpu.memref_slice %arg4[%dma_wait3A_306, %multiple_of3A_205] : memref<64x1000000xf32, #tpu.memory_space<hbm>> -> memref<64x128xf32, #tpu.memory_space<hbm>>
      tpu.wait_dma2 semaphore(%arg19 : memref<!tpu.dma_semaphore, #tpu.memory_space<semaphore_mem>>) src(%dma_wait3A_307 : memref<64x128xf32, #tpu.memory_space<hbm>>) dst(%arg12 : memref<64x128xf32, #tpu.memory_space<vmem>>)
      %mul3A_308 = arith.constant 16 : i32
      %mul3A_309 = arith.muli %scan3A_9, %mul3A_308 : i32
      %add3A_310 = arith.constant 1 : i32
      %add3A_311 = arith.addi %mul3A_309, %add3A_310 : i32
      %slice3A_312 = vector.extract_strided_slice %get3A_190 {offsets = [1], sizes = [1], strides = [1]} : vector<16xi32> to vector<1xi32>
      %squeeze3A_313 = vector.extract %slice3A_312[0] : i32 from vector<1xi32>
      %and3A_314 = arith.constant 127 : i32
      %and3A_315 = arith.andi %squeeze3A_313, %and3A_314 : i32
      %broadcast_in_dim3A_316 = vector.broadcast %and3A_315 : i32 to vector<16xi32>
      %iota3A_317 = tpu.iota {dimensions = array<i32: 0>} : vector<16xi32>
      %add3A_318 = arith.constant 0 : i32
      %add3A_319 = vector.broadcast %add3A_318 : i32 to vector<16xi32>
      %add3A_320 = arith.addi %iota3A_317, %add3A_319 : vector<16xi32>
      %gather3A_321 = tpu.vector_load_idx %arg12[%add3A_320, %broadcast_in_dim3A_316] : memref<64x128xf32, #tpu.memory_space<vmem>>[vector<16xi32>, vector<16xi32>], vector<16xf32>,
      %swap3A_322 = arith.index_cast %add3A_311 : i32 to index
      %swap3A_323 = arith.constant 0 : index
      %swap3A_324 = tpu.vector_load %arg10[%swap3A_322, %swap3A_323] {strides = array<i32>} : memref<256x64xf32, #tpu.memory_space<vmem>>, vector<16xf32>,
      tpu.vector_store %arg10[%swap3A_322, %swap3A_323], %gather3A_321 {strides = array<i32>} : memref<256x64xf32, #tpu.memory_space<vmem>>, vector<16xf32>,
      %iota3A_325 = tpu.iota {dimensions = array<i32: 0>} : vector<16xi32>
      %add3A_326 = arith.constant 16 : i32
      %add3A_327 = vector.broadcast %add3A_326 : i32 to vector<16xi32>
      %add3A_328 = arith.addi %iota3A_325, %add3A_327 : vector<16xi32>
      %gather3A_329 = tpu.vector_load_idx %arg12[%add3A_328, %broadcast_in_dim3A_316] : memref<64x128xf32, #tpu.memory_space<vmem>>[vector<16xi32>, vector<16xi32>], vector<16xf32>,
      %swap3A_330 = arith.index_cast %add3A_311 : i32 to index
      %swap3A_331 = arith.constant 16 : index
      %swap3A_332 = tpu.vector_load %arg10[%swap3A_330, %swap3A_331] {strides = array<i32>} : memref<256x64xf32, #tpu.memory_space<vmem>>, vector<16xf32>,
      tpu.vector_store %arg10[%swap3A_330, %swap3A_331], %gather3A_329 {strides = array<i32>} : memref<256x64xf32, #tpu.memory_space<vmem>>, vector<16xf32>,
      %iota3A_333 = tpu.iota {dimensions = array<i32: 0>} : vector<16xi32>
      %add3A_334 = arith.constant 32 : i32
      %add3A_335 = vector.broadcast %add3A_334 : i32 to vector<16xi32>
      %add3A_336 = arith.addi %iota3A_333, %add3A_335 : vector<16xi32>
      %gather3A_337 = tpu.vector_load_idx %arg12[%add3A_336, %broadcast_in_dim3A_316] : memref<64x128xf32, #tpu.memory_space<vmem>>[vector<16xi32>, vector<16xi32>], vector<16xf32>,
      %swap3A_338 = arith.index_cast %add3A_311 : i32 to index
      %swap3A_339 = arith.constant 32 : index
      %swap3A_340 = tpu.vector_load %arg10[%swap3A_338, %swap3A_339] {strides = array<i32>} : memref<256x64xf32, #tpu.memory_space<vmem>>, vector<16xf32>,
      tpu.vector_store %arg10[%swap3A_338, %swap3A_339], %gather3A_337 {strides = array<i32>} : memref<256x64xf32, #tpu.memory_space<vmem>>, vector<16xf32>,
      %iota3A_341 = tpu.iota {dimensions = array<i32: 0>} : vector<16xi32>
      %add3A_342 = arith.constant 48 : i32
      %add3A_343 = vector.broadcast %add3A_342 : i32 to vector<16xi32>
      %add3A_344 = arith.addi %iota3A_341, %add3A_343 : vector<16xi32>
      %gather3A_345 = tpu.vector_load_idx %arg12[%add3A_344, %broadcast_in_dim3A_316] : memref<64x128xf32, #tpu.memory_space<vmem>>[vector<16xi32>, vector<16xi32>], vector<16xf32>,
      %swap3A_346 = arith.index_cast %add3A_311 : i32 to index
      %swap3A_347 = arith.constant 48 : index
      %swap3A_348 = tpu.vector_load %arg10[%swap3A_346, %swap3A_347] {strides = array<i32>} : memref<256x64xf32, #tpu.memory_space<vmem>>, vector<16xf32>,
      tpu.vector_store %arg10[%swap3A_346, %swap3A_347], %gather3A_345 {strides = array<i32>} : memref<256x64xf32, #tpu.memory_space<vmem>>, vector<16xf32>,
      %slice3A_349 = vector.extract_strided_slice %get3A_190 {offsets = [7], sizes = [1], strides = [1]} : vector<16xi32> to vector<1xi32>
      %squeeze3A_350 = vector.extract %slice3A_349[0] : i32 from vector<1xi32>
      %shift_right_arithmetic3A_351 = arith.constant 7 : i32
      %shift_right_arithmetic3A_352 = arith.shrsi %squeeze3A_350, %shift_right_arithmetic3A_351 : i32
      %shift_left3A_353 = arith.constant 7 : i32
      %shift_left3A_354 = arith.shli %shift_right_arithmetic3A_352, %shift_left3A_353 : i32
      %multiple_of3A_355 = tpu.assume_multiple %shift_left3A_354, 128 : i32
      %dma_start3A_356 = arith.constant 0 : i32
      %dma_start3A_357 = tpu.memref_slice %arg4[%dma_start3A_356, %multiple_of3A_355] : memref<64x1000000xf32, #tpu.memory_space<hbm>> -> memref<64x128xf32, #tpu.memory_space<hbm>>
      %dma_start3A_358 = arith.constant 0 : i32
      %dma_start3A_359 = tpu.memref_slice %arg4[%dma_start3A_358, %multiple_of3A_355] : memref<64x1000000xf32, #tpu.memory_space<hbm>> -> memref<64x128xf32, #tpu.memory_space<hbm>>
      tpu.enqueue_dma source(%dma_start3A_359 : memref<64x128xf32, #tpu.memory_space<hbm>>) target(%arg12 : memref<64x128xf32, #tpu.memory_space<vmem>>) target_semaphore(%arg19 : memref<!tpu.dma_semaphore, #tpu.memory_space<semaphore_mem>>)
      %dma_wait3A_360 = arith.constant 0 : i32
      %dma_wait3A_361 = tpu.memref_slice %arg4[%dma_wait3A_360, %multiple_of3A_216] : memref<64x1000000xf32, #tpu.memory_space<hbm>> -> memref<64x128xf32, #tpu.memory_space<hbm>>
      %dma_wait3A_362 = arith.constant 0 : i32
      %dma_wait3A_363 = tpu.memref_slice %arg4[%dma_wait3A_362, %multiple_of3A_216] : memref<64x1000000xf32, #tpu.memory_space<hbm>> -> memref<64x128xf32, #tpu.memory_space<hbm>>
      tpu.wait_dma2 semaphore(%arg20 : memref<!tpu.dma_semaphore, #tpu.memory_space<semaphore_mem>>) src(%dma_wait3A_363 : memref<64x128xf32, #tpu.memory_space<hbm>>) dst(%arg13 : memref<64x128xf32, #tpu.memory_space<vmem>>)
      %mul3A_364 = arith.constant 16 : i32
      %mul3A_365 = arith.muli %scan3A_9, %mul3A_364 : i32
      %add3A_366 = arith.constant 2 : i32
      %add3A_367 = arith.addi %mul3A_365, %add3A_366 : i32
      %slice3A_368 = vector.extract_strided_slice %get3A_190 {offsets = [2], sizes = [1], strides = [1]} : vector<16xi32> to vector<1xi32>
      %squeeze3A_369 = vector.extract %slice3A_368[0] : i32 from vector<1xi32>
      %and3A_370 = arith.constant 127 : i32
      %and3A_371 = arith.andi %squeeze3A_369, %and3A_370 : i32
      %broadcast_in_dim3A_372 = vector.broadcast %and3A_371 : i32 to vector<16xi32>
      %iota3A_373 = tpu.iota {dimensions = array<i32: 0>} : vector<16xi32>
      %add3A_374 = arith.constant 0 : i32
      %add3A_375 = vector.broadcast %add3A_374 : i32 to vector<16xi32>
      %add3A_376 = arith.addi %iota3A_373, %add3A_375 : vector<16xi32>
      %gather3A_377 = tpu.vector_load_idx %arg13[%add3A_376, %broadcast_in_dim3A_372] : memref<64x128xf32, #tpu.memory_space<vmem>>[vector<16xi32>, vector<16xi32>], vector<16xf32>,
      %swap3A_378 = arith.index_cast %add3A_367 : i32 to index
      %swap3A_379 = arith.constant 0 : index
      %swap3A_380 = tpu.vector_load %arg10[%swap3A_378, %swap3A_379] {strides = array<i32>} : memref<256x64xf32, #tpu.memory_space<vmem>>, vector<16xf32>,
      tpu.vector_store %arg10[%swap3A_378, %swap3A_379], %gather3A_377 {strides = array<i32>} : memref<256x64xf32, #tpu.memory_space<vmem>>, vector<16xf32>,
      %iota3A_381 = tpu.iota {dimensions = array<i32: 0>} : vector<16xi32>
      %add3A_382 = arith.constant 16 : i32
      %add3A_383 = vector.broadcast %add3A_382 : i32 to vector<16xi32>
      %add3A_384 = arith.addi %iota3A_381, %add3A_383 : vector<16xi32>
      %gather3A_385 = tpu.vector_load_idx %arg13[%add3A_384, %broadcast_in_dim3A_372] : memref<64x128xf32, #tpu.memory_space<vmem>>[vector<16xi32>, vector<16xi32>], vector<16xf32>,
      %swap3A_386 = arith.index_cast %add3A_367 : i32 to index
      %swap3A_387 = arith.constant 16 : index
      %swap3A_388 = tpu.vector_load %arg10[%swap3A_386, %swap3A_387] {strides = array<i32>} : memref<256x64xf32, #tpu.memory_space<vmem>>, vector<16xf32>,
      tpu.vector_store %arg10[%swap3A_386, %swap3A_387], %gather3A_385 {strides = array<i32>} : memref<256x64xf32, #tpu.memory_space<vmem>>, vector<16xf32>,
      %iota3A_389 = tpu.iota {dimensions = array<i32: 0>} : vector<16xi32>
      %add3A_390 = arith.constant 32 : i32
      %add3A_391 = vector.broadcast %add3A_390 : i32 to vector<16xi32>
      %add3A_392 = arith.addi %iota3A_389, %add3A_391 : vector<16xi32>
      %gather3A_393 = tpu.vector_load_idx %arg13[%add3A_392, %broadcast_in_dim3A_372] : memref<64x128xf32, #tpu.memory_space<vmem>>[vector<16xi32>, vector<16xi32>], vector<16xf32>,
      %swap3A_394 = arith.index_cast %add3A_367 : i32 to index
      %swap3A_395 = arith.constant 32 : index
      %swap3A_396 = tpu.vector_load %arg10[%swap3A_394, %swap3A_395] {strides = array<i32>} : memref<256x64xf32, #tpu.memory_space<vmem>>, vector<16xf32>,
      tpu.vector_store %arg10[%swap3A_394, %swap3A_395], %gather3A_393 {strides = array<i32>} : memref<256x64xf32, #tpu.memory_space<vmem>>, vector<16xf32>,
      %iota3A_397 = tpu.iota {dimensions = array<i32: 0>} : vector<16xi32>
      %add3A_398 = arith.constant 48 : i32
      %add3A_399 = vector.broadcast %add3A_398 : i32 to vector<16xi32>
      %add3A_400 = arith.addi %iota3A_397, %add3A_399 : vector<16xi32>
      %gather3A_401 = tpu.vector_load_idx %arg13[%add3A_400, %broadcast_in_dim3A_372] : memref<64x128xf32, #tpu.memory_space<vmem>>[vector<16xi32>, vector<16xi32>], vector<16xf32>,
      %swap3A_402 = arith.index_cast %add3A_367 : i32 to index
      %swap3A_403 = arith.constant 48 : index
      %swap3A_404 = tpu.vector_load %arg10[%swap3A_402, %swap3A_403] {strides = array<i32>} : memref<256x64xf32, #tpu.memory_space<vmem>>, vector<16xf32>,
      tpu.vector_store %arg10[%swap3A_402, %swap3A_403], %gather3A_401 {strides = array<i32>} : memref<256x64xf32, #tpu.memory_space<vmem>>, vector<16xf32>,
      %slice3A_405 = vector.extract_strided_slice %get3A_190 {offsets = [8], sizes = [1], strides = [1]} : vector<16xi32> to vector<1xi32>
      %squeeze3A_406 = vector.extract %slice3A_405[0] : i32 from vector<1xi32>
      %shift_right_arithmetic3A_407 = arith.constant 7 : i32
      %shift_right_arithmetic3A_408 = arith.shrsi %squeeze3A_406, %shift_right_arithmetic3A_407 : i32
      %shift_left3A_409 = arith.constant 7 : i32
      %shift_left3A_410 = arith.shli %shift_right_arithmetic3A_408, %shift_left3A_409 : i32
      %multiple_of3A_411 = tpu.assume_multiple %shift_left3A_410, 128 : i32
      %dma_start3A_412 = arith.constant 0 : i32
      %dma_start3A_413 = tpu.memref_slice %arg4[%dma_start3A_412, %multiple_of3A_411] : memref<64x1000000xf32, #tpu.memory_space<hbm>> -> memref<64x128xf32, #tpu.memory_space<hbm>>
      %dma_start3A_414 = arith.constant 0 : i32
      %dma_start3A_415 = tpu.memref_slice %arg4[%dma_start3A_414, %multiple_of3A_411] : memref<64x1000000xf32, #tpu.memory_space<hbm>> -> memref<64x128xf32, #tpu.memory_space<hbm>>
      tpu.enqueue_dma source(%dma_start3A_415 : memref<64x128xf32, #tpu.memory_space<hbm>>) target(%arg13 : memref<64x128xf32, #tpu.memory_space<vmem>>) target_semaphore(%arg20 : memref<!tpu.dma_semaphore, #tpu.memory_space<semaphore_mem>>)
      %dma_wait3A_416 = arith.constant 0 : i32
      %dma_wait3A_417 = tpu.memref_slice %arg4[%dma_wait3A_416, %multiple_of3A_227] : memref<64x1000000xf32, #tpu.memory_space<hbm>> -> memref<64x128xf32, #tpu.memory_space<hbm>>
      %dma_wait3A_418 = arith.constant 0 : i32
      %dma_wait3A_419 = tpu.memref_slice %arg4[%dma_wait3A_418, %multiple_of3A_227] : memref<64x1000000xf32, #tpu.memory_space<hbm>> -> memref<64x128xf32, #tpu.memory_space<hbm>>
      tpu.wait_dma2 semaphore(%arg21 : memref<!tpu.dma_semaphore, #tpu.memory_space<semaphore_mem>>) src(%dma_wait3A_419 : memref<64x128xf32, #tpu.memory_space<hbm>>) dst(%arg14 : memref<64x128xf32, #tpu.memory_space<vmem>>)
      %mul3A_420 = arith.constant 16 : i32
      %mul3A_421 = arith.muli %scan3A_9, %mul3A_420 : i32
      %add3A_422 = arith.constant 3 : i32
      %add3A_423 = arith.addi %mul3A_421, %add3A_422 : i32
      %slice3A_424 = vector.extract_strided_slice %get3A_190 {offsets = [3], sizes = [1], strides = [1]} : vector<16xi32> to vector<1xi32>
      %squeeze3A_425 = vector.extract %slice3A_424[0] : i32 from vector<1xi32>
      %and3A_426 = arith.constant 127 : i32
      %and3A_427 = arith.andi %squeeze3A_425, %and3A_426 : i32
      %broadcast_in_dim3A_428 = vector.broadcast %and3A_427 : i32 to vector<16xi32>
      %iota3A_429 = tpu.iota {dimensions = array<i32: 0>} : vector<16xi32>
      %add3A_430 = arith.constant 0 : i32
      %add3A_431 = vector.broadcast %add3A_430 : i32 to vector<16xi32>
      %add3A_432 = arith.addi %iota3A_429, %add3A_431 : vector<16xi32>
      %gather3A_433 = tpu.vector_load_idx %arg14[%add3A_432, %broadcast_in_dim3A_428] : memref<64x128xf32, #tpu.memory_space<vmem>>[vector<16xi32>, vector<16xi32>], vector<16xf32>,
      %swap3A_434 = arith.index_cast %add3A_423 : i32 to index
      %swap3A_435 = arith.constant 0 : index
      %swap3A_436 = tpu.vector_load %arg10[%swap3A_434, %swap3A_435] {strides = array<i32>} : memref<256x64xf32, #tpu.memory_space<vmem>>, vector<16xf32>,
      tpu.vector_store %arg10[%swap3A_434, %swap3A_435], %gather3A_433 {strides = array<i32>} : memref<256x64xf32, #tpu.memory_space<vmem>>, vector<16xf32>,
      %iota3A_437 = tpu.iota {dimensions = array<i32: 0>} : vector<16xi32>
      %add3A_438 = arith.constant 16 : i32
      %add3A_439 = vector.broadcast %add3A_438 : i32 to vector<16xi32>
      %add3A_440 = arith.addi %iota3A_437, %add3A_439 : vector<16xi32>
      %gather3A_441 = tpu.vector_load_idx %arg14[%add3A_440, %broadcast_in_dim3A_428] : memref<64x128xf32, #tpu.memory_space<vmem>>[vector<16xi32>, vector<16xi32>], vector<16xf32>,
      %swap3A_442 = arith.index_cast %add3A_423 : i32 to index
      %swap3A_443 = arith.constant 16 : index
      %swap3A_444 = tpu.vector_load %arg10[%swap3A_442, %swap3A_443] {strides = array<i32>} : memref<256x64xf32, #tpu.memory_space<vmem>>, vector<16xf32>,
      tpu.vector_store %arg10[%swap3A_442, %swap3A_443], %gather3A_441 {strides = array<i32>} : memref<256x64xf32, #tpu.memory_space<vmem>>, vector<16xf32>,
      %iota3A_445 = tpu.iota {dimensions = array<i32: 0>} : vector<16xi32>
      %add3A_446 = arith.constant 32 : i32
      %add3A_447 = vector.broadcast %add3A_446 : i32 to vector<16xi32>
      %add3A_448 = arith.addi %iota3A_445, %add3A_447 : vector<16xi32>
      %gather3A_449 = tpu.vector_load_idx %arg14[%add3A_448, %broadcast_in_dim3A_428] : memref<64x128xf32, #tpu.memory_space<vmem>>[vector<16xi32>, vector<16xi32>], vector<16xf32>,
      %swap3A_450 = arith.index_cast %add3A_423 : i32 to index
      %swap3A_451 = arith.constant 32 : index
      %swap3A_452 = tpu.vector_load %arg10[%swap3A_450, %swap3A_451] {strides = array<i32>} : memref<256x64xf32, #tpu.memory_space<vmem>>, vector<16xf32>,
      tpu.vector_store %arg10[%swap3A_450, %swap3A_451], %gather3A_449 {strides = array<i32>} : memref<256x64xf32, #tpu.memory_space<vmem>>, vector<16xf32>,
      %iota3A_453 = tpu.iota {dimensions = array<i32: 0>} : vector<16xi32>
      %add3A_454 = arith.constant 48 : i32
      %add3A_455 = vector.broadcast %add3A_454 : i32 to vector<16xi32>
      %add3A_456 = arith.addi %iota3A_453, %add3A_455 : vector<16xi32>
      %gather3A_457 = tpu.vector_load_idx %arg14[%add3A_456, %broadcast_in_dim3A_428] : memref<64x128xf32, #tpu.memory_space<vmem>>[vector<16xi32>, vector<16xi32>], vector<16xf32>,
      %swap3A_458 = arith.index_cast %add3A_423 : i32 to index
      %swap3A_459 = arith.constant 48 : index
      %swap3A_460 = tpu.vector_load %arg10[%swap3A_458, %swap3A_459] {strides = array<i32>} : memref<256x64xf32, #tpu.memory_space<vmem>>, vector<16xf32>,
      tpu.vector_store %arg10[%swap3A_458, %swap3A_459], %gather3A_457 {strides = array<i32>} : memref<256x64xf32, #tpu.memory_space<vmem>>, vector<16xf32>,
      %slice3A_461 = vector.extract_strided_slice %get3A_190 {offsets = [9], sizes = [1], strides = [1]} : vector<16xi32> to vector<1xi32>
      %squeeze3A_462 = vector.extract %slice3A_461[0] : i32 from vector<1xi32>
      %shift_right_arithmetic3A_463 = arith.constant 7 : i32
      %shift_right_arithmetic3A_464 = arith.shrsi %squeeze3A_462, %shift_right_arithmetic3A_463 : i32
      %shift_left3A_465 = arith.constant 7 : i32
      %shift_left3A_466 = arith.shli %shift_right_arithmetic3A_464, %shift_left3A_465 : i32
      %multiple_of3A_467 = tpu.assume_multiple %shift_left3A_466, 128 : i32
      %dma_start3A_468 = arith.constant 0 : i32
      %dma_start3A_469 = tpu.memref_slice %arg4[%dma_start3A_468, %multiple_of3A_467] : memref<64x1000000xf32, #tpu.memory_space<hbm>> -> memref<64x128xf32, #tpu.memory_space<hbm>>
      %dma_start3A_470 = arith.constant 0 : i32
      %dma_start3A_471 = tpu.memref_slice %arg4[%dma_start3A_470, %multiple_of3A_467] : memref<64x1000000xf32, #tpu.memory_space<hbm>> -> memref<64x128xf32, #tpu.memory_space<hbm>>
      tpu.enqueue_dma source(%dma_start3A_471 : memref<64x128xf32, #tpu.memory_space<hbm>>) target(%arg14 : memref<64x128xf32, #tpu.memory_space<vmem>>) target_semaphore(%arg21 : memref<!tpu.dma_semaphore, #tpu.memory_space<semaphore_mem>>)
      %dma_wait3A_472 = arith.constant 0 : i32
      %dma_wait3A_473 = tpu.memref_slice %arg4[%dma_wait3A_472, %multiple_of3A_238] : memref<64x1000000xf32, #tpu.memory_space<hbm>> -> memref<64x128xf32, #tpu.memory_space<hbm>>
      %dma_wait3A_474 = arith.constant 0 : i32
      %dma_wait3A_475 = tpu.memref_slice %arg4[%dma_wait3A_474, %multiple_of3A_238] : memref<64x1000000xf32, #tpu.memory_space<hbm>> -> memref<64x128xf32, #tpu.memory_space<hbm>>
      tpu.wait_dma2 semaphore(%arg22 : memref<!tpu.dma_semaphore, #tpu.memory_space<semaphore_mem>>) src(%dma_wait3A_475 : memref<64x128xf32, #tpu.memory_space<hbm>>) dst(%arg15 : memref<64x128xf32, #tpu.memory_space<vmem>>)
      %mul3A_476 = arith.constant 16 : i32
      %mul3A_477 = arith.muli %scan3A_9, %mul3A_476 : i32
      %add3A_478 = arith.constant 4 : i32
      %add3A_479 = arith.addi %mul3A_477, %add3A_478 : i32
      %slice3A_480 = vector.extract_strided_slice %get3A_190 {offsets = [4], sizes = [1], strides = [1]} : vector<16xi32> to vector<1xi32>
      %squeeze3A_481 = vector.extract %slice3A_480[0] : i32 from vector<1xi32>
      %and3A_482 = arith.constant 127 : i32
      %and3A_483 = arith.andi %squeeze3A_481, %and3A_482 : i32
      %broadcast_in_dim3A_484 = vector.broadcast %and3A_483 : i32 to vector<16xi32>
      %iota3A_485 = tpu.iota {dimensions = array<i32: 0>} : vector<16xi32>
      %add3A_486 = arith.constant 0 : i32
      %add3A_487 = vector.broadcast %add3A_486 : i32 to vector<16xi32>
      %add3A_488 = arith.addi %iota3A_485, %add3A_487 : vector<16xi32>
      %gather3A_489 = tpu.vector_load_idx %arg15[%add3A_488, %broadcast_in_dim3A_484] : memref<64x128xf32, #tpu.memory_space<vmem>>[vector<16xi32>, vector<16xi32>], vector<16xf32>,
      %swap3A_490 = arith.index_cast %add3A_479 : i32 to index
      %swap3A_491 = arith.constant 0 : index
      %swap3A_492 = tpu.vector_load %arg10[%swap3A_490, %swap3A_491] {strides = array<i32>} : memref<256x64xf32, #tpu.memory_space<vmem>>, vector<16xf32>,
      tpu.vector_store %arg10[%swap3A_490, %swap3A_491], %gather3A_489 {strides = array<i32>} : memref<256x64xf32, #tpu.memory_space<vmem>>, vector<16xf32>,
      %iota3A_493 = tpu.iota {dimensions = array<i32: 0>} : vector<16xi32>
      %add3A_494 = arith.constant 16 : i32
      %add3A_495 = vector.broadcast %add3A_494 : i32 to vector<16xi32>
      %add3A_496 = arith.addi %iota3A_493, %add3A_495 : vector<16xi32>
      %gather3A_497 = tpu.vector_load_idx %arg15[%add3A_496, %broadcast_in_dim3A_484] : memref<64x128xf32, #tpu.memory_space<vmem>>[vector<16xi32>, vector<16xi32>], vector<16xf32>,
      %swap3A_498 = arith.index_cast %add3A_479 : i32 to index
      %swap3A_499 = arith.constant 16 : index
      %swap3A_500 = tpu.vector_load %arg10[%swap3A_498, %swap3A_499] {strides = array<i32>} : memref<256x64xf32, #tpu.memory_space<vmem>>, vector<16xf32>,
      tpu.vector_store %arg10[%swap3A_498, %swap3A_499], %gather3A_497 {strides = array<i32>} : memref<256x64xf32, #tpu.memory_space<vmem>>, vector<16xf32>,
      %iota3A_501 = tpu.iota {dimensions = array<i32: 0>} : vector<16xi32>
      %add3A_502 = arith.constant 32 : i32
      %add3A_503 = vector.broadcast %add3A_502 : i32 to vector<16xi32>
      %add3A_504 = arith.addi %iota3A_501, %add3A_503 : vector<16xi32>
      %gather3A_505 = tpu.vector_load_idx %arg15[%add3A_504, %broadcast_in_dim3A_484] : memref<64x128xf32, #tpu.memory_space<vmem>>[vector<16xi32>, vector<16xi32>], vector<16xf32>,
      %swap3A_506 = arith.index_cast %add3A_479 : i32 to index
      %swap3A_507 = arith.constant 32 : index
      %swap3A_508 = tpu.vector_load %arg10[%swap3A_506, %swap3A_507] {strides = array<i32>} : memref<256x64xf32, #tpu.memory_space<vmem>>, vector<16xf32>,
      tpu.vector_store %arg10[%swap3A_506, %swap3A_507], %gather3A_505 {strides = array<i32>} : memref<256x64xf32, #tpu.memory_space<vmem>>, vector<16xf32>,
      %iota3A_509 = tpu.iota {dimensions = array<i32: 0>} : vector<16xi32>
      %add3A_510 = arith.constant 48 : i32
      %add3A_511 = vector.broadcast %add3A_510 : i32 to vector<16xi32>
      %add3A_512 = arith.addi %iota3A_509, %add3A_511 : vector<16xi32>
      %gather3A_513 = tpu.vector_load_idx %arg15[%add3A_512, %broadcast_in_dim3A_484] : memref<64x128xf32, #tpu.memory_space<vmem>>[vector<16xi32>, vector<16xi32>], vector<16xf32>,
      %swap3A_514 = arith.index_cast %add3A_479 : i32 to index
      %swap3A_515 = arith.constant 48 : index
      %swap3A_516 = tpu.vector_load %arg10[%swap3A_514, %swap3A_515] {strides = array<i32>} : memref<256x64xf32, #tpu.memory_space<vmem>>, vector<16xf32>,
      tpu.vector_store %arg10[%swap3A_514, %swap3A_515], %gather3A_513 {strides = array<i32>} : memref<256x64xf32, #tpu.memory_space<vmem>>, vector<16xf32>,
      %slice3A_517 = vector.extract_strided_slice %get3A_190 {offsets = [10], sizes = [1], strides = [1]} : vector<16xi32> to vector<1xi32>
      %squeeze3A_518 = vector.extract %slice3A_517[0] : i32 from vector<1xi32>
      %shift_right_arithmetic3A_519 = arith.constant 7 : i32
      %shift_right_arithmetic3A_520 = arith.shrsi %squeeze3A_518, %shift_right_arithmetic3A_519 : i32
      %shift_left3A_521 = arith.constant 7 : i32
      %shift_left3A_522 = arith.shli %shift_right_arithmetic3A_520, %shift_left3A_521 : i32
      %multiple_of3A_523 = tpu.assume_multiple %shift_left3A_522, 128 : i32
      %dma_start3A_524 = arith.constant 0 : i32
      %dma_start3A_525 = tpu.memref_slice %arg4[%dma_start3A_524, %multiple_of3A_523] : memref<64x1000000xf32, #tpu.memory_space<hbm>> -> memref<64x128xf32, #tpu.memory_space<hbm>>
      %dma_start3A_526 = arith.constant 0 : i32
      %dma_start3A_527 = tpu.memref_slice %arg4[%dma_start3A_526, %multiple_of3A_523] : memref<64x1000000xf32, #tpu.memory_space<hbm>> -> memref<64x128xf32, #tpu.memory_space<hbm>>
      tpu.enqueue_dma source(%dma_start3A_527 : memref<64x128xf32, #tpu.memory_space<hbm>>) target(%arg15 : memref<64x128xf32, #tpu.memory_space<vmem>>) target_semaphore(%arg22 : memref<!tpu.dma_semaphore, #tpu.memory_space<semaphore_mem>>)
      %dma_wait3A_528 = arith.constant 0 : i32
      %dma_wait3A_529 = tpu.memref_slice %arg4[%dma_wait3A_528, %multiple_of3A_249] : memref<64x1000000xf32, #tpu.memory_space<hbm>> -> memref<64x128xf32, #tpu.memory_space<hbm>>
      %dma_wait3A_530 = arith.constant 0 : i32
      %dma_wait3A_531 = tpu.memref_slice %arg4[%dma_wait3A_530, %multiple_of3A_249] : memref<64x1000000xf32, #tpu.memory_space<hbm>> -> memref<64x128xf32, #tpu.memory_space<hbm>>
      tpu.wait_dma2 semaphore(%arg23 : memref<!tpu.dma_semaphore, #tpu.memory_space<semaphore_mem>>) src(%dma_wait3A_531 : memref<64x128xf32, #tpu.memory_space<hbm>>) dst(%arg16 : memref<64x128xf32, #tpu.memory_space<vmem>>)
      %mul3A_532 = arith.constant 16 : i32
      %mul3A_533 = arith.muli %scan3A_9, %mul3A_532 : i32
      %add3A_534 = arith.constant 5 : i32
      %add3A_535 = arith.addi %mul3A_533, %add3A_534 : i32
      %slice3A_536 = vector.extract_strided_slice %get3A_190 {offsets = [5], sizes = [1], strides = [1]} : vector<16xi32> to vector<1xi32>
      %squeeze3A_537 = vector.extract %slice3A_536[0] : i32 from vector<1xi32>
      %and3A_538 = arith.constant 127 : i32
      %and3A_539 = arith.andi %squeeze3A_537, %and3A_538 : i32
      %broadcast_in_dim3A_540 = vector.broadcast %and3A_539 : i32 to vector<16xi32>
      %iota3A_541 = tpu.iota {dimensions = array<i32: 0>} : vector<16xi32>
      %add3A_542 = arith.constant 0 : i32
      %add3A_543 = vector.broadcast %add3A_542 : i32 to vector<16xi32>
      %add3A_544 = arith.addi %iota3A_541, %add3A_543 : vector<16xi32>
      %gather3A_545 = tpu.vector_load_idx %arg16[%add3A_544, %broadcast_in_dim3A_540] : memref<64x128xf32, #tpu.memory_space<vmem>>[vector<16xi32>, vector<16xi32>], vector<16xf32>,
      %swap3A_546 = arith.index_cast %add3A_535 : i32 to index
      %swap3A_547 = arith.constant 0 : index
      %swap3A_548 = tpu.vector_load %arg10[%swap3A_546, %swap3A_547] {strides = array<i32>} : memref<256x64xf32, #tpu.memory_space<vmem>>, vector<16xf32>,
      tpu.vector_store %arg10[%swap3A_546, %swap3A_547], %gather3A_545 {strides = array<i32>} : memref<256x64xf32, #tpu.memory_space<vmem>>, vector<16xf32>,
      %iota3A_549 = tpu.iota {dimensions = array<i32: 0>} : vector<16xi32>
      %add3A_550 = arith.constant 16 : i32
      %add3A_551 = vector.broadcast %add3A_550 : i32 to vector<16xi32>
      %add3A_552 = arith.addi %iota3A_549, %add3A_551 : vector<16xi32>
      %gather3A_553 = tpu.vector_load_idx %arg16[%add3A_552, %broadcast_in_dim3A_540] : memref<64x128xf32, #tpu.memory_space<vmem>>[vector<16xi32>, vector<16xi32>], vector<16xf32>,
      %swap3A_554 = arith.index_cast %add3A_535 : i32 to index
      %swap3A_555 = arith.constant 16 : index
      %swap3A_556 = tpu.vector_load %arg10[%swap3A_554, %swap3A_555] {strides = array<i32>} : memref<256x64xf32, #tpu.memory_space<vmem>>, vector<16xf32>,
      tpu.vector_store %arg10[%swap3A_554, %swap3A_555], %gather3A_553 {strides = array<i32>} : memref<256x64xf32, #tpu.memory_space<vmem>>, vector<16xf32>,
      %iota3A_557 = tpu.iota {dimensions = array<i32: 0>} : vector<16xi32>
      %add3A_558 = arith.constant 32 : i32
      %add3A_559 = vector.broadcast %add3A_558 : i32 to vector<16xi32>
      %add3A_560 = arith.addi %iota3A_557, %add3A_559 : vector<16xi32>
      %gather3A_561 = tpu.vector_load_idx %arg16[%add3A_560, %broadcast_in_dim3A_540] : memref<64x128xf32, #tpu.memory_space<vmem>>[vector<16xi32>, vector<16xi32>], vector<16xf32>,
      %swap3A_562 = arith.index_cast %add3A_535 : i32 to index
      %swap3A_563 = arith.constant 32 : index
      %swap3A_564 = tpu.vector_load %arg10[%swap3A_562, %swap3A_563] {strides = array<i32>} : memref<256x64xf32, #tpu.memory_space<vmem>>, vector<16xf32>,
      tpu.vector_store %arg10[%swap3A_562, %swap3A_563], %gather3A_561 {strides = array<i32>} : memref<256x64xf32, #tpu.memory_space<vmem>>, vector<16xf32>,
      %iota3A_565 = tpu.iota {dimensions = array<i32: 0>} : vector<16xi32>
      %add3A_566 = arith.constant 48 : i32
      %add3A_567 = vector.broadcast %add3A_566 : i32 to vector<16xi32>
      %add3A_568 = arith.addi %iota3A_565, %add3A_567 : vector<16xi32>
      %gather3A_569 = tpu.vector_load_idx %arg16[%add3A_568, %broadcast_in_dim3A_540] : memref<64x128xf32, #tpu.memory_space<vmem>>[vector<16xi32>, vector<16xi32>], vector<16xf32>,
      %swap3A_570 = arith.index_cast %add3A_535 : i32 to index
      %swap3A_571 = arith.constant 48 : index
      %swap3A_572 = tpu.vector_load %arg10[%swap3A_570, %swap3A_571] {strides = array<i32>} : memref<256x64xf32, #tpu.memory_space<vmem>>, vector<16xf32>,
      tpu.vector_store %arg10[%swap3A_570, %swap3A_571], %gather3A_569 {strides = array<i32>} : memref<256x64xf32, #tpu.memory_space<vmem>>, vector<16xf32>,
      %slice3A_573 = vector.extract_strided_slice %get3A_190 {offsets = [11], sizes = [1], strides = [1]} : vector<16xi32> to vector<1xi32>
      %squeeze3A_574 = vector.extract %slice3A_573[0] : i32 from vector<1xi32>
      %shift_right_arithmetic3A_575 = arith.constant 7 : i32
      %shift_right_arithmetic3A_576 = arith.shrsi %squeeze3A_574, %shift_right_arithmetic3A_575 : i32
      %shift_left3A_577 = arith.constant 7 : i32
      %shift_left3A_578 = arith.shli %shift_right_arithmetic3A_576, %shift_left3A_577 : i32
      %multiple_of3A_579 = tpu.assume_multiple %shift_left3A_578, 128 : i32
      %dma_start3A_580 = arith.constant 0 : i32
      %dma_start3A_581 = tpu.memref_slice %arg4[%dma_start3A_580, %multiple_of3A_579] : memref<64x1000000xf32, #tpu.memory_space<hbm>> -> memref<64x128xf32, #tpu.memory_space<hbm>>
      %dma_start3A_582 = arith.constant 0 : i32
      %dma_start3A_583 = tpu.memref_slice %arg4[%dma_start3A_582, %multiple_of3A_579] : memref<64x1000000xf32, #tpu.memory_space<hbm>> -> memref<64x128xf32, #tpu.memory_space<hbm>>
      tpu.enqueue_dma source(%dma_start3A_583 : memref<64x128xf32, #tpu.memory_space<hbm>>) target(%arg16 : memref<64x128xf32, #tpu.memory_space<vmem>>) target_semaphore(%arg23 : memref<!tpu.dma_semaphore, #tpu.memory_space<semaphore_mem>>)
      %dma_wait3A_584 = arith.constant 0 : i32
      %dma_wait3A_585 = tpu.memref_slice %arg4[%dma_wait3A_584, %multiple_of3A_299] : memref<64x1000000xf32, #tpu.memory_space<hbm>> -> memref<64x128xf32, #tpu.memory_space<hbm>>
      %dma_wait3A_586 = arith.constant 0 : i32
      %dma_wait3A_587 = tpu.memref_slice %arg4[%dma_wait3A_586, %multiple_of3A_299] : memref<64x1000000xf32, #tpu.memory_space<hbm>> -> memref<64x128xf32, #tpu.memory_space<hbm>>
      tpu.wait_dma2 semaphore(%arg18 : memref<!tpu.dma_semaphore, #tpu.memory_space<semaphore_mem>>) src(%dma_wait3A_587 : memref<64x128xf32, #tpu.memory_space<hbm>>) dst(%arg11 : memref<64x128xf32, #tpu.memory_space<vmem>>)
      %mul3A_588 = arith.constant 16 : i32
      %mul3A_589 = arith.muli %scan3A_9, %mul3A_588 : i32
      %add3A_590 = arith.constant 6 : i32
      %add3A_591 = arith.addi %mul3A_589, %add3A_590 : i32
      %slice3A_592 = vector.extract_strided_slice %get3A_190 {offsets = [6], sizes = [1], strides = [1]} : vector<16xi32> to vector<1xi32>
      %squeeze3A_593 = vector.extract %slice3A_592[0] : i32 from vector<1xi32>
      %and3A_594 = arith.constant 127 : i32
      %and3A_595 = arith.andi %squeeze3A_593, %and3A_594 : i32
      %broadcast_in_dim3A_596 = vector.broadcast %and3A_595 : i32 to vector<16xi32>
      %iota3A_597 = tpu.iota {dimensions = array<i32: 0>} : vector<16xi32>
      %add3A_598 = arith.constant 0 : i32
      %add3A_599 = vector.broadcast %add3A_598 : i32 to vector<16xi32>
      %add3A_600 = arith.addi %iota3A_597, %add3A_599 : vector<16xi32>
      %gather3A_601 = tpu.vector_load_idx %arg11[%add3A_600, %broadcast_in_dim3A_596] : memref<64x128xf32, #tpu.memory_space<vmem>>[vector<16xi32>, vector<16xi32>], vector<16xf32>,
      %swap3A_602 = arith.index_cast %add3A_591 : i32 to index
      %swap3A_603 = arith.constant 0 : index
      %swap3A_604 = tpu.vector_load %arg10[%swap3A_602, %swap3A_603] {strides = array<i32>} : memref<256x64xf32, #tpu.memory_space<vmem>>, vector<16xf32>,
      tpu.vector_store %arg10[%swap3A_602, %swap3A_603], %gather3A_601 {strides = array<i32>} : memref<256x64xf32, #tpu.memory_space<vmem>>, vector<16xf32>,
      %iota3A_605 = tpu.iota {dimensions = array<i32: 0>} : vector<16xi32>
      %add3A_606 = arith.constant 16 : i32
      %add3A_607 = vector.broadcast %add3A_606 : i32 to vector<16xi32>
      %add3A_608 = arith.addi %iota3A_605, %add3A_607 : vector<16xi32>
      %gather3A_609 = tpu.vector_load_idx %arg11[%add3A_608, %broadcast_in_dim3A_596] : memref<64x128xf32, #tpu.memory_space<vmem>>[vector<16xi32>, vector<16xi32>], vector<16xf32>,
      %swap3A_610 = arith.index_cast %add3A_591 : i32 to index
      %swap3A_611 = arith.constant 16 : index
      %swap3A_612 = tpu.vector_load %arg10[%swap3A_610, %swap3A_611] {strides = array<i32>} : memref<256x64xf32, #tpu.memory_space<vmem>>, vector<16xf32>,
      tpu.vector_store %arg10[%swap3A_610, %swap3A_611], %gather3A_609 {strides = array<i32>} : memref<256x64xf32, #tpu.memory_space<vmem>>, vector<16xf32>,
      %iota3A_613 = tpu.iota {dimensions = array<i32: 0>} : vector<16xi32>
      %add3A_614 = arith.constant 32 : i32
      %add3A_615 = vector.broadcast %add3A_614 : i32 to vector<16xi32>
      %add3A_616 = arith.addi %iota3A_613, %add3A_615 : vector<16xi32>
      %gather3A_617 = tpu.vector_load_idx %arg11[%add3A_616, %broadcast_in_dim3A_596] : memref<64x128xf32, #tpu.memory_space<vmem>>[vector<16xi32>, vector<16xi32>], vector<16xf32>,
      %swap3A_618 = arith.index_cast %add3A_591 : i32 to index
      %swap3A_619 = arith.constant 32 : index
      %swap3A_620 = tpu.vector_load %arg10[%swap3A_618, %swap3A_619] {strides = array<i32>} : memref<256x64xf32, #tpu.memory_space<vmem>>, vector<16xf32>,
      tpu.vector_store %arg10[%swap3A_618, %swap3A_619], %gather3A_617 {strides = array<i32>} : memref<256x64xf32, #tpu.memory_space<vmem>>, vector<16xf32>,
      %iota3A_621 = tpu.iota {dimensions = array<i32: 0>} : vector<16xi32>
      %add3A_622 = arith.constant 48 : i32
      %add3A_623 = vector.broadcast %add3A_622 : i32 to vector<16xi32>
      %add3A_624 = arith.addi %iota3A_621, %add3A_623 : vector<16xi32>
      %gather3A_625 = tpu.vector_load_idx %arg11[%add3A_624, %broadcast_in_dim3A_596] : memref<64x128xf32, #tpu.memory_space<vmem>>[vector<16xi32>, vector<16xi32>], vector<16xf32>,
      %swap3A_626 = arith.index_cast %add3A_591 : i32 to index
      %swap3A_627 = arith.constant 48 : index
      %swap3A_628 = tpu.vector_load %arg10[%swap3A_626, %swap3A_627] {strides = array<i32>} : memref<256x64xf32, #tpu.memory_space<vmem>>, vector<16xf32>,
      tpu.vector_store %arg10[%swap3A_626, %swap3A_627], %gather3A_625 {strides = array<i32>} : memref<256x64xf32, #tpu.memory_space<vmem>>, vector<16xf32>,
      %slice3A_629 = vector.extract_strided_slice %get3A_190 {offsets = [12], sizes = [1], strides = [1]} : vector<16xi32> to vector<1xi32>
      %squeeze3A_630 = vector.extract %slice3A_629[0] : i32 from vector<1xi32>
      %shift_right_arithmetic3A_631 = arith.constant 7 : i32
      %shift_right_arithmetic3A_632 = arith.shrsi %squeeze3A_630, %shift_right_arithmetic3A_631 : i32
      %shift_left3A_633 = arith.constant 7 : i32
      %shift_left3A_634 = arith.shli %shift_right_arithmetic3A_632, %shift_left3A_633 : i32
      %multiple_of3A_635 = tpu.assume_multiple %shift_left3A_634, 128 : i32
      %dma_start3A_636 = arith.constant 0 : i32
      %dma_start3A_637 = tpu.memref_slice %arg4[%dma_start3A_636, %multiple_of3A_635] : memref<64x1000000xf32, #tpu.memory_space<hbm>> -> memref<64x128xf32, #tpu.memory_space<hbm>>
      %dma_start3A_638 = arith.constant 0 : i32
      %dma_start3A_639 = tpu.memref_slice %arg4[%dma_start3A_638, %multiple_of3A_635] : memref<64x1000000xf32, #tpu.memory_space<hbm>> -> memref<64x128xf32, #tpu.memory_space<hbm>>
      tpu.enqueue_dma source(%dma_start3A_639 : memref<64x128xf32, #tpu.memory_space<hbm>>) target(%arg11 : memref<64x128xf32, #tpu.memory_space<vmem>>) target_semaphore(%arg18 : memref<!tpu.dma_semaphore, #tpu.memory_space<semaphore_mem>>)
      %dma_wait3A_640 = arith.constant 0 : i32
      %dma_wait3A_641 = tpu.memref_slice %arg4[%dma_wait3A_640, %multiple_of3A_355] : memref<64x1000000xf32, #tpu.memory_space<hbm>> -> memref<64x128xf32, #tpu.memory_space<hbm>>
      %dma_wait3A_642 = arith.constant 0 : i32
      %dma_wait3A_643 = tpu.memref_slice %arg4[%dma_wait3A_642, %multiple_of3A_355] : memref<64x1000000xf32, #tpu.memory_space<hbm>> -> memref<64x128xf32, #tpu.memory_space<hbm>>
      tpu.wait_dma2 semaphore(%arg19 : memref<!tpu.dma_semaphore, #tpu.memory_space<semaphore_mem>>) src(%dma_wait3A_643 : memref<64x128xf32, #tpu.memory_space<hbm>>) dst(%arg12 : memref<64x128xf32, #tpu.memory_space<vmem>>)
      %mul3A_644 = arith.constant 16 : i32
      %mul3A_645 = arith.muli %scan3A_9, %mul3A_644 : i32
      %add3A_646 = arith.constant 7 : i32
      %add3A_647 = arith.addi %mul3A_645, %add3A_646 : i32
      %slice3A_648 = vector.extract_strided_slice %get3A_190 {offsets = [7], sizes = [1], strides = [1]} : vector<16xi32> to vector<1xi32>
      %squeeze3A_649 = vector.extract %slice3A_648[0] : i32 from vector<1xi32>
      %and3A_650 = arith.constant 127 : i32
      %and3A_651 = arith.andi %squeeze3A_649, %and3A_650 : i32
      %broadcast_in_dim3A_652 = vector.broadcast %and3A_651 : i32 to vector<16xi32>
      %iota3A_653 = tpu.iota {dimensions = array<i32: 0>} : vector<16xi32>
      %add3A_654 = arith.constant 0 : i32
      %add3A_655 = vector.broadcast %add3A_654 : i32 to vector<16xi32>
      %add3A_656 = arith.addi %iota3A_653, %add3A_655 : vector<16xi32>
      %gather3A_657 = tpu.vector_load_idx %arg12[%add3A_656, %broadcast_in_dim3A_652] : memref<64x128xf32, #tpu.memory_space<vmem>>[vector<16xi32>, vector<16xi32>], vector<16xf32>,
      %swap3A_658 = arith.index_cast %add3A_647 : i32 to index
      %swap3A_659 = arith.constant 0 : index
      %swap3A_660 = tpu.vector_load %arg10[%swap3A_658, %swap3A_659] {strides = array<i32>} : memref<256x64xf32, #tpu.memory_space<vmem>>, vector<16xf32>,
      tpu.vector_store %arg10[%swap3A_658, %swap3A_659], %gather3A_657 {strides = array<i32>} : memref<256x64xf32, #tpu.memory_space<vmem>>, vector<16xf32>,
      %iota3A_661 = tpu.iota {dimensions = array<i32: 0>} : vector<16xi32>
      %add3A_662 = arith.constant 16 : i32
      %add3A_663 = vector.broadcast %add3A_662 : i32 to vector<16xi32>
      %add3A_664 = arith.addi %iota3A_661, %add3A_663 : vector<16xi32>
      %gather3A_665 = tpu.vector_load_idx %arg12[%add3A_664, %broadcast_in_dim3A_652] : memref<64x128xf32, #tpu.memory_space<vmem>>[vector<16xi32>, vector<16xi32>], vector<16xf32>,
      %swap3A_666 = arith.index_cast %add3A_647 : i32 to index
      %swap3A_667 = arith.constant 16 : index
      %swap3A_668 = tpu.vector_load %arg10[%swap3A_666, %swap3A_667] {strides = array<i32>} : memref<256x64xf32, #tpu.memory_space<vmem>>, vector<16xf32>,
      tpu.vector_store %arg10[%swap3A_666, %swap3A_667], %gather3A_665 {strides = array<i32>} : memref<256x64xf32, #tpu.memory_space<vmem>>, vector<16xf32>,
      %iota3A_669 = tpu.iota {dimensions = array<i32: 0>} : vector<16xi32>
      %add3A_670 = arith.constant 32 : i32
      %add3A_671 = vector.broadcast %add3A_670 : i32 to vector<16xi32>
      %add3A_672 = arith.addi %iota3A_669, %add3A_671 : vector<16xi32>
      %gather3A_673 = tpu.vector_load_idx %arg12[%add3A_672, %broadcast_in_dim3A_652] : memref<64x128xf32, #tpu.memory_space<vmem>>[vector<16xi32>, vector<16xi32>], vector<16xf32>,
      %swap3A_674 = arith.index_cast %add3A_647 : i32 to index
      %swap3A_675 = arith.constant 32 : index
      %swap3A_676 = tpu.vector_load %arg10[%swap3A_674, %swap3A_675] {strides = array<i32>} : memref<256x64xf32, #tpu.memory_space<vmem>>, vector<16xf32>,
      tpu.vector_store %arg10[%swap3A_674, %swap3A_675], %gather3A_673 {strides = array<i32>} : memref<256x64xf32, #tpu.memory_space<vmem>>, vector<16xf32>,
      %iota3A_677 = tpu.iota {dimensions = array<i32: 0>} : vector<16xi32>
      %add3A_678 = arith.constant 48 : i32
      %add3A_679 = vector.broadcast %add3A_678 : i32 to vector<16xi32>
      %add3A_680 = arith.addi %iota3A_677, %add3A_679 : vector<16xi32>
      %gather3A_681 = tpu.vector_load_idx %arg12[%add3A_680, %broadcast_in_dim3A_652] : memref<64x128xf32, #tpu.memory_space<vmem>>[vector<16xi32>, vector<16xi32>], vector<16xf32>,
      %swap3A_682 = arith.index_cast %add3A_647 : i32 to index
      %swap3A_683 = arith.constant 48 : index
      %swap3A_684 = tpu.vector_load %arg10[%swap3A_682, %swap3A_683] {strides = array<i32>} : memref<256x64xf32, #tpu.memory_space<vmem>>, vector<16xf32>,
      tpu.vector_store %arg10[%swap3A_682, %swap3A_683], %gather3A_681 {strides = array<i32>} : memref<256x64xf32, #tpu.memory_space<vmem>>, vector<16xf32>,
      %slice3A_685 = vector.extract_strided_slice %get3A_190 {offsets = [13], sizes = [1], strides = [1]} : vector<16xi32> to vector<1xi32>
      %squeeze3A_686 = vector.extract %slice3A_685[0] : i32 from vector<1xi32>
      %shift_right_arithmetic3A_687 = arith.constant 7 : i32
      %shift_right_arithmetic3A_688 = arith.shrsi %squeeze3A_686, %shift_right_arithmetic3A_687 : i32
      %shift_left3A_689 = arith.constant 7 : i32
      %shift_left3A_690 = arith.shli %shift_right_arithmetic3A_688, %shift_left3A_689 : i32
      %multiple_of3A_691 = tpu.assume_multiple %shift_left3A_690, 128 : i32
      %dma_start3A_692 = arith.constant 0 : i32
      %dma_start3A_693 = tpu.memref_slice %arg4[%dma_start3A_692, %multiple_of3A_691] : memref<64x1000000xf32, #tpu.memory_space<hbm>> -> memref<64x128xf32, #tpu.memory_space<hbm>>
      %dma_start3A_694 = arith.constant 0 : i32
      %dma_start3A_695 = tpu.memref_slice %arg4[%dma_start3A_694, %multiple_of3A_691] : memref<64x1000000xf32, #tpu.memory_space<hbm>> -> memref<64x128xf32, #tpu.memory_space<hbm>>
      tpu.enqueue_dma source(%dma_start3A_695 : memref<64x128xf32, #tpu.memory_space<hbm>>) target(%arg12 : memref<64x128xf32, #tpu.memory_space<vmem>>) target_semaphore(%arg19 : memref<!tpu.dma_semaphore, #tpu.memory_space<semaphore_mem>>)
      %dma_wait3A_696 = arith.constant 0 : i32
      %dma_wait3A_697 = tpu.memref_slice %arg4[%dma_wait3A_696, %multiple_of3A_411] : memref<64x1000000xf32, #tpu.memory_space<hbm>> -> memref<64x128xf32, #tpu.memory_space<hbm>>
      %dma_wait3A_698 = arith.constant 0 : i32
      %dma_wait3A_699 = tpu.memref_slice %arg4[%dma_wait3A_698, %multiple_of3A_411] : memref<64x1000000xf32, #tpu.memory_space<hbm>> -> memref<64x128xf32, #tpu.memory_space<hbm>>
      tpu.wait_dma2 semaphore(%arg20 : memref<!tpu.dma_semaphore, #tpu.memory_space<semaphore_mem>>) src(%dma_wait3A_699 : memref<64x128xf32, #tpu.memory_space<hbm>>) dst(%arg13 : memref<64x128xf32, #tpu.memory_space<vmem>>)
      %mul3A_700 = arith.constant 16 : i32
      %mul3A_701 = arith.muli %scan3A_9, %mul3A_700 : i32
      %add3A_702 = arith.constant 8 : i32
      %add3A_703 = arith.addi %mul3A_701, %add3A_702 : i32
      %slice3A_704 = vector.extract_strided_slice %get3A_190 {offsets = [8], sizes = [1], strides = [1]} : vector<16xi32> to vector<1xi32>
      %squeeze3A_705 = vector.extract %slice3A_704[0] : i32 from vector<1xi32>
      %and3A_706 = arith.constant 127 : i32
      %and3A_707 = arith.andi %squeeze3A_705, %and3A_706 : i32
      %broadcast_in_dim3A_708 = vector.broadcast %and3A_707 : i32 to vector<16xi32>
      %iota3A_709 = tpu.iota {dimensions = array<i32: 0>} : vector<16xi32>
      %add3A_710 = arith.constant 0 : i32
      %add3A_711 = vector.broadcast %add3A_710 : i32 to vector<16xi32>
      %add3A_712 = arith.addi %iota3A_709, %add3A_711 : vector<16xi32>
      %gather3A_713 = tpu.vector_load_idx %arg13[%add3A_712, %broadcast_in_dim3A_708] : memref<64x128xf32, #tpu.memory_space<vmem>>[vector<16xi32>, vector<16xi32>], vector<16xf32>,
      %swap3A_714 = arith.index_cast %add3A_703 : i32 to index
      %swap3A_715 = arith.constant 0 : index
      %swap3A_716 = tpu.vector_load %arg10[%swap3A_714, %swap3A_715] {strides = array<i32>} : memref<256x64xf32, #tpu.memory_space<vmem>>, vector<16xf32>,
      tpu.vector_store %arg10[%swap3A_714, %swap3A_715], %gather3A_713 {strides = array<i32>} : memref<256x64xf32, #tpu.memory_space<vmem>>, vector<16xf32>,
      %iota3A_717 = tpu.iota {dimensions = array<i32: 0>} : vector<16xi32>
      %add3A_718 = arith.constant 16 : i32
      %add3A_719 = vector.broadcast %add3A_718 : i32 to vector<16xi32>
      %add3A_720 = arith.addi %iota3A_717, %add3A_719 : vector<16xi32>
      %gather3A_721 = tpu.vector_load_idx %arg13[%add3A_720, %broadcast_in_dim3A_708] : memref<64x128xf32, #tpu.memory_space<vmem>>[vector<16xi32>, vector<16xi32>], vector<16xf32>,
      %swap3A_722 = arith.index_cast %add3A_703 : i32 to index
      %swap3A_723 = arith.constant 16 : index
      %swap3A_724 = tpu.vector_load %arg10[%swap3A_722, %swap3A_723] {strides = array<i32>} : memref<256x64xf32, #tpu.memory_space<vmem>>, vector<16xf32>,
      tpu.vector_store %arg10[%swap3A_722, %swap3A_723], %gather3A_721 {strides = array<i32>} : memref<256x64xf32, #tpu.memory_space<vmem>>, vector<16xf32>,
      %iota3A_725 = tpu.iota {dimensions = array<i32: 0>} : vector<16xi32>
      %add3A_726 = arith.constant 32 : i32
      %add3A_727 = vector.broadcast %add3A_726 : i32 to vector<16xi32>
      %add3A_728 = arith.addi %iota3A_725, %add3A_727 : vector<16xi32>
      %gather3A_729 = tpu.vector_load_idx %arg13[%add3A_728, %broadcast_in_dim3A_708] : memref<64x128xf32, #tpu.memory_space<vmem>>[vector<16xi32>, vector<16xi32>], vector<16xf32>,
      %swap3A_730 = arith.index_cast %add3A_703 : i32 to index
      %swap3A_731 = arith.constant 32 : index
      %swap3A_732 = tpu.vector_load %arg10[%swap3A_730, %swap3A_731] {strides = array<i32>} : memref<256x64xf32, #tpu.memory_space<vmem>>, vector<16xf32>,
      tpu.vector_store %arg10[%swap3A_730, %swap3A_731], %gather3A_729 {strides = array<i32>} : memref<256x64xf32, #tpu.memory_space<vmem>>, vector<16xf32>,
      %iota3A_733 = tpu.iota {dimensions = array<i32: 0>} : vector<16xi32>
      %add3A_734 = arith.constant 48 : i32
      %add3A_735 = vector.broadcast %add3A_734 : i32 to vector<16xi32>
      %add3A_736 = arith.addi %iota3A_733, %add3A_735 : vector<16xi32>
      %gather3A_737 = tpu.vector_load_idx %arg13[%add3A_736, %broadcast_in_dim3A_708] : memref<64x128xf32, #tpu.memory_space<vmem>>[vector<16xi32>, vector<16xi32>], vector<16xf32>,
      %swap3A_738 = arith.index_cast %add3A_703 : i32 to index
      %swap3A_739 = arith.constant 48 : index
      %swap3A_740 = tpu.vector_load %arg10[%swap3A_738, %swap3A_739] {strides = array<i32>} : memref<256x64xf32, #tpu.memory_space<vmem>>, vector<16xf32>,
      tpu.vector_store %arg10[%swap3A_738, %swap3A_739], %gather3A_737 {strides = array<i32>} : memref<256x64xf32, #tpu.memory_space<vmem>>, vector<16xf32>,
      %slice3A_741 = vector.extract_strided_slice %get3A_190 {offsets = [14], sizes = [1], strides = [1]} : vector<16xi32> to vector<1xi32>
      %squeeze3A_742 = vector.extract %slice3A_741[0] : i32 from vector<1xi32>
      %shift_right_arithmetic3A_743 = arith.constant 7 : i32
      %shift_right_arithmetic3A_744 = arith.shrsi %squeeze3A_742, %shift_right_arithmetic3A_743 : i32
      %shift_left3A_745 = arith.constant 7 : i32
      %shift_left3A_746 = arith.shli %shift_right_arithmetic3A_744, %shift_left3A_745 : i32
      %multiple_of3A_747 = tpu.assume_multiple %shift_left3A_746, 128 : i32
      %dma_start3A_748 = arith.constant 0 : i32
      %dma_start3A_749 = tpu.memref_slice %arg4[%dma_start3A_748, %multiple_of3A_747] : memref<64x1000000xf32, #tpu.memory_space<hbm>> -> memref<64x128xf32, #tpu.memory_space<hbm>>
      %dma_start3A_750 = arith.constant 0 : i32
      %dma_start3A_751 = tpu.memref_slice %arg4[%dma_start3A_750, %multiple_of3A_747] : memref<64x1000000xf32, #tpu.memory_space<hbm>> -> memref<64x128xf32, #tpu.memory_space<hbm>>
      tpu.enqueue_dma source(%dma_start3A_751 : memref<64x128xf32, #tpu.memory_space<hbm>>) target(%arg13 : memref<64x128xf32, #tpu.memory_space<vmem>>) target_semaphore(%arg20 : memref<!tpu.dma_semaphore, #tpu.memory_space<semaphore_mem>>)
      %dma_wait3A_752 = arith.constant 0 : i32
      %dma_wait3A_753 = tpu.memref_slice %arg4[%dma_wait3A_752, %multiple_of3A_467] : memref<64x1000000xf32, #tpu.memory_space<hbm>> -> memref<64x128xf32, #tpu.memory_space<hbm>>
      %dma_wait3A_754 = arith.constant 0 : i32
      %dma_wait3A_755 = tpu.memref_slice %arg4[%dma_wait3A_754, %multiple_of3A_467] : memref<64x1000000xf32, #tpu.memory_space<hbm>> -> memref<64x128xf32, #tpu.memory_space<hbm>>
      tpu.wait_dma2 semaphore(%arg21 : memref<!tpu.dma_semaphore, #tpu.memory_space<semaphore_mem>>) src(%dma_wait3A_755 : memref<64x128xf32, #tpu.memory_space<hbm>>) dst(%arg14 : memref<64x128xf32, #tpu.memory_space<vmem>>)
      %mul3A_756 = arith.constant 16 : i32
      %mul3A_757 = arith.muli %scan3A_9, %mul3A_756 : i32
      %add3A_758 = arith.constant 9 : i32
      %add3A_759 = arith.addi %mul3A_757, %add3A_758 : i32
      %slice3A_760 = vector.extract_strided_slice %get3A_190 {offsets = [9], sizes = [1], strides = [1]} : vector<16xi32> to vector<1xi32>
      %squeeze3A_761 = vector.extract %slice3A_760[0] : i32 from vector<1xi32>
      %and3A_762 = arith.constant 127 : i32
      %and3A_763 = arith.andi %squeeze3A_761, %and3A_762 : i32
      %broadcast_in_dim3A_764 = vector.broadcast %and3A_763 : i32 to vector<16xi32>
      %iota3A_765 = tpu.iota {dimensions = array<i32: 0>} : vector<16xi32>
      %add3A_766 = arith.constant 0 : i32
      %add3A_767 = vector.broadcast %add3A_766 : i32 to vector<16xi32>
      %add3A_768 = arith.addi %iota3A_765, %add3A_767 : vector<16xi32>
      %gather3A_769 = tpu.vector_load_idx %arg14[%add3A_768, %broadcast_in_dim3A_764] : memref<64x128xf32, #tpu.memory_space<vmem>>[vector<16xi32>, vector<16xi32>], vector<16xf32>,
      %swap3A_770 = arith.index_cast %add3A_759 : i32 to index
      %swap3A_771 = arith.constant 0 : index
      %swap3A_772 = tpu.vector_load %arg10[%swap3A_770, %swap3A_771] {strides = array<i32>} : memref<256x64xf32, #tpu.memory_space<vmem>>, vector<16xf32>,
      tpu.vector_store %arg10[%swap3A_770, %swap3A_771], %gather3A_769 {strides = array<i32>} : memref<256x64xf32, #tpu.memory_space<vmem>>, vector<16xf32>,
      %iota3A_773 = tpu.iota {dimensions = array<i32: 0>} : vector<16xi32>
      %add3A_774 = arith.constant 16 : i32
      %add3A_775 = vector.broadcast %add3A_774 : i32 to vector<16xi32>
      %add3A_776 = arith.addi %iota3A_773, %add3A_775 : vector<16xi32>
      %gather3A_777 = tpu.vector_load_idx %arg14[%add3A_776, %broadcast_in_dim3A_764] : memref<64x128xf32, #tpu.memory_space<vmem>>[vector<16xi32>, vector<16xi32>], vector<16xf32>,
      %swap3A_778 = arith.index_cast %add3A_759 : i32 to index
      %swap3A_779 = arith.constant 16 : index
      %swap3A_780 = tpu.vector_load %arg10[%swap3A_778, %swap3A_779] {strides = array<i32>} : memref<256x64xf32, #tpu.memory_space<vmem>>, vector<16xf32>,
      tpu.vector_store %arg10[%swap3A_778, %swap3A_779], %gather3A_777 {strides = array<i32>} : memref<256x64xf32, #tpu.memory_space<vmem>>, vector<16xf32>,
      %iota3A_781 = tpu.iota {dimensions = array<i32: 0>} : vector<16xi32>
      %add3A_782 = arith.constant 32 : i32
      %add3A_783 = vector.broadcast %add3A_782 : i32 to vector<16xi32>
      %add3A_784 = arith.addi %iota3A_781, %add3A_783 : vector<16xi32>
      %gather3A_785 = tpu.vector_load_idx %arg14[%add3A_784, %broadcast_in_dim3A_764] : memref<64x128xf32, #tpu.memory_space<vmem>>[vector<16xi32>, vector<16xi32>], vector<16xf32>,
      %swap3A_786 = arith.index_cast %add3A_759 : i32 to index
      %swap3A_787 = arith.constant 32 : index
      %swap3A_788 = tpu.vector_load %arg10[%swap3A_786, %swap3A_787] {strides = array<i32>} : memref<256x64xf32, #tpu.memory_space<vmem>>, vector<16xf32>,
      tpu.vector_store %arg10[%swap3A_786, %swap3A_787], %gather3A_785 {strides = array<i32>} : memref<256x64xf32, #tpu.memory_space<vmem>>, vector<16xf32>,
      %iota3A_789 = tpu.iota {dimensions = array<i32: 0>} : vector<16xi32>
      %add3A_790 = arith.constant 48 : i32
      %add3A_791 = vector.broadcast %add3A_790 : i32 to vector<16xi32>
      %add3A_792 = arith.addi %iota3A_789, %add3A_791 : vector<16xi32>
      %gather3A_793 = tpu.vector_load_idx %arg14[%add3A_792, %broadcast_in_dim3A_764] : memref<64x128xf32, #tpu.memory_space<vmem>>[vector<16xi32>, vector<16xi32>], vector<16xf32>,
      %swap3A_794 = arith.index_cast %add3A_759 : i32 to index
      %swap3A_795 = arith.constant 48 : index
      %swap3A_796 = tpu.vector_load %arg10[%swap3A_794, %swap3A_795] {strides = array<i32>} : memref<256x64xf32, #tpu.memory_space<vmem>>, vector<16xf32>,
      tpu.vector_store %arg10[%swap3A_794, %swap3A_795], %gather3A_793 {strides = array<i32>} : memref<256x64xf32, #tpu.memory_space<vmem>>, vector<16xf32>,
      %slice3A_797 = vector.extract_strided_slice %get3A_190 {offsets = [15], sizes = [1], strides = [1]} : vector<16xi32> to vector<1xi32>
      %squeeze3A_798 = vector.extract %slice3A_797[0] : i32 from vector<1xi32>
      %shift_right_arithmetic3A_799 = arith.constant 7 : i32
      %shift_right_arithmetic3A_800 = arith.shrsi %squeeze3A_798, %shift_right_arithmetic3A_799 : i32
      %shift_left3A_801 = arith.constant 7 : i32
      %shift_left3A_802 = arith.shli %shift_right_arithmetic3A_800, %shift_left3A_801 : i32
      %multiple_of3A_803 = tpu.assume_multiple %shift_left3A_802, 128 : i32
      %dma_start3A_804 = arith.constant 0 : i32
      %dma_start3A_805 = tpu.memref_slice %arg4[%dma_start3A_804, %multiple_of3A_803] : memref<64x1000000xf32, #tpu.memory_space<hbm>> -> memref<64x128xf32, #tpu.memory_space<hbm>>
      %dma_start3A_806 = arith.constant 0 : i32
      %dma_start3A_807 = tpu.memref_slice %arg4[%dma_start3A_806, %multiple_of3A_803] : memref<64x1000000xf32, #tpu.memory_space<hbm>> -> memref<64x128xf32, #tpu.memory_space<hbm>>
      tpu.enqueue_dma source(%dma_start3A_807 : memref<64x128xf32, #tpu.memory_space<hbm>>) target(%arg14 : memref<64x128xf32, #tpu.memory_space<vmem>>) target_semaphore(%arg21 : memref<!tpu.dma_semaphore, #tpu.memory_space<semaphore_mem>>)
      %dma_wait3A_808 = arith.constant 0 : i32
      %dma_wait3A_809 = tpu.memref_slice %arg4[%dma_wait3A_808, %multiple_of3A_523] : memref<64x1000000xf32, #tpu.memory_space<hbm>> -> memref<64x128xf32, #tpu.memory_space<hbm>>
      %dma_wait3A_810 = arith.constant 0 : i32
      %dma_wait3A_811 = tpu.memref_slice %arg4[%dma_wait3A_810, %multiple_of3A_523] : memref<64x1000000xf32, #tpu.memory_space<hbm>> -> memref<64x128xf32, #tpu.memory_space<hbm>>
      tpu.wait_dma2 semaphore(%arg22 : memref<!tpu.dma_semaphore, #tpu.memory_space<semaphore_mem>>) src(%dma_wait3A_811 : memref<64x128xf32, #tpu.memory_space<hbm>>) dst(%arg15 : memref<64x128xf32, #tpu.memory_space<vmem>>)
      %mul3A_812 = arith.constant 16 : i32
      %mul3A_813 = arith.muli %scan3A_9, %mul3A_812 : i32
      %add3A_814 = arith.constant 10 : i32
      %add3A_815 = arith.addi %mul3A_813, %add3A_814 : i32
      %slice3A_816 = vector.extract_strided_slice %get3A_190 {offsets = [10], sizes = [1], strides = [1]} : vector<16xi32> to vector<1xi32>
      %squeeze3A_817 = vector.extract %slice3A_816[0] : i32 from vector<1xi32>
      %and3A_818 = arith.constant 127 : i32
      %and3A_819 = arith.andi %squeeze3A_817, %and3A_818 : i32
      %broadcast_in_dim3A_820 = vector.broadcast %and3A_819 : i32 to vector<16xi32>
      %iota3A_821 = tpu.iota {dimensions = array<i32: 0>} : vector<16xi32>
      %add3A_822 = arith.constant 0 : i32
      %add3A_823 = vector.broadcast %add3A_822 : i32 to vector<16xi32>
      %add3A_824 = arith.addi %iota3A_821, %add3A_823 : vector<16xi32>
      %gather3A_825 = tpu.vector_load_idx %arg15[%add3A_824, %broadcast_in_dim3A_820] : memref<64x128xf32, #tpu.memory_space<vmem>>[vector<16xi32>, vector<16xi32>], vector<16xf32>,
      %swap3A_826 = arith.index_cast %add3A_815 : i32 to index
      %swap3A_827 = arith.constant 0 : index
      %swap3A_828 = tpu.vector_load %arg10[%swap3A_826, %swap3A_827] {strides = array<i32>} : memref<256x64xf32, #tpu.memory_space<vmem>>, vector<16xf32>,
      tpu.vector_store %arg10[%swap3A_826, %swap3A_827], %gather3A_825 {strides = array<i32>} : memref<256x64xf32, #tpu.memory_space<vmem>>, vector<16xf32>,
      %iota3A_829 = tpu.iota {dimensions = array<i32: 0>} : vector<16xi32>
      %add3A_830 = arith.constant 16 : i32
      %add3A_831 = vector.broadcast %add3A_830 : i32 to vector<16xi32>
      %add3A_832 = arith.addi %iota3A_829, %add3A_831 : vector<16xi32>
      %gather3A_833 = tpu.vector_load_idx %arg15[%add3A_832, %broadcast_in_dim3A_820] : memref<64x128xf32, #tpu.memory_space<vmem>>[vector<16xi32>, vector<16xi32>], vector<16xf32>,
      %swap3A_834 = arith.index_cast %add3A_815 : i32 to index
      %swap3A_835 = arith.constant 16 : index
      %swap3A_836 = tpu.vector_load %arg10[%swap3A_834, %swap3A_835] {strides = array<i32>} : memref<256x64xf32, #tpu.memory_space<vmem>>, vector<16xf32>,
      tpu.vector_store %arg10[%swap3A_834, %swap3A_835], %gather3A_833 {strides = array<i32>} : memref<256x64xf32, #tpu.memory_space<vmem>>, vector<16xf32>,
      %iota3A_837 = tpu.iota {dimensions = array<i32: 0>} : vector<16xi32>
      %add3A_838 = arith.constant 32 : i32
      %add3A_839 = vector.broadcast %add3A_838 : i32 to vector<16xi32>
      %add3A_840 = arith.addi %iota3A_837, %add3A_839 : vector<16xi32>
      %gather3A_841 = tpu.vector_load_idx %arg15[%add3A_840, %broadcast_in_dim3A_820] : memref<64x128xf32, #tpu.memory_space<vmem>>[vector<16xi32>, vector<16xi32>], vector<16xf32>,
      %swap3A_842 = arith.index_cast %add3A_815 : i32 to index
      %swap3A_843 = arith.constant 32 : index
      %swap3A_844 = tpu.vector_load %arg10[%swap3A_842, %swap3A_843] {strides = array<i32>} : memref<256x64xf32, #tpu.memory_space<vmem>>, vector<16xf32>,
      tpu.vector_store %arg10[%swap3A_842, %swap3A_843], %gather3A_841 {strides = array<i32>} : memref<256x64xf32, #tpu.memory_space<vmem>>, vector<16xf32>,
      %iota3A_845 = tpu.iota {dimensions = array<i32: 0>} : vector<16xi32>
      %add3A_846 = arith.constant 48 : i32
      %add3A_847 = vector.broadcast %add3A_846 : i32 to vector<16xi32>
      %add3A_848 = arith.addi %iota3A_845, %add3A_847 : vector<16xi32>
      %gather3A_849 = tpu.vector_load_idx %arg15[%add3A_848, %broadcast_in_dim3A_820] : memref<64x128xf32, #tpu.memory_space<vmem>>[vector<16xi32>, vector<16xi32>], vector<16xf32>,
      %swap3A_850 = arith.index_cast %add3A_815 : i32 to index
      %swap3A_851 = arith.constant 48 : index
      %swap3A_852 = tpu.vector_load %arg10[%swap3A_850, %swap3A_851] {strides = array<i32>} : memref<256x64xf32, #tpu.memory_space<vmem>>, vector<16xf32>,
      tpu.vector_store %arg10[%swap3A_850, %swap3A_851], %gather3A_849 {strides = array<i32>} : memref<256x64xf32, #tpu.memory_space<vmem>>, vector<16xf32>,
      %dma_wait3A_853 = arith.constant 0 : i32
      %dma_wait3A_854 = tpu.memref_slice %arg4[%dma_wait3A_853, %multiple_of3A_579] : memref<64x1000000xf32, #tpu.memory_space<hbm>> -> memref<64x128xf32, #tpu.memory_space<hbm>>
      %dma_wait3A_855 = arith.constant 0 : i32
      %dma_wait3A_856 = tpu.memref_slice %arg4[%dma_wait3A_855, %multiple_of3A_579] : memref<64x1000000xf32, #tpu.memory_space<hbm>> -> memref<64x128xf32, #tpu.memory_space<hbm>>
      tpu.wait_dma2 semaphore(%arg23 : memref<!tpu.dma_semaphore, #tpu.memory_space<semaphore_mem>>) src(%dma_wait3A_856 : memref<64x128xf32, #tpu.memory_space<hbm>>) dst(%arg16 : memref<64x128xf32, #tpu.memory_space<vmem>>)
      %mul3A_857 = arith.constant 16 : i32
      %mul3A_858 = arith.muli %scan3A_9, %mul3A_857 : i32
      %add3A_859 = arith.constant 11 : i32
      %add3A_860 = arith.addi %mul3A_858, %add3A_859 : i32
      %slice3A_861 = vector.extract_strided_slice %get3A_190 {offsets = [11], sizes = [1], strides = [1]} : vector<16xi32> to vector<1xi32>
      %squeeze3A_862 = vector.extract %slice3A_861[0] : i32 from vector<1xi32>
      %and3A_863 = arith.constant 127 : i32
      %and3A_864 = arith.andi %squeeze3A_862, %and3A_863 : i32
      %broadcast_in_dim3A_865 = vector.broadcast %and3A_864 : i32 to vector<16xi32>
      %iota3A_866 = tpu.iota {dimensions = array<i32: 0>} : vector<16xi32>
      %add3A_867 = arith.constant 0 : i32
      %add3A_868 = vector.broadcast %add3A_867 : i32 to vector<16xi32>
      %add3A_869 = arith.addi %iota3A_866, %add3A_868 : vector<16xi32>
      %gather3A_870 = tpu.vector_load_idx %arg16[%add3A_869, %broadcast_in_dim3A_865] : memref<64x128xf32, #tpu.memory_space<vmem>>[vector<16xi32>, vector<16xi32>], vector<16xf32>,
      %swap3A_871 = arith.index_cast %add3A_860 : i32 to index
      %swap3A_872 = arith.constant 0 : index
      %swap3A_873 = tpu.vector_load %arg10[%swap3A_871, %swap3A_872] {strides = array<i32>} : memref<256x64xf32, #tpu.memory_space<vmem>>, vector<16xf32>,
      tpu.vector_store %arg10[%swap3A_871, %swap3A_872], %gather3A_870 {strides = array<i32>} : memref<256x64xf32, #tpu.memory_space<vmem>>, vector<16xf32>,
      %iota3A_874 = tpu.iota {dimensions = array<i32: 0>} : vector<16xi32>
      %add3A_875 = arith.constant 16 : i32
      %add3A_876 = vector.broadcast %add3A_875 : i32 to vector<16xi32>
      %add3A_877 = arith.addi %iota3A_874, %add3A_876 : vector<16xi32>
      %gather3A_878 = tpu.vector_load_idx %arg16[%add3A_877, %broadcast_in_dim3A_865] : memref<64x128xf32, #tpu.memory_space<vmem>>[vector<16xi32>, vector<16xi32>], vector<16xf32>,
      %swap3A_879 = arith.index_cast %add3A_860 : i32 to index
      %swap3A_880 = arith.constant 16 : index
      %swap3A_881 = tpu.vector_load %arg10[%swap3A_879, %swap3A_880] {strides = array<i32>} : memref<256x64xf32, #tpu.memory_space<vmem>>, vector<16xf32>,
      tpu.vector_store %arg10[%swap3A_879, %swap3A_880], %gather3A_878 {strides = array<i32>} : memref<256x64xf32, #tpu.memory_space<vmem>>, vector<16xf32>,
      %iota3A_882 = tpu.iota {dimensions = array<i32: 0>} : vector<16xi32>
      %add3A_883 = arith.constant 32 : i32
      %add3A_884 = vector.broadcast %add3A_883 : i32 to vector<16xi32>
      %add3A_885 = arith.addi %iota3A_882, %add3A_884 : vector<16xi32>
      %gather3A_886 = tpu.vector_load_idx %arg16[%add3A_885, %broadcast_in_dim3A_865] : memref<64x128xf32, #tpu.memory_space<vmem>>[vector<16xi32>, vector<16xi32>], vector<16xf32>,
      %swap3A_887 = arith.index_cast %add3A_860 : i32 to index
      %swap3A_888 = arith.constant 32 : index
      %swap3A_889 = tpu.vector_load %arg10[%swap3A_887, %swap3A_888] {strides = array<i32>} : memref<256x64xf32, #tpu.memory_space<vmem>>, vector<16xf32>,
      tpu.vector_store %arg10[%swap3A_887, %swap3A_888], %gather3A_886 {strides = array<i32>} : memref<256x64xf32, #tpu.memory_space<vmem>>, vector<16xf32>,
      %iota3A_890 = tpu.iota {dimensions = array<i32: 0>} : vector<16xi32>
      %add3A_891 = arith.constant 48 : i32
      %add3A_892 = vector.broadcast %add3A_891 : i32 to vector<16xi32>
      %add3A_893 = arith.addi %iota3A_890, %add3A_892 : vector<16xi32>
      %gather3A_894 = tpu.vector_load_idx %arg16[%add3A_893, %broadcast_in_dim3A_865] : memref<64x128xf32, #tpu.memory_space<vmem>>[vector<16xi32>, vector<16xi32>], vector<16xf32>,
      %swap3A_895 = arith.index_cast %add3A_860 : i32 to index
      %swap3A_896 = arith.constant 48 : index
      %swap3A_897 = tpu.vector_load %arg10[%swap3A_895, %swap3A_896] {strides = array<i32>} : memref<256x64xf32, #tpu.memory_space<vmem>>, vector<16xf32>,
      tpu.vector_store %arg10[%swap3A_895, %swap3A_896], %gather3A_894 {strides = array<i32>} : memref<256x64xf32, #tpu.memory_space<vmem>>, vector<16xf32>,
      %dma_wait3A_898 = arith.constant 0 : i32
      %dma_wait3A_899 = tpu.memref_slice %arg4[%dma_wait3A_898, %multiple_of3A_635] : memref<64x1000000xf32, #tpu.memory_space<hbm>> -> memref<64x128xf32, #tpu.memory_space<hbm>>
      %dma_wait3A_900 = arith.constant 0 : i32
      %dma_wait3A_901 = tpu.memref_slice %arg4[%dma_wait3A_900, %multiple_of3A_635] : memref<64x1000000xf32, #tpu.memory_space<hbm>> -> memref<64x128xf32, #tpu.memory_space<hbm>>
      tpu.wait_dma2 semaphore(%arg18 : memref<!tpu.dma_semaphore, #tpu.memory_space<semaphore_mem>>) src(%dma_wait3A_901 : memref<64x128xf32, #tpu.memory_space<hbm>>) dst(%arg11 : memref<64x128xf32, #tpu.memory_space<vmem>>)
      %mul3A_902 = arith.constant 16 : i32
      %mul3A_903 = arith.muli %scan3A_9, %mul3A_902 : i32
      %add3A_904 = arith.constant 12 : i32
      %add3A_905 = arith.addi %mul3A_903, %add3A_904 : i32
      %slice3A_906 = vector.extract_strided_slice %get3A_190 {offsets = [12], sizes = [1], strides = [1]} : vector<16xi32> to vector<1xi32>
      %squeeze3A_907 = vector.extract %slice3A_906[0] : i32 from vector<1xi32>
      %and3A_908 = arith.constant 127 : i32
      %and3A_909 = arith.andi %squeeze3A_907, %and3A_908 : i32
      %broadcast_in_dim3A_910 = vector.broadcast %and3A_909 : i32 to vector<16xi32>
      %iota3A_911 = tpu.iota {dimensions = array<i32: 0>} : vector<16xi32>
      %add3A_912 = arith.constant 0 : i32
      %add3A_913 = vector.broadcast %add3A_912 : i32 to vector<16xi32>
      %add3A_914 = arith.addi %iota3A_911, %add3A_913 : vector<16xi32>
      %gather3A_915 = tpu.vector_load_idx %arg11[%add3A_914, %broadcast_in_dim3A_910] : memref<64x128xf32, #tpu.memory_space<vmem>>[vector<16xi32>, vector<16xi32>], vector<16xf32>,
      %swap3A_916 = arith.index_cast %add3A_905 : i32 to index
      %swap3A_917 = arith.constant 0 : index
      %swap3A_918 = tpu.vector_load %arg10[%swap3A_916, %swap3A_917] {strides = array<i32>} : memref<256x64xf32, #tpu.memory_space<vmem>>, vector<16xf32>,
      tpu.vector_store %arg10[%swap3A_916, %swap3A_917], %gather3A_915 {strides = array<i32>} : memref<256x64xf32, #tpu.memory_space<vmem>>, vector<16xf32>,
      %iota3A_919 = tpu.iota {dimensions = array<i32: 0>} : vector<16xi32>
      %add3A_920 = arith.constant 16 : i32
      %add3A_921 = vector.broadcast %add3A_920 : i32 to vector<16xi32>
      %add3A_922 = arith.addi %iota3A_919, %add3A_921 : vector<16xi32>
      %gather3A_923 = tpu.vector_load_idx %arg11[%add3A_922, %broadcast_in_dim3A_910] : memref<64x128xf32, #tpu.memory_space<vmem>>[vector<16xi32>, vector<16xi32>], vector<16xf32>,
      %swap3A_924 = arith.index_cast %add3A_905 : i32 to index
      %swap3A_925 = arith.constant 16 : index
      %swap3A_926 = tpu.vector_load %arg10[%swap3A_924, %swap3A_925] {strides = array<i32>} : memref<256x64xf32, #tpu.memory_space<vmem>>, vector<16xf32>,
      tpu.vector_store %arg10[%swap3A_924, %swap3A_925], %gather3A_923 {strides = array<i32>} : memref<256x64xf32, #tpu.memory_space<vmem>>, vector<16xf32>,
      %iota3A_927 = tpu.iota {dimensions = array<i32: 0>} : vector<16xi32>
      %add3A_928 = arith.constant 32 : i32
      %add3A_929 = vector.broadcast %add3A_928 : i32 to vector<16xi32>
      %add3A_930 = arith.addi %iota3A_927, %add3A_929 : vector<16xi32>
      %gather3A_931 = tpu.vector_load_idx %arg11[%add3A_930, %broadcast_in_dim3A_910] : memref<64x128xf32, #tpu.memory_space<vmem>>[vector<16xi32>, vector<16xi32>], vector<16xf32>,
      %swap3A_932 = arith.index_cast %add3A_905 : i32 to index
      %swap3A_933 = arith.constant 32 : index
      %swap3A_934 = tpu.vector_load %arg10[%swap3A_932, %swap3A_933] {strides = array<i32>} : memref<256x64xf32, #tpu.memory_space<vmem>>, vector<16xf32>,
      tpu.vector_store %arg10[%swap3A_932, %swap3A_933], %gather3A_931 {strides = array<i32>} : memref<256x64xf32, #tpu.memory_space<vmem>>, vector<16xf32>,
      %iota3A_935 = tpu.iota {dimensions = array<i32: 0>} : vector<16xi32>
      %add3A_936 = arith.constant 48 : i32
      %add3A_937 = vector.broadcast %add3A_936 : i32 to vector<16xi32>
      %add3A_938 = arith.addi %iota3A_935, %add3A_937 : vector<16xi32>
      %gather3A_939 = tpu.vector_load_idx %arg11[%add3A_938, %broadcast_in_dim3A_910] : memref<64x128xf32, #tpu.memory_space<vmem>>[vector<16xi32>, vector<16xi32>], vector<16xf32>,
      %swap3A_940 = arith.index_cast %add3A_905 : i32 to index
      %swap3A_941 = arith.constant 48 : index
      %swap3A_942 = tpu.vector_load %arg10[%swap3A_940, %swap3A_941] {strides = array<i32>} : memref<256x64xf32, #tpu.memory_space<vmem>>, vector<16xf32>,
      tpu.vector_store %arg10[%swap3A_940, %swap3A_941], %gather3A_939 {strides = array<i32>} : memref<256x64xf32, #tpu.memory_space<vmem>>, vector<16xf32>,
      %dma_wait3A_943 = arith.constant 0 : i32
      %dma_wait3A_944 = tpu.memref_slice %arg4[%dma_wait3A_943, %multiple_of3A_691] : memref<64x1000000xf32, #tpu.memory_space<hbm>> -> memref<64x128xf32, #tpu.memory_space<hbm>>
      %dma_wait3A_945 = arith.constant 0 : i32
      %dma_wait3A_946 = tpu.memref_slice %arg4[%dma_wait3A_945, %multiple_of3A_691] : memref<64x1000000xf32, #tpu.memory_space<hbm>> -> memref<64x128xf32, #tpu.memory_space<hbm>>
      tpu.wait_dma2 semaphore(%arg19 : memref<!tpu.dma_semaphore, #tpu.memory_space<semaphore_mem>>) src(%dma_wait3A_946 : memref<64x128xf32, #tpu.memory_space<hbm>>) dst(%arg12 : memref<64x128xf32, #tpu.memory_space<vmem>>)
      %mul3A_947 = arith.constant 16 : i32
      %mul3A_948 = arith.muli %scan3A_9, %mul3A_947 : i32
      %add3A_949 = arith.constant 13 : i32
      %add3A_950 = arith.addi %mul3A_948, %add3A_949 : i32
      %slice3A_951 = vector.extract_strided_slice %get3A_190 {offsets = [13], sizes = [1], strides = [1]} : vector<16xi32> to vector<1xi32>
      %squeeze3A_952 = vector.extract %slice3A_951[0] : i32 from vector<1xi32>
      %and3A_953 = arith.constant 127 : i32
      %and3A_954 = arith.andi %squeeze3A_952, %and3A_953 : i32
      %broadcast_in_dim3A_955 = vector.broadcast %and3A_954 : i32 to vector<16xi32>
      %iota3A_956 = tpu.iota {dimensions = array<i32: 0>} : vector<16xi32>
      %add3A_957 = arith.constant 0 : i32
      %add3A_958 = vector.broadcast %add3A_957 : i32 to vector<16xi32>
      %add3A_959 = arith.addi %iota3A_956, %add3A_958 : vector<16xi32>
      %gather3A_960 = tpu.vector_load_idx %arg12[%add3A_959, %broadcast_in_dim3A_955] : memref<64x128xf32, #tpu.memory_space<vmem>>[vector<16xi32>, vector<16xi32>], vector<16xf32>,
      %swap3A_961 = arith.index_cast %add3A_950 : i32 to index
      %swap3A_962 = arith.constant 0 : index
      %swap3A_963 = tpu.vector_load %arg10[%swap3A_961, %swap3A_962] {strides = array<i32>} : memref<256x64xf32, #tpu.memory_space<vmem>>, vector<16xf32>,
      tpu.vector_store %arg10[%swap3A_961, %swap3A_962], %gather3A_960 {strides = array<i32>} : memref<256x64xf32, #tpu.memory_space<vmem>>, vector<16xf32>,
      %iota3A_964 = tpu.iota {dimensions = array<i32: 0>} : vector<16xi32>
      %add3A_965 = arith.constant 16 : i32
      %add3A_966 = vector.broadcast %add3A_965 : i32 to vector<16xi32>
      %add3A_967 = arith.addi %iota3A_964, %add3A_966 : vector<16xi32>
      %gather3A_968 = tpu.vector_load_idx %arg12[%add3A_967, %broadcast_in_dim3A_955] : memref<64x128xf32, #tpu.memory_space<vmem>>[vector<16xi32>, vector<16xi32>], vector<16xf32>,
      %swap3A_969 = arith.index_cast %add3A_950 : i32 to index
      %swap3A_970 = arith.constant 16 : index
      %swap3A_971 = tpu.vector_load %arg10[%swap3A_969, %swap3A_970] {strides = array<i32>} : memref<256x64xf32, #tpu.memory_space<vmem>>, vector<16xf32>,
      tpu.vector_store %arg10[%swap3A_969, %swap3A_970], %gather3A_968 {strides = array<i32>} : memref<256x64xf32, #tpu.memory_space<vmem>>, vector<16xf32>,
      %iota3A_972 = tpu.iota {dimensions = array<i32: 0>} : vector<16xi32>
      %add3A_973 = arith.constant 32 : i32
      %add3A_974 = vector.broadcast %add3A_973 : i32 to vector<16xi32>
      %add3A_975 = arith.addi %iota3A_972, %add3A_974 : vector<16xi32>
      %gather3A_976 = tpu.vector_load_idx %arg12[%add3A_975, %broadcast_in_dim3A_955] : memref<64x128xf32, #tpu.memory_space<vmem>>[vector<16xi32>, vector<16xi32>], vector<16xf32>,
      %swap3A_977 = arith.index_cast %add3A_950 : i32 to index
      %swap3A_978 = arith.constant 32 : index
      %swap3A_979 = tpu.vector_load %arg10[%swap3A_977, %swap3A_978] {strides = array<i32>} : memref<256x64xf32, #tpu.memory_space<vmem>>, vector<16xf32>,
      tpu.vector_store %arg10[%swap3A_977, %swap3A_978], %gather3A_976 {strides = array<i32>} : memref<256x64xf32, #tpu.memory_space<vmem>>, vector<16xf32>,
      %iota3A_980 = tpu.iota {dimensions = array<i32: 0>} : vector<16xi32>
      %add3A_981 = arith.constant 48 : i32
      %add3A_982 = vector.broadcast %add3A_981 : i32 to vector<16xi32>
      %add3A_983 = arith.addi %iota3A_980, %add3A_982 : vector<16xi32>
      %gather3A_984 = tpu.vector_load_idx %arg12[%add3A_983, %broadcast_in_dim3A_955] : memref<64x128xf32, #tpu.memory_space<vmem>>[vector<16xi32>, vector<16xi32>], vector<16xf32>,
      %swap3A_985 = arith.index_cast %add3A_950 : i32 to index
      %swap3A_986 = arith.constant 48 : index
      %swap3A_987 = tpu.vector_load %arg10[%swap3A_985, %swap3A_986] {strides = array<i32>} : memref<256x64xf32, #tpu.memory_space<vmem>>, vector<16xf32>,
      tpu.vector_store %arg10[%swap3A_985, %swap3A_986], %gather3A_984 {strides = array<i32>} : memref<256x64xf32, #tpu.memory_space<vmem>>, vector<16xf32>,
      %dma_wait3A_988 = arith.constant 0 : i32
      %dma_wait3A_989 = tpu.memref_slice %arg4[%dma_wait3A_988, %multiple_of3A_747] : memref<64x1000000xf32, #tpu.memory_space<hbm>> -> memref<64x128xf32, #tpu.memory_space<hbm>>
      %dma_wait3A_990 = arith.constant 0 : i32
      %dma_wait3A_991 = tpu.memref_slice %arg4[%dma_wait3A_990, %multiple_of3A_747] : memref<64x1000000xf32, #tpu.memory_space<hbm>> -> memref<64x128xf32, #tpu.memory_space<hbm>>
      tpu.wait_dma2 semaphore(%arg20 : memref<!tpu.dma_semaphore, #tpu.memory_space<semaphore_mem>>) src(%dma_wait3A_991 : memref<64x128xf32, #tpu.memory_space<hbm>>) dst(%arg13 : memref<64x128xf32, #tpu.memory_space<vmem>>)
      %mul3A_992 = arith.constant 16 : i32
      %mul3A_993 = arith.muli %scan3A_9, %mul3A_992 : i32
      %add3A_994 = arith.constant 14 : i32
      %add3A_995 = arith.addi %mul3A_993, %add3A_994 : i32
      %slice3A_996 = vector.extract_strided_slice %get3A_190 {offsets = [14], sizes = [1], strides = [1]} : vector<16xi32> to vector<1xi32>
      %squeeze3A_997 = vector.extract %slice3A_996[0] : i32 from vector<1xi32>
      %and3A_998 = arith.constant 127 : i32
      %and3A_999 = arith.andi %squeeze3A_997, %and3A_998 : i32
      %broadcast_in_dim3A_1000 = vector.broadcast %and3A_999 : i32 to vector<16xi32>
      %iota3A_1001 = tpu.iota {dimensions = array<i32: 0>} : vector<16xi32>
      %add3A_1002 = arith.constant 0 : i32
      %add3A_1003 = vector.broadcast %add3A_1002 : i32 to vector<16xi32>
      %add3A_1004 = arith.addi %iota3A_1001, %add3A_1003 : vector<16xi32>
      %gather3A_1005 = tpu.vector_load_idx %arg13[%add3A_1004, %broadcast_in_dim3A_1000] : memref<64x128xf32, #tpu.memory_space<vmem>>[vector<16xi32>, vector<16xi32>], vector<16xf32>,
      %swap3A_1006 = arith.index_cast %add3A_995 : i32 to index
      %swap3A_1007 = arith.constant 0 : index
      %swap3A_1008 = tpu.vector_load %arg10[%swap3A_1006, %swap3A_1007] {strides = array<i32>} : memref<256x64xf32, #tpu.memory_space<vmem>>, vector<16xf32>,
      tpu.vector_store %arg10[%swap3A_1006, %swap3A_1007], %gather3A_1005 {strides = array<i32>} : memref<256x64xf32, #tpu.memory_space<vmem>>, vector<16xf32>,
      %iota3A_1009 = tpu.iota {dimensions = array<i32: 0>} : vector<16xi32>
      %add3A_1010 = arith.constant 16 : i32
      %add3A_1011 = vector.broadcast %add3A_1010 : i32 to vector<16xi32>
      %add3A_1012 = arith.addi %iota3A_1009, %add3A_1011 : vector<16xi32>
      %gather3A_1013 = tpu.vector_load_idx %arg13[%add3A_1012, %broadcast_in_dim3A_1000] : memref<64x128xf32, #tpu.memory_space<vmem>>[vector<16xi32>, vector<16xi32>], vector<16xf32>,
      %swap3A_1014 = arith.index_cast %add3A_995 : i32 to index
      %swap3A_1015 = arith.constant 16 : index
      %swap3A_1016 = tpu.vector_load %arg10[%swap3A_1014, %swap3A_1015] {strides = array<i32>} : memref<256x64xf32, #tpu.memory_space<vmem>>, vector<16xf32>,
      tpu.vector_store %arg10[%swap3A_1014, %swap3A_1015], %gather3A_1013 {strides = array<i32>} : memref<256x64xf32, #tpu.memory_space<vmem>>, vector<16xf32>,
      %iota3A_1017 = tpu.iota {dimensions = array<i32: 0>} : vector<16xi32>
      %add3A_1018 = arith.constant 32 : i32
      %add3A_1019 = vector.broadcast %add3A_1018 : i32 to vector<16xi32>
      %add3A_1020 = arith.addi %iota3A_1017, %add3A_1019 : vector<16xi32>
      %gather3A_1021 = tpu.vector_load_idx %arg13[%add3A_1020, %broadcast_in_dim3A_1000] : memref<64x128xf32, #tpu.memory_space<vmem>>[vector<16xi32>, vector<16xi32>], vector<16xf32>,
      %swap3A_1022 = arith.index_cast %add3A_995 : i32 to index
      %swap3A_1023 = arith.constant 32 : index
      %swap3A_1024 = tpu.vector_load %arg10[%swap3A_1022, %swap3A_1023] {strides = array<i32>} : memref<256x64xf32, #tpu.memory_space<vmem>>, vector<16xf32>,
      tpu.vector_store %arg10[%swap3A_1022, %swap3A_1023], %gather3A_1021 {strides = array<i32>} : memref<256x64xf32, #tpu.memory_space<vmem>>, vector<16xf32>,
      %iota3A_1025 = tpu.iota {dimensions = array<i32: 0>} : vector<16xi32>
      %add3A_1026 = arith.constant 48 : i32
      %add3A_1027 = vector.broadcast %add3A_1026 : i32 to vector<16xi32>
      %add3A_1028 = arith.addi %iota3A_1025, %add3A_1027 : vector<16xi32>
      %gather3A_1029 = tpu.vector_load_idx %arg13[%add3A_1028, %broadcast_in_dim3A_1000] : memref<64x128xf32, #tpu.memory_space<vmem>>[vector<16xi32>, vector<16xi32>], vector<16xf32>,
      %swap3A_1030 = arith.index_cast %add3A_995 : i32 to index
      %swap3A_1031 = arith.constant 48 : index
      %swap3A_1032 = tpu.vector_load %arg10[%swap3A_1030, %swap3A_1031] {strides = array<i32>} : memref<256x64xf32, #tpu.memory_space<vmem>>, vector<16xf32>,
      tpu.vector_store %arg10[%swap3A_1030, %swap3A_1031], %gather3A_1029 {strides = array<i32>} : memref<256x64xf32, #tpu.memory_space<vmem>>, vector<16xf32>,
      %dma_wait3A_1033 = arith.constant 0 : i32
      %dma_wait3A_1034 = tpu.memref_slice %arg4[%dma_wait3A_1033, %multiple_of3A_803] : memref<64x1000000xf32, #tpu.memory_space<hbm>> -> memref<64x128xf32, #tpu.memory_space<hbm>>
      %dma_wait3A_1035 = arith.constant 0 : i32
      %dma_wait3A_1036 = tpu.memref_slice %arg4[%dma_wait3A_1035, %multiple_of3A_803] : memref<64x1000000xf32, #tpu.memory_space<hbm>> -> memref<64x128xf32, #tpu.memory_space<hbm>>
      tpu.wait_dma2 semaphore(%arg21 : memref<!tpu.dma_semaphore, #tpu.memory_space<semaphore_mem>>) src(%dma_wait3A_1036 : memref<64x128xf32, #tpu.memory_space<hbm>>) dst(%arg14 : memref<64x128xf32, #tpu.memory_space<vmem>>)
      %mul3A_1037 = arith.constant 16 : i32
      %mul3A_1038 = arith.muli %scan3A_9, %mul3A_1037 : i32
      %add3A_1039 = arith.constant 15 : i32
      %add3A_1040 = arith.addi %mul3A_1038, %add3A_1039 : i32
      %slice3A_1041 = vector.extract_strided_slice %get3A_190 {offsets = [15], sizes = [1], strides = [1]} : vector<16xi32> to vector<1xi32>
      %squeeze3A_1042 = vector.extract %slice3A_1041[0] : i32 from vector<1xi32>
      %and3A_1043 = arith.constant 127 : i32
      %and3A_1044 = arith.andi %squeeze3A_1042, %and3A_1043 : i32
      %broadcast_in_dim3A_1045 = vector.broadcast %and3A_1044 : i32 to vector<16xi32>
      %iota3A_1046 = tpu.iota {dimensions = array<i32: 0>} : vector<16xi32>
      %add3A_1047 = arith.constant 0 : i32
      %add3A_1048 = vector.broadcast %add3A_1047 : i32 to vector<16xi32>
      %add3A_1049 = arith.addi %iota3A_1046, %add3A_1048 : vector<16xi32>
      %gather3A_1050 = tpu.vector_load_idx %arg14[%add3A_1049, %broadcast_in_dim3A_1045] : memref<64x128xf32, #tpu.memory_space<vmem>>[vector<16xi32>, vector<16xi32>], vector<16xf32>,
      %swap3A_1051 = arith.index_cast %add3A_1040 : i32 to index
      %swap3A_1052 = arith.constant 0 : index
      %swap3A_1053 = tpu.vector_load %arg10[%swap3A_1051, %swap3A_1052] {strides = array<i32>} : memref<256x64xf32, #tpu.memory_space<vmem>>, vector<16xf32>,
      tpu.vector_store %arg10[%swap3A_1051, %swap3A_1052], %gather3A_1050 {strides = array<i32>} : memref<256x64xf32, #tpu.memory_space<vmem>>, vector<16xf32>,
      %iota3A_1054 = tpu.iota {dimensions = array<i32: 0>} : vector<16xi32>
      %add3A_1055 = arith.constant 16 : i32
      %add3A_1056 = vector.broadcast %add3A_1055 : i32 to vector<16xi32>
      %add3A_1057 = arith.addi %iota3A_1054, %add3A_1056 : vector<16xi32>
      %gather3A_1058 = tpu.vector_load_idx %arg14[%add3A_1057, %broadcast_in_dim3A_1045] : memref<64x128xf32, #tpu.memory_space<vmem>>[vector<16xi32>, vector<16xi32>], vector<16xf32>,
      %swap3A_1059 = arith.index_cast %add3A_1040 : i32 to index
      %swap3A_1060 = arith.constant 16 : index
      %swap3A_1061 = tpu.vector_load %arg10[%swap3A_1059, %swap3A_1060] {strides = array<i32>} : memref<256x64xf32, #tpu.memory_space<vmem>>, vector<16xf32>,
      tpu.vector_store %arg10[%swap3A_1059, %swap3A_1060], %gather3A_1058 {strides = array<i32>} : memref<256x64xf32, #tpu.memory_space<vmem>>, vector<16xf32>,
      %iota3A_1062 = tpu.iota {dimensions = array<i32: 0>} : vector<16xi32>
      %add3A_1063 = arith.constant 32 : i32
      %add3A_1064 = vector.broadcast %add3A_1063 : i32 to vector<16xi32>
      %add3A_1065 = arith.addi %iota3A_1062, %add3A_1064 : vector<16xi32>
      %gather3A_1066 = tpu.vector_load_idx %arg14[%add3A_1065, %broadcast_in_dim3A_1045] : memref<64x128xf32, #tpu.memory_space<vmem>>[vector<16xi32>, vector<16xi32>], vector<16xf32>,
      %swap3A_1067 = arith.index_cast %add3A_1040 : i32 to index
      %swap3A_1068 = arith.constant 32 : index
      %swap3A_1069 = tpu.vector_load %arg10[%swap3A_1067, %swap3A_1068] {strides = array<i32>} : memref<256x64xf32, #tpu.memory_space<vmem>>, vector<16xf32>,
      tpu.vector_store %arg10[%swap3A_1067, %swap3A_1068], %gather3A_1066 {strides = array<i32>} : memref<256x64xf32, #tpu.memory_space<vmem>>, vector<16xf32>,
      %iota3A_1070 = tpu.iota {dimensions = array<i32: 0>} : vector<16xi32>
      %add3A_1071 = arith.constant 48 : i32
      %add3A_1072 = vector.broadcast %add3A_1071 : i32 to vector<16xi32>
      %add3A_1073 = arith.addi %iota3A_1070, %add3A_1072 : vector<16xi32>
      %gather3A_1074 = tpu.vector_load_idx %arg14[%add3A_1073, %broadcast_in_dim3A_1045] : memref<64x128xf32, #tpu.memory_space<vmem>>[vector<16xi32>, vector<16xi32>], vector<16xf32>,
      %swap3A_1075 = arith.index_cast %add3A_1040 : i32 to index
      %swap3A_1076 = arith.constant 48 : index
      %swap3A_1077 = tpu.vector_load %arg10[%swap3A_1075, %swap3A_1076] {strides = array<i32>} : memref<256x64xf32, #tpu.memory_space<vmem>>, vector<16xf32>,
      tpu.vector_store %arg10[%swap3A_1075, %swap3A_1076], %gather3A_1074 {strides = array<i32>} : memref<256x64xf32, #tpu.memory_space<vmem>>, vector<16xf32>,
      %dma_wait3A_1078 = arith.constant 0 : i32
      %dma_wait3A_1079 = tpu.memref_slice %arg7[%add3A_18, %dma_wait3A_1078] : memref<8192x64xf32, #tpu.memory_space<hbm>> -> memref<1x64xf32, #tpu.memory_space<hbm>>
      %dma_wait3A_1080 = arith.constant 0 : i32
      %dma_wait3A_1081 = tpu.memref_slice %arg5[%squeeze3A, %dma_wait3A_1080] : memref<100000x64xf32, #tpu.memory_space<hbm>> -> memref<1x64xf32, #tpu.memory_space<hbm>>
      tpu.wait_dma2 semaphore(%arg17 : memref<!tpu.dma_semaphore, #tpu.memory_space<semaphore_mem>>) src(%dma_wait3A_1081 : memref<1x64xf32, #tpu.memory_space<hbm>>) dst(%dma_wait3A_1079 : memref<1x64xf32, #tpu.memory_space<hbm>>)
      %dma_wait3A_1082 = arith.constant 0 : i32
      %dma_wait3A_1083 = tpu.memref_slice %arg7[%add3A_28, %dma_wait3A_1082] : memref<8192x64xf32, #tpu.memory_space<hbm>> -> memref<1x64xf32, #tpu.memory_space<hbm>>
      %dma_wait3A_1084 = arith.constant 0 : i32
      %dma_wait3A_1085 = tpu.memref_slice %arg5[%squeeze3A_23, %dma_wait3A_1084] : memref<100000x64xf32, #tpu.memory_space<hbm>> -> memref<1x64xf32, #tpu.memory_space<hbm>>
      tpu.wait_dma2 semaphore(%arg17 : memref<!tpu.dma_semaphore, #tpu.memory_space<semaphore_mem>>) src(%dma_wait3A_1085 : memref<1x64xf32, #tpu.memory_space<hbm>>) dst(%dma_wait3A_1083 : memref<1x64xf32, #tpu.memory_space<hbm>>)
      %dma_wait3A_1086 = arith.constant 0 : i32
      %dma_wait3A_1087 = tpu.memref_slice %arg7[%add3A_39, %dma_wait3A_1086] : memref<8192x64xf32, #tpu.memory_space<hbm>> -> memref<1x64xf32, #tpu.memory_space<hbm>>
      %dma_wait3A_1088 = arith.constant 0 : i32
      %dma_wait3A_1089 = tpu.memref_slice %arg5[%squeeze3A_34, %dma_wait3A_1088] : memref<100000x64xf32, #tpu.memory_space<hbm>> -> memref<1x64xf32, #tpu.memory_space<hbm>>
      tpu.wait_dma2 semaphore(%arg17 : memref<!tpu.dma_semaphore, #tpu.memory_space<semaphore_mem>>) src(%dma_wait3A_1089 : memref<1x64xf32, #tpu.memory_space<hbm>>) dst(%dma_wait3A_1087 : memref<1x64xf32, #tpu.memory_space<hbm>>)
      %dma_wait3A_1090 = arith.constant 0 : i32
      %dma_wait3A_1091 = tpu.memref_slice %arg7[%add3A_50, %dma_wait3A_1090] : memref<8192x64xf32, #tpu.memory_space<hbm>> -> memref<1x64xf32, #tpu.memory_space<hbm>>
      %dma_wait3A_1092 = arith.constant 0 : i32
      %dma_wait3A_1093 = tpu.memref_slice %arg5[%squeeze3A_45, %dma_wait3A_1092] : memref<100000x64xf32, #tpu.memory_space<hbm>> -> memref<1x64xf32, #tpu.memory_space<hbm>>
      tpu.wait_dma2 semaphore(%arg17 : memref<!tpu.dma_semaphore, #tpu.memory_space<semaphore_mem>>) src(%dma_wait3A_1093 : memref<1x64xf32, #tpu.memory_space<hbm>>) dst(%dma_wait3A_1091 : memref<1x64xf32, #tpu.memory_space<hbm>>)
      %dma_wait3A_1094 = arith.constant 0 : i32
      %dma_wait3A_1095 = tpu.memref_slice %arg7[%add3A_61, %dma_wait3A_1094] : memref<8192x64xf32, #tpu.memory_space<hbm>> -> memref<1x64xf32, #tpu.memory_space<hbm>>
      %dma_wait3A_1096 = arith.constant 0 : i32
      %dma_wait3A_1097 = tpu.memref_slice %arg5[%squeeze3A_56, %dma_wait3A_1096] : memref<100000x64xf32, #tpu.memory_space<hbm>> -> memref<1x64xf32, #tpu.memory_space<hbm>>
      tpu.wait_dma2 semaphore(%arg17 : memref<!tpu.dma_semaphore, #tpu.memory_space<semaphore_mem>>) src(%dma_wait3A_1097 : memref<1x64xf32, #tpu.memory_space<hbm>>) dst(%dma_wait3A_1095 : memref<1x64xf32, #tpu.memory_space<hbm>>)
      %dma_wait3A_1098 = arith.constant 0 : i32
      %dma_wait3A_1099 = tpu.memref_slice %arg7[%add3A_72, %dma_wait3A_1098] : memref<8192x64xf32, #tpu.memory_space<hbm>> -> memref<1x64xf32, #tpu.memory_space<hbm>>
      %dma_wait3A_1100 = arith.constant 0 : i32
      %dma_wait3A_1101 = tpu.memref_slice %arg5[%squeeze3A_67, %dma_wait3A_1100] : memref<100000x64xf32, #tpu.memory_space<hbm>> -> memref<1x64xf32, #tpu.memory_space<hbm>>
      tpu.wait_dma2 semaphore(%arg17 : memref<!tpu.dma_semaphore, #tpu.memory_space<semaphore_mem>>) src(%dma_wait3A_1101 : memref<1x64xf32, #tpu.memory_space<hbm>>) dst(%dma_wait3A_1099 : memref<1x64xf32, #tpu.memory_space<hbm>>)
      %dma_wait3A_1102 = arith.constant 0 : i32
      %dma_wait3A_1103 = tpu.memref_slice %arg7[%add3A_83, %dma_wait3A_1102] : memref<8192x64xf32, #tpu.memory_space<hbm>> -> memref<1x64xf32, #tpu.memory_space<hbm>>
      %dma_wait3A_1104 = arith.constant 0 : i32
      %dma_wait3A_1105 = tpu.memref_slice %arg5[%squeeze3A_78, %dma_wait3A_1104] : memref<100000x64xf32, #tpu.memory_space<hbm>> -> memref<1x64xf32, #tpu.memory_space<hbm>>
      tpu.wait_dma2 semaphore(%arg17 : memref<!tpu.dma_semaphore, #tpu.memory_space<semaphore_mem>>) src(%dma_wait3A_1105 : memref<1x64xf32, #tpu.memory_space<hbm>>) dst(%dma_wait3A_1103 : memref<1x64xf32, #tpu.memory_space<hbm>>)
      %dma_wait3A_1106 = arith.constant 0 : i32
      %dma_wait3A_1107 = tpu.memref_slice %arg7[%add3A_94, %dma_wait3A_1106] : memref<8192x64xf32, #tpu.memory_space<hbm>> -> memref<1x64xf32, #tpu.memory_space<hbm>>
      %dma_wait3A_1108 = arith.constant 0 : i32
      %dma_wait3A_1109 = tpu.memref_slice %arg5[%squeeze3A_89, %dma_wait3A_1108] : memref<100000x64xf32, #tpu.memory_space<hbm>> -> memref<1x64xf32, #tpu.memory_space<hbm>>
      tpu.wait_dma2 semaphore(%arg17 : memref<!tpu.dma_semaphore, #tpu.memory_space<semaphore_mem>>) src(%dma_wait3A_1109 : memref<1x64xf32, #tpu.memory_space<hbm>>) dst(%dma_wait3A_1107 : memref<1x64xf32, #tpu.memory_space<hbm>>)
      %dma_wait3A_1110 = arith.constant 0 : i32
      %dma_wait3A_1111 = tpu.memref_slice %arg7[%add3A_105, %dma_wait3A_1110] : memref<8192x64xf32, #tpu.memory_space<hbm>> -> memref<1x64xf32, #tpu.memory_space<hbm>>
      %dma_wait3A_1112 = arith.constant 0 : i32
      %dma_wait3A_1113 = tpu.memref_slice %arg5[%squeeze3A_100, %dma_wait3A_1112] : memref<100000x64xf32, #tpu.memory_space<hbm>> -> memref<1x64xf32, #tpu.memory_space<hbm>>
      tpu.wait_dma2 semaphore(%arg17 : memref<!tpu.dma_semaphore, #tpu.memory_space<semaphore_mem>>) src(%dma_wait3A_1113 : memref<1x64xf32, #tpu.memory_space<hbm>>) dst(%dma_wait3A_1111 : memref<1x64xf32, #tpu.memory_space<hbm>>)
      %dma_wait3A_1114 = arith.constant 0 : i32
      %dma_wait3A_1115 = tpu.memref_slice %arg7[%add3A_116, %dma_wait3A_1114] : memref<8192x64xf32, #tpu.memory_space<hbm>> -> memref<1x64xf32, #tpu.memory_space<hbm>>
      %dma_wait3A_1116 = arith.constant 0 : i32
      %dma_wait3A_1117 = tpu.memref_slice %arg5[%squeeze3A_111, %dma_wait3A_1116] : memref<100000x64xf32, #tpu.memory_space<hbm>> -> memref<1x64xf32, #tpu.memory_space<hbm>>
      tpu.wait_dma2 semaphore(%arg17 : memref<!tpu.dma_semaphore, #tpu.memory_space<semaphore_mem>>) src(%dma_wait3A_1117 : memref<1x64xf32, #tpu.memory_space<hbm>>) dst(%dma_wait3A_1115 : memref<1x64xf32, #tpu.memory_space<hbm>>)
      %dma_wait3A_1118 = arith.constant 0 : i32
      %dma_wait3A_1119 = tpu.memref_slice %arg7[%add3A_127, %dma_wait3A_1118] : memref<8192x64xf32, #tpu.memory_space<hbm>> -> memref<1x64xf32, #tpu.memory_space<hbm>>
      %dma_wait3A_1120 = arith.constant 0 : i32
      %dma_wait3A_1121 = tpu.memref_slice %arg5[%squeeze3A_122, %dma_wait3A_1120] : memref<100000x64xf32, #tpu.memory_space<hbm>> -> memref<1x64xf32, #tpu.memory_space<hbm>>
      tpu.wait_dma2 semaphore(%arg17 : memref<!tpu.dma_semaphore, #tpu.memory_space<semaphore_mem>>) src(%dma_wait3A_1121 : memref<1x64xf32, #tpu.memory_space<hbm>>) dst(%dma_wait3A_1119 : memref<1x64xf32, #tpu.memory_space<hbm>>)
      %dma_wait3A_1122 = arith.constant 0 : i32
      %dma_wait3A_1123 = tpu.memref_slice %arg7[%add3A_138, %dma_wait3A_1122] : memref<8192x64xf32, #tpu.memory_space<hbm>> -> memref<1x64xf32, #tpu.memory_space<hbm>>
      %dma_wait3A_1124 = arith.constant 0 : i32
      %dma_wait3A_1125 = tpu.memref_slice %arg5[%squeeze3A_133, %dma_wait3A_1124] : memref<100000x64xf32, #tpu.memory_space<hbm>> -> memref<1x64xf32, #tpu.memory_space<hbm>>
      tpu.wait_dma2 semaphore(%arg17 : memref<!tpu.dma_semaphore, #tpu.memory_space<semaphore_mem>>) src(%dma_wait3A_1125 : memref<1x64xf32, #tpu.memory_space<hbm>>) dst(%dma_wait3A_1123 : memref<1x64xf32, #tpu.memory_space<hbm>>)
      %dma_wait3A_1126 = arith.constant 0 : i32
      %dma_wait3A_1127 = tpu.memref_slice %arg7[%add3A_149, %dma_wait3A_1126] : memref<8192x64xf32, #tpu.memory_space<hbm>> -> memref<1x64xf32, #tpu.memory_space<hbm>>
      %dma_wait3A_1128 = arith.constant 0 : i32
      %dma_wait3A_1129 = tpu.memref_slice %arg5[%squeeze3A_144, %dma_wait3A_1128] : memref<100000x64xf32, #tpu.memory_space<hbm>> -> memref<1x64xf32, #tpu.memory_space<hbm>>
      tpu.wait_dma2 semaphore(%arg17 : memref<!tpu.dma_semaphore, #tpu.memory_space<semaphore_mem>>) src(%dma_wait3A_1129 : memref<1x64xf32, #tpu.memory_space<hbm>>) dst(%dma_wait3A_1127 : memref<1x64xf32, #tpu.memory_space<hbm>>)
      %dma_wait3A_1130 = arith.constant 0 : i32
      %dma_wait3A_1131 = tpu.memref_slice %arg7[%add3A_160, %dma_wait3A_1130] : memref<8192x64xf32, #tpu.memory_space<hbm>> -> memref<1x64xf32, #tpu.memory_space<hbm>>
      %dma_wait3A_1132 = arith.constant 0 : i32
      %dma_wait3A_1133 = tpu.memref_slice %arg5[%squeeze3A_155, %dma_wait3A_1132] : memref<100000x64xf32, #tpu.memory_space<hbm>> -> memref<1x64xf32, #tpu.memory_space<hbm>>
      tpu.wait_dma2 semaphore(%arg17 : memref<!tpu.dma_semaphore, #tpu.memory_space<semaphore_mem>>) src(%dma_wait3A_1133 : memref<1x64xf32, #tpu.memory_space<hbm>>) dst(%dma_wait3A_1131 : memref<1x64xf32, #tpu.memory_space<hbm>>)
      %dma_wait3A_1134 = arith.constant 0 : i32
      %dma_wait3A_1135 = tpu.memref_slice %arg7[%add3A_171, %dma_wait3A_1134] : memref<8192x64xf32, #tpu.memory_space<hbm>> -> memref<1x64xf32, #tpu.memory_space<hbm>>
      %dma_wait3A_1136 = arith.constant 0 : i32
      %dma_wait3A_1137 = tpu.memref_slice %arg5[%squeeze3A_166, %dma_wait3A_1136] : memref<100000x64xf32, #tpu.memory_space<hbm>> -> memref<1x64xf32, #tpu.memory_space<hbm>>
      tpu.wait_dma2 semaphore(%arg17 : memref<!tpu.dma_semaphore, #tpu.memory_space<semaphore_mem>>) src(%dma_wait3A_1137 : memref<1x64xf32, #tpu.memory_space<hbm>>) dst(%dma_wait3A_1135 : memref<1x64xf32, #tpu.memory_space<hbm>>)
      %dma_wait3A_1138 = arith.constant 0 : i32
      %dma_wait3A_1139 = tpu.memref_slice %arg7[%add3A_182, %dma_wait3A_1138] : memref<8192x64xf32, #tpu.memory_space<hbm>> -> memref<1x64xf32, #tpu.memory_space<hbm>>
      %dma_wait3A_1140 = arith.constant 0 : i32
      %dma_wait3A_1141 = tpu.memref_slice %arg5[%squeeze3A_177, %dma_wait3A_1140] : memref<100000x64xf32, #tpu.memory_space<hbm>> -> memref<1x64xf32, #tpu.memory_space<hbm>>
      tpu.wait_dma2 semaphore(%arg17 : memref<!tpu.dma_semaphore, #tpu.memory_space<semaphore_mem>>) src(%dma_wait3A_1141 : memref<1x64xf32, #tpu.memory_space<hbm>>) dst(%dma_wait3A_1139 : memref<1x64xf32, #tpu.memory_space<hbm>>)
      %scan3A_1142 = arith.constant 0 : i32
      scf.yield %scan3A_1142 : i32
    }
    %scan3A_8 = arith.constant 16 : i32
    "tpu.region"() ({
      %run_scoped3A = tpu.sem_alloc : memref<!tpu.dma_semaphore, #tpu.memory_space<semaphore_mem>>
      %dma_start3A = arith.constant 0 : i32
      %dma_start3A_9 = tpu.memref_slice %arg6[%mul3A_2, %dma_start3A] : memref<8192x64xf32, #tpu.memory_space<hbm>> -> memref<256x64xf32, #tpu.memory_space<hbm>>
      %dma_start3A_10 = arith.constant 0 : i32
      %dma_start3A_11 = tpu.memref_slice %arg6[%mul3A_2, %dma_start3A_10] : memref<8192x64xf32, #tpu.memory_space<hbm>> -> memref<256x64xf32, #tpu.memory_space<hbm>>
      tpu.enqueue_dma source(%arg10 : memref<256x64xf32, #tpu.memory_space<vmem>>) target(%dma_start3A_11 : memref<256x64xf32, #tpu.memory_space<hbm>>) target_semaphore(%run_scoped3A : memref<!tpu.dma_semaphore, #tpu.memory_space<semaphore_mem>>)
      %dma_wait3A = arith.constant 0 : i32
      %dma_wait3A_12 = tpu.memref_slice %arg6[%mul3A_2, %dma_wait3A] : memref<8192x64xf32, #tpu.memory_space<hbm>> -> memref<256x64xf32, #tpu.memory_space<hbm>>
      %dma_wait3A_13 = arith.constant 0 : i32
      %dma_wait3A_14 = tpu.memref_slice %arg6[%mul3A_2, %dma_wait3A_13] : memref<8192x64xf32, #tpu.memory_space<hbm>> -> memref<256x64xf32, #tpu.memory_space<hbm>>
      tpu.wait_dma2 semaphore(%run_scoped3A : memref<!tpu.dma_semaphore, #tpu.memory_space<semaphore_mem>>) src(%arg10 : memref<256x64xf32, #tpu.memory_space<vmem>>) dst(%dma_wait3A_14 : memref<256x64xf32, #tpu.memory_space<hbm>>)
      tpu.yield
    }) : () -> ()
    return
  }
}

#map = affine_map<(d0, d1) -> (0, 0)>
module attributes {stable_mosaic.version = 14 : i64} {
  func.func @_sc_gather_body(%arg0: i32, %arg1: i32, %arg2: memref<32x256xi32, #tpu.memory_space<hbm>>, %arg3: memref<32x256xi32, #tpu.memory_space<hbm>>, %arg4: memref<64x1000000xf32, #tpu.memory_space<hbm>>, %arg5: memref<100000x64xf32, #tpu.memory_space<hbm>>, %arg6: memref<8192x64xf32, #tpu.memory_space<hbm>>, %arg7: memref<8192x64xf32, #tpu.memory_space<hbm>>, %arg8: memref<256xi32, #tpu.memory_space<vmem>>, %arg9: memref<256xi32, #tpu.memory_space<vmem>>, %arg10: memref<256x64xf32, #tpu.memory_space<vmem>>, %arg11: memref<64x128xf32, #tpu.memory_space<vmem>>, %arg12: memref<64x128xf32, #tpu.memory_space<vmem>>, %arg13: memref<64x128xf32, #tpu.memory_space<vmem>>, %arg14: memref<64x128xf32, #tpu.memory_space<vmem>>, %arg15: memref<64x128xf32, #tpu.memory_space<vmem>>, %arg16: memref<64x128xf32, #tpu.memory_space<vmem>>, %arg17: memref<!tpu.dma_semaphore, #tpu.memory_space<semaphore_mem>>, %arg18: memref<!tpu.dma_semaphore, #tpu.memory_space<semaphore_mem>>, %arg19: memref<!tpu.dma_semaphore, #tpu.memory_space<semaphore_mem>>, %arg20: memref<!tpu.dma_semaphore, #tpu.memory_space<semaphore_mem>>, %arg21: memref<!tpu.dma_semaphore, #tpu.memory_space<semaphore_mem>>, %arg22: memref<!tpu.dma_semaphore, #tpu.memory_space<semaphore_mem>>, %arg23: memref<!tpu.dma_semaphore, #tpu.memory_space<semaphore_mem>>) attributes {dimension_semantics = [#tpu.dimension_semantics<core_parallel>, #tpu.dimension_semantics<subcore_parallel>], iteration_bounds = array<i64: 2, 16>, scalar_prefetch = 0 : i64, scratch_operands = 16 : i64, tpu.core_type = #tpu.core_type<sc_vector_subcore>, window_params = [{transform_indices = #map}, {transform_indices = #map}, {transform_indices = #map}, {transform_indices = #map}, {transform_indices = #map}, {transform_indices = #map}]} {
    %mul3A = arith.constant 2 : i32
    %mul3A_0 = arith.muli %arg1, %mul3A : i32
    %add3A = arith.addi %mul3A_0, %arg0 : i32
    %mul3A_1 = arith.constant 256 : i32
    %mul3A_2 = arith.muli %add3A, %mul3A_1 : i32
    "tpu.region"() ({
      %run_scoped3A = tpu.sem_alloc : memref<!tpu.dma_semaphore, #tpu.memory_space<semaphore_mem>>
      %dma_start3A = arith.constant 0 : i32
      %dma_start3A_9 = tpu.memref_slice %arg2[%add3A, %dma_start3A] : memref<32x256xi32, #tpu.memory_space<hbm>> -> memref<1x256xi32, #tpu.memory_space<hbm>>
      %dma_start3A_10 = tpu.memref_squeeze %dma_start3A_9 : memref<1x256xi32, #tpu.memory_space<hbm>> -> memref<256xi32, #tpu.memory_space<hbm>>
      %dma_start3A_11 = arith.constant 0 : i32
      %dma_start3A_12 = tpu.memref_slice %arg2[%add3A, %dma_start3A_11] : memref<32x256xi32, #tpu.memory_space<hbm>> -> memref<1x256xi32, #tpu.memory_space<hbm>>
      %dma_start3A_13 = tpu.memref_squeeze %dma_start3A_12 : memref<1x256xi32, #tpu.memory_space<hbm>> -> memref<256xi32, #tpu.memory_space<hbm>>
      tpu.enqueue_dma source(%dma_start3A_13 : memref<256xi32, #tpu.memory_space<hbm>>) target(%arg8 : memref<256xi32, #tpu.memory_space<vmem>>) target_semaphore(%run_scoped3A : memref<!tpu.dma_semaphore, #tpu.memory_space<semaphore_mem>>)
      %dma_wait3A = arith.constant 0 : i32
      %dma_wait3A_14 = tpu.memref_slice %arg2[%add3A, %dma_wait3A] : memref<32x256xi32, #tpu.memory_space<hbm>> -> memref<1x256xi32, #tpu.memory_space<hbm>>
      %dma_wait3A_15 = tpu.memref_squeeze %dma_wait3A_14 : memref<1x256xi32, #tpu.memory_space<hbm>> -> memref<256xi32, #tpu.memory_space<hbm>>
      %dma_wait3A_16 = arith.constant 0 : i32
      %dma_wait3A_17 = tpu.memref_slice %arg2[%add3A, %dma_wait3A_16] : memref<32x256xi32, #tpu.memory_space<hbm>> -> memref<1x256xi32, #tpu.memory_space<hbm>>
      %dma_wait3A_18 = tpu.memref_squeeze %dma_wait3A_17 : memref<1x256xi32, #tpu.memory_space<hbm>> -> memref<256xi32, #tpu.memory_space<hbm>>
      tpu.wait_dma2 semaphore(%run_scoped3A : memref<!tpu.dma_semaphore, #tpu.memory_space<semaphore_mem>>) src(%dma_wait3A_18 : memref<256xi32, #tpu.memory_space<hbm>>) dst(%arg8 : memref<256xi32, #tpu.memory_space<vmem>>)
      tpu.yield
    }) : () -> ()
    "tpu.region"() ({
      %run_scoped3A = tpu.sem_alloc : memref<!tpu.dma_semaphore, #tpu.memory_space<semaphore_mem>>
      %dma_start3A = arith.constant 0 : i32
      %dma_start3A_9 = tpu.memref_slice %arg3[%add3A, %dma_start3A] : memref<32x256xi32, #tpu.memory_space<hbm>> -> memref<1x256xi32, #tpu.memory_space<hbm>>
      %dma_start3A_10 = tpu.memref_squeeze %dma_start3A_9 : memref<1x256xi32, #tpu.memory_space<hbm>> -> memref<256xi32, #tpu.memory_space<hbm>>
      %dma_start3A_11 = arith.constant 0 : i32
      %dma_start3A_12 = tpu.memref_slice %arg3[%add3A, %dma_start3A_11] : memref<32x256xi32, #tpu.memory_space<hbm>> -> memref<1x256xi32, #tpu.memory_space<hbm>>
      %dma_start3A_13 = tpu.memref_squeeze %dma_start3A_12 : memref<1x256xi32, #tpu.memory_space<hbm>> -> memref<256xi32, #tpu.memory_space<hbm>>
      tpu.enqueue_dma source(%dma_start3A_13 : memref<256xi32, #tpu.memory_space<hbm>>) target(%arg9 : memref<256xi32, #tpu.memory_space<vmem>>) target_semaphore(%run_scoped3A : memref<!tpu.dma_semaphore, #tpu.memory_space<semaphore_mem>>)
      %dma_wait3A = arith.constant 0 : i32
      %dma_wait3A_14 = tpu.memref_slice %arg3[%add3A, %dma_wait3A] : memref<32x256xi32, #tpu.memory_space<hbm>> -> memref<1x256xi32, #tpu.memory_space<hbm>>
      %dma_wait3A_15 = tpu.memref_squeeze %dma_wait3A_14 : memref<1x256xi32, #tpu.memory_space<hbm>> -> memref<256xi32, #tpu.memory_space<hbm>>
      %dma_wait3A_16 = arith.constant 0 : i32
      %dma_wait3A_17 = tpu.memref_slice %arg3[%add3A, %dma_wait3A_16] : memref<32x256xi32, #tpu.memory_space<hbm>> -> memref<1x256xi32, #tpu.memory_space<hbm>>
      %dma_wait3A_18 = tpu.memref_squeeze %dma_wait3A_17 : memref<1x256xi32, #tpu.memory_space<hbm>> -> memref<256xi32, #tpu.memory_space<hbm>>
      tpu.wait_dma2 semaphore(%run_scoped3A : memref<!tpu.dma_semaphore, #tpu.memory_space<semaphore_mem>>) src(%dma_wait3A_18 : memref<256xi32, #tpu.memory_space<hbm>>) dst(%arg9 : memref<256xi32, #tpu.memory_space<vmem>>)
      tpu.yield
    }) : () -> ()
    %scan3A = arith.constant 0 : i32
    %scan3A_3 = arith.constant 0 : i32
    %scan3A_4 = arith.constant 16 : i32
    %scan3A_5 = arith.addi %scan3A_3, %scan3A_4 : i32
    %scan3A_6 = arith.constant 1 : i32
    %scan3A_7 = scf.for %scan3A_9 = %scan3A_3 to %scan3A_5 step %scan3A_6 iter_args(%scan3A_10 = %scan3A) -> (i32)  : i32 {
      %mul3A_11 = arith.constant 16 : i32
      %mul3A_12 = arith.muli %scan3A_9, %mul3A_11 : i32
      %get3A = arith.index_cast %mul3A_12 : i32 to index
      %get3A_13 = tpu.vector_load %arg9[%get3A] {strides = array<i32>} : memref<256xi32, #tpu.memory_space<vmem>>, vector<16xi32>,
      %slice3A = vector.extract_strided_slice %get3A_13 {offsets = [0], sizes = [1], strides = [1]} : vector<16xi32> to vector<1xi32>
      %squeeze3A = vector.extract %slice3A[0] : i32 from vector<1xi32>
      %mul3A_14 = arith.constant 16 : i32
      %mul3A_15 = arith.muli %scan3A_9, %mul3A_14 : i32
      %add3A_16 = arith.addi %mul3A_2, %mul3A_15 : i32
      %add3A_17 = arith.constant 0 : i32
      %add3A_18 = arith.addi %add3A_16, %add3A_17 : i32
      %dma_start3A = arith.constant 0 : i32
      %dma_start3A_19 = tpu.memref_slice %arg7[%add3A_18, %dma_start3A] : memref<8192x64xf32, #tpu.memory_space<hbm>> -> memref<1x64xf32, #tpu.memory_space<hbm>>
      %dma_start3A_20 = arith.constant 0 : i32
      %dma_start3A_21 = tpu.memref_slice %arg5[%squeeze3A, %dma_start3A_20] : memref<100000x64xf32, #tpu.memory_space<hbm>> -> memref<1x64xf32, #tpu.memory_space<hbm>>
      tpu.enqueue_dma source(%dma_start3A_21 : memref<1x64xf32, #tpu.memory_space<hbm>>) target(%dma_start3A_19 : memref<1x64xf32, #tpu.memory_space<hbm>>) target_semaphore(%arg17 : memref<!tpu.dma_semaphore, #tpu.memory_space<semaphore_mem>>)
      %slice3A_22 = vector.extract_strided_slice %get3A_13 {offsets = [1], sizes = [1], strides = [1]} : vector<16xi32> to vector<1xi32>
      %squeeze3A_23 = vector.extract %slice3A_22[0] : i32 from vector<1xi32>
      %mul3A_24 = arith.constant 16 : i32
      %mul3A_25 = arith.muli %scan3A_9, %mul3A_24 : i32
      %add3A_26 = arith.addi %mul3A_2, %mul3A_25 : i32
      %add3A_27 = arith.constant 1 : i32
      %add3A_28 = arith.addi %add3A_26, %add3A_27 : i32
      %dma_start3A_29 = arith.constant 0 : i32
      %dma_start3A_30 = tpu.memref_slice %arg7[%add3A_28, %dma_start3A_29] : memref<8192x64xf32, #tpu.memory_space<hbm>> -> memref<1x64xf32, #tpu.memory_space<hbm>>
      %dma_start3A_31 = arith.constant 0 : i32
      %dma_start3A_32 = tpu.memref_slice %arg5[%squeeze3A_23, %dma_start3A_31] : memref<100000x64xf32, #tpu.memory_space<hbm>> -> memref<1x64xf32, #tpu.memory_space<hbm>>
      tpu.enqueue_dma source(%dma_start3A_32 : memref<1x64xf32, #tpu.memory_space<hbm>>) target(%dma_start3A_30 : memref<1x64xf32, #tpu.memory_space<hbm>>) target_semaphore(%arg17 : memref<!tpu.dma_semaphore, #tpu.memory_space<semaphore_mem>>)
      %slice3A_33 = vector.extract_strided_slice %get3A_13 {offsets = [2], sizes = [1], strides = [1]} : vector<16xi32> to vector<1xi32>
      %squeeze3A_34 = vector.extract %slice3A_33[0] : i32 from vector<1xi32>
      %mul3A_35 = arith.constant 16 : i32
      %mul3A_36 = arith.muli %scan3A_9, %mul3A_35 : i32
      %add3A_37 = arith.addi %mul3A_2, %mul3A_36 : i32
      %add3A_38 = arith.constant 2 : i32
      %add3A_39 = arith.addi %add3A_37, %add3A_38 : i32
      %dma_start3A_40 = arith.constant 0 : i32
      %dma_start3A_41 = tpu.memref_slice %arg7[%add3A_39, %dma_start3A_40] : memref<8192x64xf32, #tpu.memory_space<hbm>> -> memref<1x64xf32, #tpu.memory_space<hbm>>
      %dma_start3A_42 = arith.constant 0 : i32
      %dma_start3A_43 = tpu.memref_slice %arg5[%squeeze3A_34, %dma_start3A_42] : memref<100000x64xf32, #tpu.memory_space<hbm>> -> memref<1x64xf32, #tpu.memory_space<hbm>>
      tpu.enqueue_dma source(%dma_start3A_43 : memref<1x64xf32, #tpu.memory_space<hbm>>) target(%dma_start3A_41 : memref<1x64xf32, #tpu.memory_space<hbm>>) target_semaphore(%arg17 : memref<!tpu.dma_semaphore, #tpu.memory_space<semaphore_mem>>)
      %slice3A_44 = vector.extract_strided_slice %get3A_13 {offsets = [3], sizes = [1], strides = [1]} : vector<16xi32> to vector<1xi32>
      %squeeze3A_45 = vector.extract %slice3A_44[0] : i32 from vector<1xi32>
      %mul3A_46 = arith.constant 16 : i32
      %mul3A_47 = arith.muli %scan3A_9, %mul3A_46 : i32
      %add3A_48 = arith.addi %mul3A_2, %mul3A_47 : i32
      %add3A_49 = arith.constant 3 : i32
      %add3A_50 = arith.addi %add3A_48, %add3A_49 : i32
      %dma_start3A_51 = arith.constant 0 : i32
      %dma_start3A_52 = tpu.memref_slice %arg7[%add3A_50, %dma_start3A_51] : memref<8192x64xf32, #tpu.memory_space<hbm>> -> memref<1x64xf32, #tpu.memory_space<hbm>>
      %dma_start3A_53 = arith.constant 0 : i32
      %dma_start3A_54 = tpu.memref_slice %arg5[%squeeze3A_45, %dma_start3A_53] : memref<100000x64xf32, #tpu.memory_space<hbm>> -> memref<1x64xf32, #tpu.memory_space<hbm>>
      tpu.enqueue_dma source(%dma_start3A_54 : memref<1x64xf32, #tpu.memory_space<hbm>>) target(%dma_start3A_52 : memref<1x64xf32, #tpu.memory_space<hbm>>) target_semaphore(%arg17 : memref<!tpu.dma_semaphore, #tpu.memory_space<semaphore_mem>>)
      %slice3A_55 = vector.extract_strided_slice %get3A_13 {offsets = [4], sizes = [1], strides = [1]} : vector<16xi32> to vector<1xi32>
      %squeeze3A_56 = vector.extract %slice3A_55[0] : i32 from vector<1xi32>
      %mul3A_57 = arith.constant 16 : i32
      %mul3A_58 = arith.muli %scan3A_9, %mul3A_57 : i32
      %add3A_59 = arith.addi %mul3A_2, %mul3A_58 : i32
      %add3A_60 = arith.constant 4 : i32
      %add3A_61 = arith.addi %add3A_59, %add3A_60 : i32
      %dma_start3A_62 = arith.constant 0 : i32
      %dma_start3A_63 = tpu.memref_slice %arg7[%add3A_61, %dma_start3A_62] : memref<8192x64xf32, #tpu.memory_space<hbm>> -> memref<1x64xf32, #tpu.memory_space<hbm>>
      %dma_start3A_64 = arith.constant 0 : i32
      %dma_start3A_65 = tpu.memref_slice %arg5[%squeeze3A_56, %dma_start3A_64] : memref<100000x64xf32, #tpu.memory_space<hbm>> -> memref<1x64xf32, #tpu.memory_space<hbm>>
      tpu.enqueue_dma source(%dma_start3A_65 : memref<1x64xf32, #tpu.memory_space<hbm>>) target(%dma_start3A_63 : memref<1x64xf32, #tpu.memory_space<hbm>>) target_semaphore(%arg17 : memref<!tpu.dma_semaphore, #tpu.memory_space<semaphore_mem>>)
      %slice3A_66 = vector.extract_strided_slice %get3A_13 {offsets = [5], sizes = [1], strides = [1]} : vector<16xi32> to vector<1xi32>
      %squeeze3A_67 = vector.extract %slice3A_66[0] : i32 from vector<1xi32>
      %mul3A_68 = arith.constant 16 : i32
      %mul3A_69 = arith.muli %scan3A_9, %mul3A_68 : i32
      %add3A_70 = arith.addi %mul3A_2, %mul3A_69 : i32
      %add3A_71 = arith.constant 5 : i32
      %add3A_72 = arith.addi %add3A_70, %add3A_71 : i32
      %dma_start3A_73 = arith.constant 0 : i32
      %dma_start3A_74 = tpu.memref_slice %arg7[%add3A_72, %dma_start3A_73] : memref<8192x64xf32, #tpu.memory_space<hbm>> -> memref<1x64xf32, #tpu.memory_space<hbm>>
      %dma_start3A_75 = arith.constant 0 : i32
      %dma_start3A_76 = tpu.memref_slice %arg5[%squeeze3A_67, %dma_start3A_75] : memref<100000x64xf32, #tpu.memory_space<hbm>> -> memref<1x64xf32, #tpu.memory_space<hbm>>
      tpu.enqueue_dma source(%dma_start3A_76 : memref<1x64xf32, #tpu.memory_space<hbm>>) target(%dma_start3A_74 : memref<1x64xf32, #tpu.memory_space<hbm>>) target_semaphore(%arg17 : memref<!tpu.dma_semaphore, #tpu.memory_space<semaphore_mem>>)
      %slice3A_77 = vector.extract_strided_slice %get3A_13 {offsets = [6], sizes = [1], strides = [1]} : vector<16xi32> to vector<1xi32>
      %squeeze3A_78 = vector.extract %slice3A_77[0] : i32 from vector<1xi32>
      %mul3A_79 = arith.constant 16 : i32
      %mul3A_80 = arith.muli %scan3A_9, %mul3A_79 : i32
      %add3A_81 = arith.addi %mul3A_2, %mul3A_80 : i32
      %add3A_82 = arith.constant 6 : i32
      %add3A_83 = arith.addi %add3A_81, %add3A_82 : i32
      %dma_start3A_84 = arith.constant 0 : i32
      %dma_start3A_85 = tpu.memref_slice %arg7[%add3A_83, %dma_start3A_84] : memref<8192x64xf32, #tpu.memory_space<hbm>> -> memref<1x64xf32, #tpu.memory_space<hbm>>
      %dma_start3A_86 = arith.constant 0 : i32
      %dma_start3A_87 = tpu.memref_slice %arg5[%squeeze3A_78, %dma_start3A_86] : memref<100000x64xf32, #tpu.memory_space<hbm>> -> memref<1x64xf32, #tpu.memory_space<hbm>>
      tpu.enqueue_dma source(%dma_start3A_87 : memref<1x64xf32, #tpu.memory_space<hbm>>) target(%dma_start3A_85 : memref<1x64xf32, #tpu.memory_space<hbm>>) target_semaphore(%arg17 : memref<!tpu.dma_semaphore, #tpu.memory_space<semaphore_mem>>)
      %slice3A_88 = vector.extract_strided_slice %get3A_13 {offsets = [7], sizes = [1], strides = [1]} : vector<16xi32> to vector<1xi32>
      %squeeze3A_89 = vector.extract %slice3A_88[0] : i32 from vector<1xi32>
      %mul3A_90 = arith.constant 16 : i32
      %mul3A_91 = arith.muli %scan3A_9, %mul3A_90 : i32
      %add3A_92 = arith.addi %mul3A_2, %mul3A_91 : i32
      %add3A_93 = arith.constant 7 : i32
      %add3A_94 = arith.addi %add3A_92, %add3A_93 : i32
      %dma_start3A_95 = arith.constant 0 : i32
      %dma_start3A_96 = tpu.memref_slice %arg7[%add3A_94, %dma_start3A_95] : memref<8192x64xf32, #tpu.memory_space<hbm>> -> memref<1x64xf32, #tpu.memory_space<hbm>>
      %dma_start3A_97 = arith.constant 0 : i32
      %dma_start3A_98 = tpu.memref_slice %arg5[%squeeze3A_89, %dma_start3A_97] : memref<100000x64xf32, #tpu.memory_space<hbm>> -> memref<1x64xf32, #tpu.memory_space<hbm>>
      tpu.enqueue_dma source(%dma_start3A_98 : memref<1x64xf32, #tpu.memory_space<hbm>>) target(%dma_start3A_96 : memref<1x64xf32, #tpu.memory_space<hbm>>) target_semaphore(%arg17 : memref<!tpu.dma_semaphore, #tpu.memory_space<semaphore_mem>>)
      %slice3A_99 = vector.extract_strided_slice %get3A_13 {offsets = [8], sizes = [1], strides = [1]} : vector<16xi32> to vector<1xi32>
      %squeeze3A_100 = vector.extract %slice3A_99[0] : i32 from vector<1xi32>
      %mul3A_101 = arith.constant 16 : i32
      %mul3A_102 = arith.muli %scan3A_9, %mul3A_101 : i32
      %add3A_103 = arith.addi %mul3A_2, %mul3A_102 : i32
      %add3A_104 = arith.constant 8 : i32
      %add3A_105 = arith.addi %add3A_103, %add3A_104 : i32
      %dma_start3A_106 = arith.constant 0 : i32
      %dma_start3A_107 = tpu.memref_slice %arg7[%add3A_105, %dma_start3A_106] : memref<8192x64xf32, #tpu.memory_space<hbm>> -> memref<1x64xf32, #tpu.memory_space<hbm>>
      %dma_start3A_108 = arith.constant 0 : i32
      %dma_start3A_109 = tpu.memref_slice %arg5[%squeeze3A_100, %dma_start3A_108] : memref<100000x64xf32, #tpu.memory_space<hbm>> -> memref<1x64xf32, #tpu.memory_space<hbm>>
      tpu.enqueue_dma source(%dma_start3A_109 : memref<1x64xf32, #tpu.memory_space<hbm>>) target(%dma_start3A_107 : memref<1x64xf32, #tpu.memory_space<hbm>>) target_semaphore(%arg17 : memref<!tpu.dma_semaphore, #tpu.memory_space<semaphore_mem>>)
      %slice3A_110 = vector.extract_strided_slice %get3A_13 {offsets = [9], sizes = [1], strides = [1]} : vector<16xi32> to vector<1xi32>
      %squeeze3A_111 = vector.extract %slice3A_110[0] : i32 from vector<1xi32>
      %mul3A_112 = arith.constant 16 : i32
      %mul3A_113 = arith.muli %scan3A_9, %mul3A_112 : i32
      %add3A_114 = arith.addi %mul3A_2, %mul3A_113 : i32
      %add3A_115 = arith.constant 9 : i32
      %add3A_116 = arith.addi %add3A_114, %add3A_115 : i32
      %dma_start3A_117 = arith.constant 0 : i32
      %dma_start3A_118 = tpu.memref_slice %arg7[%add3A_116, %dma_start3A_117] : memref<8192x64xf32, #tpu.memory_space<hbm>> -> memref<1x64xf32, #tpu.memory_space<hbm>>
      %dma_start3A_119 = arith.constant 0 : i32
      %dma_start3A_120 = tpu.memref_slice %arg5[%squeeze3A_111, %dma_start3A_119] : memref<100000x64xf32, #tpu.memory_space<hbm>> -> memref<1x64xf32, #tpu.memory_space<hbm>>
      tpu.enqueue_dma source(%dma_start3A_120 : memref<1x64xf32, #tpu.memory_space<hbm>>) target(%dma_start3A_118 : memref<1x64xf32, #tpu.memory_space<hbm>>) target_semaphore(%arg17 : memref<!tpu.dma_semaphore, #tpu.memory_space<semaphore_mem>>)
      %slice3A_121 = vector.extract_strided_slice %get3A_13 {offsets = [10], sizes = [1], strides = [1]} : vector<16xi32> to vector<1xi32>
      %squeeze3A_122 = vector.extract %slice3A_121[0] : i32 from vector<1xi32>
      %mul3A_123 = arith.constant 16 : i32
      %mul3A_124 = arith.muli %scan3A_9, %mul3A_123 : i32
      %add3A_125 = arith.addi %mul3A_2, %mul3A_124 : i32
      %add3A_126 = arith.constant 10 : i32
      %add3A_127 = arith.addi %add3A_125, %add3A_126 : i32
      %dma_start3A_128 = arith.constant 0 : i32
      %dma_start3A_129 = tpu.memref_slice %arg7[%add3A_127, %dma_start3A_128] : memref<8192x64xf32, #tpu.memory_space<hbm>> -> memref<1x64xf32, #tpu.memory_space<hbm>>
      %dma_start3A_130 = arith.constant 0 : i32
      %dma_start3A_131 = tpu.memref_slice %arg5[%squeeze3A_122, %dma_start3A_130] : memref<100000x64xf32, #tpu.memory_space<hbm>> -> memref<1x64xf32, #tpu.memory_space<hbm>>
      tpu.enqueue_dma source(%dma_start3A_131 : memref<1x64xf32, #tpu.memory_space<hbm>>) target(%dma_start3A_129 : memref<1x64xf32, #tpu.memory_space<hbm>>) target_semaphore(%arg17 : memref<!tpu.dma_semaphore, #tpu.memory_space<semaphore_mem>>)
      %slice3A_132 = vector.extract_strided_slice %get3A_13 {offsets = [11], sizes = [1], strides = [1]} : vector<16xi32> to vector<1xi32>
      %squeeze3A_133 = vector.extract %slice3A_132[0] : i32 from vector<1xi32>
      %mul3A_134 = arith.constant 16 : i32
      %mul3A_135 = arith.muli %scan3A_9, %mul3A_134 : i32
      %add3A_136 = arith.addi %mul3A_2, %mul3A_135 : i32
      %add3A_137 = arith.constant 11 : i32
      %add3A_138 = arith.addi %add3A_136, %add3A_137 : i32
      %dma_start3A_139 = arith.constant 0 : i32
      %dma_start3A_140 = tpu.memref_slice %arg7[%add3A_138, %dma_start3A_139] : memref<8192x64xf32, #tpu.memory_space<hbm>> -> memref<1x64xf32, #tpu.memory_space<hbm>>
      %dma_start3A_141 = arith.constant 0 : i32
      %dma_start3A_142 = tpu.memref_slice %arg5[%squeeze3A_133, %dma_start3A_141] : memref<100000x64xf32, #tpu.memory_space<hbm>> -> memref<1x64xf32, #tpu.memory_space<hbm>>
      tpu.enqueue_dma source(%dma_start3A_142 : memref<1x64xf32, #tpu.memory_space<hbm>>) target(%dma_start3A_140 : memref<1x64xf32, #tpu.memory_space<hbm>>) target_semaphore(%arg17 : memref<!tpu.dma_semaphore, #tpu.memory_space<semaphore_mem>>)
      %slice3A_143 = vector.extract_strided_slice %get3A_13 {offsets = [12], sizes = [1], strides = [1]} : vector<16xi32> to vector<1xi32>
      %squeeze3A_144 = vector.extract %slice3A_143[0] : i32 from vector<1xi32>
      %mul3A_145 = arith.constant 16 : i32
      %mul3A_146 = arith.muli %scan3A_9, %mul3A_145 : i32
      %add3A_147 = arith.addi %mul3A_2, %mul3A_146 : i32
      %add3A_148 = arith.constant 12 : i32
      %add3A_149 = arith.addi %add3A_147, %add3A_148 : i32
      %dma_start3A_150 = arith.constant 0 : i32
      %dma_start3A_151 = tpu.memref_slice %arg7[%add3A_149, %dma_start3A_150] : memref<8192x64xf32, #tpu.memory_space<hbm>> -> memref<1x64xf32, #tpu.memory_space<hbm>>
      %dma_start3A_152 = arith.constant 0 : i32
      %dma_start3A_153 = tpu.memref_slice %arg5[%squeeze3A_144, %dma_start3A_152] : memref<100000x64xf32, #tpu.memory_space<hbm>> -> memref<1x64xf32, #tpu.memory_space<hbm>>
      tpu.enqueue_dma source(%dma_start3A_153 : memref<1x64xf32, #tpu.memory_space<hbm>>) target(%dma_start3A_151 : memref<1x64xf32, #tpu.memory_space<hbm>>) target_semaphore(%arg17 : memref<!tpu.dma_semaphore, #tpu.memory_space<semaphore_mem>>)
      %slice3A_154 = vector.extract_strided_slice %get3A_13 {offsets = [13], sizes = [1], strides = [1]} : vector<16xi32> to vector<1xi32>
      %squeeze3A_155 = vector.extract %slice3A_154[0] : i32 from vector<1xi32>
      %mul3A_156 = arith.constant 16 : i32
      %mul3A_157 = arith.muli %scan3A_9, %mul3A_156 : i32
      %add3A_158 = arith.addi %mul3A_2, %mul3A_157 : i32
      %add3A_159 = arith.constant 13 : i32
      %add3A_160 = arith.addi %add3A_158, %add3A_159 : i32
      %dma_start3A_161 = arith.constant 0 : i32
      %dma_start3A_162 = tpu.memref_slice %arg7[%add3A_160, %dma_start3A_161] : memref<8192x64xf32, #tpu.memory_space<hbm>> -> memref<1x64xf32, #tpu.memory_space<hbm>>
      %dma_start3A_163 = arith.constant 0 : i32
      %dma_start3A_164 = tpu.memref_slice %arg5[%squeeze3A_155, %dma_start3A_163] : memref<100000x64xf32, #tpu.memory_space<hbm>> -> memref<1x64xf32, #tpu.memory_space<hbm>>
      tpu.enqueue_dma source(%dma_start3A_164 : memref<1x64xf32, #tpu.memory_space<hbm>>) target(%dma_start3A_162 : memref<1x64xf32, #tpu.memory_space<hbm>>) target_semaphore(%arg17 : memref<!tpu.dma_semaphore, #tpu.memory_space<semaphore_mem>>)
      %slice3A_165 = vector.extract_strided_slice %get3A_13 {offsets = [14], sizes = [1], strides = [1]} : vector<16xi32> to vector<1xi32>
      %squeeze3A_166 = vector.extract %slice3A_165[0] : i32 from vector<1xi32>
      %mul3A_167 = arith.constant 16 : i32
      %mul3A_168 = arith.muli %scan3A_9, %mul3A_167 : i32
      %add3A_169 = arith.addi %mul3A_2, %mul3A_168 : i32
      %add3A_170 = arith.constant 14 : i32
      %add3A_171 = arith.addi %add3A_169, %add3A_170 : i32
      %dma_start3A_172 = arith.constant 0 : i32
      %dma_start3A_173 = tpu.memref_slice %arg7[%add3A_171, %dma_start3A_172] : memref<8192x64xf32, #tpu.memory_space<hbm>> -> memref<1x64xf32, #tpu.memory_space<hbm>>
      %dma_start3A_174 = arith.constant 0 : i32
      %dma_start3A_175 = tpu.memref_slice %arg5[%squeeze3A_166, %dma_start3A_174] : memref<100000x64xf32, #tpu.memory_space<hbm>> -> memref<1x64xf32, #tpu.memory_space<hbm>>
      tpu.enqueue_dma source(%dma_start3A_175 : memref<1x64xf32, #tpu.memory_space<hbm>>) target(%dma_start3A_173 : memref<1x64xf32, #tpu.memory_space<hbm>>) target_semaphore(%arg17 : memref<!tpu.dma_semaphore, #tpu.memory_space<semaphore_mem>>)
      %slice3A_176 = vector.extract_strided_slice %get3A_13 {offsets = [15], sizes = [1], strides = [1]} : vector<16xi32> to vector<1xi32>
      %squeeze3A_177 = vector.extract %slice3A_176[0] : i32 from vector<1xi32>
      %mul3A_178 = arith.constant 16 : i32
      %mul3A_179 = arith.muli %scan3A_9, %mul3A_178 : i32
      %add3A_180 = arith.addi %mul3A_2, %mul3A_179 : i32
      %add3A_181 = arith.constant 15 : i32
      %add3A_182 = arith.addi %add3A_180, %add3A_181 : i32
      %dma_start3A_183 = arith.constant 0 : i32
      %dma_start3A_184 = tpu.memref_slice %arg7[%add3A_182, %dma_start3A_183] : memref<8192x64xf32, #tpu.memory_space<hbm>> -> memref<1x64xf32, #tpu.memory_space<hbm>>
      %dma_start3A_185 = arith.constant 0 : i32
      %dma_start3A_186 = tpu.memref_slice %arg5[%squeeze3A_177, %dma_start3A_185] : memref<100000x64xf32, #tpu.memory_space<hbm>> -> memref<1x64xf32, #tpu.memory_space<hbm>>
      tpu.enqueue_dma source(%dma_start3A_186 : memref<1x64xf32, #tpu.memory_space<hbm>>) target(%dma_start3A_184 : memref<1x64xf32, #tpu.memory_space<hbm>>) target_semaphore(%arg17 : memref<!tpu.dma_semaphore, #tpu.memory_space<semaphore_mem>>)
      %mul3A_187 = arith.constant 16 : i32
      %mul3A_188 = arith.muli %scan3A_9, %mul3A_187 : i32
      %get3A_189 = arith.index_cast %mul3A_188 : i32 to index
      %get3A_190 = tpu.vector_load %arg8[%get3A_189] {strides = array<i32>} : memref<256xi32, #tpu.memory_space<vmem>>, vector<16xi32>,
      %slice3A_191 = vector.extract_strided_slice %get3A_190 {offsets = [0], sizes = [1], strides = [1]} : vector<16xi32> to vector<1xi32>
      %squeeze3A_192 = vector.extract %slice3A_191[0] : i32 from vector<1xi32>
      %shift_right_arithmetic3A = arith.constant 7 : i32
      %shift_right_arithmetic3A_193 = arith.shrsi %squeeze3A_192, %shift_right_arithmetic3A : i32
      %shift_left3A = arith.constant 7 : i32
      %shift_left3A_194 = arith.shli %shift_right_arithmetic3A_193, %shift_left3A : i32
      %multiple_of3A = tpu.assume_multiple %shift_left3A_194, 128 : i32
      %dma_start3A_195 = arith.constant 0 : i32
      %dma_start3A_196 = tpu.memref_slice %arg4[%dma_start3A_195, %multiple_of3A] : memref<64x1000000xf32, #tpu.memory_space<hbm>> -> memref<64x128xf32, #tpu.memory_space<hbm>>
      %dma_start3A_197 = arith.constant 0 : i32
      %dma_start3A_198 = tpu.memref_slice %arg4[%dma_start3A_197, %multiple_of3A] : memref<64x1000000xf32, #tpu.memory_space<hbm>> -> memref<64x128xf32, #tpu.memory_space<hbm>>
      tpu.enqueue_dma source(%dma_start3A_198 : memref<64x128xf32, #tpu.memory_space<hbm>>) target(%arg11 : memref<64x128xf32, #tpu.memory_space<vmem>>) target_semaphore(%arg18 : memref<!tpu.dma_semaphore, #tpu.memory_space<semaphore_mem>>)
      %slice3A_199 = vector.extract_strided_slice %get3A_190 {offsets = [1], sizes = [1], strides = [1]} : vector<16xi32> to vector<1xi32>
      %squeeze3A_200 = vector.extract %slice3A_199[0] : i32 from vector<1xi32>
      %shift_right_arithmetic3A_201 = arith.constant 7 : i32
      %shift_right_arithmetic3A_202 = arith.shrsi %squeeze3A_200, %shift_right_arithmetic3A_201 : i32
      %shift_left3A_203 = arith.constant 7 : i32
      %shift_left3A_204 = arith.shli %shift_right_arithmetic3A_202, %shift_left3A_203 : i32
      %multiple_of3A_205 = tpu.assume_multiple %shift_left3A_204, 128 : i32
      %dma_start3A_206 = arith.constant 0 : i32
      %dma_start3A_207 = tpu.memref_slice %arg4[%dma_start3A_206, %multiple_of3A_205] : memref<64x1000000xf32, #tpu.memory_space<hbm>> -> memref<64x128xf32, #tpu.memory_space<hbm>>
      %dma_start3A_208 = arith.constant 0 : i32
      %dma_start3A_209 = tpu.memref_slice %arg4[%dma_start3A_208, %multiple_of3A_205] : memref<64x1000000xf32, #tpu.memory_space<hbm>> -> memref<64x128xf32, #tpu.memory_space<hbm>>
      tpu.enqueue_dma source(%dma_start3A_209 : memref<64x128xf32, #tpu.memory_space<hbm>>) target(%arg12 : memref<64x128xf32, #tpu.memory_space<vmem>>) target_semaphore(%arg19 : memref<!tpu.dma_semaphore, #tpu.memory_space<semaphore_mem>>)
      %slice3A_210 = vector.extract_strided_slice %get3A_190 {offsets = [2], sizes = [1], strides = [1]} : vector<16xi32> to vector<1xi32>
      %squeeze3A_211 = vector.extract %slice3A_210[0] : i32 from vector<1xi32>
      %shift_right_arithmetic3A_212 = arith.constant 7 : i32
      %shift_right_arithmetic3A_213 = arith.shrsi %squeeze3A_211, %shift_right_arithmetic3A_212 : i32
      %shift_left3A_214 = arith.constant 7 : i32
      %shift_left3A_215 = arith.shli %shift_right_arithmetic3A_213, %shift_left3A_214 : i32
      %multiple_of3A_216 = tpu.assume_multiple %shift_left3A_215, 128 : i32
      %dma_start3A_217 = arith.constant 0 : i32
      %dma_start3A_218 = tpu.memref_slice %arg4[%dma_start3A_217, %multiple_of3A_216] : memref<64x1000000xf32, #tpu.memory_space<hbm>> -> memref<64x128xf32, #tpu.memory_space<hbm>>
      %dma_start3A_219 = arith.constant 0 : i32
      %dma_start3A_220 = tpu.memref_slice %arg4[%dma_start3A_219, %multiple_of3A_216] : memref<64x1000000xf32, #tpu.memory_space<hbm>> -> memref<64x128xf32, #tpu.memory_space<hbm>>
      tpu.enqueue_dma source(%dma_start3A_220 : memref<64x128xf32, #tpu.memory_space<hbm>>) target(%arg13 : memref<64x128xf32, #tpu.memory_space<vmem>>) target_semaphore(%arg20 : memref<!tpu.dma_semaphore, #tpu.memory_space<semaphore_mem>>)
      %slice3A_221 = vector.extract_strided_slice %get3A_190 {offsets = [3], sizes = [1], strides = [1]} : vector<16xi32> to vector<1xi32>
      %squeeze3A_222 = vector.extract %slice3A_221[0] : i32 from vector<1xi32>
      %shift_right_arithmetic3A_223 = arith.constant 7 : i32
      %shift_right_arithmetic3A_224 = arith.shrsi %squeeze3A_222, %shift_right_arithmetic3A_223 : i32
      %shift_left3A_225 = arith.constant 7 : i32
      %shift_left3A_226 = arith.shli %shift_right_arithmetic3A_224, %shift_left3A_225 : i32
      %multiple_of3A_227 = tpu.assume_multiple %shift_left3A_226, 128 : i32
      %dma_start3A_228 = arith.constant 0 : i32
      %dma_start3A_229 = tpu.memref_slice %arg4[%dma_start3A_228, %multiple_of3A_227] : memref<64x1000000xf32, #tpu.memory_space<hbm>> -> memref<64x128xf32, #tpu.memory_space<hbm>>
      %dma_start3A_230 = arith.constant 0 : i32
      %dma_start3A_231 = tpu.memref_slice %arg4[%dma_start3A_230, %multiple_of3A_227] : memref<64x1000000xf32, #tpu.memory_space<hbm>> -> memref<64x128xf32, #tpu.memory_space<hbm>>
      tpu.enqueue_dma source(%dma_start3A_231 : memref<64x128xf32, #tpu.memory_space<hbm>>) target(%arg14 : memref<64x128xf32, #tpu.memory_space<vmem>>) target_semaphore(%arg21 : memref<!tpu.dma_semaphore, #tpu.memory_space<semaphore_mem>>)
      %slice3A_232 = vector.extract_strided_slice %get3A_190 {offsets = [4], sizes = [1], strides = [1]} : vector<16xi32> to vector<1xi32>
      %squeeze3A_233 = vector.extract %slice3A_232[0] : i32 from vector<1xi32>
      %shift_right_arithmetic3A_234 = arith.constant 7 : i32
      %shift_right_arithmetic3A_235 = arith.shrsi %squeeze3A_233, %shift_right_arithmetic3A_234 : i32
      %shift_left3A_236 = arith.constant 7 : i32
      %shift_left3A_237 = arith.shli %shift_right_arithmetic3A_235, %shift_left3A_236 : i32
      %multiple_of3A_238 = tpu.assume_multiple %shift_left3A_237, 128 : i32
      %dma_start3A_239 = arith.constant 0 : i32
      %dma_start3A_240 = tpu.memref_slice %arg4[%dma_start3A_239, %multiple_of3A_238] : memref<64x1000000xf32, #tpu.memory_space<hbm>> -> memref<64x128xf32, #tpu.memory_space<hbm>>
      %dma_start3A_241 = arith.constant 0 : i32
      %dma_start3A_242 = tpu.memref_slice %arg4[%dma_start3A_241, %multiple_of3A_238] : memref<64x1000000xf32, #tpu.memory_space<hbm>> -> memref<64x128xf32, #tpu.memory_space<hbm>>
      tpu.enqueue_dma source(%dma_start3A_242 : memref<64x128xf32, #tpu.memory_space<hbm>>) target(%arg15 : memref<64x128xf32, #tpu.memory_space<vmem>>) target_semaphore(%arg22 : memref<!tpu.dma_semaphore, #tpu.memory_space<semaphore_mem>>)
      %slice3A_243 = vector.extract_strided_slice %get3A_190 {offsets = [5], sizes = [1], strides = [1]} : vector<16xi32> to vector<1xi32>
      %squeeze3A_244 = vector.extract %slice3A_243[0] : i32 from vector<1xi32>
      %shift_right_arithmetic3A_245 = arith.constant 7 : i32
      %shift_right_arithmetic3A_246 = arith.shrsi %squeeze3A_244, %shift_right_arithmetic3A_245 : i32
      %shift_left3A_247 = arith.constant 7 : i32
      %shift_left3A_248 = arith.shli %shift_right_arithmetic3A_246, %shift_left3A_247 : i32
      %multiple_of3A_249 = tpu.assume_multiple %shift_left3A_248, 128 : i32
      %dma_start3A_250 = arith.constant 0 : i32
      %dma_start3A_251 = tpu.memref_slice %arg4[%dma_start3A_250, %multiple_of3A_249] : memref<64x1000000xf32, #tpu.memory_space<hbm>> -> memref<64x128xf32, #tpu.memory_space<hbm>>
      %dma_start3A_252 = arith.constant 0 : i32
      %dma_start3A_253 = tpu.memref_slice %arg4[%dma_start3A_252, %multiple_of3A_249] : memref<64x1000000xf32, #tpu.memory_space<hbm>> -> memref<64x128xf32, #tpu.memory_space<hbm>>
      tpu.enqueue_dma source(%dma_start3A_253 : memref<64x128xf32, #tpu.memory_space<hbm>>) target(%arg16 : memref<64x128xf32, #tpu.memory_space<vmem>>) target_semaphore(%arg23 : memref<!tpu.dma_semaphore, #tpu.memory_space<semaphore_mem>>)
      %dma_wait3A = arith.constant 0 : i32
      %dma_wait3A_254 = tpu.memref_slice %arg4[%dma_wait3A, %multiple_of3A] : memref<64x1000000xf32, #tpu.memory_space<hbm>> -> memref<64x128xf32, #tpu.memory_space<hbm>>
      %dma_wait3A_255 = arith.constant 0 : i32
      %dma_wait3A_256 = tpu.memref_slice %arg4[%dma_wait3A_255, %multiple_of3A] : memref<64x1000000xf32, #tpu.memory_space<hbm>> -> memref<64x128xf32, #tpu.memory_space<hbm>>
      tpu.wait_dma2 semaphore(%arg18 : memref<!tpu.dma_semaphore, #tpu.memory_space<semaphore_mem>>) src(%dma_wait3A_256 : memref<64x128xf32, #tpu.memory_space<hbm>>) dst(%arg11 : memref<64x128xf32, #tpu.memory_space<vmem>>)
      %mul3A_257 = arith.constant 16 : i32
      %mul3A_258 = arith.muli %scan3A_9, %mul3A_257 : i32
      %add3A_259 = arith.constant 0 : i32
      %add3A_260 = arith.addi %mul3A_258, %add3A_259 : i32
      %slice3A_261 = vector.extract_strided_slice %get3A_190 {offsets = [0], sizes = [1], strides = [1]} : vector<16xi32> to vector<1xi32>
      %squeeze3A_262 = vector.extract %slice3A_261[0] : i32 from vector<1xi32>
      %and3A = arith.constant 127 : i32
      %and3A_263 = arith.andi %squeeze3A_262, %and3A : i32
      %broadcast_in_dim3A = vector.broadcast %and3A_263 : i32 to vector<16xi32>
      %iota3A = tpu.iota {dimensions = array<i32: 0>} : vector<16xi32>
      %add3A_264 = arith.constant 0 : i32
      %add3A_265 = vector.broadcast %add3A_264 : i32 to vector<16xi32>
      %add3A_266 = arith.addi %iota3A, %add3A_265 : vector<16xi32>
      %gather3A = tpu.vector_load_idx %arg11[%add3A_266, %broadcast_in_dim3A] : memref<64x128xf32, #tpu.memory_space<vmem>>[vector<16xi32>, vector<16xi32>], vector<16xf32>,
      %swap3A = arith.index_cast %add3A_260 : i32 to index
      %swap3A_267 = arith.constant 0 : index
      %swap3A_268 = tpu.vector_load %arg10[%swap3A, %swap3A_267] {strides = array<i32>} : memref<256x64xf32, #tpu.memory_space<vmem>>, vector<16xf32>,
      tpu.vector_store %arg10[%swap3A, %swap3A_267], %gather3A {strides = array<i32>} : memref<256x64xf32, #tpu.memory_space<vmem>>, vector<16xf32>,
      %iota3A_269 = tpu.iota {dimensions = array<i32: 0>} : vector<16xi32>
      %add3A_270 = arith.constant 16 : i32
      %add3A_271 = vector.broadcast %add3A_270 : i32 to vector<16xi32>
      %add3A_272 = arith.addi %iota3A_269, %add3A_271 : vector<16xi32>
      %gather3A_273 = tpu.vector_load_idx %arg11[%add3A_272, %broadcast_in_dim3A] : memref<64x128xf32, #tpu.memory_space<vmem>>[vector<16xi32>, vector<16xi32>], vector<16xf32>,
      %swap3A_274 = arith.index_cast %add3A_260 : i32 to index
      %swap3A_275 = arith.constant 16 : index
      %swap3A_276 = tpu.vector_load %arg10[%swap3A_274, %swap3A_275] {strides = array<i32>} : memref<256x64xf32, #tpu.memory_space<vmem>>, vector<16xf32>,
      tpu.vector_store %arg10[%swap3A_274, %swap3A_275], %gather3A_273 {strides = array<i32>} : memref<256x64xf32, #tpu.memory_space<vmem>>, vector<16xf32>,
      %iota3A_277 = tpu.iota {dimensions = array<i32: 0>} : vector<16xi32>
      %add3A_278 = arith.constant 32 : i32
      %add3A_279 = vector.broadcast %add3A_278 : i32 to vector<16xi32>
      %add3A_280 = arith.addi %iota3A_277, %add3A_279 : vector<16xi32>
      %gather3A_281 = tpu.vector_load_idx %arg11[%add3A_280, %broadcast_in_dim3A] : memref<64x128xf32, #tpu.memory_space<vmem>>[vector<16xi32>, vector<16xi32>], vector<16xf32>,
      %swap3A_282 = arith.index_cast %add3A_260 : i32 to index
      %swap3A_283 = arith.constant 32 : index
      %swap3A_284 = tpu.vector_load %arg10[%swap3A_282, %swap3A_283] {strides = array<i32>} : memref<256x64xf32, #tpu.memory_space<vmem>>, vector<16xf32>,
      tpu.vector_store %arg10[%swap3A_282, %swap3A_283], %gather3A_281 {strides = array<i32>} : memref<256x64xf32, #tpu.memory_space<vmem>>, vector<16xf32>,
      %iota3A_285 = tpu.iota {dimensions = array<i32: 0>} : vector<16xi32>
      %add3A_286 = arith.constant 48 : i32
      %add3A_287 = vector.broadcast %add3A_286 : i32 to vector<16xi32>
      %add3A_288 = arith.addi %iota3A_285, %add3A_287 : vector<16xi32>
      %gather3A_289 = tpu.vector_load_idx %arg11[%add3A_288, %broadcast_in_dim3A] : memref<64x128xf32, #tpu.memory_space<vmem>>[vector<16xi32>, vector<16xi32>], vector<16xf32>,
      %swap3A_290 = arith.index_cast %add3A_260 : i32 to index
      %swap3A_291 = arith.constant 48 : index
      %swap3A_292 = tpu.vector_load %arg10[%swap3A_290, %swap3A_291] {strides = array<i32>} : memref<256x64xf32, #tpu.memory_space<vmem>>, vector<16xf32>,
      tpu.vector_store %arg10[%swap3A_290, %swap3A_291], %gather3A_289 {strides = array<i32>} : memref<256x64xf32, #tpu.memory_space<vmem>>, vector<16xf32>,
      %slice3A_293 = vector.extract_strided_slice %get3A_190 {offsets = [6], sizes = [1], strides = [1]} : vector<16xi32> to vector<1xi32>
      %squeeze3A_294 = vector.extract %slice3A_293[0] : i32 from vector<1xi32>
      %shift_right_arithmetic3A_295 = arith.constant 7 : i32
      %shift_right_arithmetic3A_296 = arith.shrsi %squeeze3A_294, %shift_right_arithmetic3A_295 : i32
      %shift_left3A_297 = arith.constant 7 : i32
      %shift_left3A_298 = arith.shli %shift_right_arithmetic3A_296, %shift_left3A_297 : i32
      %multiple_of3A_299 = tpu.assume_multiple %shift_left3A_298, 128 : i32
      %dma_start3A_300 = arith.constant 0 : i32
      %dma_start3A_301 = tpu.memref_slice %arg4[%dma_start3A_300, %multiple_of3A_299] : memref<64x1000000xf32, #tpu.memory_space<hbm>> -> memref<64x128xf32, #tpu.memory_space<hbm>>
      %dma_start3A_302 = arith.constant 0 : i32
      %dma_start3A_303 = tpu.memref_slice %arg4[%dma_start3A_302, %multiple_of3A_299] : memref<64x1000000xf32, #tpu.memory_space<hbm>> -> memref<64x128xf32, #tpu.memory_space<hbm>>
      tpu.enqueue_dma source(%dma_start3A_303 : memref<64x128xf32, #tpu.memory_space<hbm>>) target(%arg11 : memref<64x128xf32, #tpu.memory_space<vmem>>) target_semaphore(%arg18 : memref<!tpu.dma_semaphore, #tpu.memory_space<semaphore_mem>>)
      %dma_wait3A_304 = arith.constant 0 : i32
      %dma_wait3A_305 = tpu.memref_slice %arg4[%dma_wait3A_304, %multiple_of3A_205] : memref<64x1000000xf32, #tpu.memory_space<hbm>> -> memref<64x128xf32, #tpu.memory_space<hbm>>
      %dma_wait3A_306 = arith.constant 0 : i32
      %dma_wait3A_307 = tpu.memref_slice %arg4[%dma_wait3A_306, %multiple_of3A_205] : memref<64x1000000xf32, #tpu.memory_space<hbm>> -> memref<64x128xf32, #tpu.memory_space<hbm>>
      tpu.wait_dma2 semaphore(%arg19 : memref<!tpu.dma_semaphore, #tpu.memory_space<semaphore_mem>>) src(%dma_wait3A_307 : memref<64x128xf32, #tpu.memory_space<hbm>>) dst(%arg12 : memref<64x128xf32, #tpu.memory_space<vmem>>)
      %mul3A_308 = arith.constant 16 : i32
      %mul3A_309 = arith.muli %scan3A_9, %mul3A_308 : i32
      %add3A_310 = arith.constant 1 : i32
      %add3A_311 = arith.addi %mul3A_309, %add3A_310 : i32
      %slice3A_312 = vector.extract_strided_slice %get3A_190 {offsets = [1], sizes = [1], strides = [1]} : vector<16xi32> to vector<1xi32>
      %squeeze3A_313 = vector.extract %slice3A_312[0] : i32 from vector<1xi32>
      %and3A_314 = arith.constant 127 : i32
      %and3A_315 = arith.andi %squeeze3A_313, %and3A_314 : i32
      %broadcast_in_dim3A_316 = vector.broadcast %and3A_315 : i32 to vector<16xi32>
      %iota3A_317 = tpu.iota {dimensions = array<i32: 0>} : vector<16xi32>
      %add3A_318 = arith.constant 0 : i32
      %add3A_319 = vector.broadcast %add3A_318 : i32 to vector<16xi32>
      %add3A_320 = arith.addi %iota3A_317, %add3A_319 : vector<16xi32>
      %gather3A_321 = tpu.vector_load_idx %arg12[%add3A_320, %broadcast_in_dim3A_316] : memref<64x128xf32, #tpu.memory_space<vmem>>[vector<16xi32>, vector<16xi32>], vector<16xf32>,
      %swap3A_322 = arith.index_cast %add3A_311 : i32 to index
      %swap3A_323 = arith.constant 0 : index
      %swap3A_324 = tpu.vector_load %arg10[%swap3A_322, %swap3A_323] {strides = array<i32>} : memref<256x64xf32, #tpu.memory_space<vmem>>, vector<16xf32>,
      tpu.vector_store %arg10[%swap3A_322, %swap3A_323], %gather3A_321 {strides = array<i32>} : memref<256x64xf32, #tpu.memory_space<vmem>>, vector<16xf32>,
      %iota3A_325 = tpu.iota {dimensions = array<i32: 0>} : vector<16xi32>
      %add3A_326 = arith.constant 16 : i32
      %add3A_327 = vector.broadcast %add3A_326 : i32 to vector<16xi32>
      %add3A_328 = arith.addi %iota3A_325, %add3A_327 : vector<16xi32>
      %gather3A_329 = tpu.vector_load_idx %arg12[%add3A_328, %broadcast_in_dim3A_316] : memref<64x128xf32, #tpu.memory_space<vmem>>[vector<16xi32>, vector<16xi32>], vector<16xf32>,
      %swap3A_330 = arith.index_cast %add3A_311 : i32 to index
      %swap3A_331 = arith.constant 16 : index
      %swap3A_332 = tpu.vector_load %arg10[%swap3A_330, %swap3A_331] {strides = array<i32>} : memref<256x64xf32, #tpu.memory_space<vmem>>, vector<16xf32>,
      tpu.vector_store %arg10[%swap3A_330, %swap3A_331], %gather3A_329 {strides = array<i32>} : memref<256x64xf32, #tpu.memory_space<vmem>>, vector<16xf32>,
      %iota3A_333 = tpu.iota {dimensions = array<i32: 0>} : vector<16xi32>
      %add3A_334 = arith.constant 32 : i32
      %add3A_335 = vector.broadcast %add3A_334 : i32 to vector<16xi32>
      %add3A_336 = arith.addi %iota3A_333, %add3A_335 : vector<16xi32>
      %gather3A_337 = tpu.vector_load_idx %arg12[%add3A_336, %broadcast_in_dim3A_316] : memref<64x128xf32, #tpu.memory_space<vmem>>[vector<16xi32>, vector<16xi32>], vector<16xf32>,
      %swap3A_338 = arith.index_cast %add3A_311 : i32 to index
      %swap3A_339 = arith.constant 32 : index
      %swap3A_340 = tpu.vector_load %arg10[%swap3A_338, %swap3A_339] {strides = array<i32>} : memref<256x64xf32, #tpu.memory_space<vmem>>, vector<16xf32>,
      tpu.vector_store %arg10[%swap3A_338, %swap3A_339], %gather3A_337 {strides = array<i32>} : memref<256x64xf32, #tpu.memory_space<vmem>>, vector<16xf32>,
      %iota3A_341 = tpu.iota {dimensions = array<i32: 0>} : vector<16xi32>
      %add3A_342 = arith.constant 48 : i32
      %add3A_343 = vector.broadcast %add3A_342 : i32 to vector<16xi32>
      %add3A_344 = arith.addi %iota3A_341, %add3A_343 : vector<16xi32>
      %gather3A_345 = tpu.vector_load_idx %arg12[%add3A_344, %broadcast_in_dim3A_316] : memref<64x128xf32, #tpu.memory_space<vmem>>[vector<16xi32>, vector<16xi32>], vector<16xf32>,
      %swap3A_346 = arith.index_cast %add3A_311 : i32 to index
      %swap3A_347 = arith.constant 48 : index
      %swap3A_348 = tpu.vector_load %arg10[%swap3A_346, %swap3A_347] {strides = array<i32>} : memref<256x64xf32, #tpu.memory_space<vmem>>, vector<16xf32>,
      tpu.vector_store %arg10[%swap3A_346, %swap3A_347], %gather3A_345 {strides = array<i32>} : memref<256x64xf32, #tpu.memory_space<vmem>>, vector<16xf32>,
      %slice3A_349 = vector.extract_strided_slice %get3A_190 {offsets = [7], sizes = [1], strides = [1]} : vector<16xi32> to vector<1xi32>
      %squeeze3A_350 = vector.extract %slice3A_349[0] : i32 from vector<1xi32>
      %shift_right_arithmetic3A_351 = arith.constant 7 : i32
      %shift_right_arithmetic3A_352 = arith.shrsi %squeeze3A_350, %shift_right_arithmetic3A_351 : i32
      %shift_left3A_353 = arith.constant 7 : i32
      %shift_left3A_354 = arith.shli %shift_right_arithmetic3A_352, %shift_left3A_353 : i32
      %multiple_of3A_355 = tpu.assume_multiple %shift_left3A_354, 128 : i32
      %dma_start3A_356 = arith.constant 0 : i32
      %dma_start3A_357 = tpu.memref_slice %arg4[%dma_start3A_356, %multiple_of3A_355] : memref<64x1000000xf32, #tpu.memory_space<hbm>> -> memref<64x128xf32, #tpu.memory_space<hbm>>
      %dma_start3A_358 = arith.constant 0 : i32
      %dma_start3A_359 = tpu.memref_slice %arg4[%dma_start3A_358, %multiple_of3A_355] : memref<64x1000000xf32, #tpu.memory_space<hbm>> -> memref<64x128xf32, #tpu.memory_space<hbm>>
      tpu.enqueue_dma source(%dma_start3A_359 : memref<64x128xf32, #tpu.memory_space<hbm>>) target(%arg12 : memref<64x128xf32, #tpu.memory_space<vmem>>) target_semaphore(%arg19 : memref<!tpu.dma_semaphore, #tpu.memory_space<semaphore_mem>>)
      %dma_wait3A_360 = arith.constant 0 : i32
      %dma_wait3A_361 = tpu.memref_slice %arg4[%dma_wait3A_360, %multiple_of3A_216] : memref<64x1000000xf32, #tpu.memory_space<hbm>> -> memref<64x128xf32, #tpu.memory_space<hbm>>
      %dma_wait3A_362 = arith.constant 0 : i32
      %dma_wait3A_363 = tpu.memref_slice %arg4[%dma_wait3A_362, %multiple_of3A_216] : memref<64x1000000xf32, #tpu.memory_space<hbm>> -> memref<64x128xf32, #tpu.memory_space<hbm>>
      tpu.wait_dma2 semaphore(%arg20 : memref<!tpu.dma_semaphore, #tpu.memory_space<semaphore_mem>>) src(%dma_wait3A_363 : memref<64x128xf32, #tpu.memory_space<hbm>>) dst(%arg13 : memref<64x128xf32, #tpu.memory_space<vmem>>)
      %mul3A_364 = arith.constant 16 : i32
      %mul3A_365 = arith.muli %scan3A_9, %mul3A_364 : i32
      %add3A_366 = arith.constant 2 : i32
      %add3A_367 = arith.addi %mul3A_365, %add3A_366 : i32
      %slice3A_368 = vector.extract_strided_slice %get3A_190 {offsets = [2], sizes = [1], strides = [1]} : vector<16xi32> to vector<1xi32>
      %squeeze3A_369 = vector.extract %slice3A_368[0] : i32 from vector<1xi32>
      %and3A_370 = arith.constant 127 : i32
      %and3A_371 = arith.andi %squeeze3A_369, %and3A_370 : i32
      %broadcast_in_dim3A_372 = vector.broadcast %and3A_371 : i32 to vector<16xi32>
      %iota3A_373 = tpu.iota {dimensions = array<i32: 0>} : vector<16xi32>
      %add3A_374 = arith.constant 0 : i32
      %add3A_375 = vector.broadcast %add3A_374 : i32 to vector<16xi32>
      %add3A_376 = arith.addi %iota3A_373, %add3A_375 : vector<16xi32>
      %gather3A_377 = tpu.vector_load_idx %arg13[%add3A_376, %broadcast_in_dim3A_372] : memref<64x128xf32, #tpu.memory_space<vmem>>[vector<16xi32>, vector<16xi32>], vector<16xf32>,
      %swap3A_378 = arith.index_cast %add3A_367 : i32 to index
      %swap3A_379 = arith.constant 0 : index
      %swap3A_380 = tpu.vector_load %arg10[%swap3A_378, %swap3A_379] {strides = array<i32>} : memref<256x64xf32, #tpu.memory_space<vmem>>, vector<16xf32>,
      tpu.vector_store %arg10[%swap3A_378, %swap3A_379], %gather3A_377 {strides = array<i32>} : memref<256x64xf32, #tpu.memory_space<vmem>>, vector<16xf32>,
      %iota3A_381 = tpu.iota {dimensions = array<i32: 0>} : vector<16xi32>
      %add3A_382 = arith.constant 16 : i32
      %add3A_383 = vector.broadcast %add3A_382 : i32 to vector<16xi32>
      %add3A_384 = arith.addi %iota3A_381, %add3A_383 : vector<16xi32>
      %gather3A_385 = tpu.vector_load_idx %arg13[%add3A_384, %broadcast_in_dim3A_372] : memref<64x128xf32, #tpu.memory_space<vmem>>[vector<16xi32>, vector<16xi32>], vector<16xf32>,
      %swap3A_386 = arith.index_cast %add3A_367 : i32 to index
      %swap3A_387 = arith.constant 16 : index
      %swap3A_388 = tpu.vector_load %arg10[%swap3A_386, %swap3A_387] {strides = array<i32>} : memref<256x64xf32, #tpu.memory_space<vmem>>, vector<16xf32>,
      tpu.vector_store %arg10[%swap3A_386, %swap3A_387], %gather3A_385 {strides = array<i32>} : memref<256x64xf32, #tpu.memory_space<vmem>>, vector<16xf32>,
      %iota3A_389 = tpu.iota {dimensions = array<i32: 0>} : vector<16xi32>
      %add3A_390 = arith.constant 32 : i32
      %add3A_391 = vector.broadcast %add3A_390 : i32 to vector<16xi32>
      %add3A_392 = arith.addi %iota3A_389, %add3A_391 : vector<16xi32>
      %gather3A_393 = tpu.vector_load_idx %arg13[%add3A_392, %broadcast_in_dim3A_372] : memref<64x128xf32, #tpu.memory_space<vmem>>[vector<16xi32>, vector<16xi32>], vector<16xf32>,
      %swap3A_394 = arith.index_cast %add3A_367 : i32 to index
      %swap3A_395 = arith.constant 32 : index
      %swap3A_396 = tpu.vector_load %arg10[%swap3A_394, %swap3A_395] {strides = array<i32>} : memref<256x64xf32, #tpu.memory_space<vmem>>, vector<16xf32>,
      tpu.vector_store %arg10[%swap3A_394, %swap3A_395], %gather3A_393 {strides = array<i32>} : memref<256x64xf32, #tpu.memory_space<vmem>>, vector<16xf32>,
      %iota3A_397 = tpu.iota {dimensions = array<i32: 0>} : vector<16xi32>
      %add3A_398 = arith.constant 48 : i32
      %add3A_399 = vector.broadcast %add3A_398 : i32 to vector<16xi32>
      %add3A_400 = arith.addi %iota3A_397, %add3A_399 : vector<16xi32>
      %gather3A_401 = tpu.vector_load_idx %arg13[%add3A_400, %broadcast_in_dim3A_372] : memref<64x128xf32, #tpu.memory_space<vmem>>[vector<16xi32>, vector<16xi32>], vector<16xf32>,
      %swap3A_402 = arith.index_cast %add3A_367 : i32 to index
      %swap3A_403 = arith.constant 48 : index
      %swap3A_404 = tpu.vector_load %arg10[%swap3A_402, %swap3A_403] {strides = array<i32>} : memref<256x64xf32, #tpu.memory_space<vmem>>, vector<16xf32>,
      tpu.vector_store %arg10[%swap3A_402, %swap3A_403], %gather3A_401 {strides = array<i32>} : memref<256x64xf32, #tpu.memory_space<vmem>>, vector<16xf32>,
      %slice3A_405 = vector.extract_strided_slice %get3A_190 {offsets = [8], sizes = [1], strides = [1]} : vector<16xi32> to vector<1xi32>
      %squeeze3A_406 = vector.extract %slice3A_405[0] : i32 from vector<1xi32>
      %shift_right_arithmetic3A_407 = arith.constant 7 : i32
      %shift_right_arithmetic3A_408 = arith.shrsi %squeeze3A_406, %shift_right_arithmetic3A_407 : i32
      %shift_left3A_409 = arith.constant 7 : i32
      %shift_left3A_410 = arith.shli %shift_right_arithmetic3A_408, %shift_left3A_409 : i32
      %multiple_of3A_411 = tpu.assume_multiple %shift_left3A_410, 128 : i32
      %dma_start3A_412 = arith.constant 0 : i32
      %dma_start3A_413 = tpu.memref_slice %arg4[%dma_start3A_412, %multiple_of3A_411] : memref<64x1000000xf32, #tpu.memory_space<hbm>> -> memref<64x128xf32, #tpu.memory_space<hbm>>
      %dma_start3A_414 = arith.constant 0 : i32
      %dma_start3A_415 = tpu.memref_slice %arg4[%dma_start3A_414, %multiple_of3A_411] : memref<64x1000000xf32, #tpu.memory_space<hbm>> -> memref<64x128xf32, #tpu.memory_space<hbm>>
      tpu.enqueue_dma source(%dma_start3A_415 : memref<64x128xf32, #tpu.memory_space<hbm>>) target(%arg13 : memref<64x128xf32, #tpu.memory_space<vmem>>) target_semaphore(%arg20 : memref<!tpu.dma_semaphore, #tpu.memory_space<semaphore_mem>>)
      %dma_wait3A_416 = arith.constant 0 : i32
      %dma_wait3A_417 = tpu.memref_slice %arg4[%dma_wait3A_416, %multiple_of3A_227] : memref<64x1000000xf32, #tpu.memory_space<hbm>> -> memref<64x128xf32, #tpu.memory_space<hbm>>
      %dma_wait3A_418 = arith.constant 0 : i32
      %dma_wait3A_419 = tpu.memref_slice %arg4[%dma_wait3A_418, %multiple_of3A_227] : memref<64x1000000xf32, #tpu.memory_space<hbm>> -> memref<64x128xf32, #tpu.memory_space<hbm>>
      tpu.wait_dma2 semaphore(%arg21 : memref<!tpu.dma_semaphore, #tpu.memory_space<semaphore_mem>>) src(%dma_wait3A_419 : memref<64x128xf32, #tpu.memory_space<hbm>>) dst(%arg14 : memref<64x128xf32, #tpu.memory_space<vmem>>)
      %mul3A_420 = arith.constant 16 : i32
      %mul3A_421 = arith.muli %scan3A_9, %mul3A_420 : i32
      %add3A_422 = arith.constant 3 : i32
      %add3A_423 = arith.addi %mul3A_421, %add3A_422 : i32
      %slice3A_424 = vector.extract_strided_slice %get3A_190 {offsets = [3], sizes = [1], strides = [1]} : vector<16xi32> to vector<1xi32>
      %squeeze3A_425 = vector.extract %slice3A_424[0] : i32 from vector<1xi32>
      %and3A_426 = arith.constant 127 : i32
      %and3A_427 = arith.andi %squeeze3A_425, %and3A_426 : i32
      %broadcast_in_dim3A_428 = vector.broadcast %and3A_427 : i32 to vector<16xi32>
      %iota3A_429 = tpu.iota {dimensions = array<i32: 0>} : vector<16xi32>
      %add3A_430 = arith.constant 0 : i32
      %add3A_431 = vector.broadcast %add3A_430 : i32 to vector<16xi32>
      %add3A_432 = arith.addi %iota3A_429, %add3A_431 : vector<16xi32>
      %gather3A_433 = tpu.vector_load_idx %arg14[%add3A_432, %broadcast_in_dim3A_428] : memref<64x128xf32, #tpu.memory_space<vmem>>[vector<16xi32>, vector<16xi32>], vector<16xf32>,
      %swap3A_434 = arith.index_cast %add3A_423 : i32 to index
      %swap3A_435 = arith.constant 0 : index
      %swap3A_436 = tpu.vector_load %arg10[%swap3A_434, %swap3A_435] {strides = array<i32>} : memref<256x64xf32, #tpu.memory_space<vmem>>, vector<16xf32>,
      tpu.vector_store %arg10[%swap3A_434, %swap3A_435], %gather3A_433 {strides = array<i32>} : memref<256x64xf32, #tpu.memory_space<vmem>>, vector<16xf32>,
      %iota3A_437 = tpu.iota {dimensions = array<i32: 0>} : vector<16xi32>
      %add3A_438 = arith.constant 16 : i32
      %add3A_439 = vector.broadcast %add3A_438 : i32 to vector<16xi32>
      %add3A_440 = arith.addi %iota3A_437, %add3A_439 : vector<16xi32>
      %gather3A_441 = tpu.vector_load_idx %arg14[%add3A_440, %broadcast_in_dim3A_428] : memref<64x128xf32, #tpu.memory_space<vmem>>[vector<16xi32>, vector<16xi32>], vector<16xf32>,
      %swap3A_442 = arith.index_cast %add3A_423 : i32 to index
      %swap3A_443 = arith.constant 16 : index
      %swap3A_444 = tpu.vector_load %arg10[%swap3A_442, %swap3A_443] {strides = array<i32>} : memref<256x64xf32, #tpu.memory_space<vmem>>, vector<16xf32>,
      tpu.vector_store %arg10[%swap3A_442, %swap3A_443], %gather3A_441 {strides = array<i32>} : memref<256x64xf32, #tpu.memory_space<vmem>>, vector<16xf32>,
      %iota3A_445 = tpu.iota {dimensions = array<i32: 0>} : vector<16xi32>
      %add3A_446 = arith.constant 32 : i32
      %add3A_447 = vector.broadcast %add3A_446 : i32 to vector<16xi32>
      %add3A_448 = arith.addi %iota3A_445, %add3A_447 : vector<16xi32>
      %gather3A_449 = tpu.vector_load_idx %arg14[%add3A_448, %broadcast_in_dim3A_428] : memref<64x128xf32, #tpu.memory_space<vmem>>[vector<16xi32>, vector<16xi32>], vector<16xf32>,
      %swap3A_450 = arith.index_cast %add3A_423 : i32 to index
      %swap3A_451 = arith.constant 32 : index
      %swap3A_452 = tpu.vector_load %arg10[%swap3A_450, %swap3A_451] {strides = array<i32>} : memref<256x64xf32, #tpu.memory_space<vmem>>, vector<16xf32>,
      tpu.vector_store %arg10[%swap3A_450, %swap3A_451], %gather3A_449 {strides = array<i32>} : memref<256x64xf32, #tpu.memory_space<vmem>>, vector<16xf32>,
      %iota3A_453 = tpu.iota {dimensions = array<i32: 0>} : vector<16xi32>
      %add3A_454 = arith.constant 48 : i32
      %add3A_455 = vector.broadcast %add3A_454 : i32 to vector<16xi32>
      %add3A_456 = arith.addi %iota3A_453, %add3A_455 : vector<16xi32>
      %gather3A_457 = tpu.vector_load_idx %arg14[%add3A_456, %broadcast_in_dim3A_428] : memref<64x128xf32, #tpu.memory_space<vmem>>[vector<16xi32>, vector<16xi32>], vector<16xf32>,
      %swap3A_458 = arith.index_cast %add3A_423 : i32 to index
      %swap3A_459 = arith.constant 48 : index
      %swap3A_460 = tpu.vector_load %arg10[%swap3A_458, %swap3A_459] {strides = array<i32>} : memref<256x64xf32, #tpu.memory_space<vmem>>, vector<16xf32>,
      tpu.vector_store %arg10[%swap3A_458, %swap3A_459], %gather3A_457 {strides = array<i32>} : memref<256x64xf32, #tpu.memory_space<vmem>>, vector<16xf32>,
      %slice3A_461 = vector.extract_strided_slice %get3A_190 {offsets = [9], sizes = [1], strides = [1]} : vector<16xi32> to vector<1xi32>
      %squeeze3A_462 = vector.extract %slice3A_461[0] : i32 from vector<1xi32>
      %shift_right_arithmetic3A_463 = arith.constant 7 : i32
      %shift_right_arithmetic3A_464 = arith.shrsi %squeeze3A_462, %shift_right_arithmetic3A_463 : i32
      %shift_left3A_465 = arith.constant 7 : i32
      %shift_left3A_466 = arith.shli %shift_right_arithmetic3A_464, %shift_left3A_465 : i32
      %multiple_of3A_467 = tpu.assume_multiple %shift_left3A_466, 128 : i32
      %dma_start3A_468 = arith.constant 0 : i32
      %dma_start3A_469 = tpu.memref_slice %arg4[%dma_start3A_468, %multiple_of3A_467] : memref<64x1000000xf32, #tpu.memory_space<hbm>> -> memref<64x128xf32, #tpu.memory_space<hbm>>
      %dma_start3A_470 = arith.constant 0 : i32
      %dma_start3A_471 = tpu.memref_slice %arg4[%dma_start3A_470, %multiple_of3A_467] : memref<64x1000000xf32, #tpu.memory_space<hbm>> -> memref<64x128xf32, #tpu.memory_space<hbm>>
      tpu.enqueue_dma source(%dma_start3A_471 : memref<64x128xf32, #tpu.memory_space<hbm>>) target(%arg14 : memref<64x128xf32, #tpu.memory_space<vmem>>) target_semaphore(%arg21 : memref<!tpu.dma_semaphore, #tpu.memory_space<semaphore_mem>>)
      %dma_wait3A_472 = arith.constant 0 : i32
      %dma_wait3A_473 = tpu.memref_slice %arg4[%dma_wait3A_472, %multiple_of3A_238] : memref<64x1000000xf32, #tpu.memory_space<hbm>> -> memref<64x128xf32, #tpu.memory_space<hbm>>
      %dma_wait3A_474 = arith.constant 0 : i32
      %dma_wait3A_475 = tpu.memref_slice %arg4[%dma_wait3A_474, %multiple_of3A_238] : memref<64x1000000xf32, #tpu.memory_space<hbm>> -> memref<64x128xf32, #tpu.memory_space<hbm>>
      tpu.wait_dma2 semaphore(%arg22 : memref<!tpu.dma_semaphore, #tpu.memory_space<semaphore_mem>>) src(%dma_wait3A_475 : memref<64x128xf32, #tpu.memory_space<hbm>>) dst(%arg15 : memref<64x128xf32, #tpu.memory_space<vmem>>)
      %mul3A_476 = arith.constant 16 : i32
      %mul3A_477 = arith.muli %scan3A_9, %mul3A_476 : i32
      %add3A_478 = arith.constant 4 : i32
      %add3A_479 = arith.addi %mul3A_477, %add3A_478 : i32
      %slice3A_480 = vector.extract_strided_slice %get3A_190 {offsets = [4], sizes = [1], strides = [1]} : vector<16xi32> to vector<1xi32>
      %squeeze3A_481 = vector.extract %slice3A_480[0] : i32 from vector<1xi32>
      %and3A_482 = arith.constant 127 : i32
      %and3A_483 = arith.andi %squeeze3A_481, %and3A_482 : i32
      %broadcast_in_dim3A_484 = vector.broadcast %and3A_483 : i32 to vector<16xi32>
      %iota3A_485 = tpu.iota {dimensions = array<i32: 0>} : vector<16xi32>
      %add3A_486 = arith.constant 0 : i32
      %add3A_487 = vector.broadcast %add3A_486 : i32 to vector<16xi32>
      %add3A_488 = arith.addi %iota3A_485, %add3A_487 : vector<16xi32>
      %gather3A_489 = tpu.vector_load_idx %arg15[%add3A_488, %broadcast_in_dim3A_484] : memref<64x128xf32, #tpu.memory_space<vmem>>[vector<16xi32>, vector<16xi32>], vector<16xf32>,
      %swap3A_490 = arith.index_cast %add3A_479 : i32 to index
      %swap3A_491 = arith.constant 0 : index
      %swap3A_492 = tpu.vector_load %arg10[%swap3A_490, %swap3A_491] {strides = array<i32>} : memref<256x64xf32, #tpu.memory_space<vmem>>, vector<16xf32>,
      tpu.vector_store %arg10[%swap3A_490, %swap3A_491], %gather3A_489 {strides = array<i32>} : memref<256x64xf32, #tpu.memory_space<vmem>>, vector<16xf32>,
      %iota3A_493 = tpu.iota {dimensions = array<i32: 0>} : vector<16xi32>
      %add3A_494 = arith.constant 16 : i32
      %add3A_495 = vector.broadcast %add3A_494 : i32 to vector<16xi32>
      %add3A_496 = arith.addi %iota3A_493, %add3A_495 : vector<16xi32>
      %gather3A_497 = tpu.vector_load_idx %arg15[%add3A_496, %broadcast_in_dim3A_484] : memref<64x128xf32, #tpu.memory_space<vmem>>[vector<16xi32>, vector<16xi32>], vector<16xf32>,
      %swap3A_498 = arith.index_cast %add3A_479 : i32 to index
      %swap3A_499 = arith.constant 16 : index
      %swap3A_500 = tpu.vector_load %arg10[%swap3A_498, %swap3A_499] {strides = array<i32>} : memref<256x64xf32, #tpu.memory_space<vmem>>, vector<16xf32>,
      tpu.vector_store %arg10[%swap3A_498, %swap3A_499], %gather3A_497 {strides = array<i32>} : memref<256x64xf32, #tpu.memory_space<vmem>>, vector<16xf32>,
      %iota3A_501 = tpu.iota {dimensions = array<i32: 0>} : vector<16xi32>
      %add3A_502 = arith.constant 32 : i32
      %add3A_503 = vector.broadcast %add3A_502 : i32 to vector<16xi32>
      %add3A_504 = arith.addi %iota3A_501, %add3A_503 : vector<16xi32>
      %gather3A_505 = tpu.vector_load_idx %arg15[%add3A_504, %broadcast_in_dim3A_484] : memref<64x128xf32, #tpu.memory_space<vmem>>[vector<16xi32>, vector<16xi32>], vector<16xf32>,
      %swap3A_506 = arith.index_cast %add3A_479 : i32 to index
      %swap3A_507 = arith.constant 32 : index
      %swap3A_508 = tpu.vector_load %arg10[%swap3A_506, %swap3A_507] {strides = array<i32>} : memref<256x64xf32, #tpu.memory_space<vmem>>, vector<16xf32>,
      tpu.vector_store %arg10[%swap3A_506, %swap3A_507], %gather3A_505 {strides = array<i32>} : memref<256x64xf32, #tpu.memory_space<vmem>>, vector<16xf32>,
      %iota3A_509 = tpu.iota {dimensions = array<i32: 0>} : vector<16xi32>
      %add3A_510 = arith.constant 48 : i32
      %add3A_511 = vector.broadcast %add3A_510 : i32 to vector<16xi32>
      %add3A_512 = arith.addi %iota3A_509, %add3A_511 : vector<16xi32>
      %gather3A_513 = tpu.vector_load_idx %arg15[%add3A_512, %broadcast_in_dim3A_484] : memref<64x128xf32, #tpu.memory_space<vmem>>[vector<16xi32>, vector<16xi32>], vector<16xf32>,
      %swap3A_514 = arith.index_cast %add3A_479 : i32 to index
      %swap3A_515 = arith.constant 48 : index
      %swap3A_516 = tpu.vector_load %arg10[%swap3A_514, %swap3A_515] {strides = array<i32>} : memref<256x64xf32, #tpu.memory_space<vmem>>, vector<16xf32>,
      tpu.vector_store %arg10[%swap3A_514, %swap3A_515], %gather3A_513 {strides = array<i32>} : memref<256x64xf32, #tpu.memory_space<vmem>>, vector<16xf32>,
      %slice3A_517 = vector.extract_strided_slice %get3A_190 {offsets = [10], sizes = [1], strides = [1]} : vector<16xi32> to vector<1xi32>
      %squeeze3A_518 = vector.extract %slice3A_517[0] : i32 from vector<1xi32>
      %shift_right_arithmetic3A_519 = arith.constant 7 : i32
      %shift_right_arithmetic3A_520 = arith.shrsi %squeeze3A_518, %shift_right_arithmetic3A_519 : i32
      %shift_left3A_521 = arith.constant 7 : i32
      %shift_left3A_522 = arith.shli %shift_right_arithmetic3A_520, %shift_left3A_521 : i32
      %multiple_of3A_523 = tpu.assume_multiple %shift_left3A_522, 128 : i32
      %dma_start3A_524 = arith.constant 0 : i32
      %dma_start3A_525 = tpu.memref_slice %arg4[%dma_start3A_524, %multiple_of3A_523] : memref<64x1000000xf32, #tpu.memory_space<hbm>> -> memref<64x128xf32, #tpu.memory_space<hbm>>
      %dma_start3A_526 = arith.constant 0 : i32
      %dma_start3A_527 = tpu.memref_slice %arg4[%dma_start3A_526, %multiple_of3A_523] : memref<64x1000000xf32, #tpu.memory_space<hbm>> -> memref<64x128xf32, #tpu.memory_space<hbm>>
      tpu.enqueue_dma source(%dma_start3A_527 : memref<64x128xf32, #tpu.memory_space<hbm>>) target(%arg15 : memref<64x128xf32, #tpu.memory_space<vmem>>) target_semaphore(%arg22 : memref<!tpu.dma_semaphore, #tpu.memory_space<semaphore_mem>>)
      %dma_wait3A_528 = arith.constant 0 : i32
      %dma_wait3A_529 = tpu.memref_slice %arg4[%dma_wait3A_528, %multiple_of3A_249] : memref<64x1000000xf32, #tpu.memory_space<hbm>> -> memref<64x128xf32, #tpu.memory_space<hbm>>
      %dma_wait3A_530 = arith.constant 0 : i32
      %dma_wait3A_531 = tpu.memref_slice %arg4[%dma_wait3A_530, %multiple_of3A_249] : memref<64x1000000xf32, #tpu.memory_space<hbm>> -> memref<64x128xf32, #tpu.memory_space<hbm>>
      tpu.wait_dma2 semaphore(%arg23 : memref<!tpu.dma_semaphore, #tpu.memory_space<semaphore_mem>>) src(%dma_wait3A_531 : memref<64x128xf32, #tpu.memory_space<hbm>>) dst(%arg16 : memref<64x128xf32, #tpu.memory_space<vmem>>)
      %mul3A_532 = arith.constant 16 : i32
      %mul3A_533 = arith.muli %scan3A_9, %mul3A_532 : i32
      %add3A_534 = arith.constant 5 : i32
      %add3A_535 = arith.addi %mul3A_533, %add3A_534 : i32
      %slice3A_536 = vector.extract_strided_slice %get3A_190 {offsets = [5], sizes = [1], strides = [1]} : vector<16xi32> to vector<1xi32>
      %squeeze3A_537 = vector.extract %slice3A_536[0] : i32 from vector<1xi32>
      %and3A_538 = arith.constant 127 : i32
      %and3A_539 = arith.andi %squeeze3A_537, %and3A_538 : i32
      %broadcast_in_dim3A_540 = vector.broadcast %and3A_539 : i32 to vector<16xi32>
      %iota3A_541 = tpu.iota {dimensions = array<i32: 0>} : vector<16xi32>
      %add3A_542 = arith.constant 0 : i32
      %add3A_543 = vector.broadcast %add3A_542 : i32 to vector<16xi32>
      %add3A_544 = arith.addi %iota3A_541, %add3A_543 : vector<16xi32>
      %gather3A_545 = tpu.vector_load_idx %arg16[%add3A_544, %broadcast_in_dim3A_540] : memref<64x128xf32, #tpu.memory_space<vmem>>[vector<16xi32>, vector<16xi32>], vector<16xf32>,
      %swap3A_546 = arith.index_cast %add3A_535 : i32 to index
      %swap3A_547 = arith.constant 0 : index
      %swap3A_548 = tpu.vector_load %arg10[%swap3A_546, %swap3A_547] {strides = array<i32>} : memref<256x64xf32, #tpu.memory_space<vmem>>, vector<16xf32>,
      tpu.vector_store %arg10[%swap3A_546, %swap3A_547], %gather3A_545 {strides = array<i32>} : memref<256x64xf32, #tpu.memory_space<vmem>>, vector<16xf32>,
      %iota3A_549 = tpu.iota {dimensions = array<i32: 0>} : vector<16xi32>
      %add3A_550 = arith.constant 16 : i32
      %add3A_551 = vector.broadcast %add3A_550 : i32 to vector<16xi32>
      %add3A_552 = arith.addi %iota3A_549, %add3A_551 : vector<16xi32>
      %gather3A_553 = tpu.vector_load_idx %arg16[%add3A_552, %broadcast_in_dim3A_540] : memref<64x128xf32, #tpu.memory_space<vmem>>[vector<16xi32>, vector<16xi32>], vector<16xf32>,
      %swap3A_554 = arith.index_cast %add3A_535 : i32 to index
      %swap3A_555 = arith.constant 16 : index
      %swap3A_556 = tpu.vector_load %arg10[%swap3A_554, %swap3A_555] {strides = array<i32>} : memref<256x64xf32, #tpu.memory_space<vmem>>, vector<16xf32>,
      tpu.vector_store %arg10[%swap3A_554, %swap3A_555], %gather3A_553 {strides = array<i32>} : memref<256x64xf32, #tpu.memory_space<vmem>>, vector<16xf32>,
      %iota3A_557 = tpu.iota {dimensions = array<i32: 0>} : vector<16xi32>
      %add3A_558 = arith.constant 32 : i32
      %add3A_559 = vector.broadcast %add3A_558 : i32 to vector<16xi32>
      %add3A_560 = arith.addi %iota3A_557, %add3A_559 : vector<16xi32>
      %gather3A_561 = tpu.vector_load_idx %arg16[%add3A_560, %broadcast_in_dim3A_540] : memref<64x128xf32, #tpu.memory_space<vmem>>[vector<16xi32>, vector<16xi32>], vector<16xf32>,
      %swap3A_562 = arith.index_cast %add3A_535 : i32 to index
      %swap3A_563 = arith.constant 32 : index
      %swap3A_564 = tpu.vector_load %arg10[%swap3A_562, %swap3A_563] {strides = array<i32>} : memref<256x64xf32, #tpu.memory_space<vmem>>, vector<16xf32>,
      tpu.vector_store %arg10[%swap3A_562, %swap3A_563], %gather3A_561 {strides = array<i32>} : memref<256x64xf32, #tpu.memory_space<vmem>>, vector<16xf32>,
      %iota3A_565 = tpu.iota {dimensions = array<i32: 0>} : vector<16xi32>
      %add3A_566 = arith.constant 48 : i32
      %add3A_567 = vector.broadcast %add3A_566 : i32 to vector<16xi32>
      %add3A_568 = arith.addi %iota3A_565, %add3A_567 : vector<16xi32>
      %gather3A_569 = tpu.vector_load_idx %arg16[%add3A_568, %broadcast_in_dim3A_540] : memref<64x128xf32, #tpu.memory_space<vmem>>[vector<16xi32>, vector<16xi32>], vector<16xf32>,
      %swap3A_570 = arith.index_cast %add3A_535 : i32 to index
      %swap3A_571 = arith.constant 48 : index
      %swap3A_572 = tpu.vector_load %arg10[%swap3A_570, %swap3A_571] {strides = array<i32>} : memref<256x64xf32, #tpu.memory_space<vmem>>, vector<16xf32>,
      tpu.vector_store %arg10[%swap3A_570, %swap3A_571], %gather3A_569 {strides = array<i32>} : memref<256x64xf32, #tpu.memory_space<vmem>>, vector<16xf32>,
      %slice3A_573 = vector.extract_strided_slice %get3A_190 {offsets = [11], sizes = [1], strides = [1]} : vector<16xi32> to vector<1xi32>
      %squeeze3A_574 = vector.extract %slice3A_573[0] : i32 from vector<1xi32>
      %shift_right_arithmetic3A_575 = arith.constant 7 : i32
      %shift_right_arithmetic3A_576 = arith.shrsi %squeeze3A_574, %shift_right_arithmetic3A_575 : i32
      %shift_left3A_577 = arith.constant 7 : i32
      %shift_left3A_578 = arith.shli %shift_right_arithmetic3A_576, %shift_left3A_577 : i32
      %multiple_of3A_579 = tpu.assume_multiple %shift_left3A_578, 128 : i32
      %dma_start3A_580 = arith.constant 0 : i32
      %dma_start3A_581 = tpu.memref_slice %arg4[%dma_start3A_580, %multiple_of3A_579] : memref<64x1000000xf32, #tpu.memory_space<hbm>> -> memref<64x128xf32, #tpu.memory_space<hbm>>
      %dma_start3A_582 = arith.constant 0 : i32
      %dma_start3A_583 = tpu.memref_slice %arg4[%dma_start3A_582, %multiple_of3A_579] : memref<64x1000000xf32, #tpu.memory_space<hbm>> -> memref<64x128xf32, #tpu.memory_space<hbm>>
      tpu.enqueue_dma source(%dma_start3A_583 : memref<64x128xf32, #tpu.memory_space<hbm>>) target(%arg16 : memref<64x128xf32, #tpu.memory_space<vmem>>) target_semaphore(%arg23 : memref<!tpu.dma_semaphore, #tpu.memory_space<semaphore_mem>>)
      %dma_wait3A_584 = arith.constant 0 : i32
      %dma_wait3A_585 = tpu.memref_slice %arg4[%dma_wait3A_584, %multiple_of3A_299] : memref<64x1000000xf32, #tpu.memory_space<hbm>> -> memref<64x128xf32, #tpu.memory_space<hbm>>
      %dma_wait3A_586 = arith.constant 0 : i32
      %dma_wait3A_587 = tpu.memref_slice %arg4[%dma_wait3A_586, %multiple_of3A_299] : memref<64x1000000xf32, #tpu.memory_space<hbm>> -> memref<64x128xf32, #tpu.memory_space<hbm>>
      tpu.wait_dma2 semaphore(%arg18 : memref<!tpu.dma_semaphore, #tpu.memory_space<semaphore_mem>>) src(%dma_wait3A_587 : memref<64x128xf32, #tpu.memory_space<hbm>>) dst(%arg11 : memref<64x128xf32, #tpu.memory_space<vmem>>)
      %mul3A_588 = arith.constant 16 : i32
      %mul3A_589 = arith.muli %scan3A_9, %mul3A_588 : i32
      %add3A_590 = arith.constant 6 : i32
      %add3A_591 = arith.addi %mul3A_589, %add3A_590 : i32
      %slice3A_592 = vector.extract_strided_slice %get3A_190 {offsets = [6], sizes = [1], strides = [1]} : vector<16xi32> to vector<1xi32>
      %squeeze3A_593 = vector.extract %slice3A_592[0] : i32 from vector<1xi32>
      %and3A_594 = arith.constant 127 : i32
      %and3A_595 = arith.andi %squeeze3A_593, %and3A_594 : i32
      %broadcast_in_dim3A_596 = vector.broadcast %and3A_595 : i32 to vector<16xi32>
      %iota3A_597 = tpu.iota {dimensions = array<i32: 0>} : vector<16xi32>
      %add3A_598 = arith.constant 0 : i32
      %add3A_599 = vector.broadcast %add3A_598 : i32 to vector<16xi32>
      %add3A_600 = arith.addi %iota3A_597, %add3A_599 : vector<16xi32>
      %gather3A_601 = tpu.vector_load_idx %arg11[%add3A_600, %broadcast_in_dim3A_596] : memref<64x128xf32, #tpu.memory_space<vmem>>[vector<16xi32>, vector<16xi32>], vector<16xf32>,
      %swap3A_602 = arith.index_cast %add3A_591 : i32 to index
      %swap3A_603 = arith.constant 0 : index
      %swap3A_604 = tpu.vector_load %arg10[%swap3A_602, %swap3A_603] {strides = array<i32>} : memref<256x64xf32, #tpu.memory_space<vmem>>, vector<16xf32>,
      tpu.vector_store %arg10[%swap3A_602, %swap3A_603], %gather3A_601 {strides = array<i32>} : memref<256x64xf32, #tpu.memory_space<vmem>>, vector<16xf32>,
      %iota3A_605 = tpu.iota {dimensions = array<i32: 0>} : vector<16xi32>
      %add3A_606 = arith.constant 16 : i32
      %add3A_607 = vector.broadcast %add3A_606 : i32 to vector<16xi32>
      %add3A_608 = arith.addi %iota3A_605, %add3A_607 : vector<16xi32>
      %gather3A_609 = tpu.vector_load_idx %arg11[%add3A_608, %broadcast_in_dim3A_596] : memref<64x128xf32, #tpu.memory_space<vmem>>[vector<16xi32>, vector<16xi32>], vector<16xf32>,
      %swap3A_610 = arith.index_cast %add3A_591 : i32 to index
      %swap3A_611 = arith.constant 16 : index
      %swap3A_612 = tpu.vector_load %arg10[%swap3A_610, %swap3A_611] {strides = array<i32>} : memref<256x64xf32, #tpu.memory_space<vmem>>, vector<16xf32>,
      tpu.vector_store %arg10[%swap3A_610, %swap3A_611], %gather3A_609 {strides = array<i32>} : memref<256x64xf32, #tpu.memory_space<vmem>>, vector<16xf32>,
      %iota3A_613 = tpu.iota {dimensions = array<i32: 0>} : vector<16xi32>
      %add3A_614 = arith.constant 32 : i32
      %add3A_615 = vector.broadcast %add3A_614 : i32 to vector<16xi32>
      %add3A_616 = arith.addi %iota3A_613, %add3A_615 : vector<16xi32>
      %gather3A_617 = tpu.vector_load_idx %arg11[%add3A_616, %broadcast_in_dim3A_596] : memref<64x128xf32, #tpu.memory_space<vmem>>[vector<16xi32>, vector<16xi32>], vector<16xf32>,
      %swap3A_618 = arith.index_cast %add3A_591 : i32 to index
      %swap3A_619 = arith.constant 32 : index
      %swap3A_620 = tpu.vector_load %arg10[%swap3A_618, %swap3A_619] {strides = array<i32>} : memref<256x64xf32, #tpu.memory_space<vmem>>, vector<16xf32>,
      tpu.vector_store %arg10[%swap3A_618, %swap3A_619], %gather3A_617 {strides = array<i32>} : memref<256x64xf32, #tpu.memory_space<vmem>>, vector<16xf32>,
      %iota3A_621 = tpu.iota {dimensions = array<i32: 0>} : vector<16xi32>
      %add3A_622 = arith.constant 48 : i32
      %add3A_623 = vector.broadcast %add3A_622 : i32 to vector<16xi32>
      %add3A_624 = arith.addi %iota3A_621, %add3A_623 : vector<16xi32>
      %gather3A_625 = tpu.vector_load_idx %arg11[%add3A_624, %broadcast_in_dim3A_596] : memref<64x128xf32, #tpu.memory_space<vmem>>[vector<16xi32>, vector<16xi32>], vector<16xf32>,
      %swap3A_626 = arith.index_cast %add3A_591 : i32 to index
      %swap3A_627 = arith.constant 48 : index
      %swap3A_628 = tpu.vector_load %arg10[%swap3A_626, %swap3A_627] {strides = array<i32>} : memref<256x64xf32, #tpu.memory_space<vmem>>, vector<16xf32>,
      tpu.vector_store %arg10[%swap3A_626, %swap3A_627], %gather3A_625 {strides = array<i32>} : memref<256x64xf32, #tpu.memory_space<vmem>>, vector<16xf32>,
      %slice3A_629 = vector.extract_strided_slice %get3A_190 {offsets = [12], sizes = [1], strides = [1]} : vector<16xi32> to vector<1xi32>
      %squeeze3A_630 = vector.extract %slice3A_629[0] : i32 from vector<1xi32>
      %shift_right_arithmetic3A_631 = arith.constant 7 : i32
      %shift_right_arithmetic3A_632 = arith.shrsi %squeeze3A_630, %shift_right_arithmetic3A_631 : i32
      %shift_left3A_633 = arith.constant 7 : i32
      %shift_left3A_634 = arith.shli %shift_right_arithmetic3A_632, %shift_left3A_633 : i32
      %multiple_of3A_635 = tpu.assume_multiple %shift_left3A_634, 128 : i32
      %dma_start3A_636 = arith.constant 0 : i32
      %dma_start3A_637 = tpu.memref_slice %arg4[%dma_start3A_636, %multiple_of3A_635] : memref<64x1000000xf32, #tpu.memory_space<hbm>> -> memref<64x128xf32, #tpu.memory_space<hbm>>
      %dma_start3A_638 = arith.constant 0 : i32
      %dma_start3A_639 = tpu.memref_slice %arg4[%dma_start3A_638, %multiple_of3A_635] : memref<64x1000000xf32, #tpu.memory_space<hbm>> -> memref<64x128xf32, #tpu.memory_space<hbm>>
      tpu.enqueue_dma source(%dma_start3A_639 : memref<64x128xf32, #tpu.memory_space<hbm>>) target(%arg11 : memref<64x128xf32, #tpu.memory_space<vmem>>) target_semaphore(%arg18 : memref<!tpu.dma_semaphore, #tpu.memory_space<semaphore_mem>>)
      %dma_wait3A_640 = arith.constant 0 : i32
      %dma_wait3A_641 = tpu.memref_slice %arg4[%dma_wait3A_640, %multiple_of3A_355] : memref<64x1000000xf32, #tpu.memory_space<hbm>> -> memref<64x128xf32, #tpu.memory_space<hbm>>
      %dma_wait3A_642 = arith.constant 0 : i32
      %dma_wait3A_643 = tpu.memref_slice %arg4[%dma_wait3A_642, %multiple_of3A_355] : memref<64x1000000xf32, #tpu.memory_space<hbm>> -> memref<64x128xf32, #tpu.memory_space<hbm>>
      tpu.wait_dma2 semaphore(%arg19 : memref<!tpu.dma_semaphore, #tpu.memory_space<semaphore_mem>>) src(%dma_wait3A_643 : memref<64x128xf32, #tpu.memory_space<hbm>>) dst(%arg12 : memref<64x128xf32, #tpu.memory_space<vmem>>)
      %mul3A_644 = arith.constant 16 : i32
      %mul3A_645 = arith.muli %scan3A_9, %mul3A_644 : i32
      %add3A_646 = arith.constant 7 : i32
      %add3A_647 = arith.addi %mul3A_645, %add3A_646 : i32
      %slice3A_648 = vector.extract_strided_slice %get3A_190 {offsets = [7], sizes = [1], strides = [1]} : vector<16xi32> to vector<1xi32>
      %squeeze3A_649 = vector.extract %slice3A_648[0] : i32 from vector<1xi32>
      %and3A_650 = arith.constant 127 : i32
      %and3A_651 = arith.andi %squeeze3A_649, %and3A_650 : i32
      %broadcast_in_dim3A_652 = vector.broadcast %and3A_651 : i32 to vector<16xi32>
      %iota3A_653 = tpu.iota {dimensions = array<i32: 0>} : vector<16xi32>
      %add3A_654 = arith.constant 0 : i32
      %add3A_655 = vector.broadcast %add3A_654 : i32 to vector<16xi32>
      %add3A_656 = arith.addi %iota3A_653, %add3A_655 : vector<16xi32>
      %gather3A_657 = tpu.vector_load_idx %arg12[%add3A_656, %broadcast_in_dim3A_652] : memref<64x128xf32, #tpu.memory_space<vmem>>[vector<16xi32>, vector<16xi32>], vector<16xf32>,
      %swap3A_658 = arith.index_cast %add3A_647 : i32 to index
      %swap3A_659 = arith.constant 0 : index
      %swap3A_660 = tpu.vector_load %arg10[%swap3A_658, %swap3A_659] {strides = array<i32>} : memref<256x64xf32, #tpu.memory_space<vmem>>, vector<16xf32>,
      tpu.vector_store %arg10[%swap3A_658, %swap3A_659], %gather3A_657 {strides = array<i32>} : memref<256x64xf32, #tpu.memory_space<vmem>>, vector<16xf32>,
      %iota3A_661 = tpu.iota {dimensions = array<i32: 0>} : vector<16xi32>
      %add3A_662 = arith.constant 16 : i32
      %add3A_663 = vector.broadcast %add3A_662 : i32 to vector<16xi32>
      %add3A_664 = arith.addi %iota3A_661, %add3A_663 : vector<16xi32>
      %gather3A_665 = tpu.vector_load_idx %arg12[%add3A_664, %broadcast_in_dim3A_652] : memref<64x128xf32, #tpu.memory_space<vmem>>[vector<16xi32>, vector<16xi32>], vector<16xf32>,
      %swap3A_666 = arith.index_cast %add3A_647 : i32 to index
      %swap3A_667 = arith.constant 16 : index
      %swap3A_668 = tpu.vector_load %arg10[%swap3A_666, %swap3A_667] {strides = array<i32>} : memref<256x64xf32, #tpu.memory_space<vmem>>, vector<16xf32>,
      tpu.vector_store %arg10[%swap3A_666, %swap3A_667], %gather3A_665 {strides = array<i32>} : memref<256x64xf32, #tpu.memory_space<vmem>>, vector<16xf32>,
      %iota3A_669 = tpu.iota {dimensions = array<i32: 0>} : vector<16xi32>
      %add3A_670 = arith.constant 32 : i32
      %add3A_671 = vector.broadcast %add3A_670 : i32 to vector<16xi32>
      %add3A_672 = arith.addi %iota3A_669, %add3A_671 : vector<16xi32>
      %gather3A_673 = tpu.vector_load_idx %arg12[%add3A_672, %broadcast_in_dim3A_652] : memref<64x128xf32, #tpu.memory_space<vmem>>[vector<16xi32>, vector<16xi32>], vector<16xf32>,
      %swap3A_674 = arith.index_cast %add3A_647 : i32 to index
      %swap3A_675 = arith.constant 32 : index
      %swap3A_676 = tpu.vector_load %arg10[%swap3A_674, %swap3A_675] {strides = array<i32>} : memref<256x64xf32, #tpu.memory_space<vmem>>, vector<16xf32>,
      tpu.vector_store %arg10[%swap3A_674, %swap3A_675], %gather3A_673 {strides = array<i32>} : memref<256x64xf32, #tpu.memory_space<vmem>>, vector<16xf32>,
      %iota3A_677 = tpu.iota {dimensions = array<i32: 0>} : vector<16xi32>
      %add3A_678 = arith.constant 48 : i32
      %add3A_679 = vector.broadcast %add3A_678 : i32 to vector<16xi32>
      %add3A_680 = arith.addi %iota3A_677, %add3A_679 : vector<16xi32>
      %gather3A_681 = tpu.vector_load_idx %arg12[%add3A_680, %broadcast_in_dim3A_652] : memref<64x128xf32, #tpu.memory_space<vmem>>[vector<16xi32>, vector<16xi32>], vector<16xf32>,
      %swap3A_682 = arith.index_cast %add3A_647 : i32 to index
      %swap3A_683 = arith.constant 48 : index
      %swap3A_684 = tpu.vector_load %arg10[%swap3A_682, %swap3A_683] {strides = array<i32>} : memref<256x64xf32, #tpu.memory_space<vmem>>, vector<16xf32>,
      tpu.vector_store %arg10[%swap3A_682, %swap3A_683], %gather3A_681 {strides = array<i32>} : memref<256x64xf32, #tpu.memory_space<vmem>>, vector<16xf32>,
      %slice3A_685 = vector.extract_strided_slice %get3A_190 {offsets = [13], sizes = [1], strides = [1]} : vector<16xi32> to vector<1xi32>
      %squeeze3A_686 = vector.extract %slice3A_685[0] : i32 from vector<1xi32>
      %shift_right_arithmetic3A_687 = arith.constant 7 : i32
      %shift_right_arithmetic3A_688 = arith.shrsi %squeeze3A_686, %shift_right_arithmetic3A_687 : i32
      %shift_left3A_689 = arith.constant 7 : i32
      %shift_left3A_690 = arith.shli %shift_right_arithmetic3A_688, %shift_left3A_689 : i32
      %multiple_of3A_691 = tpu.assume_multiple %shift_left3A_690, 128 : i32
      %dma_start3A_692 = arith.constant 0 : i32
      %dma_start3A_693 = tpu.memref_slice %arg4[%dma_start3A_692, %multiple_of3A_691] : memref<64x1000000xf32, #tpu.memory_space<hbm>> -> memref<64x128xf32, #tpu.memory_space<hbm>>
      %dma_start3A_694 = arith.constant 0 : i32
      %dma_start3A_695 = tpu.memref_slice %arg4[%dma_start3A_694, %multiple_of3A_691] : memref<64x1000000xf32, #tpu.memory_space<hbm>> -> memref<64x128xf32, #tpu.memory_space<hbm>>
      tpu.enqueue_dma source(%dma_start3A_695 : memref<64x128xf32, #tpu.memory_space<hbm>>) target(%arg12 : memref<64x128xf32, #tpu.memory_space<vmem>>) target_semaphore(%arg19 : memref<!tpu.dma_semaphore, #tpu.memory_space<semaphore_mem>>)
      %dma_wait3A_696 = arith.constant 0 : i32
      %dma_wait3A_697 = tpu.memref_slice %arg4[%dma_wait3A_696, %multiple_of3A_411] : memref<64x1000000xf32, #tpu.memory_space<hbm>> -> memref<64x128xf32, #tpu.memory_space<hbm>>
      %dma_wait3A_698 = arith.constant 0 : i32
      %dma_wait3A_699 = tpu.memref_slice %arg4[%dma_wait3A_698, %multiple_of3A_411] : memref<64x1000000xf32, #tpu.memory_space<hbm>> -> memref<64x128xf32, #tpu.memory_space<hbm>>
      tpu.wait_dma2 semaphore(%arg20 : memref<!tpu.dma_semaphore, #tpu.memory_space<semaphore_mem>>) src(%dma_wait3A_699 : memref<64x128xf32, #tpu.memory_space<hbm>>) dst(%arg13 : memref<64x128xf32, #tpu.memory_space<vmem>>)
      %mul3A_700 = arith.constant 16 : i32
      %mul3A_701 = arith.muli %scan3A_9, %mul3A_700 : i32
      %add3A_702 = arith.constant 8 : i32
      %add3A_703 = arith.addi %mul3A_701, %add3A_702 : i32
      %slice3A_704 = vector.extract_strided_slice %get3A_190 {offsets = [8], sizes = [1], strides = [1]} : vector<16xi32> to vector<1xi32>
      %squeeze3A_705 = vector.extract %slice3A_704[0] : i32 from vector<1xi32>
      %and3A_706 = arith.constant 127 : i32
      %and3A_707 = arith.andi %squeeze3A_705, %and3A_706 : i32
      %broadcast_in_dim3A_708 = vector.broadcast %and3A_707 : i32 to vector<16xi32>
      %iota3A_709 = tpu.iota {dimensions = array<i32: 0>} : vector<16xi32>
      %add3A_710 = arith.constant 0 : i32
      %add3A_711 = vector.broadcast %add3A_710 : i32 to vector<16xi32>
      %add3A_712 = arith.addi %iota3A_709, %add3A_711 : vector<16xi32>
      %gather3A_713 = tpu.vector_load_idx %arg13[%add3A_712, %broadcast_in_dim3A_708] : memref<64x128xf32, #tpu.memory_space<vmem>>[vector<16xi32>, vector<16xi32>], vector<16xf32>,
      %swap3A_714 = arith.index_cast %add3A_703 : i32 to index
      %swap3A_715 = arith.constant 0 : index
      %swap3A_716 = tpu.vector_load %arg10[%swap3A_714, %swap3A_715] {strides = array<i32>} : memref<256x64xf32, #tpu.memory_space<vmem>>, vector<16xf32>,
      tpu.vector_store %arg10[%swap3A_714, %swap3A_715], %gather3A_713 {strides = array<i32>} : memref<256x64xf32, #tpu.memory_space<vmem>>, vector<16xf32>,
      %iota3A_717 = tpu.iota {dimensions = array<i32: 0>} : vector<16xi32>
      %add3A_718 = arith.constant 16 : i32
      %add3A_719 = vector.broadcast %add3A_718 : i32 to vector<16xi32>
      %add3A_720 = arith.addi %iota3A_717, %add3A_719 : vector<16xi32>
      %gather3A_721 = tpu.vector_load_idx %arg13[%add3A_720, %broadcast_in_dim3A_708] : memref<64x128xf32, #tpu.memory_space<vmem>>[vector<16xi32>, vector<16xi32>], vector<16xf32>,
      %swap3A_722 = arith.index_cast %add3A_703 : i32 to index
      %swap3A_723 = arith.constant 16 : index
      %swap3A_724 = tpu.vector_load %arg10[%swap3A_722, %swap3A_723] {strides = array<i32>} : memref<256x64xf32, #tpu.memory_space<vmem>>, vector<16xf32>,
      tpu.vector_store %arg10[%swap3A_722, %swap3A_723], %gather3A_721 {strides = array<i32>} : memref<256x64xf32, #tpu.memory_space<vmem>>, vector<16xf32>,
      %iota3A_725 = tpu.iota {dimensions = array<i32: 0>} : vector<16xi32>
      %add3A_726 = arith.constant 32 : i32
      %add3A_727 = vector.broadcast %add3A_726 : i32 to vector<16xi32>
      %add3A_728 = arith.addi %iota3A_725, %add3A_727 : vector<16xi32>
      %gather3A_729 = tpu.vector_load_idx %arg13[%add3A_728, %broadcast_in_dim3A_708] : memref<64x128xf32, #tpu.memory_space<vmem>>[vector<16xi32>, vector<16xi32>], vector<16xf32>,
      %swap3A_730 = arith.index_cast %add3A_703 : i32 to index
      %swap3A_731 = arith.constant 32 : index
      %swap3A_732 = tpu.vector_load %arg10[%swap3A_730, %swap3A_731] {strides = array<i32>} : memref<256x64xf32, #tpu.memory_space<vmem>>, vector<16xf32>,
      tpu.vector_store %arg10[%swap3A_730, %swap3A_731], %gather3A_729 {strides = array<i32>} : memref<256x64xf32, #tpu.memory_space<vmem>>, vector<16xf32>,
      %iota3A_733 = tpu.iota {dimensions = array<i32: 0>} : vector<16xi32>
      %add3A_734 = arith.constant 48 : i32
      %add3A_735 = vector.broadcast %add3A_734 : i32 to vector<16xi32>
      %add3A_736 = arith.addi %iota3A_733, %add3A_735 : vector<16xi32>
      %gather3A_737 = tpu.vector_load_idx %arg13[%add3A_736, %broadcast_in_dim3A_708] : memref<64x128xf32, #tpu.memory_space<vmem>>[vector<16xi32>, vector<16xi32>], vector<16xf32>,
      %swap3A_738 = arith.index_cast %add3A_703 : i32 to index
      %swap3A_739 = arith.constant 48 : index
      %swap3A_740 = tpu.vector_load %arg10[%swap3A_738, %swap3A_739] {strides = array<i32>} : memref<256x64xf32, #tpu.memory_space<vmem>>, vector<16xf32>,
      tpu.vector_store %arg10[%swap3A_738, %swap3A_739], %gather3A_737 {strides = array<i32>} : memref<256x64xf32, #tpu.memory_space<vmem>>, vector<16xf32>,
      %slice3A_741 = vector.extract_strided_slice %get3A_190 {offsets = [14], sizes = [1], strides = [1]} : vector<16xi32> to vector<1xi32>
      %squeeze3A_742 = vector.extract %slice3A_741[0] : i32 from vector<1xi32>
      %shift_right_arithmetic3A_743 = arith.constant 7 : i32
      %shift_right_arithmetic3A_744 = arith.shrsi %squeeze3A_742, %shift_right_arithmetic3A_743 : i32
      %shift_left3A_745 = arith.constant 7 : i32
      %shift_left3A_746 = arith.shli %shift_right_arithmetic3A_744, %shift_left3A_745 : i32
      %multiple_of3A_747 = tpu.assume_multiple %shift_left3A_746, 128 : i32
      %dma_start3A_748 = arith.constant 0 : i32
      %dma_start3A_749 = tpu.memref_slice %arg4[%dma_start3A_748, %multiple_of3A_747] : memref<64x1000000xf32, #tpu.memory_space<hbm>> -> memref<64x128xf32, #tpu.memory_space<hbm>>
      %dma_start3A_750 = arith.constant 0 : i32
      %dma_start3A_751 = tpu.memref_slice %arg4[%dma_start3A_750, %multiple_of3A_747] : memref<64x1000000xf32, #tpu.memory_space<hbm>> -> memref<64x128xf32, #tpu.memory_space<hbm>>
      tpu.enqueue_dma source(%dma_start3A_751 : memref<64x128xf32, #tpu.memory_space<hbm>>) target(%arg13 : memref<64x128xf32, #tpu.memory_space<vmem>>) target_semaphore(%arg20 : memref<!tpu.dma_semaphore, #tpu.memory_space<semaphore_mem>>)
      %dma_wait3A_752 = arith.constant 0 : i32
      %dma_wait3A_753 = tpu.memref_slice %arg4[%dma_wait3A_752, %multiple_of3A_467] : memref<64x1000000xf32, #tpu.memory_space<hbm>> -> memref<64x128xf32, #tpu.memory_space<hbm>>
      %dma_wait3A_754 = arith.constant 0 : i32
      %dma_wait3A_755 = tpu.memref_slice %arg4[%dma_wait3A_754, %multiple_of3A_467] : memref<64x1000000xf32, #tpu.memory_space<hbm>> -> memref<64x128xf32, #tpu.memory_space<hbm>>
      tpu.wait_dma2 semaphore(%arg21 : memref<!tpu.dma_semaphore, #tpu.memory_space<semaphore_mem>>) src(%dma_wait3A_755 : memref<64x128xf32, #tpu.memory_space<hbm>>) dst(%arg14 : memref<64x128xf32, #tpu.memory_space<vmem>>)
      %mul3A_756 = arith.constant 16 : i32
      %mul3A_757 = arith.muli %scan3A_9, %mul3A_756 : i32
      %add3A_758 = arith.constant 9 : i32
      %add3A_759 = arith.addi %mul3A_757, %add3A_758 : i32
      %slice3A_760 = vector.extract_strided_slice %get3A_190 {offsets = [9], sizes = [1], strides = [1]} : vector<16xi32> to vector<1xi32>
      %squeeze3A_761 = vector.extract %slice3A_760[0] : i32 from vector<1xi32>
      %and3A_762 = arith.constant 127 : i32
      %and3A_763 = arith.andi %squeeze3A_761, %and3A_762 : i32
      %broadcast_in_dim3A_764 = vector.broadcast %and3A_763 : i32 to vector<16xi32>
      %iota3A_765 = tpu.iota {dimensions = array<i32: 0>} : vector<16xi32>
      %add3A_766 = arith.constant 0 : i32
      %add3A_767 = vector.broadcast %add3A_766 : i32 to vector<16xi32>
      %add3A_768 = arith.addi %iota3A_765, %add3A_767 : vector<16xi32>
      %gather3A_769 = tpu.vector_load_idx %arg14[%add3A_768, %broadcast_in_dim3A_764] : memref<64x128xf32, #tpu.memory_space<vmem>>[vector<16xi32>, vector<16xi32>], vector<16xf32>,
      %swap3A_770 = arith.index_cast %add3A_759 : i32 to index
      %swap3A_771 = arith.constant 0 : index
      %swap3A_772 = tpu.vector_load %arg10[%swap3A_770, %swap3A_771] {strides = array<i32>} : memref<256x64xf32, #tpu.memory_space<vmem>>, vector<16xf32>,
      tpu.vector_store %arg10[%swap3A_770, %swap3A_771], %gather3A_769 {strides = array<i32>} : memref<256x64xf32, #tpu.memory_space<vmem>>, vector<16xf32>,
      %iota3A_773 = tpu.iota {dimensions = array<i32: 0>} : vector<16xi32>
      %add3A_774 = arith.constant 16 : i32
      %add3A_775 = vector.broadcast %add3A_774 : i32 to vector<16xi32>
      %add3A_776 = arith.addi %iota3A_773, %add3A_775 : vector<16xi32>
      %gather3A_777 = tpu.vector_load_idx %arg14[%add3A_776, %broadcast_in_dim3A_764] : memref<64x128xf32, #tpu.memory_space<vmem>>[vector<16xi32>, vector<16xi32>], vector<16xf32>,
      %swap3A_778 = arith.index_cast %add3A_759 : i32 to index
      %swap3A_779 = arith.constant 16 : index
      %swap3A_780 = tpu.vector_load %arg10[%swap3A_778, %swap3A_779] {strides = array<i32>} : memref<256x64xf32, #tpu.memory_space<vmem>>, vector<16xf32>,
      tpu.vector_store %arg10[%swap3A_778, %swap3A_779], %gather3A_777 {strides = array<i32>} : memref<256x64xf32, #tpu.memory_space<vmem>>, vector<16xf32>,
      %iota3A_781 = tpu.iota {dimensions = array<i32: 0>} : vector<16xi32>
      %add3A_782 = arith.constant 32 : i32
      %add3A_783 = vector.broadcast %add3A_782 : i32 to vector<16xi32>
      %add3A_784 = arith.addi %iota3A_781, %add3A_783 : vector<16xi32>
      %gather3A_785 = tpu.vector_load_idx %arg14[%add3A_784, %broadcast_in_dim3A_764] : memref<64x128xf32, #tpu.memory_space<vmem>>[vector<16xi32>, vector<16xi32>], vector<16xf32>,
      %swap3A_786 = arith.index_cast %add3A_759 : i32 to index
      %swap3A_787 = arith.constant 32 : index
      %swap3A_788 = tpu.vector_load %arg10[%swap3A_786, %swap3A_787] {strides = array<i32>} : memref<256x64xf32, #tpu.memory_space<vmem>>, vector<16xf32>,
      tpu.vector_store %arg10[%swap3A_786, %swap3A_787], %gather3A_785 {strides = array<i32>} : memref<256x64xf32, #tpu.memory_space<vmem>>, vector<16xf32>,
      %iota3A_789 = tpu.iota {dimensions = array<i32: 0>} : vector<16xi32>
      %add3A_790 = arith.constant 48 : i32
      %add3A_791 = vector.broadcast %add3A_790 : i32 to vector<16xi32>
      %add3A_792 = arith.addi %iota3A_789, %add3A_791 : vector<16xi32>
      %gather3A_793 = tpu.vector_load_idx %arg14[%add3A_792, %broadcast_in_dim3A_764] : memref<64x128xf32, #tpu.memory_space<vmem>>[vector<16xi32>, vector<16xi32>], vector<16xf32>,
      %swap3A_794 = arith.index_cast %add3A_759 : i32 to index
      %swap3A_795 = arith.constant 48 : index
      %swap3A_796 = tpu.vector_load %arg10[%swap3A_794, %swap3A_795] {strides = array<i32>} : memref<256x64xf32, #tpu.memory_space<vmem>>, vector<16xf32>,
      tpu.vector_store %arg10[%swap3A_794, %swap3A_795], %gather3A_793 {strides = array<i32>} : memref<256x64xf32, #tpu.memory_space<vmem>>, vector<16xf32>,
      %slice3A_797 = vector.extract_strided_slice %get3A_190 {offsets = [15], sizes = [1], strides = [1]} : vector<16xi32> to vector<1xi32>
      %squeeze3A_798 = vector.extract %slice3A_797[0] : i32 from vector<1xi32>
      %shift_right_arithmetic3A_799 = arith.constant 7 : i32
      %shift_right_arithmetic3A_800 = arith.shrsi %squeeze3A_798, %shift_right_arithmetic3A_799 : i32
      %shift_left3A_801 = arith.constant 7 : i32
      %shift_left3A_802 = arith.shli %shift_right_arithmetic3A_800, %shift_left3A_801 : i32
      %multiple_of3A_803 = tpu.assume_multiple %shift_left3A_802, 128 : i32
      %dma_start3A_804 = arith.constant 0 : i32
      %dma_start3A_805 = tpu.memref_slice %arg4[%dma_start3A_804, %multiple_of3A_803] : memref<64x1000000xf32, #tpu.memory_space<hbm>> -> memref<64x128xf32, #tpu.memory_space<hbm>>
      %dma_start3A_806 = arith.constant 0 : i32
      %dma_start3A_807 = tpu.memref_slice %arg4[%dma_start3A_806, %multiple_of3A_803] : memref<64x1000000xf32, #tpu.memory_space<hbm>> -> memref<64x128xf32, #tpu.memory_space<hbm>>
      tpu.enqueue_dma source(%dma_start3A_807 : memref<64x128xf32, #tpu.memory_space<hbm>>) target(%arg14 : memref<64x128xf32, #tpu.memory_space<vmem>>) target_semaphore(%arg21 : memref<!tpu.dma_semaphore, #tpu.memory_space<semaphore_mem>>)
      %dma_wait3A_808 = arith.constant 0 : i32
      %dma_wait3A_809 = tpu.memref_slice %arg4[%dma_wait3A_808, %multiple_of3A_523] : memref<64x1000000xf32, #tpu.memory_space<hbm>> -> memref<64x128xf32, #tpu.memory_space<hbm>>
      %dma_wait3A_810 = arith.constant 0 : i32
      %dma_wait3A_811 = tpu.memref_slice %arg4[%dma_wait3A_810, %multiple_of3A_523] : memref<64x1000000xf32, #tpu.memory_space<hbm>> -> memref<64x128xf32, #tpu.memory_space<hbm>>
      tpu.wait_dma2 semaphore(%arg22 : memref<!tpu.dma_semaphore, #tpu.memory_space<semaphore_mem>>) src(%dma_wait3A_811 : memref<64x128xf32, #tpu.memory_space<hbm>>) dst(%arg15 : memref<64x128xf32, #tpu.memory_space<vmem>>)
      %mul3A_812 = arith.constant 16 : i32
      %mul3A_813 = arith.muli %scan3A_9, %mul3A_812 : i32
      %add3A_814 = arith.constant 10 : i32
      %add3A_815 = arith.addi %mul3A_813, %add3A_814 : i32
      %slice3A_816 = vector.extract_strided_slice %get3A_190 {offsets = [10], sizes = [1], strides = [1]} : vector<16xi32> to vector<1xi32>
      %squeeze3A_817 = vector.extract %slice3A_816[0] : i32 from vector<1xi32>
      %and3A_818 = arith.constant 127 : i32
      %and3A_819 = arith.andi %squeeze3A_817, %and3A_818 : i32
      %broadcast_in_dim3A_820 = vector.broadcast %and3A_819 : i32 to vector<16xi32>
      %iota3A_821 = tpu.iota {dimensions = array<i32: 0>} : vector<16xi32>
      %add3A_822 = arith.constant 0 : i32
      %add3A_823 = vector.broadcast %add3A_822 : i32 to vector<16xi32>
      %add3A_824 = arith.addi %iota3A_821, %add3A_823 : vector<16xi32>
      %gather3A_825 = tpu.vector_load_idx %arg15[%add3A_824, %broadcast_in_dim3A_820] : memref<64x128xf32, #tpu.memory_space<vmem>>[vector<16xi32>, vector<16xi32>], vector<16xf32>,
      %swap3A_826 = arith.index_cast %add3A_815 : i32 to index
      %swap3A_827 = arith.constant 0 : index
      %swap3A_828 = tpu.vector_load %arg10[%swap3A_826, %swap3A_827] {strides = array<i32>} : memref<256x64xf32, #tpu.memory_space<vmem>>, vector<16xf32>,
      tpu.vector_store %arg10[%swap3A_826, %swap3A_827], %gather3A_825 {strides = array<i32>} : memref<256x64xf32, #tpu.memory_space<vmem>>, vector<16xf32>,
      %iota3A_829 = tpu.iota {dimensions = array<i32: 0>} : vector<16xi32>
      %add3A_830 = arith.constant 16 : i32
      %add3A_831 = vector.broadcast %add3A_830 : i32 to vector<16xi32>
      %add3A_832 = arith.addi %iota3A_829, %add3A_831 : vector<16xi32>
      %gather3A_833 = tpu.vector_load_idx %arg15[%add3A_832, %broadcast_in_dim3A_820] : memref<64x128xf32, #tpu.memory_space<vmem>>[vector<16xi32>, vector<16xi32>], vector<16xf32>,
      %swap3A_834 = arith.index_cast %add3A_815 : i32 to index
      %swap3A_835 = arith.constant 16 : index
      %swap3A_836 = tpu.vector_load %arg10[%swap3A_834, %swap3A_835] {strides = array<i32>} : memref<256x64xf32, #tpu.memory_space<vmem>>, vector<16xf32>,
      tpu.vector_store %arg10[%swap3A_834, %swap3A_835], %gather3A_833 {strides = array<i32>} : memref<256x64xf32, #tpu.memory_space<vmem>>, vector<16xf32>,
      %iota3A_837 = tpu.iota {dimensions = array<i32: 0>} : vector<16xi32>
      %add3A_838 = arith.constant 32 : i32
      %add3A_839 = vector.broadcast %add3A_838 : i32 to vector<16xi32>
      %add3A_840 = arith.addi %iota3A_837, %add3A_839 : vector<16xi32>
      %gather3A_841 = tpu.vector_load_idx %arg15[%add3A_840, %broadcast_in_dim3A_820] : memref<64x128xf32, #tpu.memory_space<vmem>>[vector<16xi32>, vector<16xi32>], vector<16xf32>,
      %swap3A_842 = arith.index_cast %add3A_815 : i32 to index
      %swap3A_843 = arith.constant 32 : index
      %swap3A_844 = tpu.vector_load %arg10[%swap3A_842, %swap3A_843] {strides = array<i32>} : memref<256x64xf32, #tpu.memory_space<vmem>>, vector<16xf32>,
      tpu.vector_store %arg10[%swap3A_842, %swap3A_843], %gather3A_841 {strides = array<i32>} : memref<256x64xf32, #tpu.memory_space<vmem>>, vector<16xf32>,
      %iota3A_845 = tpu.iota {dimensions = array<i32: 0>} : vector<16xi32>
      %add3A_846 = arith.constant 48 : i32
      %add3A_847 = vector.broadcast %add3A_846 : i32 to vector<16xi32>
      %add3A_848 = arith.addi %iota3A_845, %add3A_847 : vector<16xi32>
      %gather3A_849 = tpu.vector_load_idx %arg15[%add3A_848, %broadcast_in_dim3A_820] : memref<64x128xf32, #tpu.memory_space<vmem>>[vector<16xi32>, vector<16xi32>], vector<16xf32>,
      %swap3A_850 = arith.index_cast %add3A_815 : i32 to index
      %swap3A_851 = arith.constant 48 : index
      %swap3A_852 = tpu.vector_load %arg10[%swap3A_850, %swap3A_851] {strides = array<i32>} : memref<256x64xf32, #tpu.memory_space<vmem>>, vector<16xf32>,
      tpu.vector_store %arg10[%swap3A_850, %swap3A_851], %gather3A_849 {strides = array<i32>} : memref<256x64xf32, #tpu.memory_space<vmem>>, vector<16xf32>,
      %dma_wait3A_853 = arith.constant 0 : i32
      %dma_wait3A_854 = tpu.memref_slice %arg4[%dma_wait3A_853, %multiple_of3A_579] : memref<64x1000000xf32, #tpu.memory_space<hbm>> -> memref<64x128xf32, #tpu.memory_space<hbm>>
      %dma_wait3A_855 = arith.constant 0 : i32
      %dma_wait3A_856 = tpu.memref_slice %arg4[%dma_wait3A_855, %multiple_of3A_579] : memref<64x1000000xf32, #tpu.memory_space<hbm>> -> memref<64x128xf32, #tpu.memory_space<hbm>>
      tpu.wait_dma2 semaphore(%arg23 : memref<!tpu.dma_semaphore, #tpu.memory_space<semaphore_mem>>) src(%dma_wait3A_856 : memref<64x128xf32, #tpu.memory_space<hbm>>) dst(%arg16 : memref<64x128xf32, #tpu.memory_space<vmem>>)
      %mul3A_857 = arith.constant 16 : i32
      %mul3A_858 = arith.muli %scan3A_9, %mul3A_857 : i32
      %add3A_859 = arith.constant 11 : i32
      %add3A_860 = arith.addi %mul3A_858, %add3A_859 : i32
      %slice3A_861 = vector.extract_strided_slice %get3A_190 {offsets = [11], sizes = [1], strides = [1]} : vector<16xi32> to vector<1xi32>
      %squeeze3A_862 = vector.extract %slice3A_861[0] : i32 from vector<1xi32>
      %and3A_863 = arith.constant 127 : i32
      %and3A_864 = arith.andi %squeeze3A_862, %and3A_863 : i32
      %broadcast_in_dim3A_865 = vector.broadcast %and3A_864 : i32 to vector<16xi32>
      %iota3A_866 = tpu.iota {dimensions = array<i32: 0>} : vector<16xi32>
      %add3A_867 = arith.constant 0 : i32
      %add3A_868 = vector.broadcast %add3A_867 : i32 to vector<16xi32>
      %add3A_869 = arith.addi %iota3A_866, %add3A_868 : vector<16xi32>
      %gather3A_870 = tpu.vector_load_idx %arg16[%add3A_869, %broadcast_in_dim3A_865] : memref<64x128xf32, #tpu.memory_space<vmem>>[vector<16xi32>, vector<16xi32>], vector<16xf32>,
      %swap3A_871 = arith.index_cast %add3A_860 : i32 to index
      %swap3A_872 = arith.constant 0 : index
      %swap3A_873 = tpu.vector_load %arg10[%swap3A_871, %swap3A_872] {strides = array<i32>} : memref<256x64xf32, #tpu.memory_space<vmem>>, vector<16xf32>,
      tpu.vector_store %arg10[%swap3A_871, %swap3A_872], %gather3A_870 {strides = array<i32>} : memref<256x64xf32, #tpu.memory_space<vmem>>, vector<16xf32>,
      %iota3A_874 = tpu.iota {dimensions = array<i32: 0>} : vector<16xi32>
      %add3A_875 = arith.constant 16 : i32
      %add3A_876 = vector.broadcast %add3A_875 : i32 to vector<16xi32>
      %add3A_877 = arith.addi %iota3A_874, %add3A_876 : vector<16xi32>
      %gather3A_878 = tpu.vector_load_idx %arg16[%add3A_877, %broadcast_in_dim3A_865] : memref<64x128xf32, #tpu.memory_space<vmem>>[vector<16xi32>, vector<16xi32>], vector<16xf32>,
      %swap3A_879 = arith.index_cast %add3A_860 : i32 to index
      %swap3A_880 = arith.constant 16 : index
      %swap3A_881 = tpu.vector_load %arg10[%swap3A_879, %swap3A_880] {strides = array<i32>} : memref<256x64xf32, #tpu.memory_space<vmem>>, vector<16xf32>,
      tpu.vector_store %arg10[%swap3A_879, %swap3A_880], %gather3A_878 {strides = array<i32>} : memref<256x64xf32, #tpu.memory_space<vmem>>, vector<16xf32>,
      %iota3A_882 = tpu.iota {dimensions = array<i32: 0>} : vector<16xi32>
      %add3A_883 = arith.constant 32 : i32
      %add3A_884 = vector.broadcast %add3A_883 : i32 to vector<16xi32>
      %add3A_885 = arith.addi %iota3A_882, %add3A_884 : vector<16xi32>
      %gather3A_886 = tpu.vector_load_idx %arg16[%add3A_885, %broadcast_in_dim3A_865] : memref<64x128xf32, #tpu.memory_space<vmem>>[vector<16xi32>, vector<16xi32>], vector<16xf32>,
      %swap3A_887 = arith.index_cast %add3A_860 : i32 to index
      %swap3A_888 = arith.constant 32 : index
      %swap3A_889 = tpu.vector_load %arg10[%swap3A_887, %swap3A_888] {strides = array<i32>} : memref<256x64xf32, #tpu.memory_space<vmem>>, vector<16xf32>,
      tpu.vector_store %arg10[%swap3A_887, %swap3A_888], %gather3A_886 {strides = array<i32>} : memref<256x64xf32, #tpu.memory_space<vmem>>, vector<16xf32>,
      %iota3A_890 = tpu.iota {dimensions = array<i32: 0>} : vector<16xi32>
      %add3A_891 = arith.constant 48 : i32
      %add3A_892 = vector.broadcast %add3A_891 : i32 to vector<16xi32>
      %add3A_893 = arith.addi %iota3A_890, %add3A_892 : vector<16xi32>
      %gather3A_894 = tpu.vector_load_idx %arg16[%add3A_893, %broadcast_in_dim3A_865] : memref<64x128xf32, #tpu.memory_space<vmem>>[vector<16xi32>, vector<16xi32>], vector<16xf32>,
      %swap3A_895 = arith.index_cast %add3A_860 : i32 to index
      %swap3A_896 = arith.constant 48 : index
      %swap3A_897 = tpu.vector_load %arg10[%swap3A_895, %swap3A_896] {strides = array<i32>} : memref<256x64xf32, #tpu.memory_space<vmem>>, vector<16xf32>,
      tpu.vector_store %arg10[%swap3A_895, %swap3A_896], %gather3A_894 {strides = array<i32>} : memref<256x64xf32, #tpu.memory_space<vmem>>, vector<16xf32>,
      %dma_wait3A_898 = arith.constant 0 : i32
      %dma_wait3A_899 = tpu.memref_slice %arg4[%dma_wait3A_898, %multiple_of3A_635] : memref<64x1000000xf32, #tpu.memory_space<hbm>> -> memref<64x128xf32, #tpu.memory_space<hbm>>
      %dma_wait3A_900 = arith.constant 0 : i32
      %dma_wait3A_901 = tpu.memref_slice %arg4[%dma_wait3A_900, %multiple_of3A_635] : memref<64x1000000xf32, #tpu.memory_space<hbm>> -> memref<64x128xf32, #tpu.memory_space<hbm>>
      tpu.wait_dma2 semaphore(%arg18 : memref<!tpu.dma_semaphore, #tpu.memory_space<semaphore_mem>>) src(%dma_wait3A_901 : memref<64x128xf32, #tpu.memory_space<hbm>>) dst(%arg11 : memref<64x128xf32, #tpu.memory_space<vmem>>)
      %mul3A_902 = arith.constant 16 : i32
      %mul3A_903 = arith.muli %scan3A_9, %mul3A_902 : i32
      %add3A_904 = arith.constant 12 : i32
      %add3A_905 = arith.addi %mul3A_903, %add3A_904 : i32
      %slice3A_906 = vector.extract_strided_slice %get3A_190 {offsets = [12], sizes = [1], strides = [1]} : vector<16xi32> to vector<1xi32>
      %squeeze3A_907 = vector.extract %slice3A_906[0] : i32 from vector<1xi32>
      %and3A_908 = arith.constant 127 : i32
      %and3A_909 = arith.andi %squeeze3A_907, %and3A_908 : i32
      %broadcast_in_dim3A_910 = vector.broadcast %and3A_909 : i32 to vector<16xi32>
      %iota3A_911 = tpu.iota {dimensions = array<i32: 0>} : vector<16xi32>
      %add3A_912 = arith.constant 0 : i32
      %add3A_913 = vector.broadcast %add3A_912 : i32 to vector<16xi32>
      %add3A_914 = arith.addi %iota3A_911, %add3A_913 : vector<16xi32>
      %gather3A_915 = tpu.vector_load_idx %arg11[%add3A_914, %broadcast_in_dim3A_910] : memref<64x128xf32, #tpu.memory_space<vmem>>[vector<16xi32>, vector<16xi32>], vector<16xf32>,
      %swap3A_916 = arith.index_cast %add3A_905 : i32 to index
      %swap3A_917 = arith.constant 0 : index
      %swap3A_918 = tpu.vector_load %arg10[%swap3A_916, %swap3A_917] {strides = array<i32>} : memref<256x64xf32, #tpu.memory_space<vmem>>, vector<16xf32>,
      tpu.vector_store %arg10[%swap3A_916, %swap3A_917], %gather3A_915 {strides = array<i32>} : memref<256x64xf32, #tpu.memory_space<vmem>>, vector<16xf32>,
      %iota3A_919 = tpu.iota {dimensions = array<i32: 0>} : vector<16xi32>
      %add3A_920 = arith.constant 16 : i32
      %add3A_921 = vector.broadcast %add3A_920 : i32 to vector<16xi32>
      %add3A_922 = arith.addi %iota3A_919, %add3A_921 : vector<16xi32>
      %gather3A_923 = tpu.vector_load_idx %arg11[%add3A_922, %broadcast_in_dim3A_910] : memref<64x128xf32, #tpu.memory_space<vmem>>[vector<16xi32>, vector<16xi32>], vector<16xf32>,
      %swap3A_924 = arith.index_cast %add3A_905 : i32 to index
      %swap3A_925 = arith.constant 16 : index
      %swap3A_926 = tpu.vector_load %arg10[%swap3A_924, %swap3A_925] {strides = array<i32>} : memref<256x64xf32, #tpu.memory_space<vmem>>, vector<16xf32>,
      tpu.vector_store %arg10[%swap3A_924, %swap3A_925], %gather3A_923 {strides = array<i32>} : memref<256x64xf32, #tpu.memory_space<vmem>>, vector<16xf32>,
      %iota3A_927 = tpu.iota {dimensions = array<i32: 0>} : vector<16xi32>
      %add3A_928 = arith.constant 32 : i32
      %add3A_929 = vector.broadcast %add3A_928 : i32 to vector<16xi32>
      %add3A_930 = arith.addi %iota3A_927, %add3A_929 : vector<16xi32>
      %gather3A_931 = tpu.vector_load_idx %arg11[%add3A_930, %broadcast_in_dim3A_910] : memref<64x128xf32, #tpu.memory_space<vmem>>[vector<16xi32>, vector<16xi32>], vector<16xf32>,
      %swap3A_932 = arith.index_cast %add3A_905 : i32 to index
      %swap3A_933 = arith.constant 32 : index
      %swap3A_934 = tpu.vector_load %arg10[%swap3A_932, %swap3A_933] {strides = array<i32>} : memref<256x64xf32, #tpu.memory_space<vmem>>, vector<16xf32>,
      tpu.vector_store %arg10[%swap3A_932, %swap3A_933], %gather3A_931 {strides = array<i32>} : memref<256x64xf32, #tpu.memory_space<vmem>>, vector<16xf32>,
      %iota3A_935 = tpu.iota {dimensions = array<i32: 0>} : vector<16xi32>
      %add3A_936 = arith.constant 48 : i32
      %add3A_937 = vector.broadcast %add3A_936 : i32 to vector<16xi32>
      %add3A_938 = arith.addi %iota3A_935, %add3A_937 : vector<16xi32>
      %gather3A_939 = tpu.vector_load_idx %arg11[%add3A_938, %broadcast_in_dim3A_910] : memref<64x128xf32, #tpu.memory_space<vmem>>[vector<16xi32>, vector<16xi32>], vector<16xf32>,
      %swap3A_940 = arith.index_cast %add3A_905 : i32 to index
      %swap3A_941 = arith.constant 48 : index
      %swap3A_942 = tpu.vector_load %arg10[%swap3A_940, %swap3A_941] {strides = array<i32>} : memref<256x64xf32, #tpu.memory_space<vmem>>, vector<16xf32>,
      tpu.vector_store %arg10[%swap3A_940, %swap3A_941], %gather3A_939 {strides = array<i32>} : memref<256x64xf32, #tpu.memory_space<vmem>>, vector<16xf32>,
      %dma_wait3A_943 = arith.constant 0 : i32
      %dma_wait3A_944 = tpu.memref_slice %arg4[%dma_wait3A_943, %multiple_of3A_691] : memref<64x1000000xf32, #tpu.memory_space<hbm>> -> memref<64x128xf32, #tpu.memory_space<hbm>>
      %dma_wait3A_945 = arith.constant 0 : i32
      %dma_wait3A_946 = tpu.memref_slice %arg4[%dma_wait3A_945, %multiple_of3A_691] : memref<64x1000000xf32, #tpu.memory_space<hbm>> -> memref<64x128xf32, #tpu.memory_space<hbm>>
      tpu.wait_dma2 semaphore(%arg19 : memref<!tpu.dma_semaphore, #tpu.memory_space<semaphore_mem>>) src(%dma_wait3A_946 : memref<64x128xf32, #tpu.memory_space<hbm>>) dst(%arg12 : memref<64x128xf32, #tpu.memory_space<vmem>>)
      %mul3A_947 = arith.constant 16 : i32
      %mul3A_948 = arith.muli %scan3A_9, %mul3A_947 : i32
      %add3A_949 = arith.constant 13 : i32
      %add3A_950 = arith.addi %mul3A_948, %add3A_949 : i32
      %slice3A_951 = vector.extract_strided_slice %get3A_190 {offsets = [13], sizes = [1], strides = [1]} : vector<16xi32> to vector<1xi32>
      %squeeze3A_952 = vector.extract %slice3A_951[0] : i32 from vector<1xi32>
      %and3A_953 = arith.constant 127 : i32
      %and3A_954 = arith.andi %squeeze3A_952, %and3A_953 : i32
      %broadcast_in_dim3A_955 = vector.broadcast %and3A_954 : i32 to vector<16xi32>
      %iota3A_956 = tpu.iota {dimensions = array<i32: 0>} : vector<16xi32>
      %add3A_957 = arith.constant 0 : i32
      %add3A_958 = vector.broadcast %add3A_957 : i32 to vector<16xi32>
      %add3A_959 = arith.addi %iota3A_956, %add3A_958 : vector<16xi32>
      %gather3A_960 = tpu.vector_load_idx %arg12[%add3A_959, %broadcast_in_dim3A_955] : memref<64x128xf32, #tpu.memory_space<vmem>>[vector<16xi32>, vector<16xi32>], vector<16xf32>,
      %swap3A_961 = arith.index_cast %add3A_950 : i32 to index
      %swap3A_962 = arith.constant 0 : index
      %swap3A_963 = tpu.vector_load %arg10[%swap3A_961, %swap3A_962] {strides = array<i32>} : memref<256x64xf32, #tpu.memory_space<vmem>>, vector<16xf32>,
      tpu.vector_store %arg10[%swap3A_961, %swap3A_962], %gather3A_960 {strides = array<i32>} : memref<256x64xf32, #tpu.memory_space<vmem>>, vector<16xf32>,
      %iota3A_964 = tpu.iota {dimensions = array<i32: 0>} : vector<16xi32>
      %add3A_965 = arith.constant 16 : i32
      %add3A_966 = vector.broadcast %add3A_965 : i32 to vector<16xi32>
      %add3A_967 = arith.addi %iota3A_964, %add3A_966 : vector<16xi32>
      %gather3A_968 = tpu.vector_load_idx %arg12[%add3A_967, %broadcast_in_dim3A_955] : memref<64x128xf32, #tpu.memory_space<vmem>>[vector<16xi32>, vector<16xi32>], vector<16xf32>,
      %swap3A_969 = arith.index_cast %add3A_950 : i32 to index
      %swap3A_970 = arith.constant 16 : index
      %swap3A_971 = tpu.vector_load %arg10[%swap3A_969, %swap3A_970] {strides = array<i32>} : memref<256x64xf32, #tpu.memory_space<vmem>>, vector<16xf32>,
      tpu.vector_store %arg10[%swap3A_969, %swap3A_970], %gather3A_968 {strides = array<i32>} : memref<256x64xf32, #tpu.memory_space<vmem>>, vector<16xf32>,
      %iota3A_972 = tpu.iota {dimensions = array<i32: 0>} : vector<16xi32>
      %add3A_973 = arith.constant 32 : i32
      %add3A_974 = vector.broadcast %add3A_973 : i32 to vector<16xi32>
      %add3A_975 = arith.addi %iota3A_972, %add3A_974 : vector<16xi32>
      %gather3A_976 = tpu.vector_load_idx %arg12[%add3A_975, %broadcast_in_dim3A_955] : memref<64x128xf32, #tpu.memory_space<vmem>>[vector<16xi32>, vector<16xi32>], vector<16xf32>,
      %swap3A_977 = arith.index_cast %add3A_950 : i32 to index
      %swap3A_978 = arith.constant 32 : index
      %swap3A_979 = tpu.vector_load %arg10[%swap3A_977, %swap3A_978] {strides = array<i32>} : memref<256x64xf32, #tpu.memory_space<vmem>>, vector<16xf32>,
      tpu.vector_store %arg10[%swap3A_977, %swap3A_978], %gather3A_976 {strides = array<i32>} : memref<256x64xf32, #tpu.memory_space<vmem>>, vector<16xf32>,
      %iota3A_980 = tpu.iota {dimensions = array<i32: 0>} : vector<16xi32>
      %add3A_981 = arith.constant 48 : i32
      %add3A_982 = vector.broadcast %add3A_981 : i32 to vector<16xi32>
      %add3A_983 = arith.addi %iota3A_980, %add3A_982 : vector<16xi32>
      %gather3A_984 = tpu.vector_load_idx %arg12[%add3A_983, %broadcast_in_dim3A_955] : memref<64x128xf32, #tpu.memory_space<vmem>>[vector<16xi32>, vector<16xi32>], vector<16xf32>,
      %swap3A_985 = arith.index_cast %add3A_950 : i32 to index
      %swap3A_986 = arith.constant 48 : index
      %swap3A_987 = tpu.vector_load %arg10[%swap3A_985, %swap3A_986] {strides = array<i32>} : memref<256x64xf32, #tpu.memory_space<vmem>>, vector<16xf32>,
      tpu.vector_store %arg10[%swap3A_985, %swap3A_986], %gather3A_984 {strides = array<i32>} : memref<256x64xf32, #tpu.memory_space<vmem>>, vector<16xf32>,
      %dma_wait3A_988 = arith.constant 0 : i32
      %dma_wait3A_989 = tpu.memref_slice %arg4[%dma_wait3A_988, %multiple_of3A_747] : memref<64x1000000xf32, #tpu.memory_space<hbm>> -> memref<64x128xf32, #tpu.memory_space<hbm>>
      %dma_wait3A_990 = arith.constant 0 : i32
      %dma_wait3A_991 = tpu.memref_slice %arg4[%dma_wait3A_990, %multiple_of3A_747] : memref<64x1000000xf32, #tpu.memory_space<hbm>> -> memref<64x128xf32, #tpu.memory_space<hbm>>
      tpu.wait_dma2 semaphore(%arg20 : memref<!tpu.dma_semaphore, #tpu.memory_space<semaphore_mem>>) src(%dma_wait3A_991 : memref<64x128xf32, #tpu.memory_space<hbm>>) dst(%arg13 : memref<64x128xf32, #tpu.memory_space<vmem>>)
      %mul3A_992 = arith.constant 16 : i32
      %mul3A_993 = arith.muli %scan3A_9, %mul3A_992 : i32
      %add3A_994 = arith.constant 14 : i32
      %add3A_995 = arith.addi %mul3A_993, %add3A_994 : i32
      %slice3A_996 = vector.extract_strided_slice %get3A_190 {offsets = [14], sizes = [1], strides = [1]} : vector<16xi32> to vector<1xi32>
      %squeeze3A_997 = vector.extract %slice3A_996[0] : i32 from vector<1xi32>
      %and3A_998 = arith.constant 127 : i32
      %and3A_999 = arith.andi %squeeze3A_997, %and3A_998 : i32
      %broadcast_in_dim3A_1000 = vector.broadcast %and3A_999 : i32 to vector<16xi32>
      %iota3A_1001 = tpu.iota {dimensions = array<i32: 0>} : vector<16xi32>
      %add3A_1002 = arith.constant 0 : i32
      %add3A_1003 = vector.broadcast %add3A_1002 : i32 to vector<16xi32>
      %add3A_1004 = arith.addi %iota3A_1001, %add3A_1003 : vector<16xi32>
      %gather3A_1005 = tpu.vector_load_idx %arg13[%add3A_1004, %broadcast_in_dim3A_1000] : memref<64x128xf32, #tpu.memory_space<vmem>>[vector<16xi32>, vector<16xi32>], vector<16xf32>,
      %swap3A_1006 = arith.index_cast %add3A_995 : i32 to index
      %swap3A_1007 = arith.constant 0 : index
      %swap3A_1008 = tpu.vector_load %arg10[%swap3A_1006, %swap3A_1007] {strides = array<i32>} : memref<256x64xf32, #tpu.memory_space<vmem>>, vector<16xf32>,
      tpu.vector_store %arg10[%swap3A_1006, %swap3A_1007], %gather3A_1005 {strides = array<i32>} : memref<256x64xf32, #tpu.memory_space<vmem>>, vector<16xf32>,
      %iota3A_1009 = tpu.iota {dimensions = array<i32: 0>} : vector<16xi32>
      %add3A_1010 = arith.constant 16 : i32
      %add3A_1011 = vector.broadcast %add3A_1010 : i32 to vector<16xi32>
      %add3A_1012 = arith.addi %iota3A_1009, %add3A_1011 : vector<16xi32>
      %gather3A_1013 = tpu.vector_load_idx %arg13[%add3A_1012, %broadcast_in_dim3A_1000] : memref<64x128xf32, #tpu.memory_space<vmem>>[vector<16xi32>, vector<16xi32>], vector<16xf32>,
      %swap3A_1014 = arith.index_cast %add3A_995 : i32 to index
      %swap3A_1015 = arith.constant 16 : index
      %swap3A_1016 = tpu.vector_load %arg10[%swap3A_1014, %swap3A_1015] {strides = array<i32>} : memref<256x64xf32, #tpu.memory_space<vmem>>, vector<16xf32>,
      tpu.vector_store %arg10[%swap3A_1014, %swap3A_1015], %gather3A_1013 {strides = array<i32>} : memref<256x64xf32, #tpu.memory_space<vmem>>, vector<16xf32>,
      %iota3A_1017 = tpu.iota {dimensions = array<i32: 0>} : vector<16xi32>
      %add3A_1018 = arith.constant 32 : i32
      %add3A_1019 = vector.broadcast %add3A_1018 : i32 to vector<16xi32>
      %add3A_1020 = arith.addi %iota3A_1017, %add3A_1019 : vector<16xi32>
      %gather3A_1021 = tpu.vector_load_idx %arg13[%add3A_1020, %broadcast_in_dim3A_1000] : memref<64x128xf32, #tpu.memory_space<vmem>>[vector<16xi32>, vector<16xi32>], vector<16xf32>,
      %swap3A_1022 = arith.index_cast %add3A_995 : i32 to index
      %swap3A_1023 = arith.constant 32 : index
      %swap3A_1024 = tpu.vector_load %arg10[%swap3A_1022, %swap3A_1023] {strides = array<i32>} : memref<256x64xf32, #tpu.memory_space<vmem>>, vector<16xf32>,
      tpu.vector_store %arg10[%swap3A_1022, %swap3A_1023], %gather3A_1021 {strides = array<i32>} : memref<256x64xf32, #tpu.memory_space<vmem>>, vector<16xf32>,
      %iota3A_1025 = tpu.iota {dimensions = array<i32: 0>} : vector<16xi32>
      %add3A_1026 = arith.constant 48 : i32
      %add3A_1027 = vector.broadcast %add3A_1026 : i32 to vector<16xi32>
      %add3A_1028 = arith.addi %iota3A_1025, %add3A_1027 : vector<16xi32>
      %gather3A_1029 = tpu.vector_load_idx %arg13[%add3A_1028, %broadcast_in_dim3A_1000] : memref<64x128xf32, #tpu.memory_space<vmem>>[vector<16xi32>, vector<16xi32>], vector<16xf32>,
      %swap3A_1030 = arith.index_cast %add3A_995 : i32 to index
      %swap3A_1031 = arith.constant 48 : index
      %swap3A_1032 = tpu.vector_load %arg10[%swap3A_1030, %swap3A_1031] {strides = array<i32>} : memref<256x64xf32, #tpu.memory_space<vmem>>, vector<16xf32>,
      tpu.vector_store %arg10[%swap3A_1030, %swap3A_1031], %gather3A_1029 {strides = array<i32>} : memref<256x64xf32, #tpu.memory_space<vmem>>, vector<16xf32>,
      %dma_wait3A_1033 = arith.constant 0 : i32
      %dma_wait3A_1034 = tpu.memref_slice %arg4[%dma_wait3A_1033, %multiple_of3A_803] : memref<64x1000000xf32, #tpu.memory_space<hbm>> -> memref<64x128xf32, #tpu.memory_space<hbm>>
      %dma_wait3A_1035 = arith.constant 0 : i32
      %dma_wait3A_1036 = tpu.memref_slice %arg4[%dma_wait3A_1035, %multiple_of3A_803] : memref<64x1000000xf32, #tpu.memory_space<hbm>> -> memref<64x128xf32, #tpu.memory_space<hbm>>
      tpu.wait_dma2 semaphore(%arg21 : memref<!tpu.dma_semaphore, #tpu.memory_space<semaphore_mem>>) src(%dma_wait3A_1036 : memref<64x128xf32, #tpu.memory_space<hbm>>) dst(%arg14 : memref<64x128xf32, #tpu.memory_space<vmem>>)
      %mul3A_1037 = arith.constant 16 : i32
      %mul3A_1038 = arith.muli %scan3A_9, %mul3A_1037 : i32
      %add3A_1039 = arith.constant 15 : i32
      %add3A_1040 = arith.addi %mul3A_1038, %add3A_1039 : i32
      %slice3A_1041 = vector.extract_strided_slice %get3A_190 {offsets = [15], sizes = [1], strides = [1]} : vector<16xi32> to vector<1xi32>
      %squeeze3A_1042 = vector.extract %slice3A_1041[0] : i32 from vector<1xi32>
      %and3A_1043 = arith.constant 127 : i32
      %and3A_1044 = arith.andi %squeeze3A_1042, %and3A_1043 : i32
      %broadcast_in_dim3A_1045 = vector.broadcast %and3A_1044 : i32 to vector<16xi32>
      %iota3A_1046 = tpu.iota {dimensions = array<i32: 0>} : vector<16xi32>
      %add3A_1047 = arith.constant 0 : i32
      %add3A_1048 = vector.broadcast %add3A_1047 : i32 to vector<16xi32>
      %add3A_1049 = arith.addi %iota3A_1046, %add3A_1048 : vector<16xi32>
      %gather3A_1050 = tpu.vector_load_idx %arg14[%add3A_1049, %broadcast_in_dim3A_1045] : memref<64x128xf32, #tpu.memory_space<vmem>>[vector<16xi32>, vector<16xi32>], vector<16xf32>,
      %swap3A_1051 = arith.index_cast %add3A_1040 : i32 to index
      %swap3A_1052 = arith.constant 0 : index
      %swap3A_1053 = tpu.vector_load %arg10[%swap3A_1051, %swap3A_1052] {strides = array<i32>} : memref<256x64xf32, #tpu.memory_space<vmem>>, vector<16xf32>,
      tpu.vector_store %arg10[%swap3A_1051, %swap3A_1052], %gather3A_1050 {strides = array<i32>} : memref<256x64xf32, #tpu.memory_space<vmem>>, vector<16xf32>,
      %iota3A_1054 = tpu.iota {dimensions = array<i32: 0>} : vector<16xi32>
      %add3A_1055 = arith.constant 16 : i32
      %add3A_1056 = vector.broadcast %add3A_1055 : i32 to vector<16xi32>
      %add3A_1057 = arith.addi %iota3A_1054, %add3A_1056 : vector<16xi32>
      %gather3A_1058 = tpu.vector_load_idx %arg14[%add3A_1057, %broadcast_in_dim3A_1045] : memref<64x128xf32, #tpu.memory_space<vmem>>[vector<16xi32>, vector<16xi32>], vector<16xf32>,
      %swap3A_1059 = arith.index_cast %add3A_1040 : i32 to index
      %swap3A_1060 = arith.constant 16 : index
      %swap3A_1061 = tpu.vector_load %arg10[%swap3A_1059, %swap3A_1060] {strides = array<i32>} : memref<256x64xf32, #tpu.memory_space<vmem>>, vector<16xf32>,
      tpu.vector_store %arg10[%swap3A_1059, %swap3A_1060], %gather3A_1058 {strides = array<i32>} : memref<256x64xf32, #tpu.memory_space<vmem>>, vector<16xf32>,
      %iota3A_1062 = tpu.iota {dimensions = array<i32: 0>} : vector<16xi32>
      %add3A_1063 = arith.constant 32 : i32
      %add3A_1064 = vector.broadcast %add3A_1063 : i32 to vector<16xi32>
      %add3A_1065 = arith.addi %iota3A_1062, %add3A_1064 : vector<16xi32>
      %gather3A_1066 = tpu.vector_load_idx %arg14[%add3A_1065, %broadcast_in_dim3A_1045] : memref<64x128xf32, #tpu.memory_space<vmem>>[vector<16xi32>, vector<16xi32>], vector<16xf32>,
      %swap3A_1067 = arith.index_cast %add3A_1040 : i32 to index
      %swap3A_1068 = arith.constant 32 : index
      %swap3A_1069 = tpu.vector_load %arg10[%swap3A_1067, %swap3A_1068] {strides = array<i32>} : memref<256x64xf32, #tpu.memory_space<vmem>>, vector<16xf32>,
      tpu.vector_store %arg10[%swap3A_1067, %swap3A_1068], %gather3A_1066 {strides = array<i32>} : memref<256x64xf32, #tpu.memory_space<vmem>>, vector<16xf32>,
      %iota3A_1070 = tpu.iota {dimensions = array<i32: 0>} : vector<16xi32>
      %add3A_1071 = arith.constant 48 : i32
      %add3A_1072 = vector.broadcast %add3A_1071 : i32 to vector<16xi32>
      %add3A_1073 = arith.addi %iota3A_1070, %add3A_1072 : vector<16xi32>
      %gather3A_1074 = tpu.vector_load_idx %arg14[%add3A_1073, %broadcast_in_dim3A_1045] : memref<64x128xf32, #tpu.memory_space<vmem>>[vector<16xi32>, vector<16xi32>], vector<16xf32>,
      %swap3A_1075 = arith.index_cast %add3A_1040 : i32 to index
      %swap3A_1076 = arith.constant 48 : index
      %swap3A_1077 = tpu.vector_load %arg10[%swap3A_1075, %swap3A_1076] {strides = array<i32>} : memref<256x64xf32, #tpu.memory_space<vmem>>, vector<16xf32>,
      tpu.vector_store %arg10[%swap3A_1075, %swap3A_1076], %gather3A_1074 {strides = array<i32>} : memref<256x64xf32, #tpu.memory_space<vmem>>, vector<16xf32>,
      %dma_wait3A_1078 = arith.constant 0 : i32
      %dma_wait3A_1079 = tpu.memref_slice %arg7[%add3A_18, %dma_wait3A_1078] : memref<8192x64xf32, #tpu.memory_space<hbm>> -> memref<1x64xf32, #tpu.memory_space<hbm>>
      %dma_wait3A_1080 = arith.constant 0 : i32
      %dma_wait3A_1081 = tpu.memref_slice %arg5[%squeeze3A, %dma_wait3A_1080] : memref<100000x64xf32, #tpu.memory_space<hbm>> -> memref<1x64xf32, #tpu.memory_space<hbm>>
      tpu.wait_dma2 semaphore(%arg17 : memref<!tpu.dma_semaphore, #tpu.memory_space<semaphore_mem>>) src(%dma_wait3A_1081 : memref<1x64xf32, #tpu.memory_space<hbm>>) dst(%dma_wait3A_1079 : memref<1x64xf32, #tpu.memory_space<hbm>>)
      %dma_wait3A_1082 = arith.constant 0 : i32
      %dma_wait3A_1083 = tpu.memref_slice %arg7[%add3A_28, %dma_wait3A_1082] : memref<8192x64xf32, #tpu.memory_space<hbm>> -> memref<1x64xf32, #tpu.memory_space<hbm>>
      %dma_wait3A_1084 = arith.constant 0 : i32
      %dma_wait3A_1085 = tpu.memref_slice %arg5[%squeeze3A_23, %dma_wait3A_1084] : memref<100000x64xf32, #tpu.memory_space<hbm>> -> memref<1x64xf32, #tpu.memory_space<hbm>>
      tpu.wait_dma2 semaphore(%arg17 : memref<!tpu.dma_semaphore, #tpu.memory_space<semaphore_mem>>) src(%dma_wait3A_1085 : memref<1x64xf32, #tpu.memory_space<hbm>>) dst(%dma_wait3A_1083 : memref<1x64xf32, #tpu.memory_space<hbm>>)
      %dma_wait3A_1086 = arith.constant 0 : i32
      %dma_wait3A_1087 = tpu.memref_slice %arg7[%add3A_39, %dma_wait3A_1086] : memref<8192x64xf32, #tpu.memory_space<hbm>> -> memref<1x64xf32, #tpu.memory_space<hbm>>
      %dma_wait3A_1088 = arith.constant 0 : i32
      %dma_wait3A_1089 = tpu.memref_slice %arg5[%squeeze3A_34, %dma_wait3A_1088] : memref<100000x64xf32, #tpu.memory_space<hbm>> -> memref<1x64xf32, #tpu.memory_space<hbm>>
      tpu.wait_dma2 semaphore(%arg17 : memref<!tpu.dma_semaphore, #tpu.memory_space<semaphore_mem>>) src(%dma_wait3A_1089 : memref<1x64xf32, #tpu.memory_space<hbm>>) dst(%dma_wait3A_1087 : memref<1x64xf32, #tpu.memory_space<hbm>>)
      %dma_wait3A_1090 = arith.constant 0 : i32
      %dma_wait3A_1091 = tpu.memref_slice %arg7[%add3A_50, %dma_wait3A_1090] : memref<8192x64xf32, #tpu.memory_space<hbm>> -> memref<1x64xf32, #tpu.memory_space<hbm>>
      %dma_wait3A_1092 = arith.constant 0 : i32
      %dma_wait3A_1093 = tpu.memref_slice %arg5[%squeeze3A_45, %dma_wait3A_1092] : memref<100000x64xf32, #tpu.memory_space<hbm>> -> memref<1x64xf32, #tpu.memory_space<hbm>>
      tpu.wait_dma2 semaphore(%arg17 : memref<!tpu.dma_semaphore, #tpu.memory_space<semaphore_mem>>) src(%dma_wait3A_1093 : memref<1x64xf32, #tpu.memory_space<hbm>>) dst(%dma_wait3A_1091 : memref<1x64xf32, #tpu.memory_space<hbm>>)
      %dma_wait3A_1094 = arith.constant 0 : i32
      %dma_wait3A_1095 = tpu.memref_slice %arg7[%add3A_61, %dma_wait3A_1094] : memref<8192x64xf32, #tpu.memory_space<hbm>> -> memref<1x64xf32, #tpu.memory_space<hbm>>
      %dma_wait3A_1096 = arith.constant 0 : i32
      %dma_wait3A_1097 = tpu.memref_slice %arg5[%squeeze3A_56, %dma_wait3A_1096] : memref<100000x64xf32, #tpu.memory_space<hbm>> -> memref<1x64xf32, #tpu.memory_space<hbm>>
      tpu.wait_dma2 semaphore(%arg17 : memref<!tpu.dma_semaphore, #tpu.memory_space<semaphore_mem>>) src(%dma_wait3A_1097 : memref<1x64xf32, #tpu.memory_space<hbm>>) dst(%dma_wait3A_1095 : memref<1x64xf32, #tpu.memory_space<hbm>>)
      %dma_wait3A_1098 = arith.constant 0 : i32
      %dma_wait3A_1099 = tpu.memref_slice %arg7[%add3A_72, %dma_wait3A_1098] : memref<8192x64xf32, #tpu.memory_space<hbm>> -> memref<1x64xf32, #tpu.memory_space<hbm>>
      %dma_wait3A_1100 = arith.constant 0 : i32
      %dma_wait3A_1101 = tpu.memref_slice %arg5[%squeeze3A_67, %dma_wait3A_1100] : memref<100000x64xf32, #tpu.memory_space<hbm>> -> memref<1x64xf32, #tpu.memory_space<hbm>>
      tpu.wait_dma2 semaphore(%arg17 : memref<!tpu.dma_semaphore, #tpu.memory_space<semaphore_mem>>) src(%dma_wait3A_1101 : memref<1x64xf32, #tpu.memory_space<hbm>>) dst(%dma_wait3A_1099 : memref<1x64xf32, #tpu.memory_space<hbm>>)
      %dma_wait3A_1102 = arith.constant 0 : i32
      %dma_wait3A_1103 = tpu.memref_slice %arg7[%add3A_83, %dma_wait3A_1102] : memref<8192x64xf32, #tpu.memory_space<hbm>> -> memref<1x64xf32, #tpu.memory_space<hbm>>
      %dma_wait3A_1104 = arith.constant 0 : i32
      %dma_wait3A_1105 = tpu.memref_slice %arg5[%squeeze3A_78, %dma_wait3A_1104] : memref<100000x64xf32, #tpu.memory_space<hbm>> -> memref<1x64xf32, #tpu.memory_space<hbm>>
      tpu.wait_dma2 semaphore(%arg17 : memref<!tpu.dma_semaphore, #tpu.memory_space<semaphore_mem>>) src(%dma_wait3A_1105 : memref<1x64xf32, #tpu.memory_space<hbm>>) dst(%dma_wait3A_1103 : memref<1x64xf32, #tpu.memory_space<hbm>>)
      %dma_wait3A_1106 = arith.constant 0 : i32
      %dma_wait3A_1107 = tpu.memref_slice %arg7[%add3A_94, %dma_wait3A_1106] : memref<8192x64xf32, #tpu.memory_space<hbm>> -> memref<1x64xf32, #tpu.memory_space<hbm>>
      %dma_wait3A_1108 = arith.constant 0 : i32
      %dma_wait3A_1109 = tpu.memref_slice %arg5[%squeeze3A_89, %dma_wait3A_1108] : memref<100000x64xf32, #tpu.memory_space<hbm>> -> memref<1x64xf32, #tpu.memory_space<hbm>>
      tpu.wait_dma2 semaphore(%arg17 : memref<!tpu.dma_semaphore, #tpu.memory_space<semaphore_mem>>) src(%dma_wait3A_1109 : memref<1x64xf32, #tpu.memory_space<hbm>>) dst(%dma_wait3A_1107 : memref<1x64xf32, #tpu.memory_space<hbm>>)
      %dma_wait3A_1110 = arith.constant 0 : i32
      %dma_wait3A_1111 = tpu.memref_slice %arg7[%add3A_105, %dma_wait3A_1110] : memref<8192x64xf32, #tpu.memory_space<hbm>> -> memref<1x64xf32, #tpu.memory_space<hbm>>
      %dma_wait3A_1112 = arith.constant 0 : i32
      %dma_wait3A_1113 = tpu.memref_slice %arg5[%squeeze3A_100, %dma_wait3A_1112] : memref<100000x64xf32, #tpu.memory_space<hbm>> -> memref<1x64xf32, #tpu.memory_space<hbm>>
      tpu.wait_dma2 semaphore(%arg17 : memref<!tpu.dma_semaphore, #tpu.memory_space<semaphore_mem>>) src(%dma_wait3A_1113 : memref<1x64xf32, #tpu.memory_space<hbm>>) dst(%dma_wait3A_1111 : memref<1x64xf32, #tpu.memory_space<hbm>>)
      %dma_wait3A_1114 = arith.constant 0 : i32
      %dma_wait3A_1115 = tpu.memref_slice %arg7[%add3A_116, %dma_wait3A_1114] : memref<8192x64xf32, #tpu.memory_space<hbm>> -> memref<1x64xf32, #tpu.memory_space<hbm>>
      %dma_wait3A_1116 = arith.constant 0 : i32
      %dma_wait3A_1117 = tpu.memref_slice %arg5[%squeeze3A_111, %dma_wait3A_1116] : memref<100000x64xf32, #tpu.memory_space<hbm>> -> memref<1x64xf32, #tpu.memory_space<hbm>>
      tpu.wait_dma2 semaphore(%arg17 : memref<!tpu.dma_semaphore, #tpu.memory_space<semaphore_mem>>) src(%dma_wait3A_1117 : memref<1x64xf32, #tpu.memory_space<hbm>>) dst(%dma_wait3A_1115 : memref<1x64xf32, #tpu.memory_space<hbm>>)
      %dma_wait3A_1118 = arith.constant 0 : i32
      %dma_wait3A_1119 = tpu.memref_slice %arg7[%add3A_127, %dma_wait3A_1118] : memref<8192x64xf32, #tpu.memory_space<hbm>> -> memref<1x64xf32, #tpu.memory_space<hbm>>
      %dma_wait3A_1120 = arith.constant 0 : i32
      %dma_wait3A_1121 = tpu.memref_slice %arg5[%squeeze3A_122, %dma_wait3A_1120] : memref<100000x64xf32, #tpu.memory_space<hbm>> -> memref<1x64xf32, #tpu.memory_space<hbm>>
      tpu.wait_dma2 semaphore(%arg17 : memref<!tpu.dma_semaphore, #tpu.memory_space<semaphore_mem>>) src(%dma_wait3A_1121 : memref<1x64xf32, #tpu.memory_space<hbm>>) dst(%dma_wait3A_1119 : memref<1x64xf32, #tpu.memory_space<hbm>>)
      %dma_wait3A_1122 = arith.constant 0 : i32
      %dma_wait3A_1123 = tpu.memref_slice %arg7[%add3A_138, %dma_wait3A_1122] : memref<8192x64xf32, #tpu.memory_space<hbm>> -> memref<1x64xf32, #tpu.memory_space<hbm>>
      %dma_wait3A_1124 = arith.constant 0 : i32
      %dma_wait3A_1125 = tpu.memref_slice %arg5[%squeeze3A_133, %dma_wait3A_1124] : memref<100000x64xf32, #tpu.memory_space<hbm>> -> memref<1x64xf32, #tpu.memory_space<hbm>>
      tpu.wait_dma2 semaphore(%arg17 : memref<!tpu.dma_semaphore, #tpu.memory_space<semaphore_mem>>) src(%dma_wait3A_1125 : memref<1x64xf32, #tpu.memory_space<hbm>>) dst(%dma_wait3A_1123 : memref<1x64xf32, #tpu.memory_space<hbm>>)
      %dma_wait3A_1126 = arith.constant 0 : i32
      %dma_wait3A_1127 = tpu.memref_slice %arg7[%add3A_149, %dma_wait3A_1126] : memref<8192x64xf32, #tpu.memory_space<hbm>> -> memref<1x64xf32, #tpu.memory_space<hbm>>
      %dma_wait3A_1128 = arith.constant 0 : i32
      %dma_wait3A_1129 = tpu.memref_slice %arg5[%squeeze3A_144, %dma_wait3A_1128] : memref<100000x64xf32, #tpu.memory_space<hbm>> -> memref<1x64xf32, #tpu.memory_space<hbm>>
      tpu.wait_dma2 semaphore(%arg17 : memref<!tpu.dma_semaphore, #tpu.memory_space<semaphore_mem>>) src(%dma_wait3A_1129 : memref<1x64xf32, #tpu.memory_space<hbm>>) dst(%dma_wait3A_1127 : memref<1x64xf32, #tpu.memory_space<hbm>>)
      %dma_wait3A_1130 = arith.constant 0 : i32
      %dma_wait3A_1131 = tpu.memref_slice %arg7[%add3A_160, %dma_wait3A_1130] : memref<8192x64xf32, #tpu.memory_space<hbm>> -> memref<1x64xf32, #tpu.memory_space<hbm>>
      %dma_wait3A_1132 = arith.constant 0 : i32
      %dma_wait3A_1133 = tpu.memref_slice %arg5[%squeeze3A_155, %dma_wait3A_1132] : memref<100000x64xf32, #tpu.memory_space<hbm>> -> memref<1x64xf32, #tpu.memory_space<hbm>>
      tpu.wait_dma2 semaphore(%arg17 : memref<!tpu.dma_semaphore, #tpu.memory_space<semaphore_mem>>) src(%dma_wait3A_1133 : memref<1x64xf32, #tpu.memory_space<hbm>>) dst(%dma_wait3A_1131 : memref<1x64xf32, #tpu.memory_space<hbm>>)
      %dma_wait3A_1134 = arith.constant 0 : i32
      %dma_wait3A_1135 = tpu.memref_slice %arg7[%add3A_171, %dma_wait3A_1134] : memref<8192x64xf32, #tpu.memory_space<hbm>> -> memref<1x64xf32, #tpu.memory_space<hbm>>
      %dma_wait3A_1136 = arith.constant 0 : i32
      %dma_wait3A_1137 = tpu.memref_slice %arg5[%squeeze3A_166, %dma_wait3A_1136] : memref<100000x64xf32, #tpu.memory_space<hbm>> -> memref<1x64xf32, #tpu.memory_space<hbm>>
      tpu.wait_dma2 semaphore(%arg17 : memref<!tpu.dma_semaphore, #tpu.memory_space<semaphore_mem>>) src(%dma_wait3A_1137 : memref<1x64xf32, #tpu.memory_space<hbm>>) dst(%dma_wait3A_1135 : memref<1x64xf32, #tpu.memory_space<hbm>>)
      %dma_wait3A_1138 = arith.constant 0 : i32
      %dma_wait3A_1139 = tpu.memref_slice %arg7[%add3A_182, %dma_wait3A_1138] : memref<8192x64xf32, #tpu.memory_space<hbm>> -> memref<1x64xf32, #tpu.memory_space<hbm>>
      %dma_wait3A_1140 = arith.constant 0 : i32
      %dma_wait3A_1141 = tpu.memref_slice %arg5[%squeeze3A_177, %dma_wait3A_1140] : memref<100000x64xf32, #tpu.memory_space<hbm>> -> memref<1x64xf32, #tpu.memory_space<hbm>>
      tpu.wait_dma2 semaphore(%arg17 : memref<!tpu.dma_semaphore, #tpu.memory_space<semaphore_mem>>) src(%dma_wait3A_1141 : memref<1x64xf32, #tpu.memory_space<hbm>>) dst(%dma_wait3A_1139 : memref<1x64xf32, #tpu.memory_space<hbm>>)
      %scan3A_1142 = arith.constant 0 : i32
      scf.yield %scan3A_1142 : i32
    }
    %scan3A_8 = arith.constant 16 : i32
    "tpu.region"() ({
      %run_scoped3A = tpu.sem_alloc : memref<!tpu.dma_semaphore, #tpu.memory_space<semaphore_mem>>
      %dma_start3A = arith.constant 0 : i32
      %dma_start3A_9 = tpu.memref_slice %arg6[%mul3A_2, %dma_start3A] : memref<8192x64xf32, #tpu.memory_space<hbm>> -> memref<256x64xf32, #tpu.memory_space<hbm>>
      %dma_start3A_10 = arith.constant 0 : i32
      %dma_start3A_11 = tpu.memref_slice %arg6[%mul3A_2, %dma_start3A_10] : memref<8192x64xf32, #tpu.memory_space<hbm>> -> memref<256x64xf32, #tpu.memory_space<hbm>>
      tpu.enqueue_dma source(%arg10 : memref<256x64xf32, #tpu.memory_space<vmem>>) target(%dma_start3A_11 : memref<256x64xf32, #tpu.memory_space<hbm>>) target_semaphore(%run_scoped3A : memref<!tpu.dma_semaphore, #tpu.memory_space<semaphore_mem>>)
      %dma_wait3A = arith.constant 0 : i32
      %dma_wait3A_12 = tpu.memref_slice %arg6[%mul3A_2, %dma_wait3A] : memref<8192x64xf32, #tpu.memory_space<hbm>> -> memref<256x64xf32, #tpu.memory_space<hbm>>
      %dma_wait3A_13 = arith.constant 0 : i32
      %dma_wait3A_14 = tpu.memref_slice %arg6[%mul3A_2, %dma_wait3A_13] : memref<8192x64xf32, #tpu.memory_space<hbm>> -> memref<256x64xf32, #tpu.memory_space<hbm>>
      tpu.wait_dma2 semaphore(%run_scoped3A : memref<!tpu.dma_semaphore, #tpu.memory_space<semaphore_mem>>) src(%arg10 : memref<256x64xf32, #tpu.memory_space<vmem>>) dst(%dma_wait3A_14 : memref<256x64xf32, #tpu.memory_space<hbm>>)
      tpu.yield
    }) : () -> ()
    return
  }
}

module attributes {stable_mosaic.version = 14 : i64} {
  func.func @_tc_body(%arg0: i32, %arg1: memref<2048x1xi32, #tpu.memory_space<vmem>>, %arg2: memref<2048x1xi32, #tpu.memory_space<vmem>>, %arg3: memref<2048x1xi32, #tpu.memory_space<vmem>>, %arg4: memref<2048x64xf32, #tpu.memory_space<vmem>>, %arg5: memref<2048x64xf32, #tpu.memory_space<vmem>>, %arg6: memref<2x64xf32, #tpu.memory_space<vmem>>, %arg7: memref<7x64xf32, #tpu.memory_space<vmem>>, %arg8: memref<21x64xf32, #tpu.memory_space<vmem>>, %arg9: memref<128x64xf32, #tpu.memory_space<vmem>>, %arg10: memref<1x64xf32, #tpu.memory_space<vmem>>, %arg11: memref<2048x1xf32, #tpu.memory_space<vmem>>) attributes {dimension_semantics = [#tpu.dimension_semantics<arbitrary>], iteration_bounds = array<i64: 4>, scalar_prefetch = 0 : i64, scratch_operands = 0 : i64, tpu.core_type = #tpu.core_type<tc>, window_params = [{transform_indices = @transform_0, window_bounds = array<i64: 2048, 1>}, {transform_indices = @transform_1, window_bounds = array<i64: 2048, 1>}, {transform_indices = @transform_2, window_bounds = array<i64: 2048, 1>}, {transform_indices = @transform_3, window_bounds = array<i64: 2048, 64>}, {transform_indices = @transform_4, window_bounds = array<i64: 2048, 64>}, {pipeline_mode = #tpu.pipeline_mode<synchronous>, transform_indices = @transform_5, window_bounds = array<i64: 2, 64>}, {pipeline_mode = #tpu.pipeline_mode<synchronous>, transform_indices = @transform_6, window_bounds = array<i64: 7, 64>}, {pipeline_mode = #tpu.pipeline_mode<synchronous>, transform_indices = @transform_7, window_bounds = array<i64: 21, 64>}, {pipeline_mode = #tpu.pipeline_mode<synchronous>, transform_indices = @transform_8, window_bounds = array<i64: 128, 64>}, {pipeline_mode = #tpu.pipeline_mode<synchronous>, transform_indices = @transform_9, window_bounds = array<i64: 1, 64>}, {transform_indices = @transform_10, window_bounds = array<i64: 2048, 1>}]} {
    %get3A = arith.constant 0 : index
    %get3A_0 = arith.constant 0 : index
    %get3A_1 = vector.load %arg5[%get3A, %get3A_0] : memref<2048x64xf32, #tpu.memory_space<vmem>>, vector<2048x64xf32>
    %get3A_2 = arith.constant 0 : index
    %get3A_3 = arith.constant 0 : index
    %get3A_4 = vector.load %arg4[%get3A_2, %get3A_3] : memref<2048x64xf32, #tpu.memory_space<vmem>>, vector<2048x64xf32>
    %get3A_5 = arith.constant 0 : index
    %get3A_6 = arith.constant 0 : index
    %get3A_7 = vector.load %arg9[%get3A_5, %get3A_6] : memref<128x64xf32, #tpu.memory_space<vmem>>, vector<64x64xf32>
    %get3A_8 = arith.constant 64 : index
    %get3A_9 = arith.constant 0 : index
    %get3A_10 = vector.load %arg9[%get3A_8, %get3A_9] : memref<128x64xf32, #tpu.memory_space<vmem>>, vector<64x64xf32>
    %dot_general3A = arith.constant dense<0.000000e+00> : vector<2048x64xf32>
    %dot_general3A_11 = tpu.matmul %get3A_1, %get3A_7, %dot_general3A {dimension_numbers = #tpu.dot_dimension_numbers<[1], [0], [0], [1], [0, 0, 1, 1], [], []>, transpose_lhs_hint = false} : vector<2048x64xf32>, vector<64x64xf32>, vector<2048x64xf32> -> vector<2048x64xf32>
    %get3A_12 = arith.constant 0 : index
    %get3A_13 = arith.constant 0 : index
    %get3A_14 = vector.load %arg10[%get3A_12, %get3A_13] : memref<1x64xf32, #tpu.memory_space<vmem>>, vector<1x64xf32>
    %add3A = vector.broadcast %get3A_14 : vector<1x64xf32> to vector<2048x64xf32>
    %add3A_15 = arith.addf %dot_general3A_11, %add3A : vector<2048x64xf32>
    %broadcast_in_dim3A = arith.constant 0.000000e+00 : f32
    %broadcast_in_dim3A_16 = vector.broadcast %broadcast_in_dim3A : f32 to vector<2048x64xf32>
    %broadcast_in_dim3A_17 = arith.constant 0.000000e+00 : f32
    %broadcast_in_dim3A_18 = vector.broadcast %broadcast_in_dim3A_17 : f32 to vector<2048x64xf32>
    %get3A_19 = arith.constant 0 : index
    %get3A_20 = arith.constant 0 : index
    %get3A_21 = vector.load %arg6[%get3A_19, %get3A_20] : memref<2x64xf32, #tpu.memory_space<vmem>>, vector<2x64xf32>
    %get3A_22 = arith.constant 0 : index
    %get3A_23 = arith.constant 0 : index
    %get3A_24 = vector.load %arg1[%get3A_22, %get3A_23] : memref<2048x1xi32, #tpu.memory_space<vmem>>, vector<2048x1xi32>
    %iota3A = tpu.iota {dimensions = array<i32: 1>} : vector<2048x2xi32>
    %eq3A = vector.broadcast %get3A_24 : vector<2048x1xi32> to vector<2048x2xi32>
    %eq3A_25 = arith.cmpi eq, %eq3A, %iota3A : vector<2048x2xi32>
    %convert_element_type3A = arith.extui %eq3A_25 : vector<2048x2xi1> to vector<2048x2xi32>
    %convert_element_type3A_26 = arith.sitofp %convert_element_type3A : vector<2048x2xi32> to vector<2048x2xf32>
    %dot_general3A_27 = arith.constant dense<0.000000e+00> : vector<2048x64xf32>
    %dot_general3A_28 = tpu.matmul %convert_element_type3A_26, %get3A_21, %dot_general3A_27 {dimension_numbers = #tpu.dot_dimension_numbers<[1], [0], [0], [1], [0, 0, 1, 1], [], []>, transpose_lhs_hint = false} : vector<2048x2xf32>, vector<2x64xf32>, vector<2048x64xf32> -> vector<2048x64xf32>
    %dot_general3A_29 = arith.constant dense<0.000000e+00> : vector<2x64xf32>
    %dot_general3A_30 = tpu.matmul %get3A_21, %get3A_10, %dot_general3A_29 {dimension_numbers = #tpu.dot_dimension_numbers<[1], [0], [0], [1], [0, 0, 1, 1], [], []>, transpose_lhs_hint = false} : vector<2x64xf32>, vector<64x64xf32>, vector<2x64xf32> -> vector<2x64xf32>
    %dot_general3A_31 = arith.constant dense<0.000000e+00> : vector<2048x64xf32>
    %dot_general3A_32 = tpu.matmul %convert_element_type3A_26, %dot_general3A_30, %dot_general3A_31 {dimension_numbers = #tpu.dot_dimension_numbers<[1], [0], [0], [1], [0, 0, 1, 1], [], []>, transpose_lhs_hint = false} : vector<2048x2xf32>, vector<2x64xf32>, vector<2048x64xf32> -> vector<2048x64xf32>
    %add3A_33 = arith.addf %add3A_15, %dot_general3A_32 : vector<2048x64xf32>
    %reduce_max3A = arith.constant dense<0xFF800000> : vector<2048xf32>
    %reduce_max3A_34 = vector.multi_reduction <maximumf>, %add3A_33, %reduce_max3A [1] : vector<2048x64xf32> to vector<2048xf32>
    %broadcast_in_dim3A_35 = vector.shape_cast %reduce_max3A_34 : vector<2048xf32> to vector<2048x1xf32>
    %sub3A = vector.broadcast %broadcast_in_dim3A_35 : vector<2048x1xf32> to vector<2048x64xf32>
    %sub3A_36 = arith.subf %add3A_33, %sub3A : vector<2048x64xf32>
    %exp3A = math.exp %sub3A_36 : vector<2048x64xf32>
    %reduce_sum3A = arith.constant dense<0.000000e+00> : vector<2048xf32>
    %reduce_sum3A_37 = vector.multi_reduction <add>, %exp3A, %reduce_sum3A [1] : vector<2048x64xf32> to vector<2048xf32>
    %broadcast_in_dim3A_38 = vector.shape_cast %reduce_sum3A_37 : vector<2048xf32> to vector<2048x1xf32>
    %div3A = vector.broadcast %broadcast_in_dim3A_38 : vector<2048x1xf32> to vector<2048x64xf32>
    %div3A_39 = arith.divf %exp3A, %div3A : vector<2048x64xf32>
    %mul3A = arith.mulf %div3A_39, %dot_general3A_28 : vector<2048x64xf32>
    %add3A_40 = arith.addf %broadcast_in_dim3A_16, %mul3A : vector<2048x64xf32>
    %mul3A_41 = arith.mulf %mul3A, %mul3A : vector<2048x64xf32>
    %add3A_42 = arith.addf %broadcast_in_dim3A_18, %mul3A_41 : vector<2048x64xf32>
    %get3A_43 = arith.constant 0 : index
    %get3A_44 = arith.constant 0 : index
    %get3A_45 = vector.load %arg7[%get3A_43, %get3A_44] : memref<7x64xf32, #tpu.memory_space<vmem>>, vector<7x64xf32>
    %get3A_46 = arith.constant 0 : index
    %get3A_47 = arith.constant 0 : index
    %get3A_48 = vector.load %arg2[%get3A_46, %get3A_47] : memref<2048x1xi32, #tpu.memory_space<vmem>>, vector<2048x1xi32>
    %iota3A_49 = tpu.iota {dimensions = array<i32: 1>} : vector<2048x7xi32>
    %eq3A_50 = vector.broadcast %get3A_48 : vector<2048x1xi32> to vector<2048x7xi32>
    %eq3A_51 = arith.cmpi eq, %eq3A_50, %iota3A_49 : vector<2048x7xi32>
    %convert_element_type3A_52 = arith.extui %eq3A_51 : vector<2048x7xi1> to vector<2048x7xi32>
    %convert_element_type3A_53 = arith.sitofp %convert_element_type3A_52 : vector<2048x7xi32> to vector<2048x7xf32>
    %dot_general3A_54 = arith.constant dense<0.000000e+00> : vector<2048x64xf32>
    %dot_general3A_55 = tpu.matmul %convert_element_type3A_53, %get3A_45, %dot_general3A_54 {dimension_numbers = #tpu.dot_dimension_numbers<[1], [0], [0], [1], [0, 0, 1, 1], [], []>, transpose_lhs_hint = false} : vector<2048x7xf32>, vector<7x64xf32>, vector<2048x64xf32> -> vector<2048x64xf32>
    %dot_general3A_56 = arith.constant dense<0.000000e+00> : vector<7x64xf32>
    %dot_general3A_57 = tpu.matmul %get3A_45, %get3A_10, %dot_general3A_56 {dimension_numbers = #tpu.dot_dimension_numbers<[1], [0], [0], [1], [0, 0, 1, 1], [], []>, transpose_lhs_hint = false} : vector<7x64xf32>, vector<64x64xf32>, vector<7x64xf32> -> vector<7x64xf32>
    %dot_general3A_58 = arith.constant dense<0.000000e+00> : vector<2048x64xf32>
    %dot_general3A_59 = tpu.matmul %convert_element_type3A_53, %dot_general3A_57, %dot_general3A_58 {dimension_numbers = #tpu.dot_dimension_numbers<[1], [0], [0], [1], [0, 0, 1, 1], [], []>, transpose_lhs_hint = false} : vector<2048x7xf32>, vector<7x64xf32>, vector<2048x64xf32> -> vector<2048x64xf32>
    %add3A_60 = arith.addf %add3A_15, %dot_general3A_59 : vector<2048x64xf32>
    %reduce_max3A_61 = arith.constant dense<0xFF800000> : vector<2048xf32>
    %reduce_max3A_62 = vector.multi_reduction <maximumf>, %add3A_60, %reduce_max3A_61 [1] : vector<2048x64xf32> to vector<2048xf32>
    %broadcast_in_dim3A_63 = vector.shape_cast %reduce_max3A_62 : vector<2048xf32> to vector<2048x1xf32>
    %sub3A_64 = vector.broadcast %broadcast_in_dim3A_63 : vector<2048x1xf32> to vector<2048x64xf32>
    %sub3A_65 = arith.subf %add3A_60, %sub3A_64 : vector<2048x64xf32>
    %exp3A_66 = math.exp %sub3A_65 : vector<2048x64xf32>
    %reduce_sum3A_67 = arith.constant dense<0.000000e+00> : vector<2048xf32>
    %reduce_sum3A_68 = vector.multi_reduction <add>, %exp3A_66, %reduce_sum3A_67 [1] : vector<2048x64xf32> to vector<2048xf32>
    %broadcast_in_dim3A_69 = vector.shape_cast %reduce_sum3A_68 : vector<2048xf32> to vector<2048x1xf32>
    %div3A_70 = vector.broadcast %broadcast_in_dim3A_69 : vector<2048x1xf32> to vector<2048x64xf32>
    %div3A_71 = arith.divf %exp3A_66, %div3A_70 : vector<2048x64xf32>
    %mul3A_72 = arith.mulf %div3A_71, %dot_general3A_55 : vector<2048x64xf32>
    %add3A_73 = arith.addf %add3A_40, %mul3A_72 : vector<2048x64xf32>
    %mul3A_74 = arith.mulf %mul3A_72, %mul3A_72 : vector<2048x64xf32>
    %add3A_75 = arith.addf %add3A_42, %mul3A_74 : vector<2048x64xf32>
    %get3A_76 = arith.constant 0 : index
    %get3A_77 = arith.constant 0 : index
    %get3A_78 = vector.load %arg8[%get3A_76, %get3A_77] : memref<21x64xf32, #tpu.memory_space<vmem>>, vector<21x64xf32>
    %get3A_79 = arith.constant 0 : index
    %get3A_80 = arith.constant 0 : index
    %get3A_81 = vector.load %arg3[%get3A_79, %get3A_80] : memref<2048x1xi32, #tpu.memory_space<vmem>>, vector<2048x1xi32>
    %iota3A_82 = tpu.iota {dimensions = array<i32: 1>} : vector<2048x21xi32>
    %eq3A_83 = vector.broadcast %get3A_81 : vector<2048x1xi32> to vector<2048x21xi32>
    %eq3A_84 = arith.cmpi eq, %eq3A_83, %iota3A_82 : vector<2048x21xi32>
    %convert_element_type3A_85 = arith.extui %eq3A_84 : vector<2048x21xi1> to vector<2048x21xi32>
    %convert_element_type3A_86 = arith.sitofp %convert_element_type3A_85 : vector<2048x21xi32> to vector<2048x21xf32>
    %dot_general3A_87 = arith.constant dense<0.000000e+00> : vector<2048x64xf32>
    %dot_general3A_88 = tpu.matmul %convert_element_type3A_86, %get3A_78, %dot_general3A_87 {dimension_numbers = #tpu.dot_dimension_numbers<[1], [0], [0], [1], [0, 0, 1, 1], [], []>, transpose_lhs_hint = false} : vector<2048x21xf32>, vector<21x64xf32>, vector<2048x64xf32> -> vector<2048x64xf32>
    %dot_general3A_89 = arith.constant dense<0.000000e+00> : vector<21x64xf32>
    %dot_general3A_90 = tpu.matmul %get3A_78, %get3A_10, %dot_general3A_89 {dimension_numbers = #tpu.dot_dimension_numbers<[1], [0], [0], [1], [0, 0, 1, 1], [], []>, transpose_lhs_hint = false} : vector<21x64xf32>, vector<64x64xf32>, vector<21x64xf32> -> vector<21x64xf32>
    %dot_general3A_91 = arith.constant dense<0.000000e+00> : vector<2048x64xf32>
    %dot_general3A_92 = tpu.matmul %convert_element_type3A_86, %dot_general3A_90, %dot_general3A_91 {dimension_numbers = #tpu.dot_dimension_numbers<[1], [0], [0], [1], [0, 0, 1, 1], [], []>, transpose_lhs_hint = false} : vector<2048x21xf32>, vector<21x64xf32>, vector<2048x64xf32> -> vector<2048x64xf32>
    %add3A_93 = arith.addf %add3A_15, %dot_general3A_92 : vector<2048x64xf32>
    %reduce_max3A_94 = arith.constant dense<0xFF800000> : vector<2048xf32>
    %reduce_max3A_95 = vector.multi_reduction <maximumf>, %add3A_93, %reduce_max3A_94 [1] : vector<2048x64xf32> to vector<2048xf32>
    %broadcast_in_dim3A_96 = vector.shape_cast %reduce_max3A_95 : vector<2048xf32> to vector<2048x1xf32>
    %sub3A_97 = vector.broadcast %broadcast_in_dim3A_96 : vector<2048x1xf32> to vector<2048x64xf32>
    %sub3A_98 = arith.subf %add3A_93, %sub3A_97 : vector<2048x64xf32>
    %exp3A_99 = math.exp %sub3A_98 : vector<2048x64xf32>
    %reduce_sum3A_100 = arith.constant dense<0.000000e+00> : vector<2048xf32>
    %reduce_sum3A_101 = vector.multi_reduction <add>, %exp3A_99, %reduce_sum3A_100 [1] : vector<2048x64xf32> to vector<2048xf32>
    %broadcast_in_dim3A_102 = vector.shape_cast %reduce_sum3A_101 : vector<2048xf32> to vector<2048x1xf32>
    %div3A_103 = vector.broadcast %broadcast_in_dim3A_102 : vector<2048x1xf32> to vector<2048x64xf32>
    %div3A_104 = arith.divf %exp3A_99, %div3A_103 : vector<2048x64xf32>
    %mul3A_105 = arith.mulf %div3A_104, %dot_general3A_88 : vector<2048x64xf32>
    %add3A_106 = arith.addf %add3A_73, %mul3A_105 : vector<2048x64xf32>
    %mul3A_107 = arith.mulf %mul3A_105, %mul3A_105 : vector<2048x64xf32>
    %add3A_108 = arith.addf %add3A_75, %mul3A_107 : vector<2048x64xf32>
    %mul3A_109 = arith.mulf %get3A_4, %add3A_106 : vector<2048x64xf32>
    %mul3A_110 = arith.mulf %add3A_106, %add3A_106 : vector<2048x64xf32>
    %sub3A_111 = arith.subf %mul3A_110, %add3A_108 : vector<2048x64xf32>
    %mul3A_112 = arith.constant 5.000000e-01 : f32
    %mul3A_113 = vector.broadcast %mul3A_112 : f32 to vector<2048x64xf32>
    %mul3A_114 = arith.mulf %mul3A_113, %sub3A_111 : vector<2048x64xf32>
    %add3A_115 = arith.addf %mul3A_109, %mul3A_114 : vector<2048x64xf32>
    %mul3A_116 = arith.mulf %add3A_115, %get3A_1 : vector<2048x64xf32>
    %reduce_sum3A_117 = arith.constant dense<0.000000e+00> : vector<2048xf32>
    %reduce_sum3A_118 = vector.multi_reduction <add>, %mul3A_116, %reduce_sum3A_117 [1] : vector<2048x64xf32> to vector<2048xf32>
    %broadcast_in_dim3A_119 = vector.shape_cast %reduce_sum3A_118 : vector<2048xf32> to vector<2048x1xf32>
    %swap3A = arith.constant 0 : index
    %swap3A_120 = arith.constant 0 : index
    %swap3A_121 = vector.load %arg11[%swap3A, %swap3A_120] : memref<2048x1xf32, #tpu.memory_space<vmem>>, vector<2048x1xf32>
    tpu.vector_store %arg11[%swap3A, %swap3A_120], %broadcast_in_dim3A_119 {strides = array<i32>} : memref<2048x1xf32, #tpu.memory_space<vmem>>, vector<2048x1xf32>,
    return
  }
  func.func @transform_0(%arg0: i32) -> (i32, i32) {
    %c0_i32 = arith.constant 0 : i32
    %c0_i32_0 = arith.constant 0 : i32
    return %arg0, %c0_i32 : i32, i32
  }
  func.func @transform_1(%arg0: i32) -> (i32, i32) {
    %c0_i32 = arith.constant 0 : i32
    %c0_i32_0 = arith.constant 0 : i32
    return %arg0, %c0_i32 : i32, i32
  }
  func.func @transform_2(%arg0: i32) -> (i32, i32) {
    %c0_i32 = arith.constant 0 : i32
    %c0_i32_0 = arith.constant 0 : i32
    return %arg0, %c0_i32 : i32, i32
  }
  func.func @transform_3(%arg0: i32) -> (i32, i32) {
    %c0_i32 = arith.constant 0 : i32
    %c0_i32_0 = arith.constant 0 : i32
    return %arg0, %c0_i32 : i32, i32
  }
  func.func @transform_4(%arg0: i32) -> (i32, i32) {
    %c0_i32 = arith.constant 0 : i32
    %c0_i32_0 = arith.constant 0 : i32
    return %arg0, %c0_i32 : i32, i32
  }
  func.func @transform_5(%arg0: i32) -> (i32, i32) {
    %c0_i32 = arith.constant 0 : i32
    %c0_i32_0 = arith.constant 0 : i32
    %c0_i32_1 = arith.constant 0 : i32
    return %c0_i32, %c0_i32_0 : i32, i32
  }
  func.func @transform_6(%arg0: i32) -> (i32, i32) {
    %c0_i32 = arith.constant 0 : i32
    %c0_i32_0 = arith.constant 0 : i32
    %c0_i32_1 = arith.constant 0 : i32
    return %c0_i32, %c0_i32_0 : i32, i32
  }
  func.func @transform_7(%arg0: i32) -> (i32, i32) {
    %c0_i32 = arith.constant 0 : i32
    %c0_i32_0 = arith.constant 0 : i32
    %c0_i32_1 = arith.constant 0 : i32
    return %c0_i32, %c0_i32_0 : i32, i32
  }
  func.func @transform_8(%arg0: i32) -> (i32, i32) {
    %c0_i32 = arith.constant 0 : i32
    %c0_i32_0 = arith.constant 0 : i32
    %c0_i32_1 = arith.constant 0 : i32
    return %c0_i32, %c0_i32_0 : i32, i32
  }
  func.func @transform_9(%arg0: i32) -> (i32, i32) {
    %c0_i32 = arith.constant 0 : i32
    %c0_i32_0 = arith.constant 0 : i32
    %c0_i32_1 = arith.constant 0 : i32
    return %c0_i32, %c0_i32_0 : i32, i32
  }
  func.func @transform_10(%arg0: i32) -> (i32, i32) {
    %c0_i32 = arith.constant 0 : i32
    %c0_i32_0 = arith.constant 0 : i32
    return %arg0, %c0_i32 : i32, i32
  }
}

</mosaic_0001>

<sc_bundles>
// kernel: kernel.6.cloned.1.call-start
scs
__scs_entry_jumppad:
0x0: {  	(pc) =	sbr.rel $0x88, $3  }
0x1: {  	(tag) =	ssettag $0x0;
	lr =	simm.s32 $0x1  }
0x2: {  	[smem:$0x3F95] =	sst lr;
	_ =	strace $0xD0000000  }
0x3: {  	_ = 	snop  }
0x4: {  	_ = 	snop  }
0x5: {  	_ = 	snop  }
0x6: {  	_ = 	snop  }
0x7: {  	_ = 	snop  }
__scs_overlays_trampoline_lowered:
0x8: {  	[smem:$0x3FA4] =	sst s0  }
0x9: {  	[smem:$0x3FA5] =	sst s1  }
0xa: {  	[smem:$0x3FA6] =	sst s2  }
0xb: {  	[smem:$0x3FA7] =	sst s3  }
0xc: {  	[smem:$0x3FA8] =	sst s4  }
0xd: {  	[smem:$0x3FA9] =	sst s5  }
0xe: {  	[smem:$0x3FAA] =	sst s6  }
0xf: {  	[smem:$0x3FAB] =	sst s7  }
0x10: {  	[smem:$0x3FAC] =	sst s8  }
0x11: {  	[smem:$0x3FAD] =	sst s9;
	s0 =	simm.s32 @!p0 $0x0  }
0x12: {  	s1 =	sld [smem:$0x3F93];
	s0 =	simm.s32 @p0 $0x1  }
0x13: {  	[smem:$0x3FAE] =	sst s0;
	s0 =	simm.s32 @!p1 $0x0  }
0x14: {  	s2 =	sld [smem:$0x3F92];
	s0 =	simm.s32 @p1 $0x1  }
0x15: {  	[smem:$0x3FAF] =	sst s0;
	s0 =	simm.s32 @!p2 $0x0  }
0x16: {  	s3 =	sld [smem:$0x3FDB];
	s0 =	simm.s32 @p2 $0x1  }
0x17: {  	s4 =	simm.s32 $0x1BF5;
	[smem:$0x3FB1] =	sst s0  }
0x18: {  	s0 =	sld [smem:$0x3F94];
	_ =	swait.ge [sflag:s4], $0x0  }
0x19: {  	s7 =	sld [smem:$0x3F95]  }
0x1a: {  	s8 =	sadd.s32 $0xFFFFE003, lr  }
0x1b: {  	s9 =	sadd.s32 $0xFFFFFEF7, lr;
	s5 =	simm.s32 $0xFFFFFFFF;
	p2 =	slt.u32 s8, $0xFFFFF086  }
0x1c: {  	p1 =	slt.u32 s9, $0xF7A;
	s5 =	simm.s32 @!p2 $0x0  }
0x1d: {  	s5 =	simm.s32 @p1 $0x1;
	p0 =	seq.s32 s7, s2  }
0x1e: {  	s7 =	smul.u32 @!p0 $0xF7A, s2;
	p2 =	seq.s32 @!p0 s5, $0x0  }
0x1f: {  	s9 =	smul.u32 $0xF7A, s1;
	s8 =	simm.s32 @!p0 $0x1BF5;
	p2 =	por !p2, p0  }
0x20: {  	[sflag:s8] =	ssyncset.s32 @!p0 $0xFFFFF086;
	s6 =	sadd.s32 @!p0 s3, s7;
	s7 =	simm.s32 @!p0 $0x108  }
0x21: {  	s3 =	sadd.s32 s3, s9;
	s6 =	sadd.s32 @!p0 $0x88, s6;
	s7 =	simm.s32 @p2 $0x1082  }
0x22: {  	[simem:s7], [sflag:s8] =	dma.local @!p0 [hbm:s6], $0xF7A  }
0x23: {  	s9 =	sor.u32 $0xD0000000, s2;
	s6 =	simm.s32 $0x108;
	_ =	swait.ge @!p0 [sflag:s8], $0x0  }
0x24: {  	s3 =	sadd.s32 $0x88, s3;
	s6 =	simm.s32 @!p1 $0x1082;
	[sflag:s4] =	ssyncset.s32 $0xFFFFF086  }
0x25: {  	[simem:s6], [sflag:s4] =	dma.local [hbm:s3], $0xF7A  }
0x26: {  	[smem:$0x3F95] =	sst s1;
	(tag) =	ssettag s2;
	_ =	strace s9  }
0x27: {  	s1 =	sld [smem:$0x3FA5]  }
0x28: {  	s2 =	sld [smem:$0x3FA6]  }
0x29: {  	s4 =	sld [smem:$0x3FA8]  }
0x2a: {  	p0 =	seq.s32 s5, $0x0;
	s5 =	sld [smem:$0x3FA9]  }
0x2b: {  	s6 =	sld [smem:$0x3FAA]  }
0x2c: {  	s7 =	sld [smem:$0x3FAB]  }
0x2d: {  	s3 =	simm.s32 $0x108;
	s8 =	sld [smem:$0x3FAC]  }
0x2e: {  	s3 =	simm.s32 @!p0 $0x1082;
	s9 =	sld [smem:$0x3FAD]  }
0x2f: {  	lr =	sadd.s32 s0, s3;
	s0 =	sld [smem:$0x3FA4]  }
0x30: {  	s3 =	sld [smem:$0x3FA7]  }
0x31: {  	[smem:$0x3FB0] =	sst s10  }
0x32: {  	s10 =	sld [smem:$0x3FAE];
	_ =	sdelay $0x3  }
0x33: {  	p0 =	seq.s32 s10, $0x1;
	s10 =	sld [smem:$0x3FB0];
	_ =	sdelay $0x3  }
0x34: {  	[smem:$0x3FB0] =	sst s10  }
0x35: {  	s10 =	sld [smem:$0x3FAF];
	_ =	sdelay $0x3  }
0x36: {  	p1 =	seq.s32 s10, $0x1;
	s10 =	sld [smem:$0x3FB0];
	_ =	sdelay $0x3  }
0x37: {  	[smem:$0x3FB0] =	sst s10  }
0x38: {  	s10 =	sld [smem:$0x3FB1]  }
0x39: {  	_ = 	snop;
	(pc) =	sbr.ind lr, $3  }
0x3a: {  	_ = 	snop  }
0x3b: {  	_ = 	snop  }
0x3c: {  	p2 =	seq.s32 s10, $0x1;
	s10 =	sld [smem:$0x3FB0]  }
0x3d: {  	_ =	shalt  }
0x3e: {  	_ =	shalt  }
0x3f: {  	_ =	shalt  }
0x40: {  	_ =	shalt  }
0x41: {  	_ =	shalt  }
0x42: {  	_ =	shalt  }
0x43: {  	_ =	shalt  }
0x44: {  	_ =	shalt  }
0x45: {  	_ =	shalt  }
0x46: {  	_ =	shalt  }
0x47: {  	_ =	shalt  }
0x48: {  	_ =	shalt  }
0x49: {  	_ =	shalt  }
0x4a: {  	_ =	shalt  }
0x4b: {  	_ =	shalt  }
0x4c: {  	_ =	shalt  }
0x4d: {  	_ =	shalt  }
0x4e: {  	_ =	shalt  }
0x4f: {  	_ =	shalt  }
0x50: {  	_ =	shalt  }
0x51: {  	_ =	shalt  }
0x52: {  	_ =	shalt  }
0x53: {  	_ =	shalt  }
0x54: {  	_ =	shalt  }
0x55: {  	_ =	shalt  }
0x56: {  	_ =	shalt  }
0x57: {  	_ =	shalt  }
0x58: {  	_ =	shalt  }
0x59: {  	_ =	shalt  }
0x5a: {  	_ =	shalt  }
0x5b: {  	_ =	shalt  }
0x5c: {  	_ =	shalt  }
0x5d: {  	_ =	shalt  }
0x5e: {  	_ =	shalt  }
0x5f: {  	_ =	shalt  }
0x60: {  	_ =	shalt  }
0x61: {  	_ =	shalt  }
0x62: {  	_ =	shalt  }
0x63: {  	_ =	shalt  }
0x64: {  	_ =	shalt  }
0x65: {  	_ =	shalt  }
0x66: {  	_ =	shalt  }
0x67: {  	_ =	shalt  }
0x68: {  	_ =	shalt  }
0x69: {  	_ =	shalt  }
0x6a: {  	_ =	shalt  }
0x6b: {  	_ =	shalt  }
0x6c: {  	_ =	shalt  }
0x6d: {  	_ =	shalt  }
0x6e: {  	_ =	shalt  }
0x6f: {  	_ =	shalt  }
0x70: {  	_ =	shalt  }
0x71: {  	_ =	shalt  }
0x72: {  	_ =	shalt  }
0x73: {  	_ =	shalt  }
0x74: {  	_ =	shalt  }
0x75: {  	_ =	shalt  }
0x76: {  	_ =	shalt  }
0x77: {  	_ =	shalt  }
0x78: {  	_ =	shalt  }
0x79: {  	_ =	shalt  }
0x7a: {  	_ =	shalt  }
0x7b: {  	_ =	shalt  }
0x7c: {  	_ =	shalt  }
0x7d: {  	_ =	shalt  }
0x7e: {  	_ =	shalt  }
0x7f: {  	_ =	shalt  }
0x80: {  	_ =	shalt  }
0x81: {  	_ =	shalt  }
0x82: {  	_ =	shalt  }
0x83: {  	_ =	shalt  }
0x84: {  	_ =	shalt  }
0x85: {  	_ =	shalt  }
0x86: {  	_ =	shalt  }
0x87: {  	_ =	shalt  }
.Lfunc_end0:
.L_simem_size_0:
called_computation_lowered:
.L_overlay_start_0:
0x88: {  	s2 =	sld [smem:$0x3FD9]  }
0x89: {  	s3 =	sld [smem:$0x3FFE];
	_ =	sdelay $0x1  }
0x8a: {  	s1 =	srdreg.scid  }
0x8b: {  	s0 =	sand.u32 $0x1, s1  }
0x8c: {  	s17 =	sshll.u32 s0, $0xA;
	s2 =	sadd.s32 s3, s2  }
0x8d: {  	s2 =	sadd.s32 s2, s17  }
0x8e: {  	[smem:$0x3FBC] =	sst s2  }
0x8f: {  	_ = 	snop  }
0x90: {  	s2 =	sld [smem:$0x3FC4];
	(tm) =	ssettm $0x1  }
0x91: {  	s18 =	sld [smem:$0x3FFB];
	_ =	sdelay $0x3  }
0x92: {  	_ =	strace s18  }
0x93: {  	s3 =	sld [smem:$0x3FFC];
	_ =	sdelay $0x3  }
0x94: {  	_ =	strace s3  }
0x95: {  	s3 =	sld [smem:$0x3FFD];
	_ =	sdelay $0x3  }
0x96: {  	_ =	strace s3  }
0x97: {  	_ =	strace $0x8FFFFFFF  }
0x98: {  	s19 =	sld [smem:$0x3FDB];
	_ =	sdelay $0x1  }
0x99: {  	s4 =	simm.s32 $_scs_section_size  }
0x9a: {  	s5 =	simm.s32 $_size__tile_overlayer_lowered;
	s6 =	simm.s32 $_tile_overlayer_lowered  }
0x9b: {  	s22 =	simm.s32 $0x1BFF;
	s21 =	sshll.u32 s6, $0x1;
	s3 =	sadd.s32 s4, s19  }
0x9c: {  	s7 =	simm.s32 $0x0;
	s20 =	sshll.u32 s5, $0x1;
	s5 =	sadd.s32 s21, s3  }
0x9d: {  	[timem:s7], [sflag:s22] =	dma.local [hbm:s5], s20  }
0x9e: {  	_ =	swait.ge [sflag:s22], s20  }
0x9f: {  	s4 =	ssub.s32 $0x0, s20;
	[sflag:s22] =	ssyncset.done $0x0  }
0xa0: {  	[sflag:s22] =	ssyncadd.s32 s4;
	_ =	sdelay $0x1  }
0xa1: {  	s23 =	simm.s32 $0x1B8B  }
0xa2: {  	_ =	swait.ge [sflag:s23], $0x1  }
0xa3: {  	[sflag:s23] =	ssyncset.done $0x0  }
0xa4: {  	s25 =	simm.s32 $0x1B8E;
	s24 =	sld [smem:$0x3FFE];
	[sflag:s23] =	ssyncadd.s32 $0xFFFFFFFF  }
0xa5: {  	s26 =	simm.s32 $execute0_lowered;
	[smem:$0x3FD2] =	sst s25  }
0xa6: {  	s5 =	sshll.u32 s26, $0x1;
	_ =	strace $0x80000046;
	[dreg:$0x1] =	wrdreg $0xFFFFFFFF  }
0xa7: {  	s28 =	simm.s32 $_size_execute0_lowered;
	s3 =	sadd.s32 s3, s5;
	[dreg:$0x0] =	wrdreg $0x0  }
0xa8: {  	s5 =	sshll.u32 s28, $0x1;
	[dreg:$0x2] =	wrdreg s3  }
0xa9: {  	[dreg:$0x3] =	wrdreg s5  }
0xaa: {  	[dreg:$0x4] =	wrdreg $0xC0  }
0xab: {  	_ =	task [dreg:s7], $0x5FFFF  }
0xac: {  	[dreg:$0x1] =	wrdreg $0xFFFFFFFF  }
0xad: {  	[dreg:$0x0] =	wrdreg $0x60  }
0xae: {  	[dreg:$0x2] =	wrdreg s24  }
0xaf: {  	[dreg:$0x3] =	wrdreg s2  }
0xb0: {  	[dreg:$0x4] =	wrdreg $0x9  }
0xb1: {  	_ =	task.clear_ibuf [dreg:s7], $0x5FFFF;
	_ =	strace $0x90000046  }
0xb2: {  	s29 =	simm.s32 $0x9;
	_ =	strace $0x80000048  }
0xb3: {  	_ =	swait.ge [sflag:s29], $0x1  }
0xb4: {  	[sflag:s29] =	ssyncadd.s32 $0xFFFFFFFF  }
0xb5: {  	_ =	strace $0x90000048  }
0xb6: {  	_ =	sfence  }
0xb7: {  	s30 =	sld [smem:$0x0];
	_ =	sdelay $0x2  }
0xb8: {  	s31 =	sshll.u32 s1, $0xD;
	s1 =	sshrl.u32 s1, $0x2  }
0xb9: {  	s3 =	sand.u32 $0x4000, s31;
	s1 =	sadd.s32 s1, s30  }
0xba: {  	s0 =	sor.u32 s3, s0;
	s1 =	sshll.u32 s1, $0x11  }
0xbb: {  	s0 =	sor.u32 s1, s0  }
0xbc: {  	s0 =	sadd.s32 $0x8F2B, s0  }
0xbd: {  	[sflag:s0] =	ssyncadd.remote.s32 $0x1  }
0xbe: {  	_ =	sfence.sel $0xFFFF  }
0xbf: {  	[dreg:$0x0] =	wrdreg $0xFFFFFFFF;
	(pc) =	sbr.abs _section_cstart, $3  }
0xc0: {  	[dreg:$0x1] =	wrdreg $0xFFFFFFFF  }
0xc1: {  	_ =	task.clear_ibuf [dreg:s7], $0x2FFFF;
	_ =	strace $0x9FFFFFFF  }
0xc2: {  	(tm) =	ssettm $0x7FFFFFFF  }
0xc3: {  	_ =	shalt  }
tec
execute0_lowered:
.L_overlay_start_1:
0x0: {  	(tag) =	ssettag $0x1  }
0x1: {  	s0 =	srdreg.scid;
	s3 =	rddreg [dreg:$0x0]  }
0x2: {  	s8 =	stileid.u32;
	s2 =	rddreg [dreg:$0x1];
	s9 =	simm.s32 $0x0  }
0x3: {  	s11 =	simm.s32 $0x8;
	s13 =	simm.s32 $0x7A1400;
	s14 =	simm.s32 $0x8200  }
0x4: {  	s15 =	simm.s32 $0xA200;
	s16 =	simm.s32 $0xC200;
	s17 =	simm.s32 $0xE200  }
0x5: {  	s18 =	simm.s32 $0x10200;
	s19 =	simm.s32 $0x12200;
	s20 =	simm.s32 $0x2  }
0x6: {  	s21 =	simm.s32 $0x3;
	s22 =	simm.s32 $0x4;
	s23 =	simm.s32 $0x5  }
0x7: {  	s24 =	simm.s32 $0x6;
	s29 =	simm.s32 $0x0;
	s0 =	sand.u32 $0x1, s0  }
0x8: {  	s1 =	sshll.u32 s8, $0x1;
	s4 =	sshll.u32 s8, $0x9;
	[smem:$0x7FF] =	sst s9  }
0x9: {  	s6 =	sshll.u32 s8, $0xD;
	s31 =	sshll.u32 s8, $0x6;
	s1 =	sor.u32 s0, s1  }
0xa: {  	s4 =	sand.u32 $0x1800, s4;
	_ =	strace $0x80000047;
	s26 =	ssub.s32 $0x2, s0  }
0xb: {  	s0 =	sshll.u32 s0, $0xC;
	s5 =	sshll.u32 s1, $0x7;
	s1 =	sshll.u32 s1, $0xC  }
0xc: {  	s7 =	sshrl.u32 s26, $0x1;
	s5 =	sand.u32 $0x380, s5;
	s1 =	sadd.s32 s1, s3  }
0xd: {  	s28 =	ssub.s32 s26, s7;
	s4 =	sor.u32 s5, s4;
	s1 =	sadd.s32 $0x18AA00, s1  }
0xe: {  	s30 =	smax.u32 s28, $0x1;
	s4 =	sshrl.u32 s4, $0x3;
	[dreg:$0x6] =	wrdreg s1  }
0xf: {  	s12 =	sor.u32 $0x1C01, s31;
	[dreg:$0x7] =	wrdreg s30;
	s25 =	sadd.s32 s4, s3  }
0x10: {  	v0 =	vlaneseq.u32;
	s4 =	sadd.s32 $0x3800, s3;
	s3 =	sadd.s32 s6, s3;
	s10 =	sadd.s32 $0x18A200, s25  }
0x11: {  	v0 =	vmul.u32 $0x80, v0;
	s0 =	sadd.s32 s0, s3;
	s5 =	sadd.s32 $0x18A600, s25;
	[dreg:$0x4] =	wrdreg s10  }
0x12: {  	s26 =	simm.s32 $0x1;
	[dreg:$0x5] =	wrdreg s5;
	s0 =	sadd.s32 $0x1AAA00, s0  }
0x13: {  	v1 =	vor.u32 $0x800, v0;
	v2 =	vor.u32 $0x1000, v0;
	v3 =	vor.u32 $0x1800, v0;
	s25 =	simm.s32 $0x7;
	s10 =	simm.s32 $0x400;
	[dreg:$0x3] =	wrdreg s0  }
.LBB2_1:
0x14: {  	s0 =	rddreg [dreg:$0x4];
	s1 =	simm.s32 $0x80  }
0x15: {  	[tilespmem:s9], [sflag:$0x8] =	stream.strided.gather [hbm4b:s0+s1], $0x100, s10, s1, $0x38;
	[tilespmem:$0x14200] =	vst v63  }
0x16: {  	_ =	swait.ge [sflag:s11], $0x100  }
0x17: {  	[sflag:s11] =	ssyncset.done $0x0  }
0x18: {  	s30 =	simm.s32 $0x100;
	s28 =	rddreg [dreg:$0x5];
	[sflag:s11] =	ssyncadd.s32 $0xFFFFFF00  }
0x19: {  	[tilespmem:s30], [sflag:$0x8] =	stream.strided.gather [hbm4b:s28+s1], $0x100, s10, s1, $0x38;
	[tilespmem:$0x14200] =	vst v63  }
0x1a: {  	_ =	swait.ge [sflag:s11], $0x100  }
0x1b: {  	s31 =	simm.s32 $0x600;
	[sflag:s11] =	ssyncset.done $0x0  }
0x1c: {  	s0 =	simm.s32 $0x0;
	s1 =	simm.s32 $0x0;
	[sflag:s11] =	ssyncadd.s32 $0xFFFFFF00  }
.LBB2_2:
0x1d: {  	v4 =	vld [tilespmem:s30+$0x0];
	_ =	sdelay $0x4  }
0x1e: {  	v4 =	vshll.u32 v4, $0x4  }
0x1f: {  	(v2sf) =	vpush v4, $0x0;
	_ =	sdelay $0xe  }
0x20: {  	s5 =	spop (v2sf)  }
0x21: {  	s3 =	rddreg [dreg:$0x3];
	s5 =	sand.u32 $0x1FFFFFF0, s5  }
0x22: {  	s3 =	sadd.s32 s0, s3;
	s5 =	sadd.s32 s4, s5  }
0x23: {  	[hbm:s3], [sflag:s12] =	dma.local [hbm:s5], $0x10  }
0x24: {  	(v2sf) =	vpush v4, $0x1;
	_ =	sdelay $0xe  }
0x25: {  	s5 =	spop (v2sf)  }
0x26: {  	s5 =	sand.u32 $0x1FFFFFF0, s5  }
0x27: {  	s6 =	sadd.s32 $0x10, s3;
	s5 =	sadd.s32 s4, s5  }
0x28: {  	[hbm:s6], [sflag:s12] =	dma.local [hbm:s5], $0x10  }
0x29: {  	(v2sf) =	vpush v4, $0x2;
	_ =	sdelay $0xe  }
0x2a: {  	s5 =	spop (v2sf)  }
0x2b: {  	s5 =	sand.u32 $0x1FFFFFF0, s5  }
0x2c: {  	s9 =	sadd.s32 $0x20, s3;
	s5 =	sadd.s32 s4, s5  }
0x2d: {  	[hbm:s9], [sflag:s12] =	dma.local [hbm:s5], $0x10  }
0x2e: {  	(v2sf) =	vpush v4, $0x3;
	_ =	sdelay $0xe  }
0x2f: {  	s5 =	spop (v2sf)  }
0x30: {  	s5 =	sand.u32 $0x1FFFFFF0, s5  }
0x31: {  	s28 =	sadd.s32 $0x30, s3;
	s5 =	sadd.s32 s4, s5  }
0x32: {  	[hbm:s28], [sflag:s12] =	dma.local [hbm:s5], $0x10  }
0x33: {  	(v2sf) =	vpush v4, $0x4;
	_ =	sdelay $0xe  }
0x34: {  	s5 =	spop (v2sf)  }
0x35: {  	s5 =	sand.u32 $0x1FFFFFF0, s5  }
0x36: {  	s7 =	sadd.s32 $0x40, s3;
	s5 =	sadd.s32 s4, s5  }
0x37: {  	[hbm:s7], [sflag:s12] =	dma.local [hbm:s5], $0x10  }
0x38: {  	(v2sf) =	vpush v4, $0x5;
	_ =	sdelay $0xe  }
0x39: {  	s5 =	spop (v2sf)  }
0x3a: {  	s5 =	sand.u32 $0x1FFFFFF0, s5  }
0x3b: {  	s8 =	sadd.s32 $0x50, s3;
	s5 =	sadd.s32 s4, s5  }
0x3c: {  	[hbm:s8], [sflag:s12] =	dma.local [hbm:s5], $0x10  }
0x3d: {  	(v2sf) =	vpush v4, $0x6;
	_ =	sdelay $0xe  }
0x3e: {  	s5 =	spop (v2sf)  }
0x3f: {  	s5 =	sand.u32 $0x1FFFFFF0, s5  }
0x40: {  	s9 =	sadd.s32 $0x60, s3;
	s5 =	sadd.s32 s4, s5  }
0x41: {  	[hbm:s9], [sflag:s12] =	dma.local [hbm:s5], $0x10  }
0x42: {  	(v2sf) =	vpush v4, $0x7;
	_ =	sdelay $0xe  }
0x43: {  	s5 =	spop (v2sf)  }
0x44: {  	s5 =	sand.u32 $0x1FFFFFF0, s5  }
0x45: {  	s28 =	sadd.s32 $0x70, s3;
	s5 =	sadd.s32 s4, s5  }
0x46: {  	[hbm:s28], [sflag:s12] =	dma.local [hbm:s5], $0x10  }
0x47: {  	(v2sf) =	vpush v4, $0x8;
	_ =	sdelay $0xe  }
0x48: {  	s5 =	spop (v2sf)  }
0x49: {  	s5 =	sand.u32 $0x1FFFFFF0, s5  }
0x4a: {  	s7 =	sadd.s32 $0x80, s3;
	s5 =	sadd.s32 s4, s5  }
0x4b: {  	[hbm:s7], [sflag:s12] =	dma.local [hbm:s5], $0x10  }
0x4c: {  	(v2sf) =	vpush v4, $0x9;
	_ =	sdelay $0xe  }
0x4d: {  	s5 =	spop (v2sf)  }
0x4e: {  	s5 =	sand.u32 $0x1FFFFFF0, s5  }
0x4f: {  	s8 =	sadd.s32 $0x90, s3;
	s5 =	sadd.s32 s4, s5  }
0x50: {  	[hbm:s8], [sflag:s12] =	dma.local [hbm:s5], $0x10  }
0x51: {  	(v2sf) =	vpush v4, $0xA;
	_ =	sdelay $0xe  }
0x52: {  	s5 =	spop (v2sf)  }
0x53: {  	s5 =	sand.u32 $0x1FFFFFF0, s5  }
0x54: {  	s9 =	sadd.s32 $0xA0, s3;
	s5 =	sadd.s32 s4, s5  }
0x55: {  	[hbm:s9], [sflag:s12] =	dma.local [hbm:s5], $0x10  }
0x56: {  	(v2sf) =	vpush v4, $0xB;
	_ =	sdelay $0xe  }
0x57: {  	s5 =	spop (v2sf)  }
0x58: {  	s5 =	sand.u32 $0x1FFFFFF0, s5  }
0x59: {  	s28 =	sadd.s32 $0xB0, s3;
	s5 =	sadd.s32 s4, s5  }
0x5a: {  	[hbm:s28], [sflag:s12] =	dma.local [hbm:s5], $0x10  }
0x5b: {  	(v2sf) =	vpush v4, $0xC;
	_ =	sdelay $0xe  }
0x5c: {  	s5 =	spop (v2sf)  }
0x5d: {  	s5 =	sand.u32 $0x1FFFFFF0, s5  }
0x5e: {  	s7 =	sadd.s32 $0xC0, s3;
	s5 =	sadd.s32 s4, s5  }
0x5f: {  	[hbm:s7], [sflag:s12] =	dma.local [hbm:s5], $0x10  }
0x60: {  	(v2sf) =	vpush v4, $0xD;
	_ =	sdelay $0xe  }
0x61: {  	s5 =	spop (v2sf)  }
0x62: {  	s5 =	sand.u32 $0x1FFFFFF0, s5  }
0x63: {  	s8 =	sadd.s32 $0xD0, s3;
	s5 =	sadd.s32 s4, s5  }
0x64: {  	[hbm:s8], [sflag:s12] =	dma.local [hbm:s5], $0x10  }
0x65: {  	(v2sf) =	vpush v4, $0xE;
	_ =	sdelay $0xe  }
0x66: {  	s5 =	spop (v2sf)  }
0x67: {  	s5 =	sand.u32 $0x1FFFFFF0, s5  }
0x68: {  	s9 =	sadd.s32 $0xE0, s3;
	s5 =	sadd.s32 s4, s5  }
0x69: {  	[hbm:s9], [sflag:s12] =	dma.local [hbm:s5], $0x10  }
0x6a: {  	(v2sf) =	vpush v4, $0xF;
	_ =	sdelay $0xe  }
0x6b: {  	s5 =	spop (v2sf)  }
0x6c: {  	s5 =	sand.u32 $0x1FFFFFF0, s5  }
0x6d: {  	s3 =	sadd.s32 $0xF0, s3;
	s5 =	sadd.s32 s4, s5  }
0x6e: {  	[hbm:s3], [sflag:s12] =	dma.local [hbm:s5], $0x10  }
0x6f: {  	v4 =	vld [tilespmem:s1+$0x0];
	_ =	sdelay $0x4  }
0x70: {  	(v2sf) =	vpush v4, $0x0;
	_ =	sdelay $0x2  }
0x71: {  	(v2sf) =	vpush v4, $0x1  }
0x72: {  	(v2sf) =	vpush v4, $0x2;
	_ =	sdelay $0x3  }
0x73: {  	(v2sf) =	vpush v4, $0x3;
	_ =	sdelay $0x1  }
0x74: {  	(v2sf) =	vpush v4, $0x4;
	_ =	sdelay $0x4  }
0x75: {  	s3 =	spop (v2sf);
	(v2sf) =	vpush v4, $0x5;
	_ =	sdelay $0x2  }
0x76: {  	s28 =	sand.u32 $0xFFFFF80, s3;
	s9 =	spop (v2sf)  }
0x77: {  	s5 =	sadd.s32 s2, s28;
	s6 =	sand.u32 $0xFFFFF80, s9;
	s8 =	spop (v2sf)  }
0x78: {  	[tilespmem:s14], [sflag:$0x2] =	stream.strided.gather [hbm4b:s5+s10], $0x2000, s13, s10, $0x38;
	[tilespmem:$0x14200] =	vst v63  }
0x79: {  	s5 =	sadd.s32 s2, s6;
	s7 =	sand.u32 $0xFFFFF80, s8  }
0x7a: {  	[tilespmem:s15], [sflag:$0x3] =	stream.strided.gather [hbm4b:s5+s10], $0x2000, s13, s10, $0x38;
	[tilespmem:$0x14200] =	vst v63  }
0x7b: {  	s6 =	sadd.s32 s2, s7;
	s5 =	spop (v2sf)  }
0x7c: {  	[tilespmem:s16], [sflag:$0x4] =	stream.strided.gather [hbm4b:s6+s10], $0x2000, s13, s10, $0x38;
	[tilespmem:$0x14200] =	vst v63  }
0x7d: {  	s7 =	sand.u32 $0xFFFFF80, s5;
	s6 =	spop (v2sf)  }
0x7e: {  	s7 =	sadd.s32 s2, s7;
	s28 =	sand.u32 $0xFFFFF80, s6  }
0x7f: {  	[tilespmem:s17], [sflag:$0x5] =	stream.strided.gather [hbm4b:s7+s10], $0x2000, s13, s10, $0x38;
	[tilespmem:$0x14200] =	vst v63  }
0x80: {  	s7 =	sadd.s32 s2, s28  }
0x81: {  	[tilespmem:s18], [sflag:$0x6] =	stream.strided.gather [hbm4b:s7+s10], $0x2000, s13, s10, $0x38;
	[tilespmem:$0x14200] =	vst v63  }
0x82: {  	s7 =	spop (v2sf)  }
0x83: {  	s3 =	sand.u32 $0x7F, s3;
	s28 =	sand.u32 $0xFFFFF80, s7  }
0x84: {  	v5 =	vor.u32 s3, v0;
	s28 =	sadd.s32 s2, s28  }
0x85: {  	[tilespmem:s19], [sflag:$0x7] =	stream.strided.gather [hbm4b:s28+s10], $0x2000, s13, s10, $0x38;
	[tilespmem:$0x14200] =	vst v63  }
0x86: {  	_ =	swait.ge [sflag:s20], $0x2000  }
0x87: {  	[sflag:s20] =	ssyncset.done $0x0  }
0x88: {  	[sflag:s20] =	ssyncadd.s32 $0xFFFFE000  }
0x89: {  	v5 =	vld.idx.msk [tilespmem:v5+s14+$0x0], $0xffff  }
0x8a: {  	v6 =	vor.u32 s3, v1;
	_ =	sdelay $0x3  }
0x8b: {  	[tilespmem:s31+$0xFFFFFC00] =	vst v5  }
0x8c: {  	(v2sf) =	vpush v4, $0x6;
	v5 =	vld.idx.msk [tilespmem:v6+s14+$0x0], $0xffff  }
0x8d: {  	v37 =	vor.u32 s3, v2;
	_ =	sdelay $0x3  }
0x8e: {  	[tilespmem:s31+$0xFFFFFC10] =	vst v5  }
0x8f: {  	v5 =	vld.idx.msk [tilespmem:v37+s14+$0x0], $0xffff  }
0x90: {  	v38 =	vor.u32 s3, v3;
	_ =	sdelay $0x3  }
0x91: {  	[tilespmem:s31+$0xFFFFFC20] =	vst v5  }
0x92: {  	v5 =	vld.idx.msk [tilespmem:v38+s14+$0x0], $0xffff;
	_ =	sdelay $0x2  }
0x93: {  	s28 =	spop (v2sf)  }
0x94: {  	s9 =	sand.u32 $0x7F, s9;
	s3 =	sand.u32 $0xFFFFF80, s28  }
0x95: {  	s3 =	sadd.s32 s2, s3;
	[tilespmem:s31+$0xFFFFFC30] =	vst v5;
	v5 =	vor.u32 s9, v0  }
0x96: {  	[tilespmem:s14], [sflag:$0x2] =	stream.strided.gather [hbm4b:s3+s10], $0x2000, s13, s10, $0x38;
	[tilespmem:$0x14200] =	vst v63  }
0x97: {  	_ =	swait.ge [sflag:s21], $0x2000  }
0x98: {  	[sflag:s21] =	ssyncset.done $0x0  }
0x99: {  	[sflag:s21] =	ssyncadd.s32 $0xFFFFE000  }
0x9a: {  	v5 =	vld.idx.msk [tilespmem:v5+s15+$0x0], $0xffff  }
0x9b: {  	v39 =	vor.u32 s9, v1;
	_ =	sdelay $0x3  }
0x9c: {  	[tilespmem:s31+$0xFFFFFC80] =	vst v5  }
0x9d: {  	(v2sf) =	vpush v4, $0x7;
	v5 =	vld.idx.msk [tilespmem:v39+s15+$0x0], $0xffff  }
0x9e: {  	v40 =	vor.u32 s9, v2;
	_ =	sdelay $0x3  }
0x9f: {  	[tilespmem:s31+$0xFFFFFC90] =	vst v5  }
0xa0: {  	v5 =	vld.idx.msk [tilespmem:v40+s15+$0x0], $0xffff  }
0xa1: {  	v41 =	vor.u32 s9, v3;
	_ =	sdelay $0x3  }
0xa2: {  	[tilespmem:s31+$0xFFFFFCA0] =	vst v5  }
0xa3: {  	v5 =	vld.idx.msk [tilespmem:v41+s15+$0x0], $0xffff;
	_ =	sdelay $0x2  }
0xa4: {  	s3 =	spop (v2sf)  }
0xa5: {  	s8 =	sand.u32 $0x7F, s8;
	s9 =	sand.u32 $0xFFFFF80, s3  }
0xa6: {  	s9 =	sadd.s32 s2, s9;
	[tilespmem:s31+$0xFFFFFCB0] =	vst v5;
	v5 =	vor.u32 s8, v0  }
0xa7: {  	[tilespmem:s15], [sflag:$0x3] =	stream.strided.gather [hbm4b:s9+s10], $0x2000, s13, s10, $0x38;
	[tilespmem:$0x14200] =	vst v63  }
0xa8: {  	_ =	swait.ge [sflag:s22], $0x2000  }
0xa9: {  	[sflag:s22] =	ssyncset.done $0x0  }
0xaa: {  	[sflag:s22] =	ssyncadd.s32 $0xFFFFE000  }
0xab: {  	v5 =	vld.idx.msk [tilespmem:v5+s16+$0x0], $0xffff  }
0xac: {  	v42 =	vor.u32 s8, v1;
	_ =	sdelay $0x3  }
0xad: {  	[tilespmem:s31+$0xFFFFFD00] =	vst v5  }
0xae: {  	(v2sf) =	vpush v4, $0x8;
	v5 =	vld.idx.msk [tilespmem:v42+s16+$0x0], $0xffff  }
0xaf: {  	v43 =	vor.u32 s8, v2;
	_ =	sdelay $0x3  }
0xb0: {  	[tilespmem:s31+$0xFFFFFD10] =	vst v5  }
0xb1: {  	v5 =	vld.idx.msk [tilespmem:v43+s16+$0x0], $0xffff  }
0xb2: {  	v44 =	vor.u32 s8, v3;
	_ =	sdelay $0x3  }
0xb3: {  	[tilespmem:s31+$0xFFFFFD20] =	vst v5  }
0xb4: {  	v5 =	vld.idx.msk [tilespmem:v44+s16+$0x0], $0xffff;
	_ =	sdelay $0x2  }
0xb5: {  	s9 =	spop (v2sf)  }
0xb6: {  	s5 =	sand.u32 $0x7F, s5;
	s8 =	sand.u32 $0xFFFFF80, s9  }
0xb7: {  	s8 =	sadd.s32 s2, s8;
	[tilespmem:s31+$0xFFFFFD30] =	vst v5;
	v5 =	vor.u32 s5, v0  }
0xb8: {  	[tilespmem:s16], [sflag:$0x4] =	stream.strided.gather [hbm4b:s8+s10], $0x2000, s13, s10, $0x38;
	[tilespmem:$0x14200] =	vst v63  }
0xb9: {  	_ =	swait.ge [sflag:s23], $0x2000  }
0xba: {  	[sflag:s23] =	ssyncset.done $0x0  }
0xbb: {  	[sflag:s23] =	ssyncadd.s32 $0xFFFFE000  }
0xbc: {  	v5 =	vld.idx.msk [tilespmem:v5+s17+$0x0], $0xffff  }
0xbd: {  	v45 =	vor.u32 s5, v1;
	_ =	sdelay $0x3  }
0xbe: {  	[tilespmem:s31+$0xFFFFFD80] =	vst v5  }
0xbf: {  	(v2sf) =	vpush v4, $0x9;
	v5 =	vld.idx.msk [tilespmem:v45+s17+$0x0], $0xffff  }
0xc0: {  	v46 =	vor.u32 s5, v2;
	_ =	sdelay $0x3  }
0xc1: {  	[tilespmem:s31+$0xFFFFFD90] =	vst v5  }
0xc2: {  	v5 =	vld.idx.msk [tilespmem:v46+s17+$0x0], $0xffff  }
0xc3: {  	v47 =	vor.u32 s5, v3;
	_ =	sdelay $0x3  }
0xc4: {  	[tilespmem:s31+$0xFFFFFDA0] =	vst v5  }
0xc5: {  	v5 =	vld.idx.msk [tilespmem:v47+s17+$0x0], $0xffff;
	_ =	sdelay $0x2  }
0xc6: {  	s5 =	spop (v2sf)  }
0xc7: {  	s6 =	sand.u32 $0x7F, s6;
	s8 =	sand.u32 $0xFFFFF80, s5  }
0xc8: {  	s8 =	sadd.s32 s2, s8;
	[tilespmem:s31+$0xFFFFFDB0] =	vst v5;
	v5 =	vor.u32 s6, v0  }
0xc9: {  	[tilespmem:s17], [sflag:$0x5] =	stream.strided.gather [hbm4b:s8+s10], $0x2000, s13, s10, $0x38;
	[tilespmem:$0x14200] =	vst v63  }
0xca: {  	_ =	swait.ge [sflag:s24], $0x2000  }
0xcb: {  	[sflag:s24] =	ssyncset.done $0x0  }
0xcc: {  	[sflag:s24] =	ssyncadd.s32 $0xFFFFE000  }
0xcd: {  	v5 =	vld.idx.msk [tilespmem:v5+s18+$0x0], $0xffff  }
0xce: {  	v48 =	vor.u32 s6, v1;
	_ =	sdelay $0x3  }
0xcf: {  	[tilespmem:s31+$0xFFFFFE00] =	vst v5  }
0xd0: {  	(v2sf) =	vpush v4, $0xA;
	v5 =	vld.idx.msk [tilespmem:v48+s18+$0x0], $0xffff  }
0xd1: {  	v49 =	vor.u32 s6, v2;
	_ =	sdelay $0x3  }
0xd2: {  	[tilespmem:s31+$0xFFFFFE10] =	vst v5  }
0xd3: {  	v5 =	vld.idx.msk [tilespmem:v49+s18+$0x0], $0xffff  }
0xd4: {  	v50 =	vor.u32 s6, v3;
	_ =	sdelay $0x3  }
0xd5: {  	[tilespmem:s31+$0xFFFFFE20] =	vst v5  }
0xd6: {  	v5 =	vld.idx.msk [tilespmem:v50+s18+$0x0], $0xffff;
	_ =	sdelay $0x2  }
0xd7: {  	s6 =	spop (v2sf)  }
0xd8: {  	s7 =	sand.u32 $0x7F, s7;
	s8 =	sand.u32 $0xFFFFF80, s6  }
0xd9: {  	s8 =	sadd.s32 s2, s8;
	[tilespmem:s31+$0xFFFFFE30] =	vst v5;
	v5 =	vor.u32 s7, v0  }
0xda: {  	[tilespmem:s18], [sflag:$0x6] =	stream.strided.gather [hbm4b:s8+s10], $0x2000, s13, s10, $0x38;
	[tilespmem:$0x14200] =	vst v63  }
0xdb: {  	_ =	swait.ge [sflag:s25], $0x2000  }
0xdc: {  	[sflag:s25] =	ssyncset.done $0x0  }
0xdd: {  	[sflag:s25] =	ssyncadd.s32 $0xFFFFE000  }
0xde: {  	v5 =	vld.idx.msk [tilespmem:v5+s19+$0x0], $0xffff  }
0xdf: {  	v51 =	vor.u32 s7, v1;
	_ =	sdelay $0x3  }
0xe0: {  	[tilespmem:s31+$0xFFFFFE80] =	vst v5  }
0xe1: {  	(v2sf) =	vpush v4, $0xB;
	v5 =	vld.idx.msk [tilespmem:v51+s19+$0x0], $0xffff  }
0xe2: {  	v52 =	vor.u32 s7, v2;
	_ =	sdelay $0x3  }
0xe3: {  	[tilespmem:s31+$0xFFFFFE90] =	vst v5  }
0xe4: {  	v5 =	vld.idx.msk [tilespmem:v52+s19+$0x0], $0xffff  }
0xe5: {  	v53 =	vor.u32 s7, v3;
	_ =	sdelay $0x3  }
0xe6: {  	[tilespmem:s31+$0xFFFFFEA0] =	vst v5  }
0xe7: {  	v5 =	vld.idx.msk [tilespmem:v53+s19+$0x0], $0xffff;
	_ =	sdelay $0x2  }
0xe8: {  	s7 =	spop (v2sf)  }
0xe9: {  	s28 =	sand.u32 $0x7F, s28;
	s8 =	sand.u32 $0xFFFFF80, s7  }
0xea: {  	s8 =	sadd.s32 s2, s8;
	[tilespmem:s31+$0xFFFFFEB0] =	vst v5;
	v5 =	vor.u32 s28, v0  }
0xeb: {  	[tilespmem:s19], [sflag:$0x7] =	stream.strided.gather [hbm4b:s8+s10], $0x2000, s13, s10, $0x38;
	[tilespmem:$0x14200] =	vst v63  }
0xec: {  	_ =	swait.ge [sflag:s20], $0x2000  }
0xed: {  	[sflag:s20] =	ssyncset.done $0x0  }
0xee: {  	[sflag:s20] =	ssyncadd.s32 $0xFFFFE000  }
0xef: {  	v5 =	vld.idx.msk [tilespmem:v5+s14+$0x0], $0xffff  }
0xf0: {  	v54 =	vor.u32 s28, v1;
	_ =	sdelay $0x3  }
0xf1: {  	[tilespmem:s31+$0xFFFFFF00] =	vst v5  }
0xf2: {  	(v2sf) =	vpush v4, $0xC;
	v5 =	vld.idx.msk [tilespmem:v54+s14+$0x0], $0xffff  }
0xf3: {  	v55 =	vor.u32 s28, v2;
	_ =	sdelay $0x3  }
0xf4: {  	[tilespmem:s31+$0xFFFFFF10] =	vst v5  }
0xf5: {  	v5 =	vld.idx.msk [tilespmem:v55+s14+$0x0], $0xffff  }
0xf6: {  	v56 =	vor.u32 s28, v3;
	_ =	sdelay $0x3  }
0xf7: {  	[tilespmem:s31+$0xFFFFFF20] =	vst v5  }
0xf8: {  	v5 =	vld.idx.msk [tilespmem:v56+s14+$0x0], $0xffff;
	_ =	sdelay $0x2  }
0xf9: {  	s28 =	spop (v2sf)  }
0xfa: {  	s3 =	sand.u32 $0x7F, s3;
	s8 =	sand.u32 $0xFFFFF80, s28  }
0xfb: {  	s8 =	sadd.s32 s2, s8;
	[tilespmem:s31+$0xFFFFFF30] =	vst v5;
	v5 =	vor.u32 s3, v0  }
0xfc: {  	[tilespmem:s14], [sflag:$0x2] =	stream.strided.gather [hbm4b:s8+s10], $0x2000, s13, s10, $0x38;
	[tilespmem:$0x14200] =	vst v63  }
0xfd: {  	_ =	swait.ge [sflag:s21], $0x2000  }
0xfe: {  	[sflag:s21] =	ssyncset.done $0x0  }
0xff: {  	[sflag:s21] =	ssyncadd.s32 $0xFFFFE000  }
0x100: {  	v5 =	vld.idx.msk [tilespmem:v5+s15+$0x0], $0xffff  }
0x101: {  	v57 =	vor.u32 s3, v1;
	_ =	sdelay $0x3  }
0x102: {  	[tilespmem:s31+$0xFFFFFF80] =	vst v5  }
0x103: {  	(v2sf) =	vpush v4, $0xD;
	v5 =	vld.idx.msk [tilespmem:v57+s15+$0x0], $0xffff  }
0x104: {  	v58 =	vor.u32 s3, v2;
	_ =	sdelay $0x3  }
0x105: {  	[tilespmem:s31+$0xFFFFFF90] =	vst v5  }
0x106: {  	v5 =	vld.idx.msk [tilespmem:v58+s15+$0x0], $0xffff  }
0x107: {  	v59 =	vor.u32 s3, v3;
	_ =	sdelay $0x3  }
0x108: {  	[tilespmem:s31+$0xFFFFFFA0] =	vst v5  }
0x109: {  	v5 =	vld.idx.msk [tilespmem:v59+s15+$0x0], $0xffff;
	_ =	sdelay $0x2  }
0x10a: {  	s3 =	spop (v2sf)  }
0x10b: {  	s9 =	sand.u32 $0x7F, s9;
	s8 =	sand.u32 $0xFFFFF80, s3  }
0x10c: {  	s8 =	sadd.s32 s2, s8;
	[tilespmem:s31+$0xFFFFFFB0] =	vst v5;
	v5 =	vor.u32 s9, v0  }
0x10d: {  	[tilespmem:s15], [sflag:$0x3] =	stream.strided.gather [hbm4b:s8+s10], $0x2000, s13, s10, $0x38;
	[tilespmem:$0x14200] =	vst v63  }
0x10e: {  	_ =	swait.ge [sflag:s22], $0x2000  }
0x10f: {  	[sflag:s22] =	ssyncset.done $0x0  }
0x110: {  	[sflag:s22] =	ssyncadd.s32 $0xFFFFE000  }
0x111: {  	v5 =	vld.idx.msk [tilespmem:v5+s16+$0x0], $0xffff  }
0x112: {  	v60 =	vor.u32 s9, v1;
	_ =	sdelay $0x3  }
0x113: {  	[tilespmem:s31+$0x0] =	vst v5  }
0x114: {  	(v2sf) =	vpush v4, $0xE;
	v5 =	vld.idx.msk [tilespmem:v60+s16+$0x0], $0xffff  }
0x115: {  	v61 =	vor.u32 s9, v2;
	_ =	sdelay $0x3  }
0x116: {  	[tilespmem:s31+$0x10] =	vst v5  }
0x117: {  	v5 =	vld.idx.msk [tilespmem:v61+s16+$0x0], $0xffff  }
0x118: {  	v62 =	vor.u32 s9, v3;
	_ =	sdelay $0x3  }
0x119: {  	[tilespmem:s31+$0x20] =	vst v5  }
0x11a: {  	v5 =	vld.idx.msk [tilespmem:v62+s16+$0x0], $0xffff;
	_ =	sdelay $0x2  }
0x11b: {  	s9 =	spop (v2sf)  }
0x11c: {  	s5 =	sand.u32 $0x7F, s5;
	s8 =	sand.u32 $0xFFFFF80, s9  }
0x11d: {  	s8 =	sadd.s32 s2, s8;
	[tilespmem:s31+$0x30] =	vst v5;
	v5 =	vor.u32 s5, v0  }
0x11e: {  	[tilespmem:s16], [sflag:$0x4] =	stream.strided.gather [hbm4b:s8+s10], $0x2000, s13, s10, $0x38;
	[tilespmem:$0x14200] =	vst v63  }
0x11f: {  	_ =	swait.ge [sflag:s23], $0x2000  }
0x120: {  	[sflag:s23] =	ssyncset.done $0x0  }
0x121: {  	[sflag:s23] =	ssyncadd.s32 $0xFFFFE000  }
0x122: {  	v5 =	vld.idx.msk [tilespmem:v5+s17+$0x0], $0xffff  }
0x123: {  	v63 =	vor.u32 s5, v1;
	_ =	sdelay $0x3  }
0x124: {  	[tilespmem:s31+$0x80] =	vst v5  }
0x125: {  	(v2sf) =	vpush v4, $0xF;
	v5 =	vld.idx.msk [tilespmem:v63+s17+$0x0], $0xffff  }
0x126: {  	v4 =	vor.u32 s5, v2;
	_ =	sdelay $0x3  }
0x127: {  	[tilespmem:s31+$0x90] =	vst v5  }
0x128: {  	v4 =	vld.idx.msk [tilespmem:v4+s17+$0x0], $0xffff  }
0x129: {  	v5 =	vor.u32 s5, v3;
	_ =	sdelay $0x3  }
0x12a: {  	[tilespmem:s31+$0xA0] =	vst v4  }
0x12b: {  	v4 =	vld.idx.msk [tilespmem:v5+s17+$0x0], $0xffff;
	_ =	sdelay $0x2  }
0x12c: {  	s5 =	spop (v2sf)  }
0x12d: {  	s6 =	sand.u32 $0x7F, s6;
	s8 =	sand.u32 $0xFFFFF80, s5  }
0x12e: {  	s8 =	sadd.s32 s2, s8;
	[tilespmem:s31+$0xB0] =	vst v4;
	v4 =	vor.u32 s6, v0  }
0x12f: {  	[tilespmem:s17], [sflag:$0x5] =	stream.strided.gather [hbm4b:s8+s10], $0x2000, s13, s10, $0x38;
	[tilespmem:$0x14200] =	vst v63  }
0x130: {  	_ =	swait.ge [sflag:s24], $0x2000  }
0x131: {  	[sflag:s24] =	ssyncset.done $0x0  }
0x132: {  	[sflag:s24] =	ssyncadd.s32 $0xFFFFE000  }
0x133: {  	v4 =	vld.idx.msk [tilespmem:v4+s18+$0x0], $0xffff  }
0x134: {  	v5 =	vor.u32 s6, v1;
	_ =	sdelay $0x3  }
0x135: {  	[tilespmem:s31+$0x100] =	vst v4  }
0x136: {  	v4 =	vld.idx.msk [tilespmem:v5+s18+$0x0], $0xffff  }
0x137: {  	v5 =	vor.u32 s6, v2;
	_ =	sdelay $0x3  }
0x138: {  	[tilespmem:s31+$0x110] =	vst v4  }
0x139: {  	v4 =	vld.idx.msk [tilespmem:v5+s18+$0x0], $0xffff  }
0x13a: {  	v5 =	vor.u32 s6, v3;
	_ =	sdelay $0x3  }
0x13b: {  	[tilespmem:s31+$0x120] =	vst v4  }
0x13c: {  	v4 =	vld.idx.msk [tilespmem:v5+s18+$0x0], $0xffff;
	_ =	sdelay $0x2  }
0x13d: {  	s7 =	sand.u32 $0x7F, s7  }
0x13e: {  	v5 =	vor.u32 s7, v0  }
0x13f: {  	[tilespmem:s31+$0x130] =	vst v4  }
0x140: {  	_ =	swait.ge [sflag:s25], $0x2000  }
0x141: {  	[sflag:s25] =	ssyncset.done $0x0  }
0x142: {  	[sflag:s25] =	ssyncadd.s32 $0xFFFFE000  }
0x143: {  	v4 =	vld.idx.msk [tilespmem:v5+s19+$0x0], $0xffff  }
0x144: {  	v5 =	vor.u32 s7, v1;
	_ =	sdelay $0x3  }
0x145: {  	[tilespmem:s31+$0x180] =	vst v4  }
0x146: {  	v4 =	vld.idx.msk [tilespmem:v5+s19+$0x0], $0xffff  }
0x147: {  	v5 =	vor.u32 s7, v2;
	_ =	sdelay $0x3  }
0x148: {  	[tilespmem:s31+$0x190] =	vst v4  }
0x149: {  	v4 =	vld.idx.msk [tilespmem:v5+s19+$0x0], $0xffff  }
0x14a: {  	v5 =	vor.u32 s7, v3;
	_ =	sdelay $0x3  }
0x14b: {  	[tilespmem:s31+$0x1A0] =	vst v4  }
0x14c: {  	v4 =	vld.idx.msk [tilespmem:v5+s19+$0x0], $0xffff;
	_ =	sdelay $0x2  }
0x14d: {  	s8 =	sand.u32 $0x7F, s28  }
0x14e: {  	v5 =	vor.u32 s8, v0  }
0x14f: {  	[tilespmem:s31+$0x1B0] =	vst v4  }
0x150: {  	_ =	swait.ge [sflag:s20], $0x2000  }
0x151: {  	[sflag:s20] =	ssyncset.done $0x0  }
0x152: {  	[sflag:s20] =	ssyncadd.s32 $0xFFFFE000  }
0x153: {  	v4 =	vld.idx.msk [tilespmem:v5+s14+$0x0], $0xffff  }
0x154: {  	v5 =	vor.u32 s8, v1;
	_ =	sdelay $0x3  }
0x155: {  	[tilespmem:s31+$0x200] =	vst v4  }
0x156: {  	v4 =	vld.idx.msk [tilespmem:v5+s14+$0x0], $0xffff  }
0x157: {  	v5 =	vor.u32 s8, v2;
	_ =	sdelay $0x3  }
0x158: {  	[tilespmem:s31+$0x210] =	vst v4  }
0x159: {  	v4 =	vld.idx.msk [tilespmem:v5+s14+$0x0], $0xffff  }
0x15a: {  	v5 =	vor.u32 s8, v3;
	_ =	sdelay $0x3  }
0x15b: {  	[tilespmem:s31+$0x220] =	vst v4  }
0x15c: {  	v4 =	vld.idx.msk [tilespmem:v5+s14+$0x0], $0xffff;
	_ =	sdelay $0x2  }
0x15d: {  	s3 =	sand.u32 $0x7F, s3  }
0x15e: {  	v5 =	vor.u32 s3, v0  }
0x15f: {  	[tilespmem:s31+$0x230] =	vst v4  }
0x160: {  	_ =	swait.ge [sflag:s21], $0x2000  }
0x161: {  	[sflag:s21] =	ssyncset.done $0x0  }
0x162: {  	[sflag:s21] =	ssyncadd.s32 $0xFFFFE000  }
0x163: {  	v4 =	vld.idx.msk [tilespmem:v5+s15+$0x0], $0xffff  }
0x164: {  	v5 =	vor.u32 s3, v1;
	_ =	sdelay $0x3  }
0x165: {  	[tilespmem:s31+$0x280] =	vst v4  }
0x166: {  	v4 =	vld.idx.msk [tilespmem:v5+s15+$0x0], $0xffff  }
0x167: {  	v5 =	vor.u32 s3, v2;
	_ =	sdelay $0x3  }
0x168: {  	[tilespmem:s31+$0x290] =	vst v4  }
0x169: {  	v4 =	vld.idx.msk [tilespmem:v5+s15+$0x0], $0xffff  }
0x16a: {  	v5 =	vor.u32 s3, v3;
	_ =	sdelay $0x3  }
0x16b: {  	[tilespmem:s31+$0x2A0] =	vst v4  }
0x16c: {  	v4 =	vld.idx.msk [tilespmem:v5+s15+$0x0], $0xffff;
	_ =	sdelay $0x2  }
0x16d: {  	s9 =	sand.u32 $0x7F, s9  }
0x16e: {  	v5 =	vor.u32 s9, v0  }
0x16f: {  	[tilespmem:s31+$0x2B0] =	vst v4  }
0x170: {  	_ =	swait.ge [sflag:s22], $0x2000  }
0x171: {  	[sflag:s22] =	ssyncset.done $0x0  }
0x172: {  	[sflag:s22] =	ssyncadd.s32 $0xFFFFE000  }
0x173: {  	v4 =	vld.idx.msk [tilespmem:v5+s16+$0x0], $0xffff  }
0x174: {  	v5 =	vor.u32 s9, v1;
	_ =	sdelay $0x3  }
0x175: {  	[tilespmem:s31+$0x300] =	vst v4  }
0x176: {  	v4 =	vld.idx.msk [tilespmem:v5+s16+$0x0], $0xffff  }
0x177: {  	v5 =	vor.u32 s9, v2;
	_ =	sdelay $0x3  }
0x178: {  	[tilespmem:s31+$0x310] =	vst v4  }
0x179: {  	v4 =	vld.idx.msk [tilespmem:v5+s16+$0x0], $0xffff  }
0x17a: {  	v5 =	vor.u32 s9, v3;
	_ =	sdelay $0x3  }
0x17b: {  	[tilespmem:s31+$0x320] =	vst v4  }
0x17c: {  	v4 =	vld.idx.msk [tilespmem:v5+s16+$0x0], $0xffff;
	_ =	sdelay $0x2  }
0x17d: {  	s28 =	sand.u32 $0x7F, s5  }
0x17e: {  	v5 =	vor.u32 s28, v0  }
0x17f: {  	[tilespmem:s31+$0x330] =	vst v4  }
0x180: {  	_ =	swait.ge [sflag:s23], $0x2000  }
0x181: {  	[sflag:s23] =	ssyncset.done $0x0  }
0x182: {  	[sflag:s23] =	ssyncadd.s32 $0xFFFFE000  }
0x183: {  	v4 =	vld.idx.msk [tilespmem:v5+s17+$0x0], $0xffff  }
0x184: {  	v5 =	vor.u32 s28, v1;
	_ =	sdelay $0x3  }
0x185: {  	[tilespmem:s31+$0x380] =	vst v4  }
0x186: {  	v4 =	vld.idx.msk [tilespmem:v5+s17+$0x0], $0xffff  }
0x187: {  	v5 =	vor.u32 s28, v2;
	_ =	sdelay $0x3  }
0x188: {  	[tilespmem:s31+$0x390] =	vst v4  }
0x189: {  	v4 =	vld.idx.msk [tilespmem:v5+s17+$0x0], $0xffff  }
0x18a: {  	v5 =	vor.u32 s28, v3;
	_ =	sdelay $0x3  }
0x18b: {  	[tilespmem:s31+$0x3A0] =	vst v4  }
0x18c: {  	v4 =	vld.idx.msk [tilespmem:v5+s17+$0x0], $0xffff;
	_ =	sdelay $0x4  }
0x18d: {  	[tilespmem:s31+$0x3B0] =	vst v4  }
0x18e: {  	_ =	swait.ge [sflag:s26], $0x10  }
0x18f: {  	[sflag:s26] =	ssyncset.done $0x0  }
0x190: {  	[sflag:s26] =	ssyncadd.s32 $0xFFFFFFF0  }
0x191: {  	_ =	swait.ge [sflag:s26], $0x10  }
0x192: {  	[sflag:s26] =	ssyncset.done $0x0  }
0x193: {  	[sflag:s26] =	ssyncadd.s32 $0xFFFFFFF0  }
0x194: {  	_ =	swait.ge [sflag:s26], $0x10  }
0x195: {  	[sflag:s26] =	ssyncset.done $0x0  }
0x196: {  	[sflag:s26] =	ssyncadd.s32 $0xFFFFFFF0  }
0x197: {  	_ =	swait.ge [sflag:s26], $0x10  }
0x198: {  	[sflag:s26] =	ssyncset.done $0x0  }
0x199: {  	[sflag:s26] =	ssyncadd.s32 $0xFFFFFFF0  }
0x19a: {  	_ =	swait.ge [sflag:s26], $0x10  }
0x19b: {  	[sflag:s26] =	ssyncset.done $0x0  }
0x19c: {  	[sflag:s26] =	ssyncadd.s32 $0xFFFFFFF0  }
0x19d: {  	_ =	swait.ge [sflag:s26], $0x10  }
0x19e: {  	[sflag:s26] =	ssyncset.done $0x0  }
0x19f: {  	[sflag:s26] =	ssyncadd.s32 $0xFFFFFFF0  }
0x1a0: {  	_ =	swait.ge [sflag:s26], $0x10  }
0x1a1: {  	[sflag:s26] =	ssyncset.done $0x0  }
0x1a2: {  	[sflag:s26] =	ssyncadd.s32 $0xFFFFFFF0  }
0x1a3: {  	_ =	swait.ge [sflag:s26], $0x10  }
0x1a4: {  	[sflag:s26] =	ssyncset.done $0x0  }
0x1a5: {  	[sflag:s26] =	ssyncadd.s32 $0xFFFFFFF0  }
0x1a6: {  	_ =	swait.ge [sflag:s26], $0x10  }
0x1a7: {  	[sflag:s26] =	ssyncset.done $0x0  }
0x1a8: {  	[sflag:s26] =	ssyncadd.s32 $0xFFFFFFF0  }
0x1a9: {  	_ =	swait.ge [sflag:s26], $0x10  }
0x1aa: {  	[sflag:s26] =	ssyncset.done $0x0  }
0x1ab: {  	[sflag:s26] =	ssyncadd.s32 $0xFFFFFFF0  }
0x1ac: {  	_ =	swait.ge [sflag:s26], $0x10  }
0x1ad: {  	[sflag:s26] =	ssyncset.done $0x0  }
0x1ae: {  	[sflag:s26] =	ssyncadd.s32 $0xFFFFFFF0  }
0x1af: {  	_ =	swait.ge [sflag:s26], $0x10  }
0x1b0: {  	[sflag:s26] =	ssyncset.done $0x0  }
0x1b1: {  	[sflag:s26] =	ssyncadd.s32 $0xFFFFFFF0  }
0x1b2: {  	_ =	swait.ge [sflag:s26], $0x10  }
0x1b3: {  	[sflag:s26] =	ssyncset.done $0x0  }
0x1b4: {  	[sflag:s26] =	ssyncadd.s32 $0xFFFFFFF0  }
0x1b5: {  	_ =	swait.ge [sflag:s26], $0x10  }
0x1b6: {  	[sflag:s26] =	ssyncset.done $0x0  }
0x1b7: {  	[sflag:s26] =	ssyncadd.s32 $0xFFFFFFF0  }
0x1b8: {  	p0 =	sne.s32 s0, $0xF00;
	_ =	swait.ge [sflag:s26], $0x10  }
.Ltmp0:
0x1b9: {  	[sflag:s26] =	ssyncset.done $0x0;
	(pc) =	sbr.rel @p0 .LBB2_2-.Ltmp0, $4  }
0x1ba: {  	[sflag:s26] =	ssyncadd.s32 $0xFFFFFFF0  }
0x1bb: {  	_ =	swait.ge [sflag:s26], $0x10  }
0x1bc: {  	s30 =	sadd.s32 $0x10, s30;
	s0 =	sadd.s32 $0x100, s0;
	[sflag:s26] =	ssyncset.done $0x0  }
0x1bd: {  	s1 =	sadd.s32 $0x10, s1;
	s31 =	sadd.s32 $0x800, s31;
	[sflag:s26] =	ssyncadd.s32 $0xFFFFFFF0  }
0x1be: {  	s9 =	simm.s32 $0x0;
	s0 =	rddreg [dreg:$0x6];
	s1 =	simm.s32 $0x200  }
0x1bf: {  	[hbm4b:s0+s9] =	stream.linear.scatter [tilespmem:s1], [sflag:$0x8], $0x8000, $0x38;
	[tilespmem:$0x14200] =	vst v63  }
0x1c0: {  	_ =	swait.ge [sflag:s11], $0x8000  }
0x1c1: {  	s29 =	sadd.s32 $0x1, s29;
	s31 =	rddreg [dreg:$0x7]  }
0x1c2: {  	p0 =	sne.s32 s29, s31  }
.Ltmp1:
0x1c3: {  	_ = 	snop;
	(pc) =	sbr.rel @p0 .LBB2_1-.Ltmp1, $3  }
0x1c4: {  	_ =	sdelay $0x1  }
0x1c5: {  	[sflag:s11] =	ssyncset.done $0x0  }
0x1c6: {  	[sflag:s11] =	ssyncadd.s32 $0xFFFF8000  }
0x1c7: {  	_ =	sfence.sel $0x180000  }
0x1c8: {  	[bflag:$0x0] =	sbarrier.arrive $0xFFFF  }
0x1c9: {  	_ =	strace $0x90000047  }
0x1ca: {  	s0 =	stileid.u32;
	[bflag:$0x2] =	sbarrier.arrive $0xFFFF  }
0x1cb: {  	p0 =	sne.s32 s0, $0x0;
	s0 =	rddreg [dreg:$0x2]  }
0x1cc: {  	s0 =	sadd.s32 @!p0 $0x100000, s0  }
0x1cd: {  	[sflag:s0] =	ssyncadd.tile.s32 @!p0 $0x1;
	_ =	shalt  }
.Lfunc_end2:
_tile_overlayer_lowered:
.L_overlay_start_2:
0x1ce: {  	(tag) =	ssettag $0x2  }
0x1cf: {  	s0 =	rddreg [dreg:$0x0];
	s2 =	stileid.u32  }
0x1d0: {  	s1 =	rddreg [dreg:$0x1];
	p0 =	sne.s32 s2, $0x0  }
0x1d1: {  	s3 =	rddreg [dreg:$0x2];
	[bflag:$0x3] =	sbarrier.arrive $0xFFFF;
	s2 =	simm.s32 @!p0 $0x1C08  }
0x1d2: {  	[timem:s3], [sflag:s2] =	dma.local @!p0 [hbm:s0], s1  }
0x1d3: {  	s0 =	simm.s32 @!p0 $0x8  }
0x1d4: {  	_ =	swait.ge @!p0 [sflag:s0], s1  }
0x1d5: {  	s1 =	ssub.s32 @!p0 $0x0, s1;
	[sflag:s0] =	ssyncset.done @!p0 $0x0  }
0x1d6: {  	[sflag:s0] =	ssyncadd.s32 @!p0 s1  }
0x1d7: {  	[bflag:$0x3] =	sbarrier.arrive $0xFFFF  }
0x1d8: {  	_ =	shalt  }

// kernel: kernel.9.cloned.1.call-start
scs
__scs_entry_jumppad:
0x0: {  	(pc) =	sbr.rel $0x88, $3  }
0x1: {  	(tag) =	ssettag $0x0;
	lr =	simm.s32 $0x1  }
0x2: {  	[smem:$0x3F95] =	sst lr;
	_ =	strace $0xD0000000  }
0x3: {  	_ = 	snop  }
0x4: {  	_ = 	snop  }
0x5: {  	_ = 	snop  }
0x6: {  	_ = 	snop  }
0x7: {  	_ = 	snop  }
__scs_overlays_trampoline_lowered:
0x8: {  	[smem:$0x3FA4] =	sst s0  }
0x9: {  	[smem:$0x3FA5] =	sst s1  }
0xa: {  	[smem:$0x3FA6] =	sst s2  }
0xb: {  	[smem:$0x3FA7] =	sst s3  }
0xc: {  	[smem:$0x3FA8] =	sst s4  }
0xd: {  	[smem:$0x3FA9] =	sst s5  }
0xe: {  	[smem:$0x3FAA] =	sst s6  }
0xf: {  	[smem:$0x3FAB] =	sst s7  }
0x10: {  	[smem:$0x3FAC] =	sst s8  }
0x11: {  	[smem:$0x3FAD] =	sst s9;
	s0 =	simm.s32 @!p0 $0x0  }
0x12: {  	s1 =	sld [smem:$0x3F93];
	s0 =	simm.s32 @p0 $0x1  }
0x13: {  	[smem:$0x3FAE] =	sst s0;
	s0 =	simm.s32 @!p1 $0x0  }
0x14: {  	s2 =	sld [smem:$0x3F92];
	s0 =	simm.s32 @p1 $0x1  }
0x15: {  	[smem:$0x3FAF] =	sst s0;
	s0 =	simm.s32 @!p2 $0x0  }
0x16: {  	s3 =	sld [smem:$0x3FDB];
	s0 =	simm.s32 @p2 $0x1  }
0x17: {  	s4 =	simm.s32 $0x1BF5;
	[smem:$0x3FB1] =	sst s0  }
0x18: {  	s0 =	sld [smem:$0x3F94];
	_ =	swait.ge [sflag:s4], $0x0  }
0x19: {  	s7 =	sld [smem:$0x3F95]  }
0x1a: {  	s8 =	sadd.s32 $0xFFFFE003, lr  }
0x1b: {  	s9 =	sadd.s32 $0xFFFFFEF7, lr;
	s5 =	simm.s32 $0xFFFFFFFF;
	p2 =	slt.u32 s8, $0xFFFFF086  }
0x1c: {  	p1 =	slt.u32 s9, $0xF7A;
	s5 =	simm.s32 @!p2 $0x0  }
0x1d: {  	s5 =	simm.s32 @p1 $0x1;
	p0 =	seq.s32 s7, s2  }
0x1e: {  	s7 =	smul.u32 @!p0 $0xF7A, s2;
	p2 =	seq.s32 @!p0 s5, $0x0  }
0x1f: {  	s9 =	smul.u32 $0xF7A, s1;
	s8 =	simm.s32 @!p0 $0x1BF5;
	p2 =	por !p2, p0  }
0x20: {  	[sflag:s8] =	ssyncset.s32 @!p0 $0xFFFFF086;
	s6 =	sadd.s32 @!p0 s3, s7;
	s7 =	simm.s32 @!p0 $0x108  }
0x21: {  	s3 =	sadd.s32 s3, s9;
	s6 =	sadd.s32 @!p0 $0x88, s6;
	s7 =	simm.s32 @p2 $0x1082  }
0x22: {  	[simem:s7], [sflag:s8] =	dma.local @!p0 [hbm:s6], $0xF7A  }
0x23: {  	s9 =	sor.u32 $0xD0000000, s2;
	s6 =	simm.s32 $0x108;
	_ =	swait.ge @!p0 [sflag:s8], $0x0  }
0x24: {  	s3 =	sadd.s32 $0x88, s3;
	s6 =	simm.s32 @!p1 $0x1082;
	[sflag:s4] =	ssyncset.s32 $0xFFFFF086  }
0x25: {  	[simem:s6], [sflag:s4] =	dma.local [hbm:s3], $0xF7A  }
0x26: {  	[smem:$0x3F95] =	sst s1;
	(tag) =	ssettag s2;
	_ =	strace s9  }
0x27: {  	s1 =	sld [smem:$0x3FA5]  }
0x28: {  	s2 =	sld [smem:$0x3FA6]  }
0x29: {  	s4 =	sld [smem:$0x3FA8]  }
0x2a: {  	p0 =	seq.s32 s5, $0x0;
	s5 =	sld [smem:$0x3FA9]  }
0x2b: {  	s6 =	sld [smem:$0x3FAA]  }
0x2c: {  	s7 =	sld [smem:$0x3FAB]  }
0x2d: {  	s3 =	simm.s32 $0x108;
	s8 =	sld [smem:$0x3FAC]  }
0x2e: {  	s3 =	simm.s32 @!p0 $0x1082;
	s9 =	sld [smem:$0x3FAD]  }
0x2f: {  	lr =	sadd.s32 s0, s3;
	s0 =	sld [smem:$0x3FA4]  }
0x30: {  	s3 =	sld [smem:$0x3FA7]  }
0x31: {  	[smem:$0x3FB0] =	sst s10  }
0x32: {  	s10 =	sld [smem:$0x3FAE];
	_ =	sdelay $0x3  }
0x33: {  	p0 =	seq.s32 s10, $0x1;
	s10 =	sld [smem:$0x3FB0];
	_ =	sdelay $0x3  }
0x34: {  	[smem:$0x3FB0] =	sst s10  }
0x35: {  	s10 =	sld [smem:$0x3FAF];
	_ =	sdelay $0x3  }
0x36: {  	p1 =	seq.s32 s10, $0x1;
	s10 =	sld [smem:$0x3FB0];
	_ =	sdelay $0x3  }
0x37: {  	[smem:$0x3FB0] =	sst s10  }
0x38: {  	s10 =	sld [smem:$0x3FB1]  }
0x39: {  	_ = 	snop;
	(pc) =	sbr.ind lr, $3  }
0x3a: {  	_ = 	snop  }
0x3b: {  	_ = 	snop  }
0x3c: {  	p2 =	seq.s32 s10, $0x1;
	s10 =	sld [smem:$0x3FB0]  }
0x3d: {  	_ =	shalt  }
0x3e: {  	_ =	shalt  }
0x3f: {  	_ =	shalt  }
0x40: {  	_ =	shalt  }
0x41: {  	_ =	shalt  }
0x42: {  	_ =	shalt  }
0x43: {  	_ =	shalt  }
0x44: {  	_ =	shalt  }
0x45: {  	_ =	shalt  }
0x46: {  	_ =	shalt  }
0x47: {  	_ =	shalt  }
0x48: {  	_ =	shalt  }
0x49: {  	_ =	shalt  }
0x4a: {  	_ =	shalt  }
0x4b: {  	_ =	shalt  }
0x4c: {  	_ =	shalt  }
0x4d: {  	_ =	shalt  }
0x4e: {  	_ =	shalt  }
0x4f: {  	_ =	shalt  }
0x50: {  	_ =	shalt  }
0x51: {  	_ =	shalt  }
0x52: {  	_ =	shalt  }
0x53: {  	_ =	shalt  }
0x54: {  	_ =	shalt  }
0x55: {  	_ =	shalt  }
0x56: {  	_ =	shalt  }
0x57: {  	_ =	shalt  }
0x58: {  	_ =	shalt  }
0x59: {  	_ =	shalt  }
0x5a: {  	_ =	shalt  }
0x5b: {  	_ =	shalt  }
0x5c: {  	_ =	shalt  }
0x5d: {  	_ =	shalt  }
0x5e: {  	_ =	shalt  }
0x5f: {  	_ =	shalt  }
0x60: {  	_ =	shalt  }
0x61: {  	_ =	shalt  }
0x62: {  	_ =	shalt  }
0x63: {  	_ =	shalt  }
0x64: {  	_ =	shalt  }
0x65: {  	_ =	shalt  }
0x66: {  	_ =	shalt  }
0x67: {  	_ =	shalt  }
0x68: {  	_ =	shalt  }
0x69: {  	_ =	shalt  }
0x6a: {  	_ =	shalt  }
0x6b: {  	_ =	shalt  }
0x6c: {  	_ =	shalt  }
0x6d: {  	_ =	shalt  }
0x6e: {  	_ =	shalt  }
0x6f: {  	_ =	shalt  }
0x70: {  	_ =	shalt  }
0x71: {  	_ =	shalt  }
0x72: {  	_ =	shalt  }
0x73: {  	_ =	shalt  }
0x74: {  	_ =	shalt  }
0x75: {  	_ =	shalt  }
0x76: {  	_ =	shalt  }
0x77: {  	_ =	shalt  }
0x78: {  	_ =	shalt  }
0x79: {  	_ =	shalt  }
0x7a: {  	_ =	shalt  }
0x7b: {  	_ =	shalt  }
0x7c: {  	_ =	shalt  }
0x7d: {  	_ =	shalt  }
0x7e: {  	_ =	shalt  }
0x7f: {  	_ =	shalt  }
0x80: {  	_ =	shalt  }
0x81: {  	_ =	shalt  }
0x82: {  	_ =	shalt  }
0x83: {  	_ =	shalt  }
0x84: {  	_ =	shalt  }
0x85: {  	_ =	shalt  }
0x86: {  	_ =	shalt  }
0x87: {  	_ =	shalt  }
.Lfunc_end0:
.L_simem_size_0:
called_computation.1_lowered:
.L_overlay_start_0:
0x88: {  	s2 =	sld [smem:$0x3FD9]  }
0x89: {  	s3 =	sld [smem:$0x3FFE];
	_ =	sdelay $0x1  }
0x8a: {  	s1 =	srdreg.scid  }
0x8b: {  	s0 =	sand.u32 $0x1, s1  }
0x8c: {  	s17 =	sshll.u32 s0, $0xA;
	s2 =	sadd.s32 s3, s2  }
0x8d: {  	s2 =	sadd.s32 s2, s17  }
0x8e: {  	[smem:$0x3FBC] =	sst s2  }
0x8f: {  	_ = 	snop  }
0x90: {  	s18 =	sld [smem:$0x3FC4]  }
0x91: {  	s4 =	sld [smem:$0x3FD0];
	(tm) =	ssettm $0x1  }
0x92: {  	s19 =	sld [smem:$0x3FFB];
	_ =	sdelay $0x3  }
0x93: {  	_ =	strace s19  }
0x94: {  	s2 =	sld [smem:$0x3FFC];
	_ =	sdelay $0x3  }
0x95: {  	_ =	strace s2  }
0x96: {  	s2 =	sld [smem:$0x3FFD];
	_ =	sdelay $0x3  }
0x97: {  	_ =	strace s2  }
0x98: {  	_ =	strace $0x8FFFFFFF  }
0x99: {  	s20 =	sld [smem:$0x3FDB];
	_ =	sdelay $0x1  }
0x9a: {  	s5 =	simm.s32 $_scs_section_size  }
0x9b: {  	s6 =	simm.s32 $_size__tile_overlayer_lowered;
	s7 =	simm.s32 $_tile_overlayer_lowered  }
0x9c: {  	s8 =	simm.s32 $0x1BFF;
	s21 =	sshll.u32 s7, $0x1;
	s5 =	sadd.s32 s5, s20  }
0x9d: {  	s22 =	simm.s32 $0x0;
	s6 =	sshll.u32 s6, $0x1;
	s7 =	sadd.s32 s21, s5  }
0x9e: {  	[timem:s22], [sflag:s8] =	dma.local [hbm:s7], s6  }
0x9f: {  	_ =	swait.ge [sflag:s8], s6  }
0xa0: {  	s6 =	ssub.s32 $0x0, s6;
	[sflag:s8] =	ssyncset.done $0x0  }
0xa1: {  	[sflag:s8] =	ssyncadd.s32 s6;
	_ =	sdelay $0x1  }
0xa2: {  	s23 =	simm.s32 $0x1B8B  }
0xa3: {  	_ =	swait.ge [sflag:s23], $0x1  }
0xa4: {  	[sflag:s23] =	ssyncset.done $0x0  }
0xa5: {  	[sflag:s23] =	ssyncadd.s32 $0xFFFFFFFF  }
0xa6: {  	s6 =	sld [smem:$0x0]  }
0xa7: {  	s7 =	sand.u32 $0xFFFFFFFE, s1  }
0xa8: {  	p0 =	sne.s32 s1, s7  }
0xa9: {  	s7 =	sshll.u32 @p0 s7, $0xE  }
0xaa: {  	s7 =	sadd.s32 @p0 $0x11B8D, s7;
	s8 =	sshll.u32 @p0 s6, $0x11  }
0xab: {  	s7 =	sor.u32 @p0 s8, s7  }
0xac: {  	[sflag:s7] =	ssyncadd.remote.s32 @p0 $0x1;
	_ =	sdelay $0x1  }
0xad: {  	s7 =	simm.s32 @p0 $0x1B8D  }
0xae: {  	_ =	swait.eq @p0 [sflag:s7], $0x1  }
0xaf: {  	[sflag:s7] =	ssyncadd.s32 @p0 $0xFFFFFFFF  }
0xb0: {  	s8 =	sshll.u32 @!p0 s1, $0xE  }
0xb1: {  	s8 =	sor.u32 @!p0 $0x4000, s8;
	s7 =	simm.s32 @!p0 $0x1B8D  }
0xb2: {  	s6 =	sshll.u32 @!p0 s6, $0x11;
	s8 =	sadd.s32 @!p0 $0x11B8D, s8;
	_ =	swait.eq @!p0 [sflag:s7], $0x1  }
0xb3: {  	s6 =	sor.u32 @!p0 s6, s8;
	[sflag:s7] =	ssyncadd.s32 @!p0 $0xFFFFFFFF  }
0xb4: {  	s25 =	simm.s32 $0x1B8E;
	s24 =	sld [smem:$0x3FFE];
	[sflag:s6] =	ssyncadd.remote.s32 @!p0 $0x1  }
0xb5: {  	s26 =	simm.s32 $execute0_lowered;
	[smem:$0x3FD2] =	sst s25  }
0xb6: {  	s7 =	sshll.u32 s26, $0x1;
	_ =	strace $0x80000049;
	[dreg:$0x1] =	wrdreg $0xFFFFFFFF  }
0xb7: {  	s28 =	simm.s32 $_size_execute0_lowered;
	s5 =	sadd.s32 s5, s7;
	[dreg:$0x0] =	wrdreg $0x0  }
0xb8: {  	s7 =	sshll.u32 s28, $0x1;
	[dreg:$0x2] =	wrdreg s5  }
0xb9: {  	[dreg:$0x3] =	wrdreg s7  }
0xba: {  	[dreg:$0x4] =	wrdreg $0xC0  }
0xbb: {  	_ =	task [dreg:s22], $0x5FFFF  }
0xbc: {  	[dreg:$0x1] =	wrdreg $0xFFFFFFFF  }
0xbd: {  	[dreg:$0x0] =	wrdreg $0x60  }
0xbe: {  	[dreg:$0x2] =	wrdreg s4  }
0xbf: {  	[dreg:$0x3] =	wrdreg s24  }
0xc0: {  	[dreg:$0x4] =	wrdreg s18  }
0xc1: {  	[dreg:$0x5] =	wrdreg $0xA  }
0xc2: {  	_ =	task.clear_ibuf [dreg:s22], $0x6FFFF;
	_ =	strace $0x90000049  }
0xc3: {  	s29 =	simm.s32 $0xA;
	_ =	strace $0x8000004B  }
0xc4: {  	_ =	swait.ge [sflag:s29], $0x1  }
0xc5: {  	[sflag:s29] =	ssyncadd.s32 $0xFFFFFFFF  }
0xc6: {  	_ =	strace $0x9000004B  }
0xc7: {  	_ =	sfence  }
0xc8: {  	s30 =	sld [smem:$0x0];
	_ =	sdelay $0x2  }
0xc9: {  	s31 =	sshll.u32 s1, $0xD;
	s1 =	sshrl.u32 s1, $0x2  }
0xca: {  	s4 =	sand.u32 $0x4000, s31;
	s1 =	sadd.s32 s1, s30  }
0xcb: {  	s0 =	sor.u32 s4, s0;
	s1 =	sshll.u32 s1, $0x11  }
0xcc: {  	s0 =	sor.u32 s1, s0  }
0xcd: {  	s0 =	sadd.s32 $0x8F2B, s0  }
0xce: {  	[sflag:s0] =	ssyncadd.remote.s32 $0x1  }
0xcf: {  	_ =	sfence.sel $0xFFFF  }
0xd0: {  	[dreg:$0x0] =	wrdreg $0xFFFFFFFF;
	(pc) =	sbr.abs _section_cstart, $3  }
0xd1: {  	[dreg:$0x1] =	wrdreg $0xFFFFFFFF  }
0xd2: {  	_ =	task.clear_ibuf [dreg:s22], $0x2FFFF;
	_ =	strace $0x9FFFFFFF  }
0xd3: {  	(tm) =	ssettm $0x7FFFFFFF  }
tec
execute0_lowered:
.L_overlay_start_1:
0x0: {  	(tag) =	ssettag $0x1  }
0x1: {  	s3 =	rddreg [dreg:$0x0]  }
0x2: {  	s0 =	srdreg.scid;
	s5 =	rddreg [dreg:$0x1]  }
0x3: {  	s11 =	stileid.u32;
	s2 =	rddreg [dreg:$0x2];
	s28 =	simm.s32 $0x0  }
0x4: {  	s13 =	simm.s32 $0x7A1400;
	s14 =	simm.s32 $0x8200;
	s15 =	simm.s32 $0xA200  }
0x5: {  	s16 =	simm.s32 $0xC200;
	s17 =	simm.s32 $0xE200;
	s18 =	simm.s32 $0x10200  }
0x6: {  	s19 =	simm.s32 $0x12200;
	s20 =	simm.s32 $0x2;
	s21 =	simm.s32 $0x3  }
0x7: {  	s22 =	simm.s32 $0x4;
	s23 =	simm.s32 $0x5;
	s24 =	simm.s32 $0x6  }
0x8: {  	s29 =	simm.s32 $0x0;
	s0 =	sand.u32 $0x1, s0;
	s1 =	sshll.u32 s11, $0x1  }
0x9: {  	s4 =	sshll.u32 s11, $0x9;
	[smem:$0x7FF] =	sst s28;
	s8 =	sshll.u32 s11, $0xD  }
0xa: {  	s31 =	sshll.u32 s11, $0x6;
	s11 =	simm.s32 $0x8;
	s1 =	sor.u32 s0, s1  }
0xb: {  	s4 =	sand.u32 $0x1800, s4;
	_ =	strace $0x8000004A;
	s9 =	ssub.s32 $0x2, s0  }
0xc: {  	s8 =	sadd.s32 s8, s5;
	s0 =	sshll.u32 s0, $0xC;
	s12 =	sor.u32 $0x1C01, s31  }
0xd: {  	s6 =	sshll.u32 s1, $0x7;
	s1 =	sshll.u32 s1, $0xC;
	s10 =	sshrl.u32 s9, $0x1  }
0xe: {  	s0 =	sadd.s32 s0, s8;
	s6 =	sand.u32 $0x380, s6;
	s1 =	sadd.s32 s1, s5  }
0xf: {  	s25 =	ssub.s32 s9, s10;
	s0 =	sadd.s32 $0x1EAE00, s0;
	s10 =	simm.s32 $0x400  }
0x10: {  	s4 =	sor.u32 s6, s4;
	s1 =	sadd.s32 $0x1CAE00, s1;
	[dreg:$0x4] =	wrdreg s0  }
0x11: {  	v0 =	vlaneseq.u32;
	s30 =	smax.u32 s25, $0x1;
	s6 =	sshrl.u32 s4, $0x3;
	[dreg:$0x7] =	wrdreg s1  }
0x12: {  	v0 =	vmul.u32 $0x80, v0;
	[dreg:$0x8] =	wrdreg s30;
	s7 =	sadd.s32 s6, s5;
	s3 =	sadd.s32 s3, s6  }
0x13: {  	s25 =	simm.s32 $0x7;
	[dreg:$0x5] =	wrdreg s3;
	s26 =	sadd.s32 $0x1CAA00, s7  }
0x14: {  	v1 =	vor.u32 $0x800, v0;
	v2 =	vor.u32 $0x1000, v0;
	v3 =	vor.u32 $0x1800, v0;
	s4 =	sadd.s32 $0x3800, s5;
	[dreg:$0x6] =	wrdreg s26;
	s26 =	simm.s32 $0x1  }
.LBB2_1:
0x15: {  	s0 =	rddreg [dreg:$0x5];
	s1 =	simm.s32 $0x80  }
0x16: {  	[tilespmem:s28], [sflag:$0x8] =	stream.strided.gather [hbm4b:s0+s1], $0x100, s10, s1, $0x38;
	[tilespmem:$0x14200] =	vst v63  }
0x17: {  	_ =	swait.ge [sflag:s11], $0x100  }
0x18: {  	[sflag:s11] =	ssyncset.done $0x0  }
0x19: {  	s30 =	simm.s32 $0x100;
	s28 =	rddreg [dreg:$0x6];
	[sflag:s11] =	ssyncadd.s32 $0xFFFFFF00  }
0x1a: {  	[tilespmem:s30], [sflag:$0x8] =	stream.strided.gather [hbm4b:s28+s1], $0x100, s10, s1, $0x38;
	[tilespmem:$0x14200] =	vst v63  }
0x1b: {  	_ =	swait.ge [sflag:s11], $0x100  }
0x1c: {  	s31 =	simm.s32 $0x600;
	[sflag:s11] =	ssyncset.done $0x0  }
0x1d: {  	s0 =	simm.s32 $0x0;
	s1 =	simm.s32 $0x0;
	[sflag:s11] =	ssyncadd.s32 $0xFFFFFF00  }
.LBB2_2:
0x1e: {  	v4 =	vld [tilespmem:s30+$0x0];
	_ =	sdelay $0x4  }
0x1f: {  	v4 =	vshll.u32 v4, $0x4  }
0x20: {  	(v2sf) =	vpush v4, $0x0;
	_ =	sdelay $0xe  }
0x21: {  	s5 =	spop (v2sf)  }
0x22: {  	s3 =	rddreg [dreg:$0x4];
	s5 =	sand.u32 $0x1FFFFFF0, s5  }
0x23: {  	s3 =	sadd.s32 s0, s3;
	s5 =	sadd.s32 s4, s5  }
0x24: {  	[hbm:s3], [sflag:s12] =	dma.local [hbm:s5], $0x10  }
0x25: {  	(v2sf) =	vpush v4, $0x1;
	_ =	sdelay $0xe  }
0x26: {  	s5 =	spop (v2sf)  }
0x27: {  	s5 =	sand.u32 $0x1FFFFFF0, s5  }
0x28: {  	s6 =	sadd.s32 $0x10, s3;
	s5 =	sadd.s32 s4, s5  }
0x29: {  	[hbm:s6], [sflag:s12] =	dma.local [hbm:s5], $0x10  }
0x2a: {  	(v2sf) =	vpush v4, $0x2;
	_ =	sdelay $0xe  }
0x2b: {  	s5 =	spop (v2sf)  }
0x2c: {  	s5 =	sand.u32 $0x1FFFFFF0, s5  }
0x2d: {  	s9 =	sadd.s32 $0x20, s3;
	s5 =	sadd.s32 s4, s5  }
0x2e: {  	[hbm:s9], [sflag:s12] =	dma.local [hbm:s5], $0x10  }
0x2f: {  	(v2sf) =	vpush v4, $0x3;
	_ =	sdelay $0xe  }
0x30: {  	s5 =	spop (v2sf)  }
0x31: {  	s5 =	sand.u32 $0x1FFFFFF0, s5  }
0x32: {  	s28 =	sadd.s32 $0x30, s3;
	s5 =	sadd.s32 s4, s5  }
0x33: {  	[hbm:s28], [sflag:s12] =	dma.local [hbm:s5], $0x10  }
0x34: {  	(v2sf) =	vpush v4, $0x4;
	_ =	sdelay $0xe  }
0x35: {  	s5 =	spop (v2sf)  }
0x36: {  	s5 =	sand.u32 $0x1FFFFFF0, s5  }
0x37: {  	s7 =	sadd.s32 $0x40, s3;
	s5 =	sadd.s32 s4, s5  }
0x38: {  	[hbm:s7], [sflag:s12] =	dma.local [hbm:s5], $0x10  }
0x39: {  	(v2sf) =	vpush v4, $0x5;
	_ =	sdelay $0xe  }
0x3a: {  	s5 =	spop (v2sf)  }
0x3b: {  	s5 =	sand.u32 $0x1FFFFFF0, s5  }
0x3c: {  	s8 =	sadd.s32 $0x50, s3;
	s5 =	sadd.s32 s4, s5  }
0x3d: {  	[hbm:s8], [sflag:s12] =	dma.local [hbm:s5], $0x10  }
0x3e: {  	(v2sf) =	vpush v4, $0x6;
	_ =	sdelay $0xe  }
0x3f: {  	s5 =	spop (v2sf)  }
0x40: {  	s5 =	sand.u32 $0x1FFFFFF0, s5  }
0x41: {  	s9 =	sadd.s32 $0x60, s3;
	s5 =	sadd.s32 s4, s5  }
0x42: {  	[hbm:s9], [sflag:s12] =	dma.local [hbm:s5], $0x10  }
0x43: {  	(v2sf) =	vpush v4, $0x7;
	_ =	sdelay $0xe  }
0x44: {  	s5 =	spop (v2sf)  }
0x45: {  	s5 =	sand.u32 $0x1FFFFFF0, s5  }
0x46: {  	s28 =	sadd.s32 $0x70, s3;
	s5 =	sadd.s32 s4, s5  }
0x47: {  	[hbm:s28], [sflag:s12] =	dma.local [hbm:s5], $0x10  }
0x48: {  	(v2sf) =	vpush v4, $0x8;
	_ =	sdelay $0xe  }
0x49: {  	s5 =	spop (v2sf)  }
0x4a: {  	s5 =	sand.u32 $0x1FFFFFF0, s5  }
0x4b: {  	s7 =	sadd.s32 $0x80, s3;
	s5 =	sadd.s32 s4, s5  }
0x4c: {  	[hbm:s7], [sflag:s12] =	dma.local [hbm:s5], $0x10  }
0x4d: {  	(v2sf) =	vpush v4, $0x9;
	_ =	sdelay $0xe  }
0x4e: {  	s5 =	spop (v2sf)  }
0x4f: {  	s5 =	sand.u32 $0x1FFFFFF0, s5  }
0x50: {  	s8 =	sadd.s32 $0x90, s3;
	s5 =	sadd.s32 s4, s5  }
0x51: {  	[hbm:s8], [sflag:s12] =	dma.local [hbm:s5], $0x10  }
0x52: {  	(v2sf) =	vpush v4, $0xA;
	_ =	sdelay $0xe  }
0x53: {  	s5 =	spop (v2sf)  }
0x54: {  	s5 =	sand.u32 $0x1FFFFFF0, s5  }
0x55: {  	s9 =	sadd.s32 $0xA0, s3;
	s5 =	sadd.s32 s4, s5  }
0x56: {  	[hbm:s9], [sflag:s12] =	dma.local [hbm:s5], $0x10  }
0x57: {  	(v2sf) =	vpush v4, $0xB;
	_ =	sdelay $0xe  }
0x58: {  	s5 =	spop (v2sf)  }
0x59: {  	s5 =	sand.u32 $0x1FFFFFF0, s5  }
0x5a: {  	s28 =	sadd.s32 $0xB0, s3;
	s5 =	sadd.s32 s4, s5  }
0x5b: {  	[hbm:s28], [sflag:s12] =	dma.local [hbm:s5], $0x10  }
0x5c: {  	(v2sf) =	vpush v4, $0xC;
	_ =	sdelay $0xe  }
0x5d: {  	s5 =	spop (v2sf)  }
0x5e: {  	s5 =	sand.u32 $0x1FFFFFF0, s5  }
0x5f: {  	s7 =	sadd.s32 $0xC0, s3;
	s5 =	sadd.s32 s4, s5  }
0x60: {  	[hbm:s7], [sflag:s12] =	dma.local [hbm:s5], $0x10  }
0x61: {  	(v2sf) =	vpush v4, $0xD;
	_ =	sdelay $0xe  }
0x62: {  	s5 =	spop (v2sf)  }
0x63: {  	s5 =	sand.u32 $0x1FFFFFF0, s5  }
0x64: {  	s8 =	sadd.s32 $0xD0, s3;
	s5 =	sadd.s32 s4, s5  }
0x65: {  	[hbm:s8], [sflag:s12] =	dma.local [hbm:s5], $0x10  }
0x66: {  	(v2sf) =	vpush v4, $0xE;
	_ =	sdelay $0xe  }
0x67: {  	s5 =	spop (v2sf)  }
0x68: {  	s5 =	sand.u32 $0x1FFFFFF0, s5  }
0x69: {  	s9 =	sadd.s32 $0xE0, s3;
	s5 =	sadd.s32 s4, s5  }
0x6a: {  	[hbm:s9], [sflag:s12] =	dma.local [hbm:s5], $0x10  }
0x6b: {  	(v2sf) =	vpush v4, $0xF;
	_ =	sdelay $0xe  }
0x6c: {  	s5 =	spop (v2sf)  }
0x6d: {  	s5 =	sand.u32 $0x1FFFFFF0, s5  }
0x6e: {  	s3 =	sadd.s32 $0xF0, s3;
	s5 =	sadd.s32 s4, s5  }
0x6f: {  	[hbm:s3], [sflag:s12] =	dma.local [hbm:s5], $0x10  }
0x70: {  	v4 =	vld [tilespmem:s1+$0x0];
	_ =	sdelay $0x4  }
0x71: {  	(v2sf) =	vpush v4, $0x0;
	_ =	sdelay $0x2  }
0x72: {  	(v2sf) =	vpush v4, $0x1  }
0x73: {  	(v2sf) =	vpush v4, $0x2;
	_ =	sdelay $0x3  }
0x74: {  	(v2sf) =	vpush v4, $0x3;
	_ =	sdelay $0x1  }
0x75: {  	(v2sf) =	vpush v4, $0x4;
	_ =	sdelay $0x4  }
0x76: {  	s3 =	spop (v2sf);
	(v2sf) =	vpush v4, $0x5;
	_ =	sdelay $0x2  }
0x77: {  	s28 =	sand.u32 $0xFFFFF80, s3;
	s9 =	spop (v2sf)  }
0x78: {  	s5 =	sadd.s32 s2, s28;
	s6 =	sand.u32 $0xFFFFF80, s9;
	s8 =	spop (v2sf)  }
0x79: {  	[tilespmem:s14], [sflag:$0x2] =	stream.strided.gather [hbm4b:s5+s10], $0x2000, s13, s10, $0x38;
	[tilespmem:$0x14200] =	vst v63  }
0x7a: {  	s5 =	sadd.s32 s2, s6;
	s7 =	sand.u32 $0xFFFFF80, s8  }
0x7b: {  	[tilespmem:s15], [sflag:$0x3] =	stream.strided.gather [hbm4b:s5+s10], $0x2000, s13, s10, $0x38;
	[tilespmem:$0x14200] =	vst v63  }
0x7c: {  	s6 =	sadd.s32 s2, s7;
	s5 =	spop (v2sf)  }
0x7d: {  	[tilespmem:s16], [sflag:$0x4] =	stream.strided.gather [hbm4b:s6+s10], $0x2000, s13, s10, $0x38;
	[tilespmem:$0x14200] =	vst v63  }
0x7e: {  	s7 =	sand.u32 $0xFFFFF80, s5;
	s6 =	spop (v2sf)  }
0x7f: {  	s7 =	sadd.s32 s2, s7;
	s28 =	sand.u32 $0xFFFFF80, s6  }
0x80: {  	[tilespmem:s17], [sflag:$0x5] =	stream.strided.gather [hbm4b:s7+s10], $0x2000, s13, s10, $0x38;
	[tilespmem:$0x14200] =	vst v63  }
0x81: {  	s7 =	sadd.s32 s2, s28  }
0x82: {  	[tilespmem:s18], [sflag:$0x6] =	stream.strided.gather [hbm4b:s7+s10], $0x2000, s13, s10, $0x38;
	[tilespmem:$0x14200] =	vst v63  }
0x83: {  	s7 =	spop (v2sf)  }
0x84: {  	s3 =	sand.u32 $0x7F, s3;
	s28 =	sand.u32 $0xFFFFF80, s7  }
0x85: {  	v5 =	vor.u32 s3, v0;
	s28 =	sadd.s32 s2, s28  }
0x86: {  	[tilespmem:s19], [sflag:$0x7] =	stream.strided.gather [hbm4b:s28+s10], $0x2000, s13, s10, $0x38;
	[tilespmem:$0x14200] =	vst v63  }
0x87: {  	_ =	swait.ge [sflag:s20], $0x2000  }
0x88: {  	[sflag:s20] =	ssyncset.done $0x0  }
0x89: {  	[sflag:s20] =	ssyncadd.s32 $0xFFFFE000  }
0x8a: {  	v5 =	vld.idx.msk [tilespmem:v5+s14+$0x0], $0xffff  }
0x8b: {  	v6 =	vor.u32 s3, v1;
	_ =	sdelay $0x3  }
0x8c: {  	[tilespmem:s31+$0xFFFFFC00] =	vst v5  }
0x8d: {  	(v2sf) =	vpush v4, $0x6;
	v5 =	vld.idx.msk [tilespmem:v6+s14+$0x0], $0xffff  }
0x8e: {  	v37 =	vor.u32 s3, v2;
	_ =	sdelay $0x3  }
0x8f: {  	[tilespmem:s31+$0xFFFFFC10] =	vst v5  }
0x90: {  	v5 =	vld.idx.msk [tilespmem:v37+s14+$0x0], $0xffff  }
0x91: {  	v38 =	vor.u32 s3, v3;
	_ =	sdelay $0x3  }
0x92: {  	[tilespmem:s31+$0xFFFFFC20] =	vst v5  }
0x93: {  	v5 =	vld.idx.msk [tilespmem:v38+s14+$0x0], $0xffff;
	_ =	sdelay $0x2  }
0x94: {  	s28 =	spop (v2sf)  }
0x95: {  	s9 =	sand.u32 $0x7F, s9;
	s3 =	sand.u32 $0xFFFFF80, s28  }
0x96: {  	s3 =	sadd.s32 s2, s3;
	[tilespmem:s31+$0xFFFFFC30] =	vst v5;
	v5 =	vor.u32 s9, v0  }
0x97: {  	[tilespmem:s14], [sflag:$0x2] =	stream.strided.gather [hbm4b:s3+s10], $0x2000, s13, s10, $0x38;
	[tilespmem:$0x14200] =	vst v63  }
0x98: {  	_ =	swait.ge [sflag:s21], $0x2000  }
0x99: {  	[sflag:s21] =	ssyncset.done $0x0  }
0x9a: {  	[sflag:s21] =	ssyncadd.s32 $0xFFFFE000  }
0x9b: {  	v5 =	vld.idx.msk [tilespmem:v5+s15+$0x0], $0xffff  }
0x9c: {  	v39 =	vor.u32 s9, v1;
	_ =	sdelay $0x3  }
0x9d: {  	[tilespmem:s31+$0xFFFFFC80] =	vst v5  }
0x9e: {  	(v2sf) =	vpush v4, $0x7;
	v5 =	vld.idx.msk [tilespmem:v39+s15+$0x0], $0xffff  }
0x9f: {  	v40 =	vor.u32 s9, v2;
	_ =	sdelay $0x3  }
0xa0: {  	[tilespmem:s31+$0xFFFFFC90] =	vst v5  }
0xa1: {  	v5 =	vld.idx.msk [tilespmem:v40+s15+$0x0], $0xffff  }
0xa2: {  	v41 =	vor.u32 s9, v3;
	_ =	sdelay $0x3  }
0xa3: {  	[tilespmem:s31+$0xFFFFFCA0] =	vst v5  }
0xa4: {  	v5 =	vld.idx.msk [tilespmem:v41+s15+$0x0], $0xffff;
	_ =	sdelay $0x2  }
0xa5: {  	s3 =	spop (v2sf)  }
0xa6: {  	s8 =	sand.u32 $0x7F, s8;
	s9 =	sand.u32 $0xFFFFF80, s3  }
0xa7: {  	s9 =	sadd.s32 s2, s9;
	[tilespmem:s31+$0xFFFFFCB0] =	vst v5;
	v5 =	vor.u32 s8, v0  }
0xa8: {  	[tilespmem:s15], [sflag:$0x3] =	stream.strided.gather [hbm4b:s9+s10], $0x2000, s13, s10, $0x38;
	[tilespmem:$0x14200] =	vst v63  }
0xa9: {  	_ =	swait.ge [sflag:s22], $0x2000  }
0xaa: {  	[sflag:s22] =	ssyncset.done $0x0  }
0xab: {  	[sflag:s22] =	ssyncadd.s32 $0xFFFFE000  }
0xac: {  	v5 =	vld.idx.msk [tilespmem:v5+s16+$0x0], $0xffff  }
0xad: {  	v42 =	vor.u32 s8, v1;
	_ =	sdelay $0x3  }
0xae: {  	[tilespmem:s31+$0xFFFFFD00] =	vst v5  }
0xaf: {  	(v2sf) =	vpush v4, $0x8;
	v5 =	vld.idx.msk [tilespmem:v42+s16+$0x0], $0xffff  }
0xb0: {  	v43 =	vor.u32 s8, v2;
	_ =	sdelay $0x3  }
0xb1: {  	[tilespmem:s31+$0xFFFFFD10] =	vst v5  }
0xb2: {  	v5 =	vld.idx.msk [tilespmem:v43+s16+$0x0], $0xffff  }
0xb3: {  	v44 =	vor.u32 s8, v3;
	_ =	sdelay $0x3  }
0xb4: {  	[tilespmem:s31+$0xFFFFFD20] =	vst v5  }
0xb5: {  	v5 =	vld.idx.msk [tilespmem:v44+s16+$0x0], $0xffff;
	_ =	sdelay $0x2  }
0xb6: {  	s9 =	spop (v2sf)  }
0xb7: {  	s5 =	sand.u32 $0x7F, s5;
	s8 =	sand.u32 $0xFFFFF80, s9  }
0xb8: {  	s8 =	sadd.s32 s2, s8;
	[tilespmem:s31+$0xFFFFFD30] =	vst v5;
	v5 =	vor.u32 s5, v0  }
0xb9: {  	[tilespmem:s16], [sflag:$0x4] =	stream.strided.gather [hbm4b:s8+s10], $0x2000, s13, s10, $0x38;
	[tilespmem:$0x14200] =	vst v63  }
0xba: {  	_ =	swait.ge [sflag:s23], $0x2000  }
0xbb: {  	[sflag:s23] =	ssyncset.done $0x0  }
0xbc: {  	[sflag:s23] =	ssyncadd.s32 $0xFFFFE000  }
0xbd: {  	v5 =	vld.idx.msk [tilespmem:v5+s17+$0x0], $0xffff  }
0xbe: {  	v45 =	vor.u32 s5, v1;
	_ =	sdelay $0x3  }
0xbf: {  	[tilespmem:s31+$0xFFFFFD80] =	vst v5  }
0xc0: {  	(v2sf) =	vpush v4, $0x9;
	v5 =	vld.idx.msk [tilespmem:v45+s17+$0x0], $0xffff  }
0xc1: {  	v46 =	vor.u32 s5, v2;
	_ =	sdelay $0x3  }
0xc2: {  	[tilespmem:s31+$0xFFFFFD90] =	vst v5  }
0xc3: {  	v5 =	vld.idx.msk [tilespmem:v46+s17+$0x0], $0xffff  }
0xc4: {  	v47 =	vor.u32 s5, v3;
	_ =	sdelay $0x3  }
0xc5: {  	[tilespmem:s31+$0xFFFFFDA0] =	vst v5  }
0xc6: {  	v5 =	vld.idx.msk [tilespmem:v47+s17+$0x0], $0xffff;
	_ =	sdelay $0x2  }
0xc7: {  	s5 =	spop (v2sf)  }
0xc8: {  	s6 =	sand.u32 $0x7F, s6;
	s8 =	sand.u32 $0xFFFFF80, s5  }
0xc9: {  	s8 =	sadd.s32 s2, s8;
	[tilespmem:s31+$0xFFFFFDB0] =	vst v5;
	v5 =	vor.u32 s6, v0  }
0xca: {  	[tilespmem:s17], [sflag:$0x5] =	stream.strided.gather [hbm4b:s8+s10], $0x2000, s13, s10, $0x38;
	[tilespmem:$0x14200] =	vst v63  }
0xcb: {  	_ =	swait.ge [sflag:s24], $0x2000  }
0xcc: {  	[sflag:s24] =	ssyncset.done $0x0  }
0xcd: {  	[sflag:s24] =	ssyncadd.s32 $0xFFFFE000  }
0xce: {  	v5 =	vld.idx.msk [tilespmem:v5+s18+$0x0], $0xffff  }
0xcf: {  	v48 =	vor.u32 s6, v1;
	_ =	sdelay $0x3  }
0xd0: {  	[tilespmem:s31+$0xFFFFFE00] =	vst v5  }
0xd1: {  	(v2sf) =	vpush v4, $0xA;
	v5 =	vld.idx.msk [tilespmem:v48+s18+$0x0], $0xffff  }
0xd2: {  	v49 =	vor.u32 s6, v2;
	_ =	sdelay $0x3  }
0xd3: {  	[tilespmem:s31+$0xFFFFFE10] =	vst v5  }
0xd4: {  	v5 =	vld.idx.msk [tilespmem:v49+s18+$0x0], $0xffff  }
0xd5: {  	v50 =	vor.u32 s6, v3;
	_ =	sdelay $0x3  }
0xd6: {  	[tilespmem:s31+$0xFFFFFE20] =	vst v5  }
0xd7: {  	v5 =	vld.idx.msk [tilespmem:v50+s18+$0x0], $0xffff;
	_ =	sdelay $0x2  }
0xd8: {  	s6 =	spop (v2sf)  }
0xd9: {  	s7 =	sand.u32 $0x7F, s7;
	s8 =	sand.u32 $0xFFFFF80, s6  }
0xda: {  	s8 =	sadd.s32 s2, s8;
	[tilespmem:s31+$0xFFFFFE30] =	vst v5;
	v5 =	vor.u32 s7, v0  }
0xdb: {  	[tilespmem:s18], [sflag:$0x6] =	stream.strided.gather [hbm4b:s8+s10], $0x2000, s13, s10, $0x38;
	[tilespmem:$0x14200] =	vst v63  }
0xdc: {  	_ =	swait.ge [sflag:s25], $0x2000  }
0xdd: {  	[sflag:s25] =	ssyncset.done $0x0  }
0xde: {  	[sflag:s25] =	ssyncadd.s32 $0xFFFFE000  }
0xdf: {  	v5 =	vld.idx.msk [tilespmem:v5+s19+$0x0], $0xffff  }
0xe0: {  	v51 =	vor.u32 s7, v1;
	_ =	sdelay $0x3  }
0xe1: {  	[tilespmem:s31+$0xFFFFFE80] =	vst v5  }
0xe2: {  	(v2sf) =	vpush v4, $0xB;
	v5 =	vld.idx.msk [tilespmem:v51+s19+$0x0], $0xffff  }
0xe3: {  	v52 =	vor.u32 s7, v2;
	_ =	sdelay $0x3  }
0xe4: {  	[tilespmem:s31+$0xFFFFFE90] =	vst v5  }
0xe5: {  	v5 =	vld.idx.msk [tilespmem:v52+s19+$0x0], $0xffff  }
0xe6: {  	v53 =	vor.u32 s7, v3;
	_ =	sdelay $0x3  }
0xe7: {  	[tilespmem:s31+$0xFFFFFEA0] =	vst v5  }
0xe8: {  	v5 =	vld.idx.msk [tilespmem:v53+s19+$0x0], $0xffff;
	_ =	sdelay $0x2  }
0xe9: {  	s7 =	spop (v2sf)  }
0xea: {  	s28 =	sand.u32 $0x7F, s28;
	s8 =	sand.u32 $0xFFFFF80, s7  }
0xeb: {  	s8 =	sadd.s32 s2, s8;
	[tilespmem:s31+$0xFFFFFEB0] =	vst v5;
	v5 =	vor.u32 s28, v0  }
0xec: {  	[tilespmem:s19], [sflag:$0x7] =	stream.strided.gather [hbm4b:s8+s10], $0x2000, s13, s10, $0x38;
	[tilespmem:$0x14200] =	vst v63  }
0xed: {  	_ =	swait.ge [sflag:s20], $0x2000  }
0xee: {  	[sflag:s20] =	ssyncset.done $0x0  }
0xef: {  	[sflag:s20] =	ssyncadd.s32 $0xFFFFE000  }
0xf0: {  	v5 =	vld.idx.msk [tilespmem:v5+s14+$0x0], $0xffff  }
0xf1: {  	v54 =	vor.u32 s28, v1;
	_ =	sdelay $0x3  }
0xf2: {  	[tilespmem:s31+$0xFFFFFF00] =	vst v5  }
0xf3: {  	(v2sf) =	vpush v4, $0xC;
	v5 =	vld.idx.msk [tilespmem:v54+s14+$0x0], $0xffff  }
0xf4: {  	v55 =	vor.u32 s28, v2;
	_ =	sdelay $0x3  }
0xf5: {  	[tilespmem:s31+$0xFFFFFF10] =	vst v5  }
0xf6: {  	v5 =	vld.idx.msk [tilespmem:v55+s14+$0x0], $0xffff  }
0xf7: {  	v56 =	vor.u32 s28, v3;
	_ =	sdelay $0x3  }
0xf8: {  	[tilespmem:s31+$0xFFFFFF20] =	vst v5  }
0xf9: {  	v5 =	vld.idx.msk [tilespmem:v56+s14+$0x0], $0xffff;
	_ =	sdelay $0x2  }
0xfa: {  	s28 =	spop (v2sf)  }
0xfb: {  	s3 =	sand.u32 $0x7F, s3;
	s8 =	sand.u32 $0xFFFFF80, s28  }
0xfc: {  	s8 =	sadd.s32 s2, s8;
	[tilespmem:s31+$0xFFFFFF30] =	vst v5;
	v5 =	vor.u32 s3, v0  }
0xfd: {  	[tilespmem:s14], [sflag:$0x2] =	stream.strided.gather [hbm4b:s8+s10], $0x2000, s13, s10, $0x38;
	[tilespmem:$0x14200] =	vst v63  }
0xfe: {  	_ =	swait.ge [sflag:s21], $0x2000  }
0xff: {  	[sflag:s21] =	ssyncset.done $0x0  }
0x100: {  	[sflag:s21] =	ssyncadd.s32 $0xFFFFE000  }
0x101: {  	v5 =	vld.idx.msk [tilespmem:v5+s15+$0x0], $0xffff  }
0x102: {  	v57 =	vor.u32 s3, v1;
	_ =	sdelay $0x3  }
0x103: {  	[tilespmem:s31+$0xFFFFFF80] =	vst v5  }
0x104: {  	(v2sf) =	vpush v4, $0xD;
	v5 =	vld.idx.msk [tilespmem:v57+s15+$0x0], $0xffff  }
0x105: {  	v58 =	vor.u32 s3, v2;
	_ =	sdelay $0x3  }
0x106: {  	[tilespmem:s31+$0xFFFFFF90] =	vst v5  }
0x107: {  	v5 =	vld.idx.msk [tilespmem:v58+s15+$0x0], $0xffff  }
0x108: {  	v59 =	vor.u32 s3, v3;
	_ =	sdelay $0x3  }
0x109: {  	[tilespmem:s31+$0xFFFFFFA0] =	vst v5  }
0x10a: {  	v5 =	vld.idx.msk [tilespmem:v59+s15+$0x0], $0xffff;
	_ =	sdelay $0x2  }
0x10b: {  	s3 =	spop (v2sf)  }
0x10c: {  	s9 =	sand.u32 $0x7F, s9;
	s8 =	sand.u32 $0xFFFFF80, s3  }
0x10d: {  	s8 =	sadd.s32 s2, s8;
	[tilespmem:s31+$0xFFFFFFB0] =	vst v5;
	v5 =	vor.u32 s9, v0  }
0x10e: {  	[tilespmem:s15], [sflag:$0x3] =	stream.strided.gather [hbm4b:s8+s10], $0x2000, s13, s10, $0x38;
	[tilespmem:$0x14200] =	vst v63  }
0x10f: {  	_ =	swait.ge [sflag:s22], $0x2000  }
0x110: {  	[sflag:s22] =	ssyncset.done $0x0  }
0x111: {  	[sflag:s22] =	ssyncadd.s32 $0xFFFFE000  }
0x112: {  	v5 =	vld.idx.msk [tilespmem:v5+s16+$0x0], $0xffff  }
0x113: {  	v60 =	vor.u32 s9, v1;
	_ =	sdelay $0x3  }
0x114: {  	[tilespmem:s31+$0x0] =	vst v5  }
0x115: {  	(v2sf) =	vpush v4, $0xE;
	v5 =	vld.idx.msk [tilespmem:v60+s16+$0x0], $0xffff  }
0x116: {  	v61 =	vor.u32 s9, v2;
	_ =	sdelay $0x3  }
0x117: {  	[tilespmem:s31+$0x10] =	vst v5  }
0x118: {  	v5 =	vld.idx.msk [tilespmem:v61+s16+$0x0], $0xffff  }
0x119: {  	v62 =	vor.u32 s9, v3;
	_ =	sdelay $0x3  }
0x11a: {  	[tilespmem:s31+$0x20] =	vst v5  }
0x11b: {  	v5 =	vld.idx.msk [tilespmem:v62+s16+$0x0], $0xffff;
	_ =	sdelay $0x2  }
0x11c: {  	s9 =	spop (v2sf)  }
0x11d: {  	s5 =	sand.u32 $0x7F, s5;
	s8 =	sand.u32 $0xFFFFF80, s9  }
0x11e: {  	s8 =	sadd.s32 s2, s8;
	[tilespmem:s31+$0x30] =	vst v5;
	v5 =	vor.u32 s5, v0  }
0x11f: {  	[tilespmem:s16], [sflag:$0x4] =	stream.strided.gather [hbm4b:s8+s10], $0x2000, s13, s10, $0x38;
	[tilespmem:$0x14200] =	vst v63  }
0x120: {  	_ =	swait.ge [sflag:s23], $0x2000  }
0x121: {  	[sflag:s23] =	ssyncset.done $0x0  }
0x122: {  	[sflag:s23] =	ssyncadd.s32 $0xFFFFE000  }
0x123: {  	v5 =	vld.idx.msk [tilespmem:v5+s17+$0x0], $0xffff  }
0x124: {  	v63 =	vor.u32 s5, v1;
	_ =	sdelay $0x3  }
0x125: {  	[tilespmem:s31+$0x80] =	vst v5  }
0x126: {  	(v2sf) =	vpush v4, $0xF;
	v5 =	vld.idx.msk [tilespmem:v63+s17+$0x0], $0xffff  }
0x127: {  	v4 =	vor.u32 s5, v2;
	_ =	sdelay $0x3  }
0x128: {  	[tilespmem:s31+$0x90] =	vst v5  }
0x129: {  	v4 =	vld.idx.msk [tilespmem:v4+s17+$0x0], $0xffff  }
0x12a: {  	v5 =	vor.u32 s5, v3;
	_ =	sdelay $0x3  }
0x12b: {  	[tilespmem:s31+$0xA0] =	vst v4  }
0x12c: {  	v4 =	vld.idx.msk [tilespmem:v5+s17+$0x0], $0xffff;
	_ =	sdelay $0x2  }
0x12d: {  	s5 =	spop (v2sf)  }
0x12e: {  	s6 =	sand.u32 $0x7F, s6;
	s8 =	sand.u32 $0xFFFFF80, s5  }
0x12f: {  	s8 =	sadd.s32 s2, s8;
	[tilespmem:s31+$0xB0] =	vst v4;
	v4 =	vor.u32 s6, v0  }
0x130: {  	[tilespmem:s17], [sflag:$0x5] =	stream.strided.gather [hbm4b:s8+s10], $0x2000, s13, s10, $0x38;
	[tilespmem:$0x14200] =	vst v63  }
0x131: {  	_ =	swait.ge [sflag:s24], $0x2000  }
0x132: {  	[sflag:s24] =	ssyncset.done $0x0  }
0x133: {  	[sflag:s24] =	ssyncadd.s32 $0xFFFFE000  }
0x134: {  	v4 =	vld.idx.msk [tilespmem:v4+s18+$0x0], $0xffff  }
0x135: {  	v5 =	vor.u32 s6, v1;
	_ =	sdelay $0x3  }
0x136: {  	[tilespmem:s31+$0x100] =	vst v4  }
0x137: {  	v4 =	vld.idx.msk [tilespmem:v5+s18+$0x0], $0xffff  }
0x138: {  	v5 =	vor.u32 s6, v2;
	_ =	sdelay $0x3  }
0x139: {  	[tilespmem:s31+$0x110] =	vst v4  }
0x13a: {  	v4 =	vld.idx.msk [tilespmem:v5+s18+$0x0], $0xffff  }
0x13b: {  	v5 =	vor.u32 s6, v3;
	_ =	sdelay $0x3  }
0x13c: {  	[tilespmem:s31+$0x120] =	vst v4  }
0x13d: {  	v4 =	vld.idx.msk [tilespmem:v5+s18+$0x0], $0xffff;
	_ =	sdelay $0x2  }
0x13e: {  	s7 =	sand.u32 $0x7F, s7  }
0x13f: {  	v5 =	vor.u32 s7, v0  }
0x140: {  	[tilespmem:s31+$0x130] =	vst v4  }
0x141: {  	_ =	swait.ge [sflag:s25], $0x2000  }
0x142: {  	[sflag:s25] =	ssyncset.done $0x0  }
0x143: {  	[sflag:s25] =	ssyncadd.s32 $0xFFFFE000  }
0x144: {  	v4 =	vld.idx.msk [tilespmem:v5+s19+$0x0], $0xffff  }
0x145: {  	v5 =	vor.u32 s7, v1;
	_ =	sdelay $0x3  }
0x146: {  	[tilespmem:s31+$0x180] =	vst v4  }
0x147: {  	v4 =	vld.idx.msk [tilespmem:v5+s19+$0x0], $0xffff  }
0x148: {  	v5 =	vor.u32 s7, v2;
	_ =	sdelay $0x3  }
0x149: {  	[tilespmem:s31+$0x190] =	vst v4  }
0x14a: {  	v4 =	vld.idx.msk [tilespmem:v5+s19+$0x0], $0xffff  }
0x14b: {  	v5 =	vor.u32 s7, v3;
	_ =	sdelay $0x3  }
0x14c: {  	[tilespmem:s31+$0x1A0] =	vst v4  }
0x14d: {  	v4 =	vld.idx.msk [tilespmem:v5+s19+$0x0], $0xffff;
	_ =	sdelay $0x2  }
0x14e: {  	s8 =	sand.u32 $0x7F, s28  }
0x14f: {  	v5 =	vor.u32 s8, v0  }
0x150: {  	[tilespmem:s31+$0x1B0] =	vst v4  }
0x151: {  	_ =	swait.ge [sflag:s20], $0x2000  }
0x152: {  	[sflag:s20] =	ssyncset.done $0x0  }
0x153: {  	[sflag:s20] =	ssyncadd.s32 $0xFFFFE000  }
0x154: {  	v4 =	vld.idx.msk [tilespmem:v5+s14+$0x0], $0xffff  }
0x155: {  	v5 =	vor.u32 s8, v1;
	_ =	sdelay $0x3  }
0x156: {  	[tilespmem:s31+$0x200] =	vst v4  }
0x157: {  	v4 =	vld.idx.msk [tilespmem:v5+s14+$0x0], $0xffff  }
0x158: {  	v5 =	vor.u32 s8, v2;
	_ =	sdelay $0x3  }
0x159: {  	[tilespmem:s31+$0x210] =	vst v4  }
0x15a: {  	v4 =	vld.idx.msk [tilespmem:v5+s14+$0x0], $0xffff  }
0x15b: {  	v5 =	vor.u32 s8, v3;
	_ =	sdelay $0x3  }
0x15c: {  	[tilespmem:s31+$0x220] =	vst v4  }
0x15d: {  	v4 =	vld.idx.msk [tilespmem:v5+s14+$0x0], $0xffff;
	_ =	sdelay $0x2  }
0x15e: {  	s3 =	sand.u32 $0x7F, s3  }
0x15f: {  	v5 =	vor.u32 s3, v0  }
0x160: {  	[tilespmem:s31+$0x230] =	vst v4  }
0x161: {  	_ =	swait.ge [sflag:s21], $0x2000  }
0x162: {  	[sflag:s21] =	ssyncset.done $0x0  }
0x163: {  	[sflag:s21] =	ssyncadd.s32 $0xFFFFE000  }
0x164: {  	v4 =	vld.idx.msk [tilespmem:v5+s15+$0x0], $0xffff  }
0x165: {  	v5 =	vor.u32 s3, v1;
	_ =	sdelay $0x3  }
0x166: {  	[tilespmem:s31+$0x280] =	vst v4  }
0x167: {  	v4 =	vld.idx.msk [tilespmem:v5+s15+$0x0], $0xffff  }
0x168: {  	v5 =	vor.u32 s3, v2;
	_ =	sdelay $0x3  }
0x169: {  	[tilespmem:s31+$0x290] =	vst v4  }
0x16a: {  	v4 =	vld.idx.msk [tilespmem:v5+s15+$0x0], $0xffff  }
0x16b: {  	v5 =	vor.u32 s3, v3;
	_ =	sdelay $0x3  }
0x16c: {  	[tilespmem:s31+$0x2A0] =	vst v4  }
0x16d: {  	v4 =	vld.idx.msk [tilespmem:v5+s15+$0x0], $0xffff;
	_ =	sdelay $0x2  }
0x16e: {  	s9 =	sand.u32 $0x7F, s9  }
0x16f: {  	v5 =	vor.u32 s9, v0  }
0x170: {  	[tilespmem:s31+$0x2B0] =	vst v4  }
0x171: {  	_ =	swait.ge [sflag:s22], $0x2000  }
0x172: {  	[sflag:s22] =	ssyncset.done $0x0  }
0x173: {  	[sflag:s22] =	ssyncadd.s32 $0xFFFFE000  }
0x174: {  	v4 =	vld.idx.msk [tilespmem:v5+s16+$0x0], $0xffff  }
0x175: {  	v5 =	vor.u32 s9, v1;
	_ =	sdelay $0x3  }
0x176: {  	[tilespmem:s31+$0x300] =	vst v4  }
0x177: {  	v4 =	vld.idx.msk [tilespmem:v5+s16+$0x0], $0xffff  }
0x178: {  	v5 =	vor.u32 s9, v2;
	_ =	sdelay $0x3  }
0x179: {  	[tilespmem:s31+$0x310] =	vst v4  }
0x17a: {  	v4 =	vld.idx.msk [tilespmem:v5+s16+$0x0], $0xffff  }
0x17b: {  	v5 =	vor.u32 s9, v3;
	_ =	sdelay $0x3  }
0x17c: {  	[tilespmem:s31+$0x320] =	vst v4  }
0x17d: {  	v4 =	vld.idx.msk [tilespmem:v5+s16+$0x0], $0xffff;
	_ =	sdelay $0x2  }
0x17e: {  	s28 =	sand.u32 $0x7F, s5  }
0x17f: {  	v5 =	vor.u32 s28, v0  }
0x180: {  	[tilespmem:s31+$0x330] =	vst v4  }
0x181: {  	_ =	swait.ge [sflag:s23], $0x2000  }
0x182: {  	[sflag:s23] =	ssyncset.done $0x0  }
0x183: {  	[sflag:s23] =	ssyncadd.s32 $0xFFFFE000  }
0x184: {  	v4 =	vld.idx.msk [tilespmem:v5+s17+$0x0], $0xffff  }
0x185: {  	v5 =	vor.u32 s28, v1;
	_ =	sdelay $0x3  }
0x186: {  	[tilespmem:s31+$0x380] =	vst v4  }
0x187: {  	v4 =	vld.idx.msk [tilespmem:v5+s17+$0x0], $0xffff  }
0x188: {  	v5 =	vor.u32 s28, v2;
	_ =	sdelay $0x3  }
0x189: {  	[tilespmem:s31+$0x390] =	vst v4  }
0x18a: {  	v4 =	vld.idx.msk [tilespmem:v5+s17+$0x0], $0xffff  }
0x18b: {  	v5 =	vor.u32 s28, v3;
	_ =	sdelay $0x3  }
0x18c: {  	[tilespmem:s31+$0x3A0] =	vst v4  }
0x18d: {  	v4 =	vld.idx.msk [tilespmem:v5+s17+$0x0], $0xffff;
	_ =	sdelay $0x4  }
0x18e: {  	[tilespmem:s31+$0x3B0] =	vst v4  }
0x18f: {  	_ =	swait.ge [sflag:s26], $0x10  }
0x190: {  	[sflag:s26] =	ssyncset.done $0x0  }
0x191: {  	[sflag:s26] =	ssyncadd.s32 $0xFFFFFFF0  }
0x192: {  	_ =	swait.ge [sflag:s26], $0x10  }
0x193: {  	[sflag:s26] =	ssyncset.done $0x0  }
0x194: {  	[sflag:s26] =	ssyncadd.s32 $0xFFFFFFF0  }
0x195: {  	_ =	swait.ge [sflag:s26], $0x10  }
0x196: {  	[sflag:s26] =	ssyncset.done $0x0  }
0x197: {  	[sflag:s26] =	ssyncadd.s32 $0xFFFFFFF0  }
0x198: {  	_ =	swait.ge [sflag:s26], $0x10  }
0x199: {  	[sflag:s26] =	ssyncset.done $0x0  }
0x19a: {  	[sflag:s26] =	ssyncadd.s32 $0xFFFFFFF0  }
0x19b: {  	_ =	swait.ge [sflag:s26], $0x10  }
0x19c: {  	[sflag:s26] =	ssyncset.done $0x0  }
0x19d: {  	[sflag:s26] =	ssyncadd.s32 $0xFFFFFFF0  }
0x19e: {  	_ =	swait.ge [sflag:s26], $0x10  }
0x19f: {  	[sflag:s26] =	ssyncset.done $0x0  }
0x1a0: {  	[sflag:s26] =	ssyncadd.s32 $0xFFFFFFF0  }
0x1a1: {  	_ =	swait.ge [sflag:s26], $0x10  }
0x1a2: {  	[sflag:s26] =	ssyncset.done $0x0  }
0x1a3: {  	[sflag:s26] =	ssyncadd.s32 $0xFFFFFFF0  }
0x1a4: {  	_ =	swait.ge [sflag:s26], $0x10  }
0x1a5: {  	[sflag:s26] =	ssyncset.done $0x0  }
0x1a6: {  	[sflag:s26] =	ssyncadd.s32 $0xFFFFFFF0  }
0x1a7: {  	_ =	swait.ge [sflag:s26], $0x10  }
0x1a8: {  	[sflag:s26] =	ssyncset.done $0x0  }
0x1a9: {  	[sflag:s26] =	ssyncadd.s32 $0xFFFFFFF0  }
0x1aa: {  	_ =	swait.ge [sflag:s26], $0x10  }
0x1ab: {  	[sflag:s26] =	ssyncset.done $0x0  }
0x1ac: {  	[sflag:s26] =	ssyncadd.s32 $0xFFFFFFF0  }
0x1ad: {  	_ =	swait.ge [sflag:s26], $0x10  }
0x1ae: {  	[sflag:s26] =	ssyncset.done $0x0  }
0x1af: {  	[sflag:s26] =	ssyncadd.s32 $0xFFFFFFF0  }
0x1b0: {  	_ =	swait.ge [sflag:s26], $0x10  }
0x1b1: {  	[sflag:s26] =	ssyncset.done $0x0  }
0x1b2: {  	[sflag:s26] =	ssyncadd.s32 $0xFFFFFFF0  }
0x1b3: {  	_ =	swait.ge [sflag:s26], $0x10  }
0x1b4: {  	[sflag:s26] =	ssyncset.done $0x0  }
0x1b5: {  	[sflag:s26] =	ssyncadd.s32 $0xFFFFFFF0  }
0x1b6: {  	_ =	swait.ge [sflag:s26], $0x10  }
0x1b7: {  	[sflag:s26] =	ssyncset.done $0x0  }
0x1b8: {  	[sflag:s26] =	ssyncadd.s32 $0xFFFFFFF0  }
0x1b9: {  	p0 =	sne.s32 s0, $0xF00;
	_ =	swait.ge [sflag:s26], $0x10  }
.Ltmp0:
0x1ba: {  	[sflag:s26] =	ssyncset.done $0x0;
	(pc) =	sbr.rel @p0 .LBB2_2-.Ltmp0, $4  }
0x1bb: {  	[sflag:s26] =	ssyncadd.s32 $0xFFFFFFF0  }
0x1bc: {  	_ =	swait.ge [sflag:s26], $0x10  }
0x1bd: {  	s30 =	sadd.s32 $0x10, s30;
	s0 =	sadd.s32 $0x100, s0;
	[sflag:s26] =	ssyncset.done $0x0  }
0x1be: {  	s1 =	sadd.s32 $0x10, s1;
	s31 =	sadd.s32 $0x800, s31;
	[sflag:s26] =	ssyncadd.s32 $0xFFFFFFF0  }
0x1bf: {  	s28 =	simm.s32 $0x0;
	s0 =	rddreg [dreg:$0x7];
	s1 =	simm.s32 $0x200  }
0x1c0: {  	[hbm4b:s0+s28] =	stream.linear.scatter [tilespmem:s1], [sflag:$0x8], $0x8000, $0x38;
	[tilespmem:$0x14200] =	vst v63  }
0x1c1: {  	_ =	swait.ge [sflag:s11], $0x8000  }
0x1c2: {  	s29 =	sadd.s32 $0x1, s29;
	s31 =	rddreg [dreg:$0x8]  }
0x1c3: {  	p0 =	sne.s32 s29, s31  }
.Ltmp1:
0x1c4: {  	_ = 	snop;
	(pc) =	sbr.rel @p0 .LBB2_1-.Ltmp1, $3  }
0x1c5: {  	_ =	sdelay $0x1  }
0x1c6: {  	[sflag:s11] =	ssyncset.done $0x0  }
0x1c7: {  	[sflag:s11] =	ssyncadd.s32 $0xFFFF8000  }
0x1c8: {  	_ =	sfence.sel $0x180000  }
0x1c9: {  	[bflag:$0x0] =	sbarrier.arrive $0xFFFF  }
0x1ca: {  	_ =	strace $0x9000004A  }
0x1cb: {  	s0 =	stileid.u32;
	[bflag:$0x2] =	sbarrier.arrive $0xFFFF  }
0x1cc: {  	p0 =	sne.s32 s0, $0x0;
	s0 =	rddreg [dreg:$0x3]  }
0x1cd: {  	s0 =	sadd.s32 @!p0 $0x100000, s0  }
0x1ce: {  	[sflag:s0] =	ssyncadd.tile.s32 @!p0 $0x1;
	_ =	shalt  }
.Lfunc_end2:
_tile_overlayer_lowered:
.L_overlay_start_2:
0x1cf: {  	(tag) =	ssettag $0x2  }
0x1d0: {  	s0 =	rddreg [dreg:$0x0];
	s2 =	stileid.u32  }
0x1d1: {  	s1 =	rddreg [dreg:$0x1];
	p0 =	sne.s32 s2, $0x0  }
0x1d2: {  	s3 =	rddreg [dreg:$0x2];
	[bflag:$0x3] =	sbarrier.arrive $0xFFFF;
	s2 =	simm.s32 @!p0 $0x1C08  }
0x1d3: {  	[timem:s3], [sflag:s2] =	dma.local @!p0 [hbm:s0], s1  }
0x1d4: {  	s0 =	simm.s32 @!p0 $0x8  }
0x1d5: {  	_ =	swait.ge @!p0 [sflag:s0], s1  }
0x1d6: {  	s1 =	ssub.s32 @!p0 $0x0, s1;
	[sflag:s0] =	ssyncset.done @!p0 $0x0  }
0x1d7: {  	[sflag:s0] =	ssyncadd.s32 @!p0 s1  }
0x1d8: {  	[bflag:$0x3] =	sbarrier.arrive $0xFFFF  }
0x1d9: {  	_ =	shalt  }

</sc_bundles>
